<compile_context>
chip_gen: v7x
topology: tpu7x:2x2x1
jax: 0.10.2.dev20260603
libtpu: 0.0.44.dev20260713+nightly
codegen_flags: <defaults>
</compile_context>

<pallas_src>
import functools

import jax
import jax.numpy as jnp
from jax import lax
from jax.experimental import pallas as pl
from jax.experimental.pallas import tpu as pltpu
from jax.experimental.pallas import tpu_sc as plsc

N, E, HID, OUT_C = 10000, 320000, 128, 40
GROUPS, CODES, BETA, EPS = 3, 16, 0.98, 1e-5

NC, NS = 2, 16
NW = NC * NS
CH = 128
NCHUNK = 2 * (-(-E // (NW * CH * 2)))
CPS = NCHUNK // 2
EPW = NCHUNK * CH
EPAD = EPW * NW
ACC_ROWS = 10240
RPT = ACC_ROWS // NS
DUMMY_ROW = N

_f32 = jnp.float32


def _sum_body(x_hbm, src_hbm, dst_hbm, sums_out,
              src_v, dst_v, rows_v, acc_sh, sem):
    if True:
        cid = lax.axis_index("c")
        sid = lax.axis_index("s")
        wid = cid * NS + sid

        def init_row(i, _):
            for k in range(HID // 16):
                rows_v[i, pl.ds(16 * k, 16)] = jnp.zeros((16,), _f32)
            return 0
        lax.fori_loop(0, CH, init_row, 0)

        base = sid * RPT

        def zero_acc(k, _):
            pltpu.sync_copy(rows_v, acc_sh.at[pl.ds(base + k * CH, CH)])
            return 0
        lax.fori_loop(0, RPT // CH, zero_acc, 0)

        plsc.subcore_barrier()

        pltpu.sync_copy(src_hbm.at[wid], src_v)
        pltpu.sync_copy(dst_hbm.at[wid], dst_v)

        def chunk(j, _):
            pltpu.async_copy(x_hbm.at[src_v.at[j]], rows_v, sem).wait()
            pltpu.sync_copy(rows_v, acc_sh.at[dst_v.at[j]], add=True)
            return 0
        lax.fori_loop(0, NCHUNK, chunk, 0)

        plsc.subcore_barrier()

        pltpu.sync_copy(acc_sh.at[pl.ds(base, RPT)],
                        sums_out.at[cid, pl.ds(base, RPT)])


@functools.cache
def _mesh():
    return plsc.VectorSubcoreMesh(core_axis_name="c", subcore_axis_name="s",
                                  num_cores=NC, num_subcores=NS)


def _sc_segment_sum(x, src_r, dst_r):
    fn = pl.kernel(
        _sum_body,
        out_type=jax.ShapeDtypeStruct((NC, ACC_ROWS, HID), _f32),
        mesh=_mesh(),
        scratch_types=[
            pltpu.VMEM((NCHUNK, CH), jnp.int32),
            pltpu.VMEM((NCHUNK, CH), jnp.int32),
            pltpu.VMEM((CH, HID), _f32),
            pltpu.VMEM_SHARED((ACC_ROWS, HID), _f32),
            pltpu.SemaphoreType.DMA,
        ])
    return fn(x, src_r, dst_r)


def _cnt_body(dst_hbm, cnt_out, dst_v, ones_v, cnt_sh, sem):
    cid = lax.axis_index("c")
    sid = lax.axis_index("s")
    wid = cid * NS + sid

    def fill(val):
        def body(i, _):
            for k in range(HID // 16):
                ones_v[i, pl.ds(16 * k, 16)] = jnp.full((16,), val, _f32)
            return 0
        lax.fori_loop(0, CH, body, 0)

    fill(0.0)
    base = sid * RPT

    def zero_acc(k, _):
        pltpu.sync_copy(ones_v, cnt_sh.at[pl.ds(base + k * CH, CH)])
        return 0
    lax.fori_loop(0, RPT // CH, zero_acc, 0)
    fill(1.0)

    plsc.subcore_barrier()

    pltpu.sync_copy(dst_hbm.at[wid], dst_v)

    def chunk(j, _):
        pltpu.sync_copy(ones_v, cnt_sh.at[dst_v.at[j]], add=True)
        return 0
    lax.fori_loop(0, NCHUNK, chunk, 0)

    plsc.subcore_barrier()

    pltpu.sync_copy(cnt_sh.at[pl.ds(base, RPT)],
                    cnt_out.at[cid, pl.ds(base, RPT)])


def _sc_degree(dst_r):
    fn = pl.kernel(
        _cnt_body,
        out_type=jax.ShapeDtypeStruct((NC, ACC_ROWS, HID), _f32),
        mesh=_mesh(),
        scratch_types=[
            pltpu.VMEM((NCHUNK, CH), jnp.int32),
            pltpu.VMEM((CH, HID), _f32),
            pltpu.VMEM_SHARED((ACC_ROWS, HID), _f32),
            pltpu.SemaphoreType.DMA,
        ])
    return fn(dst_r)


BLK = 2000
GRID = N // BLK


def _vq(r, cb, iota):
    ids = []
    for g in range(GROUPS):
        c = cb[g * CODES:(g + 1) * CODES, :]
        d = (jnp.sum(r * r, axis=1, keepdims=True)
             - 2.0 * jnp.dot(r, c.T, preferred_element_type=_f32)
             + jnp.sum(c * c, axis=1)[None, :])
        dmin = jnp.min(d, axis=1, keepdims=True)
        idx = jnp.min(jnp.where(d <= dmin, iota, CODES), axis=1)
        q = jnp.zeros_like(r)
        for k in range(CODES):
            q = q + jnp.where((idx == k)[:, None], c[k:k + 1, :], 0.0)
        r = r - q
        ids.append(idx)
    return ids, r


def _mean_from_parts(p0, p1, c0, c1):
    cnt = jnp.maximum(c0[:, 0:1] + c1[:, 0:1], 1.0)
    return (p0[...] + p1[...]) / cnt


def _pre_body(p0, p1, c0, c1, x, wl, wr, b, pre, stats):
    i = pl.program_id(0)
    mean = _mean_from_parts(p0, p1, c0, c1)
    v = (jnp.dot(mean, wl[...], preferred_element_type=_f32)
         + jnp.dot(x[...], wr[...], preferred_element_type=_f32) + b[...])
    pre[...] = v

    @pl.when(i == 0)
    def _():
        stats[...] = jnp.zeros_like(stats)
    stats[0:1, :] += jnp.sum(v, axis=0)[None, :]
    stats[1:2, :] += jnp.sum(v * v, axis=0)[None, :]


def _post_body(pre, stats, g, bb, cb, h_out, ids_out, lacc):
    i = pl.program_id(0)
    mu = stats[0:1, :] / N
    var = stats[1:2, :] / N - mu * mu
    h = g[...] * (pre[...] - mu) / jnp.sqrt(var + EPS) + bb[...]
    h = jnp.maximum(h, 0.0)
    h_out[...] = h
    iota = lax.broadcasted_iota(jnp.int32, (BLK, CODES), 1)
    ids, r = _vq(h, cb[...], iota)
    ids_out[...] = jnp.concatenate(
        [v[:, None] for v in ids] + [jnp.zeros((BLK, 8 - GROUPS), jnp.int32)],
        axis=1)

    @pl.when(i == 0)
    def _():
        lacc[...] = jnp.zeros_like(lacc)
    lacc[0:1, 0:1] += jnp.sum(r * r)[None, None]


def _final_body(p0, p1, c0, c1, h2, wl, wr, b, cb, w, bl,
                logits, ids_out, lacc):
    i = pl.program_id(0)
    mean = _mean_from_parts(p0, p1, c0, c1)
    h = (jnp.dot(mean, wl[...], preferred_element_type=_f32)
         + jnp.dot(h2[...], wr[...], preferred_element_type=_f32) + b[...])
    iota = lax.broadcasted_iota(jnp.int32, (BLK, CODES), 1)
    ids, r = _vq(h, cb[...], iota)
    ids_out[...] = jnp.concatenate(
        [v[:, None] for v in ids] + [jnp.zeros((BLK, 8 - GROUPS), jnp.int32)],
        axis=1)
    logits[...] = jnp.dot(h, w[...], preferred_element_type=_f32) + bl[...]

    @pl.when(i == 0)
    def _():
        lacc[...] = jnp.zeros_like(lacc)
    lacc[0:1, 0:1] += jnp.sum(r * r)[None, None]


def _row_spec(width):
    return pl.BlockSpec((BLK, width), lambda i: (i, 0))


def _full_spec(rows, cols):
    return pl.BlockSpec((rows, cols), lambda i: (0, 0))


def _layer_pre(p0, p1, c0, c1, x, wl, wr, b):
    return pl.pallas_call(
        _pre_body,
        grid=(GRID,),
        in_specs=[_row_spec(HID), _row_spec(HID), _row_spec(16), _row_spec(16),
                  _row_spec(HID), _full_spec(HID, HID), _full_spec(HID, HID),
                  _full_spec(1, HID)],
        out_specs=[_row_spec(HID), _full_spec(8, HID)],
        out_shape=[jax.ShapeDtypeStruct((N, HID), _f32),
                   jax.ShapeDtypeStruct((8, HID), _f32)],
    )(p0, p1, c0, c1, x, wl, wr, b)


def _layer_post(pre, stats, g, bb, cb):
    return pl.pallas_call(
        _post_body,
        grid=(GRID,),
        in_specs=[_row_spec(HID), _full_spec(8, HID), _full_spec(1, HID),
                  _full_spec(1, HID), _full_spec(GROUPS * CODES, HID)],
        out_specs=[_row_spec(HID), _row_spec(8), _full_spec(8, HID)],
        out_shape=[jax.ShapeDtypeStruct((N, HID), _f32),
                   jax.ShapeDtypeStruct((N, 8), jnp.int32),
                   jax.ShapeDtypeStruct((8, HID), _f32)],
    )(pre, stats, g, bb, cb)


def _layer_final(p0, p1, c0, c1, h2, wl, wr, b, cb, w, bl):
    return pl.pallas_call(
        _final_body,
        grid=(GRID,),
        in_specs=[_row_spec(HID), _row_spec(HID), _row_spec(16), _row_spec(16),
                  _row_spec(HID), _full_spec(HID, HID), _full_spec(HID, HID),
                  _full_spec(1, HID), _full_spec(GROUPS * CODES, HID),
                  _full_spec(HID, OUT_C), _full_spec(1, OUT_C)],
        out_specs=[_row_spec(OUT_C), _row_spec(8), _full_spec(8, HID)],
        out_shape=[jax.ShapeDtypeStruct((N, OUT_C), _f32),
                   jax.ShapeDtypeStruct((N, 8), jnp.int32),
                   jax.ShapeDtypeStruct((8, HID), _f32)],
    )(p0, p1, c0, c1, h2, wl, wr, b, cb, w, bl)


def kernel(x, edge_index, params):
    src = edge_index[0]
    dst = edge_index[1]
    src_p = jnp.concatenate([src, jnp.zeros((EPAD - E,), jnp.int32)])
    dst_p = jnp.concatenate([dst, jnp.full((EPAD - E,), DUMMY_ROW, jnp.int32)])
    src_r = src_p.reshape(NW, NCHUNK, CH)
    dst_r = dst_p.reshape(NW, NCHUNK, CH)

    convs = params['convs']
    bns = params['bns']
    cbs = [cb.reshape(GROUPS * CODES, HID) for cb in params['codebooks']]

    cnts = _sc_degree(dst_r)
    c0 = cnts[0, :N, :16]
    c1 = cnts[1, :N, :16]
    sums = _sc_segment_sum(x, src_r, dst_r)

    h = x
    loss_sums = []
    id_list = []
    for i in range(2):
        pre, stats = _layer_pre(
            sums[0, :N], sums[1, :N], c0, c1, h,
            convs[i]['Wl'], convs[i]['Wr'], convs[i]['b'][None, :])
        h, ids, lacc = _layer_post(
            pre, stats, bns[i]['g'][None, :], bns[i]['b'][None, :], cbs[i])
        id_list.append(ids[:, :GROUPS])
        loss_sums.append(lacc[0, 0])
        sums = _sc_segment_sum(h, src_r, dst_r)

    logits, ids3, lacc3 = _layer_final(
        sums[0, :N], sums[1, :N], c0, c1, h,
        convs[2]['Wl'], convs[2]['Wr'], convs[2]['b'][None, :], cbs[2],
        params['lin']['W'], params['lin']['b'][None, :])
    id_list.append(ids3[:, :GROUPS])
    loss_sums.append(lacc3[0, 0])

    total_loss = (loss_sums[0] + loss_sums[1] + loss_sums[2]) / (N * HID)
    return logits, total_loss, jnp.concatenate(id_list, axis=1)

# --- scband reference (transcript-rebuilt; emitter-appended) ---
"""Pipeline reference for scband-sage-13657996001661 (READ-ONLY COPY).

The authoritative reference and input builder live on the scoring server;
editing this copy changes nothing except your own understanding.
"""

import jax, jax.numpy as jnp
import numpy as np

N, E, IN_C, HID, OUT_C = 10000, 320000, 128, 128, 40
GROUPS, CODES, BETA, EPS = 3, 16, 0.98, 1e-5


def sage_conv(x, edge_index, p):
    src = edge_index[0]
    dst = edge_index[1]
    msgs = jnp.take(x, src, axis=0)
    summed = jax.ops.segment_sum(msgs, dst, num_segments=x.shape[0])
    cnt = jax.ops.segment_sum(jnp.ones((msgs.shape[0],), jnp.float32), dst, num_segments=x.shape[0])
    mean = summed / jnp.maximum(cnt, 1.0)[:, None]
    return mean @ p['Wl'] + p['b'] + x @ p['Wr']


def batch_norm(x, p):
    mu = jnp.mean(x, axis=0)
    var = jnp.var(x, axis=0)
    return p['g'] * (x - mu) / jnp.sqrt(var + EPS) + p['b']


def residual_vq(x, cb):
    residual = x
    zq = jnp.zeros_like(x)
    ids = []
    for g in range(GROUPS):
        c = cb[g]
        d = jnp.sum(residual * residual, axis=1, keepdims=True) - 2.0 * residual @ c.T + jnp.sum(c * c, axis=1)[None, :]
        idx = jnp.argmin(d, axis=1)
        q = jnp.take(c, idx, axis=0)
        ids.append(idx)
        zq = zq + q
        residual = residual - q
    sg = jax.lax.stop_gradient
    loss = BETA * jnp.mean((x - sg(zq)) ** 2) + (1.0 - BETA) * jnp.mean((sg(x) - zq) ** 2)
    return loss, jnp.stack(ids, axis=1)


def forward(x, params, edge_index):
    total_loss = 0.0
    id_list = []
    h = x
    for i in range(2):
        h = sage_conv(h, edge_index, params['convs'][i])
        h = batch_norm(h, params['bns'][i])
        h = jax.nn.relu(h)
        loss, ids = residual_vq(h, params['codebooks'][i])
        total_loss = total_loss + loss
        id_list.append(ids)
    h = sage_conv(h, edge_index, params['convs'][2])
    loss, ids = residual_vq(h, params['codebooks'][2])
    total_loss = total_loss + loss
    id_list.append(ids)
    logits = h @ params['lin']['W'] + params['lin']['b']
    return logits, total_loss, jnp.concatenate(id_list, axis=1)


def setup_inputs(seed: int = 0):
    key = jax.random.key(seed)
    ks = jax.random.split(key, 16)
    x = jax.random.normal(ks[0], (N, IN_C), dtype=jnp.float32)
    edge_index = jax.random.randint(ks[1], (2, E), 0, N, dtype=jnp.int32)

    def lin(k, fi, fo):
        return jax.random.normal(k, (fi, fo), dtype=jnp.float32) / np.sqrt(fi).astype(np.float32)

    params = {
        'convs': [
            {'Wl': lin(ks[2], IN_C, HID), 'b': jnp.zeros((HID,), jnp.float32), 'Wr': lin(ks[3], IN_C, HID)},
            {'Wl': lin(ks[4], HID, HID), 'b': jnp.zeros((HID,), jnp.float32), 'Wr': lin(ks[5], HID, HID)},
            {'Wl': lin(ks[6], HID, HID), 'b': jnp.zeros((HID,), jnp.float32), 'Wr': lin(ks[7], HID, HID)},
        ],
        'bns': [
            {'g': jnp.ones((HID,), jnp.float32), 'b': jnp.zeros((HID,), jnp.float32)},
            {'g': jnp.ones((HID,), jnp.float32), 'b': jnp.zeros((HID,), jnp.float32)},
        ],
        'codebooks': [jax.random.normal(ks[8 + i], (GROUPS, CODES, HID), dtype=jnp.float32) for i in range(3)],
        'lin': {'W': lin(ks[12], HID, OUT_C), 'b': jnp.zeros((OUT_C,), jnp.float32)},
    }
    return {'x': x, 'edge_index': edge_index, 'params': params}


def reference(x, edge_index, params):
    return forward(x, params, edge_index)

if __name__ == "__main__":
    import jax
    _d = setup_inputs()
    print(jax.jit(kernel)(*tuple(_d.values())))

</pallas_src>

<mosaic_0001>
#map = affine_map<(d0, d1) -> (0, 0)>
#map1 = affine_map<(d0, d1) -> (0, 0, 0)>
module attributes {stable_mosaic.version = 14 : i64} {
  func.func @_sum_body(%arg0: i32, %arg1: i32, %arg2: memref<10000x128xf32, #tpu.memory_space<hbm>>, %arg3: memref<32x80x128xi32, #tpu.memory_space<hbm>>, %arg4: memref<32x80x128xi32, #tpu.memory_space<hbm>>, %arg5: memref<2x10240x128xf32, #tpu.memory_space<hbm>>, %arg6: memref<80x128xi32, #tpu.memory_space<vmem>>, %arg7: memref<80x128xi32, #tpu.memory_space<vmem>>, %arg8: memref<128x128xf32, #tpu.memory_space<vmem>>, %arg9: memref<10240x128xf32, #tpu.memory_space<vmem_shared>>, %arg10: memref<!tpu.dma_semaphore, #tpu.memory_space<semaphore_mem>>) attributes {dimension_semantics = [#tpu.dimension_semantics<core_parallel>, #tpu.dimension_semantics<subcore_parallel>], iteration_bounds = array<i64: 2, 16>, scalar_prefetch = 0 : i64, scratch_operands = 5 : i64, tpu.core_type = #tpu.core_type<sc_vector_subcore>, window_params = [{transform_indices = #map}, {transform_indices = #map1}, {transform_indices = #map1}, {transform_indices = #map1}]} {
    %mul3A = arith.constant 16 : i32
    %mul3A_0 = arith.muli %arg0, %mul3A : i32
    %add3A = arith.addi %mul3A_0, %arg1 : i32
    %scan3A = arith.constant 0 : i32
    %scan3A_1 = arith.constant 0 : i32
    %scan3A_2 = arith.constant 128 : i32
    %scan3A_3 = arith.addi %scan3A_1, %scan3A_2 : i32
    %scan3A_4 = arith.constant 1 : i32
    %scan3A_5 = scf.for %scan3A_24 = %scan3A_1 to %scan3A_3 step %scan3A_4 iter_args(%scan3A_25 = %scan3A) -> (i32)  : i32 {
      %broadcast_in_dim3A = arith.constant 0.000000e+00 : f32
      %broadcast_in_dim3A_26 = vector.broadcast %broadcast_in_dim3A : f32 to vector<16xf32>
      %swap3A = arith.index_cast %scan3A_24 : i32 to index
      %swap3A_27 = arith.constant 0 : index
      %swap3A_28 = tpu.vector_load %arg8[%swap3A, %swap3A_27] {strides = array<i32>} : memref<128x128xf32, #tpu.memory_space<vmem>>, vector<1x16xf32>,
      %swap3A_29 = vector.shape_cast %swap3A_28 : vector<1x16xf32> to vector<16xf32>
      %swap3A_30 = vector.shape_cast %broadcast_in_dim3A_26 : vector<16xf32> to vector<1x16xf32>
      tpu.vector_store %arg8[%swap3A, %swap3A_27], %swap3A_30 {strides = array<i32>} : memref<128x128xf32, #tpu.memory_space<vmem>>, vector<1x16xf32>,
      %broadcast_in_dim3A_31 = arith.constant 0.000000e+00 : f32
      %broadcast_in_dim3A_32 = vector.broadcast %broadcast_in_dim3A_31 : f32 to vector<16xf32>
      %swap3A_33 = arith.index_cast %scan3A_24 : i32 to index
      %swap3A_34 = arith.constant 16 : index
      %swap3A_35 = tpu.vector_load %arg8[%swap3A_33, %swap3A_34] {strides = array<i32>} : memref<128x128xf32, #tpu.memory_space<vmem>>, vector<1x16xf32>,
      %swap3A_36 = vector.shape_cast %swap3A_35 : vector<1x16xf32> to vector<16xf32>
      %swap3A_37 = vector.shape_cast %broadcast_in_dim3A_32 : vector<16xf32> to vector<1x16xf32>
      tpu.vector_store %arg8[%swap3A_33, %swap3A_34], %swap3A_37 {strides = array<i32>} : memref<128x128xf32, #tpu.memory_space<vmem>>, vector<1x16xf32>,
      %broadcast_in_dim3A_38 = arith.constant 0.000000e+00 : f32
      %broadcast_in_dim3A_39 = vector.broadcast %broadcast_in_dim3A_38 : f32 to vector<16xf32>
      %swap3A_40 = arith.index_cast %scan3A_24 : i32 to index
      %swap3A_41 = arith.constant 32 : index
      %swap3A_42 = tpu.vector_load %arg8[%swap3A_40, %swap3A_41] {strides = array<i32>} : memref<128x128xf32, #tpu.memory_space<vmem>>, vector<1x16xf32>,
      %swap3A_43 = vector.shape_cast %swap3A_42 : vector<1x16xf32> to vector<16xf32>
      %swap3A_44 = vector.shape_cast %broadcast_in_dim3A_39 : vector<16xf32> to vector<1x16xf32>
      tpu.vector_store %arg8[%swap3A_40, %swap3A_41], %swap3A_44 {strides = array<i32>} : memref<128x128xf32, #tpu.memory_space<vmem>>, vector<1x16xf32>,
      %broadcast_in_dim3A_45 = arith.constant 0.000000e+00 : f32
      %broadcast_in_dim3A_46 = vector.broadcast %broadcast_in_dim3A_45 : f32 to vector<16xf32>
      %swap3A_47 = arith.index_cast %scan3A_24 : i32 to index
      %swap3A_48 = arith.constant 48 : index
      %swap3A_49 = tpu.vector_load %arg8[%swap3A_47, %swap3A_48] {strides = array<i32>} : memref<128x128xf32, #tpu.memory_space<vmem>>, vector<1x16xf32>,
      %swap3A_50 = vector.shape_cast %swap3A_49 : vector<1x16xf32> to vector<16xf32>
      %swap3A_51 = vector.shape_cast %broadcast_in_dim3A_46 : vector<16xf32> to vector<1x16xf32>
      tpu.vector_store %arg8[%swap3A_47, %swap3A_48], %swap3A_51 {strides = array<i32>} : memref<128x128xf32, #tpu.memory_space<vmem>>, vector<1x16xf32>,
      %broadcast_in_dim3A_52 = arith.constant 0.000000e+00 : f32
      %broadcast_in_dim3A_53 = vector.broadcast %broadcast_in_dim3A_52 : f32 to vector<16xf32>
      %swap3A_54 = arith.index_cast %scan3A_24 : i32 to index
      %swap3A_55 = arith.constant 64 : index
      %swap3A_56 = tpu.vector_load %arg8[%swap3A_54, %swap3A_55] {strides = array<i32>} : memref<128x128xf32, #tpu.memory_space<vmem>>, vector<1x16xf32>,
      %swap3A_57 = vector.shape_cast %swap3A_56 : vector<1x16xf32> to vector<16xf32>
      %swap3A_58 = vector.shape_cast %broadcast_in_dim3A_53 : vector<16xf32> to vector<1x16xf32>
      tpu.vector_store %arg8[%swap3A_54, %swap3A_55], %swap3A_58 {strides = array<i32>} : memref<128x128xf32, #tpu.memory_space<vmem>>, vector<1x16xf32>,
      %broadcast_in_dim3A_59 = arith.constant 0.000000e+00 : f32
      %broadcast_in_dim3A_60 = vector.broadcast %broadcast_in_dim3A_59 : f32 to vector<16xf32>
      %swap3A_61 = arith.index_cast %scan3A_24 : i32 to index
      %swap3A_62 = arith.constant 80 : index
      %swap3A_63 = tpu.vector_load %arg8[%swap3A_61, %swap3A_62] {strides = array<i32>} : memref<128x128xf32, #tpu.memory_space<vmem>>, vector<1x16xf32>,
      %swap3A_64 = vector.shape_cast %swap3A_63 : vector<1x16xf32> to vector<16xf32>
      %swap3A_65 = vector.shape_cast %broadcast_in_dim3A_60 : vector<16xf32> to vector<1x16xf32>
      tpu.vector_store %arg8[%swap3A_61, %swap3A_62], %swap3A_65 {strides = array<i32>} : memref<128x128xf32, #tpu.memory_space<vmem>>, vector<1x16xf32>,
      %broadcast_in_dim3A_66 = arith.constant 0.000000e+00 : f32
      %broadcast_in_dim3A_67 = vector.broadcast %broadcast_in_dim3A_66 : f32 to vector<16xf32>
      %swap3A_68 = arith.index_cast %scan3A_24 : i32 to index
      %swap3A_69 = arith.constant 96 : index
      %swap3A_70 = tpu.vector_load %arg8[%swap3A_68, %swap3A_69] {strides = array<i32>} : memref<128x128xf32, #tpu.memory_space<vmem>>, vector<1x16xf32>,
      %swap3A_71 = vector.shape_cast %swap3A_70 : vector<1x16xf32> to vector<16xf32>
      %swap3A_72 = vector.shape_cast %broadcast_in_dim3A_67 : vector<16xf32> to vector<1x16xf32>
      tpu.vector_store %arg8[%swap3A_68, %swap3A_69], %swap3A_72 {strides = array<i32>} : memref<128x128xf32, #tpu.memory_space<vmem>>, vector<1x16xf32>,
      %broadcast_in_dim3A_73 = arith.constant 0.000000e+00 : f32
      %broadcast_in_dim3A_74 = vector.broadcast %broadcast_in_dim3A_73 : f32 to vector<16xf32>
      %swap3A_75 = arith.index_cast %scan3A_24 : i32 to index
      %swap3A_76 = arith.constant 112 : index
      %swap3A_77 = tpu.vector_load %arg8[%swap3A_75, %swap3A_76] {strides = array<i32>} : memref<128x128xf32, #tpu.memory_space<vmem>>, vector<1x16xf32>,
      %swap3A_78 = vector.shape_cast %swap3A_77 : vector<1x16xf32> to vector<16xf32>
      %swap3A_79 = vector.shape_cast %broadcast_in_dim3A_74 : vector<16xf32> to vector<1x16xf32>
      tpu.vector_store %arg8[%swap3A_75, %swap3A_76], %swap3A_79 {strides = array<i32>} : memref<128x128xf32, #tpu.memory_space<vmem>>, vector<1x16xf32>,
      %scan3A_80 = arith.constant 0 : i32
      scf.yield %scan3A_80 : i32
    }
    %scan3A_6 = arith.constant 128 : i32
    %mul3A_7 = arith.constant 640 : i32
    %mul3A_8 = arith.muli %arg1, %mul3A_7 : i32
    %scan3A_9 = arith.constant 0 : i32
    %scan3A_10 = arith.constant 0 : i32
    %scan3A_11 = arith.constant 5 : i32
    %scan3A_12 = arith.addi %scan3A_10, %scan3A_11 : i32
    %scan3A_13 = arith.constant 1 : i32
    %scan3A_14 = scf.for %scan3A_24 = %scan3A_10 to %scan3A_12 step %scan3A_13 iter_args(%scan3A_25 = %scan3A_9) -> (i32)  : i32 {
      %mul3A_26 = arith.constant 128 : i32
      %mul3A_27 = arith.muli %scan3A_24, %mul3A_26 : i32
      %add3A_28 = arith.addi %mul3A_8, %mul3A_27 : i32
      "tpu.region"() ({
        %run_scoped3A = tpu.sem_alloc : memref<!tpu.dma_semaphore, #tpu.memory_space<semaphore_mem>>
        %dma_start3A = arith.constant 0 : i32
        %dma_start3A_30 = tpu.memref_slice %arg9[%add3A_28, %dma_start3A] : memref<10240x128xf32, #tpu.memory_space<vmem_shared>> -> memref<128x128xf32, #tpu.memory_space<vmem_shared>>
        %dma_start3A_31 = arith.constant 0 : i32
        %dma_start3A_32 = tpu.memref_slice %arg9[%add3A_28, %dma_start3A_31] : memref<10240x128xf32, #tpu.memory_space<vmem_shared>> -> memref<128x128xf32, #tpu.memory_space<vmem_shared>>
        tpu.enqueue_dma source(%arg8 : memref<128x128xf32, #tpu.memory_space<vmem>>) target(%dma_start3A_32 : memref<128x128xf32, #tpu.memory_space<vmem_shared>>) target_semaphore(%run_scoped3A : memref<!tpu.dma_semaphore, #tpu.memory_space<semaphore_mem>>)
        %dma_wait3A = arith.constant 0 : i32
        %dma_wait3A_33 = tpu.memref_slice %arg9[%add3A_28, %dma_wait3A] : memref<10240x128xf32, #tpu.memory_space<vmem_shared>> -> memref<128x128xf32, #tpu.memory_space<vmem_shared>>
        %dma_wait3A_34 = arith.constant 0 : i32
        %dma_wait3A_35 = tpu.memref_slice %arg9[%add3A_28, %dma_wait3A_34] : memref<10240x128xf32, #tpu.memory_space<vmem_shared>> -> memref<128x128xf32, #tpu.memory_space<vmem_shared>>
        tpu.wait_dma2 semaphore(%run_scoped3A : memref<!tpu.dma_semaphore, #tpu.memory_space<semaphore_mem>>) src(%arg8 : memref<128x128xf32, #tpu.memory_space<vmem>>) dst(%dma_wait3A_35 : memref<128x128xf32, #tpu.memory_space<vmem_shared>>)
        tpu.yield
      }) : () -> ()
      %scan3A_29 = arith.constant 0 : i32
      scf.yield %scan3A_29 : i32
    }
    %scan3A_15 = arith.constant 5 : i32
    %barrier3A = arith.constant 0 : index
    tpu.barrier barrier_id(%barrier3A)
    "tpu.region"() ({
      %run_scoped3A = tpu.sem_alloc : memref<!tpu.dma_semaphore, #tpu.memory_space<semaphore_mem>>
      %dma_start3A = arith.constant 0 : i32
      %dma_start3A_24 = arith.constant 0 : i32
      %dma_start3A_25 = tpu.memref_slice %arg3[%add3A, %dma_start3A, %dma_start3A_24] : memref<32x80x128xi32, #tpu.memory_space<hbm>> -> memref<1x80x128xi32, #tpu.memory_space<hbm>>
      %dma_start3A_26 = tpu.memref_squeeze %dma_start3A_25 : memref<1x80x128xi32, #tpu.memory_space<hbm>> -> memref<80x128xi32, #tpu.memory_space<hbm>>
      %dma_start3A_27 = arith.constant 0 : i32
      %dma_start3A_28 = arith.constant 0 : i32
      %dma_start3A_29 = tpu.memref_slice %arg3[%add3A, %dma_start3A_27, %dma_start3A_28] : memref<32x80x128xi32, #tpu.memory_space<hbm>> -> memref<1x80x128xi32, #tpu.memory_space<hbm>>
      %dma_start3A_30 = tpu.memref_squeeze %dma_start3A_29 : memref<1x80x128xi32, #tpu.memory_space<hbm>> -> memref<80x128xi32, #tpu.memory_space<hbm>>
      tpu.enqueue_dma source(%dma_start3A_30 : memref<80x128xi32, #tpu.memory_space<hbm>>) target(%arg6 : memref<80x128xi32, #tpu.memory_space<vmem>>) target_semaphore(%run_scoped3A : memref<!tpu.dma_semaphore, #tpu.memory_space<semaphore_mem>>)
      %dma_wait3A = arith.constant 0 : i32
      %dma_wait3A_31 = arith.constant 0 : i32
      %dma_wait3A_32 = tpu.memref_slice %arg3[%add3A, %dma_wait3A, %dma_wait3A_31] : memref<32x80x128xi32, #tpu.memory_space<hbm>> -> memref<1x80x128xi32, #tpu.memory_space<hbm>>
      %dma_wait3A_33 = tpu.memref_squeeze %dma_wait3A_32 : memref<1x80x128xi32, #tpu.memory_space<hbm>> -> memref<80x128xi32, #tpu.memory_space<hbm>>
      %dma_wait3A_34 = arith.constant 0 : i32
      %dma_wait3A_35 = arith.constant 0 : i32
      %dma_wait3A_36 = tpu.memref_slice %arg3[%add3A, %dma_wait3A_34, %dma_wait3A_35] : memref<32x80x128xi32, #tpu.memory_space<hbm>> -> memref<1x80x128xi32, #tpu.memory_space<hbm>>
      %dma_wait3A_37 = tpu.memref_squeeze %dma_wait3A_36 : memref<1x80x128xi32, #tpu.memory_space<hbm>> -> memref<80x128xi32, #tpu.memory_space<hbm>>
      tpu.wait_dma2 semaphore(%run_scoped3A : memref<!tpu.dma_semaphore, #tpu.memory_space<semaphore_mem>>) src(%dma_wait3A_37 : memref<80x128xi32, #tpu.memory_space<hbm>>) dst(%arg6 : memref<80x128xi32, #tpu.memory_space<vmem>>)
      tpu.yield
    }) : () -> ()
    "tpu.region"() ({
      %run_scoped3A = tpu.sem_alloc : memref<!tpu.dma_semaphore, #tpu.memory_space<semaphore_mem>>
      %dma_start3A = arith.constant 0 : i32
      %dma_start3A_24 = arith.constant 0 : i32
      %dma_start3A_25 = tpu.memref_slice %arg4[%add3A, %dma_start3A, %dma_start3A_24] : memref<32x80x128xi32, #tpu.memory_space<hbm>> -> memref<1x80x128xi32, #tpu.memory_space<hbm>>
      %dma_start3A_26 = tpu.memref_squeeze %dma_start3A_25 : memref<1x80x128xi32, #tpu.memory_space<hbm>> -> memref<80x128xi32, #tpu.memory_space<hbm>>
      %dma_start3A_27 = arith.constant 0 : i32
      %dma_start3A_28 = arith.constant 0 : i32
      %dma_start3A_29 = tpu.memref_slice %arg4[%add3A, %dma_start3A_27, %dma_start3A_28] : memref<32x80x128xi32, #tpu.memory_space<hbm>> -> memref<1x80x128xi32, #tpu.memory_space<hbm>>
      %dma_start3A_30 = tpu.memref_squeeze %dma_start3A_29 : memref<1x80x128xi32, #tpu.memory_space<hbm>> -> memref<80x128xi32, #tpu.memory_space<hbm>>
      tpu.enqueue_dma source(%dma_start3A_30 : memref<80x128xi32, #tpu.memory_space<hbm>>) target(%arg7 : memref<80x128xi32, #tpu.memory_space<vmem>>) target_semaphore(%run_scoped3A : memref<!tpu.dma_semaphore, #tpu.memory_space<semaphore_mem>>)
      %dma_wait3A = arith.constant 0 : i32
      %dma_wait3A_31 = arith.constant 0 : i32
      %dma_wait3A_32 = tpu.memref_slice %arg4[%add3A, %dma_wait3A, %dma_wait3A_31] : memref<32x80x128xi32, #tpu.memory_space<hbm>> -> memref<1x80x128xi32, #tpu.memory_space<hbm>>
      %dma_wait3A_33 = tpu.memref_squeeze %dma_wait3A_32 : memref<1x80x128xi32, #tpu.memory_space<hbm>> -> memref<80x128xi32, #tpu.memory_space<hbm>>
      %dma_wait3A_34 = arith.constant 0 : i32
      %dma_wait3A_35 = arith.constant 0 : i32
      %dma_wait3A_36 = tpu.memref_slice %arg4[%add3A, %dma_wait3A_34, %dma_wait3A_35] : memref<32x80x128xi32, #tpu.memory_space<hbm>> -> memref<1x80x128xi32, #tpu.memory_space<hbm>>
      %dma_wait3A_37 = tpu.memref_squeeze %dma_wait3A_36 : memref<1x80x128xi32, #tpu.memory_space<hbm>> -> memref<80x128xi32, #tpu.memory_space<hbm>>
      tpu.wait_dma2 semaphore(%run_scoped3A : memref<!tpu.dma_semaphore, #tpu.memory_space<semaphore_mem>>) src(%dma_wait3A_37 : memref<80x128xi32, #tpu.memory_space<hbm>>) dst(%arg7 : memref<80x128xi32, #tpu.memory_space<vmem>>)
      tpu.yield
    }) : () -> ()
    %scan3A_16 = arith.constant 0 : i32
    %scan3A_17 = arith.constant 0 : i32
    %scan3A_18 = arith.constant 80 : i32
    %scan3A_19 = arith.addi %scan3A_17, %scan3A_18 : i32
    %scan3A_20 = arith.constant 1 : i32
    %scan3A_21 = scf.for %scan3A_24 = %scan3A_17 to %scan3A_19 step %scan3A_20 iter_args(%scan3A_25 = %scan3A_16) -> (i32)  : i32 {
      %dma_start3A = arith.constant 0 : i32
      %dma_start3A_26 = tpu.memref_slice %arg6[%scan3A_24, %dma_start3A] : memref<80x128xi32, #tpu.memory_space<vmem>> -> memref<1x128xi32, #tpu.memory_space<vmem>>
      %dma_start3A_27 = tpu.memref_squeeze %dma_start3A_26 : memref<1x128xi32, #tpu.memory_space<vmem>> -> memref<128xi32, #tpu.memory_space<vmem>>
      %dma_start3A_28 = arith.constant 0 : i32
      %dma_start3A_29 = arith.constant 0 : i32
      %dma_start3A_30 = tpu.memref_slice %arg2[%dma_start3A_28, %dma_start3A_29] : memref<10000x128xf32, #tpu.memory_space<hbm>> -> memref<10000x128xf32, #tpu.memory_space<hbm>>
      tpu.enqueue_indirect_dma source(%dma_start3A_30 : memref<10000x128xf32, #tpu.memory_space<hbm>>) target(%arg8 : memref<128x128xf32, #tpu.memory_space<vmem>>) offsets(%dma_start3A_27 : memref<128xi32, #tpu.memory_space<vmem>>) semaphore(%arg10 : memref<!tpu.dma_semaphore, #tpu.memory_space<semaphore_mem>>)
      %dma_wait3A = arith.constant 0 : i32
      %dma_wait3A_31 = tpu.memref_slice %arg6[%scan3A_24, %dma_wait3A] : memref<80x128xi32, #tpu.memory_space<vmem>> -> memref<1x128xi32, #tpu.memory_space<vmem>>
      %dma_wait3A_32 = tpu.memref_squeeze %dma_wait3A_31 : memref<1x128xi32, #tpu.memory_space<vmem>> -> memref<128xi32, #tpu.memory_space<vmem>>
      %dma_wait3A_33 = arith.constant 0 : i32
      %dma_wait3A_34 = arith.constant 0 : i32
      %dma_wait3A_35 = tpu.memref_slice %arg2[%dma_wait3A_33, %dma_wait3A_34] : memref<10000x128xf32, #tpu.memory_space<hbm>> -> memref<10000x128xf32, #tpu.memory_space<hbm>>
      tpu.wait_indirect_dma semaphore(%arg10 : memref<!tpu.dma_semaphore, #tpu.memory_space<semaphore_mem>>) src(%dma_wait3A_35 : memref<10000x128xf32, #tpu.memory_space<hbm>>) dst(%arg8 : memref<128x128xf32, #tpu.memory_space<vmem>>)
      "tpu.region"() ({
        %run_scoped3A = tpu.sem_alloc : memref<!tpu.dma_semaphore, #tpu.memory_space<semaphore_mem>>
        %dma_start3A_37 = arith.constant 0 : i32
        %dma_start3A_38 = tpu.memref_slice %arg7[%scan3A_24, %dma_start3A_37] : memref<80x128xi32, #tpu.memory_space<vmem>> -> memref<1x128xi32, #tpu.memory_space<vmem>>
        %dma_start3A_39 = tpu.memref_squeeze %dma_start3A_38 : memref<1x128xi32, #tpu.memory_space<vmem>> -> memref<128xi32, #tpu.memory_space<vmem>>
        %dma_start3A_40 = arith.constant 0 : i32
        %dma_start3A_41 = arith.constant 0 : i32
        %dma_start3A_42 = tpu.memref_slice %arg9[%dma_start3A_40, %dma_start3A_41] : memref<10240x128xf32, #tpu.memory_space<vmem_shared>> -> memref<10240x128xf32, #tpu.memory_space<vmem_shared>>
        tpu.enqueue_indirect_dma source(%arg8 : memref<128x128xf32, #tpu.memory_space<vmem>>) target(%dma_start3A_42 : memref<10240x128xf32, #tpu.memory_space<vmem_shared>>) offsets(%dma_start3A_39 : memref<128xi32, #tpu.memory_space<vmem>>) semaphore(%run_scoped3A : memref<!tpu.dma_semaphore, #tpu.memory_space<semaphore_mem>>) {add = true}
        %dma_wait3A_43 = arith.constant 0 : i32
        %dma_wait3A_44 = tpu.memref_slice %arg7[%scan3A_24, %dma_wait3A_43] : memref<80x128xi32, #tpu.memory_space<vmem>> -> memref<1x128xi32, #tpu.memory_space<vmem>>
        %dma_wait3A_45 = tpu.memref_squeeze %dma_wait3A_44 : memref<1x128xi32, #tpu.memory_space<vmem>> -> memref<128xi32, #tpu.memory_space<vmem>>
        %dma_wait3A_46 = arith.constant 0 : i32
        %dma_wait3A_47 = arith.constant 0 : i32
        %dma_wait3A_48 = tpu.memref_slice %arg9[%dma_wait3A_46, %dma_wait3A_47] : memref<10240x128xf32, #tpu.memory_space<vmem_shared>> -> memref<10240x128xf32, #tpu.memory_space<vmem_shared>>
        tpu.wait_indirect_dma semaphore(%run_scoped3A : memref<!tpu.dma_semaphore, #tpu.memory_space<semaphore_mem>>) src(%arg8 : memref<128x128xf32, #tpu.memory_space<vmem>>) dst(%dma_wait3A_48 : memref<10240x128xf32, #tpu.memory_space<vmem_shared>>)
        tpu.yield
      }) : () -> ()
      %scan3A_36 = arith.constant 0 : i32
      scf.yield %scan3A_36 : i32
    }
    %scan3A_22 = arith.constant 80 : i32
    %barrier3A_23 = arith.constant 0 : index
    tpu.barrier barrier_id(%barrier3A_23)
    "tpu.region"() ({
      %run_scoped3A = tpu.sem_alloc : memref<!tpu.dma_semaphore, #tpu.memory_space<semaphore_mem>>
      %dma_start3A = arith.constant 0 : i32
      %dma_start3A_24 = tpu.memref_slice %arg5[%arg0, %mul3A_8, %dma_start3A] : memref<2x10240x128xf32, #tpu.memory_space<hbm>> -> memref<1x640x128xf32, #tpu.memory_space<hbm>>
      %dma_start3A_25 = tpu.memref_squeeze %dma_start3A_24 : memref<1x640x128xf32, #tpu.memory_space<hbm>> -> memref<640x128xf32, #tpu.memory_space<hbm>>
      %dma_start3A_26 = arith.constant 0 : i32
      %dma_start3A_27 = tpu.memref_slice %arg9[%mul3A_8, %dma_start3A_26] : memref<10240x128xf32, #tpu.memory_space<vmem_shared>> -> memref<640x128xf32, #tpu.memory_space<vmem_shared>>
      tpu.enqueue_dma source(%dma_start3A_27 : memref<640x128xf32, #tpu.memory_space<vmem_shared>>) target(%dma_start3A_25 : memref<640x128xf32, #tpu.memory_space<hbm>>) target_semaphore(%run_scoped3A : memref<!tpu.dma_semaphore, #tpu.memory_space<semaphore_mem>>)
      %dma_wait3A = arith.constant 0 : i32
      %dma_wait3A_28 = tpu.memref_slice %arg5[%arg0, %mul3A_8, %dma_wait3A] : memref<2x10240x128xf32, #tpu.memory_space<hbm>> -> memref<1x640x128xf32, #tpu.memory_space<hbm>>
      %dma_wait3A_29 = tpu.memref_squeeze %dma_wait3A_28 : memref<1x640x128xf32, #tpu.memory_space<hbm>> -> memref<640x128xf32, #tpu.memory_space<hbm>>
      %dma_wait3A_30 = arith.constant 0 : i32
      %dma_wait3A_31 = tpu.memref_slice %arg9[%mul3A_8, %dma_wait3A_30] : memref<10240x128xf32, #tpu.memory_space<vmem_shared>> -> memref<640x128xf32, #tpu.memory_space<vmem_shared>>
      tpu.wait_dma2 semaphore(%run_scoped3A : memref<!tpu.dma_semaphore, #tpu.memory_space<semaphore_mem>>) src(%dma_wait3A_31 : memref<640x128xf32, #tpu.memory_space<vmem_shared>>) dst(%dma_wait3A_29 : memref<640x128xf32, #tpu.memory_space<hbm>>)
      tpu.yield
    }) : () -> ()
    return
  }
}

#map = affine_map<(d0, d1) -> (0, 0, 0)>
module attributes {stable_mosaic.version = 14 : i64} {
  func.func @_cnt_body(%arg0: i32, %arg1: i32, %arg2: memref<32x80x128xi32, #tpu.memory_space<hbm>>, %arg3: memref<2x10240x128xf32, #tpu.memory_space<hbm>>, %arg4: memref<80x128xi32, #tpu.memory_space<vmem>>, %arg5: memref<128x128xf32, #tpu.memory_space<vmem>>, %arg6: memref<10240x128xf32, #tpu.memory_space<vmem_shared>>, %arg7: memref<!tpu.dma_semaphore, #tpu.memory_space<semaphore_mem>>) attributes {dimension_semantics = [#tpu.dimension_semantics<core_parallel>, #tpu.dimension_semantics<subcore_parallel>], iteration_bounds = array<i64: 2, 16>, scalar_prefetch = 0 : i64, scratch_operands = 4 : i64, tpu.core_type = #tpu.core_type<sc_vector_subcore>, window_params = [{transform_indices = #map}, {transform_indices = #map}]} {
    %mul3A = arith.constant 16 : i32
    %mul3A_0 = arith.muli %arg0, %mul3A : i32
    %add3A = arith.addi %mul3A_0, %arg1 : i32
    %scan3A = arith.constant 0 : i32
    %scan3A_1 = arith.constant 0 : i32
    %scan3A_2 = arith.constant 128 : i32
    %scan3A_3 = arith.addi %scan3A_1, %scan3A_2 : i32
    %scan3A_4 = arith.constant 1 : i32
    %scan3A_5 = scf.for %scan3A_31 = %scan3A_1 to %scan3A_3 step %scan3A_4 iter_args(%scan3A_32 = %scan3A) -> (i32)  : i32 {
      %broadcast_in_dim3A = arith.constant 0.000000e+00 : f32
      %broadcast_in_dim3A_33 = vector.broadcast %broadcast_in_dim3A : f32 to vector<16xf32>
      %swap3A = arith.index_cast %scan3A_31 : i32 to index
      %swap3A_34 = arith.constant 0 : index
      %swap3A_35 = tpu.vector_load %arg5[%swap3A, %swap3A_34] {strides = array<i32>} : memref<128x128xf32, #tpu.memory_space<vmem>>, vector<1x16xf32>,
      %swap3A_36 = vector.shape_cast %swap3A_35 : vector<1x16xf32> to vector<16xf32>
      %swap3A_37 = vector.shape_cast %broadcast_in_dim3A_33 : vector<16xf32> to vector<1x16xf32>
      tpu.vector_store %arg5[%swap3A, %swap3A_34], %swap3A_37 {strides = array<i32>} : memref<128x128xf32, #tpu.memory_space<vmem>>, vector<1x16xf32>,
      %broadcast_in_dim3A_38 = arith.constant 0.000000e+00 : f32
      %broadcast_in_dim3A_39 = vector.broadcast %broadcast_in_dim3A_38 : f32 to vector<16xf32>
      %swap3A_40 = arith.index_cast %scan3A_31 : i32 to index
      %swap3A_41 = arith.constant 16 : index
      %swap3A_42 = tpu.vector_load %arg5[%swap3A_40, %swap3A_41] {strides = array<i32>} : memref<128x128xf32, #tpu.memory_space<vmem>>, vector<1x16xf32>,
      %swap3A_43 = vector.shape_cast %swap3A_42 : vector<1x16xf32> to vector<16xf32>
      %swap3A_44 = vector.shape_cast %broadcast_in_dim3A_39 : vector<16xf32> to vector<1x16xf32>
      tpu.vector_store %arg5[%swap3A_40, %swap3A_41], %swap3A_44 {strides = array<i32>} : memref<128x128xf32, #tpu.memory_space<vmem>>, vector<1x16xf32>,
      %broadcast_in_dim3A_45 = arith.constant 0.000000e+00 : f32
      %broadcast_in_dim3A_46 = vector.broadcast %broadcast_in_dim3A_45 : f32 to vector<16xf32>
      %swap3A_47 = arith.index_cast %scan3A_31 : i32 to index
      %swap3A_48 = arith.constant 32 : index
      %swap3A_49 = tpu.vector_load %arg5[%swap3A_47, %swap3A_48] {strides = array<i32>} : memref<128x128xf32, #tpu.memory_space<vmem>>, vector<1x16xf32>,
      %swap3A_50 = vector.shape_cast %swap3A_49 : vector<1x16xf32> to vector<16xf32>
      %swap3A_51 = vector.shape_cast %broadcast_in_dim3A_46 : vector<16xf32> to vector<1x16xf32>
      tpu.vector_store %arg5[%swap3A_47, %swap3A_48], %swap3A_51 {strides = array<i32>} : memref<128x128xf32, #tpu.memory_space<vmem>>, vector<1x16xf32>,
      %broadcast_in_dim3A_52 = arith.constant 0.000000e+00 : f32
      %broadcast_in_dim3A_53 = vector.broadcast %broadcast_in_dim3A_52 : f32 to vector<16xf32>
      %swap3A_54 = arith.index_cast %scan3A_31 : i32 to index
      %swap3A_55 = arith.constant 48 : index
      %swap3A_56 = tpu.vector_load %arg5[%swap3A_54, %swap3A_55] {strides = array<i32>} : memref<128x128xf32, #tpu.memory_space<vmem>>, vector<1x16xf32>,
      %swap3A_57 = vector.shape_cast %swap3A_56 : vector<1x16xf32> to vector<16xf32>
      %swap3A_58 = vector.shape_cast %broadcast_in_dim3A_53 : vector<16xf32> to vector<1x16xf32>
      tpu.vector_store %arg5[%swap3A_54, %swap3A_55], %swap3A_58 {strides = array<i32>} : memref<128x128xf32, #tpu.memory_space<vmem>>, vector<1x16xf32>,
      %broadcast_in_dim3A_59 = arith.constant 0.000000e+00 : f32
      %broadcast_in_dim3A_60 = vector.broadcast %broadcast_in_dim3A_59 : f32 to vector<16xf32>
      %swap3A_61 = arith.index_cast %scan3A_31 : i32 to index
      %swap3A_62 = arith.constant 64 : index
      %swap3A_63 = tpu.vector_load %arg5[%swap3A_61, %swap3A_62] {strides = array<i32>} : memref<128x128xf32, #tpu.memory_space<vmem>>, vector<1x16xf32>,
      %swap3A_64 = vector.shape_cast %swap3A_63 : vector<1x16xf32> to vector<16xf32>
      %swap3A_65 = vector.shape_cast %broadcast_in_dim3A_60 : vector<16xf32> to vector<1x16xf32>
      tpu.vector_store %arg5[%swap3A_61, %swap3A_62], %swap3A_65 {strides = array<i32>} : memref<128x128xf32, #tpu.memory_space<vmem>>, vector<1x16xf32>,
      %broadcast_in_dim3A_66 = arith.constant 0.000000e+00 : f32
      %broadcast_in_dim3A_67 = vector.broadcast %broadcast_in_dim3A_66 : f32 to vector<16xf32>
      %swap3A_68 = arith.index_cast %scan3A_31 : i32 to index
      %swap3A_69 = arith.constant 80 : index
      %swap3A_70 = tpu.vector_load %arg5[%swap3A_68, %swap3A_69] {strides = array<i32>} : memref<128x128xf32, #tpu.memory_space<vmem>>, vector<1x16xf32>,
      %swap3A_71 = vector.shape_cast %swap3A_70 : vector<1x16xf32> to vector<16xf32>
      %swap3A_72 = vector.shape_cast %broadcast_in_dim3A_67 : vector<16xf32> to vector<1x16xf32>
      tpu.vector_store %arg5[%swap3A_68, %swap3A_69], %swap3A_72 {strides = array<i32>} : memref<128x128xf32, #tpu.memory_space<vmem>>, vector<1x16xf32>,
      %broadcast_in_dim3A_73 = arith.constant 0.000000e+00 : f32
      %broadcast_in_dim3A_74 = vector.broadcast %broadcast_in_dim3A_73 : f32 to vector<16xf32>
      %swap3A_75 = arith.index_cast %scan3A_31 : i32 to index
      %swap3A_76 = arith.constant 96 : index
      %swap3A_77 = tpu.vector_load %arg5[%swap3A_75, %swap3A_76] {strides = array<i32>} : memref<128x128xf32, #tpu.memory_space<vmem>>, vector<1x16xf32>,
      %swap3A_78 = vector.shape_cast %swap3A_77 : vector<1x16xf32> to vector<16xf32>
      %swap3A_79 = vector.shape_cast %broadcast_in_dim3A_74 : vector<16xf32> to vector<1x16xf32>
      tpu.vector_store %arg5[%swap3A_75, %swap3A_76], %swap3A_79 {strides = array<i32>} : memref<128x128xf32, #tpu.memory_space<vmem>>, vector<1x16xf32>,
      %broadcast_in_dim3A_80 = arith.constant 0.000000e+00 : f32
      %broadcast_in_dim3A_81 = vector.broadcast %broadcast_in_dim3A_80 : f32 to vector<16xf32>
      %swap3A_82 = arith.index_cast %scan3A_31 : i32 to index
      %swap3A_83 = arith.constant 112 : index
      %swap3A_84 = tpu.vector_load %arg5[%swap3A_82, %swap3A_83] {strides = array<i32>} : memref<128x128xf32, #tpu.memory_space<vmem>>, vector<1x16xf32>,
      %swap3A_85 = vector.shape_cast %swap3A_84 : vector<1x16xf32> to vector<16xf32>
      %swap3A_86 = vector.shape_cast %broadcast_in_dim3A_81 : vector<16xf32> to vector<1x16xf32>
      tpu.vector_store %arg5[%swap3A_82, %swap3A_83], %swap3A_86 {strides = array<i32>} : memref<128x128xf32, #tpu.memory_space<vmem>>, vector<1x16xf32>,
      %scan3A_87 = arith.constant 0 : i32
      scf.yield %scan3A_87 : i32
    }
    %scan3A_6 = arith.constant 128 : i32
    %mul3A_7 = arith.constant 640 : i32
    %mul3A_8 = arith.muli %arg1, %mul3A_7 : i32
    %scan3A_9 = arith.constant 0 : i32
    %scan3A_10 = arith.constant 0 : i32
    %scan3A_11 = arith.constant 5 : i32
    %scan3A_12 = arith.addi %scan3A_10, %scan3A_11 : i32
    %scan3A_13 = arith.constant 1 : i32
    %scan3A_14 = scf.for %scan3A_31 = %scan3A_10 to %scan3A_12 step %scan3A_13 iter_args(%scan3A_32 = %scan3A_9) -> (i32)  : i32 {
      %mul3A_33 = arith.constant 128 : i32
      %mul3A_34 = arith.muli %scan3A_31, %mul3A_33 : i32
      %add3A_35 = arith.addi %mul3A_8, %mul3A_34 : i32
      "tpu.region"() ({
        %run_scoped3A = tpu.sem_alloc : memref<!tpu.dma_semaphore, #tpu.memory_space<semaphore_mem>>
        %dma_start3A = arith.constant 0 : i32
        %dma_start3A_37 = tpu.memref_slice %arg6[%add3A_35, %dma_start3A] : memref<10240x128xf32, #tpu.memory_space<vmem_shared>> -> memref<128x128xf32, #tpu.memory_space<vmem_shared>>
        %dma_start3A_38 = arith.constant 0 : i32
        %dma_start3A_39 = tpu.memref_slice %arg6[%add3A_35, %dma_start3A_38] : memref<10240x128xf32, #tpu.memory_space<vmem_shared>> -> memref<128x128xf32, #tpu.memory_space<vmem_shared>>
        tpu.enqueue_dma source(%arg5 : memref<128x128xf32, #tpu.memory_space<vmem>>) target(%dma_start3A_39 : memref<128x128xf32, #tpu.memory_space<vmem_shared>>) target_semaphore(%run_scoped3A : memref<!tpu.dma_semaphore, #tpu.memory_space<semaphore_mem>>)
        %dma_wait3A = arith.constant 0 : i32
        %dma_wait3A_40 = tpu.memref_slice %arg6[%add3A_35, %dma_wait3A] : memref<10240x128xf32, #tpu.memory_space<vmem_shared>> -> memref<128x128xf32, #tpu.memory_space<vmem_shared>>
        %dma_wait3A_41 = arith.constant 0 : i32
        %dma_wait3A_42 = tpu.memref_slice %arg6[%add3A_35, %dma_wait3A_41] : memref<10240x128xf32, #tpu.memory_space<vmem_shared>> -> memref<128x128xf32, #tpu.memory_space<vmem_shared>>
        tpu.wait_dma2 semaphore(%run_scoped3A : memref<!tpu.dma_semaphore, #tpu.memory_space<semaphore_mem>>) src(%arg5 : memref<128x128xf32, #tpu.memory_space<vmem>>) dst(%dma_wait3A_42 : memref<128x128xf32, #tpu.memory_space<vmem_shared>>)
        tpu.yield
      }) : () -> ()
      %scan3A_36 = arith.constant 0 : i32
      scf.yield %scan3A_36 : i32
    }
    %scan3A_15 = arith.constant 5 : i32
    %scan3A_16 = arith.constant 0 : i32
    %scan3A_17 = arith.constant 0 : i32
    %scan3A_18 = arith.constant 128 : i32
    %scan3A_19 = arith.addi %scan3A_17, %scan3A_18 : i32
    %scan3A_20 = arith.constant 1 : i32
    %scan3A_21 = scf.for %scan3A_31 = %scan3A_17 to %scan3A_19 step %scan3A_20 iter_args(%scan3A_32 = %scan3A_16) -> (i32)  : i32 {
      %broadcast_in_dim3A = arith.constant 1.000000e+00 : f32
      %broadcast_in_dim3A_33 = vector.broadcast %broadcast_in_dim3A : f32 to vector<16xf32>
      %swap3A = arith.index_cast %scan3A_31 : i32 to index
      %swap3A_34 = arith.constant 0 : index
      %swap3A_35 = tpu.vector_load %arg5[%swap3A, %swap3A_34] {strides = array<i32>} : memref<128x128xf32, #tpu.memory_space<vmem>>, vector<1x16xf32>,
      %swap3A_36 = vector.shape_cast %swap3A_35 : vector<1x16xf32> to vector<16xf32>
      %swap3A_37 = vector.shape_cast %broadcast_in_dim3A_33 : vector<16xf32> to vector<1x16xf32>
      tpu.vector_store %arg5[%swap3A, %swap3A_34], %swap3A_37 {strides = array<i32>} : memref<128x128xf32, #tpu.memory_space<vmem>>, vector<1x16xf32>,
      %broadcast_in_dim3A_38 = arith.constant 1.000000e+00 : f32
      %broadcast_in_dim3A_39 = vector.broadcast %broadcast_in_dim3A_38 : f32 to vector<16xf32>
      %swap3A_40 = arith.index_cast %scan3A_31 : i32 to index
      %swap3A_41 = arith.constant 16 : index
      %swap3A_42 = tpu.vector_load %arg5[%swap3A_40, %swap3A_41] {strides = array<i32>} : memref<128x128xf32, #tpu.memory_space<vmem>>, vector<1x16xf32>,
      %swap3A_43 = vector.shape_cast %swap3A_42 : vector<1x16xf32> to vector<16xf32>
      %swap3A_44 = vector.shape_cast %broadcast_in_dim3A_39 : vector<16xf32> to vector<1x16xf32>
      tpu.vector_store %arg5[%swap3A_40, %swap3A_41], %swap3A_44 {strides = array<i32>} : memref<128x128xf32, #tpu.memory_space<vmem>>, vector<1x16xf32>,
      %broadcast_in_dim3A_45 = arith.constant 1.000000e+00 : f32
      %broadcast_in_dim3A_46 = vector.broadcast %broadcast_in_dim3A_45 : f32 to vector<16xf32>
      %swap3A_47 = arith.index_cast %scan3A_31 : i32 to index
      %swap3A_48 = arith.constant 32 : index
      %swap3A_49 = tpu.vector_load %arg5[%swap3A_47, %swap3A_48] {strides = array<i32>} : memref<128x128xf32, #tpu.memory_space<vmem>>, vector<1x16xf32>,
      %swap3A_50 = vector.shape_cast %swap3A_49 : vector<1x16xf32> to vector<16xf32>
      %swap3A_51 = vector.shape_cast %broadcast_in_dim3A_46 : vector<16xf32> to vector<1x16xf32>
      tpu.vector_store %arg5[%swap3A_47, %swap3A_48], %swap3A_51 {strides = array<i32>} : memref<128x128xf32, #tpu.memory_space<vmem>>, vector<1x16xf32>,
      %broadcast_in_dim3A_52 = arith.constant 1.000000e+00 : f32
      %broadcast_in_dim3A_53 = vector.broadcast %broadcast_in_dim3A_52 : f32 to vector<16xf32>
      %swap3A_54 = arith.index_cast %scan3A_31 : i32 to index
      %swap3A_55 = arith.constant 48 : index
      %swap3A_56 = tpu.vector_load %arg5[%swap3A_54, %swap3A_55] {strides = array<i32>} : memref<128x128xf32, #tpu.memory_space<vmem>>, vector<1x16xf32>,
      %swap3A_57 = vector.shape_cast %swap3A_56 : vector<1x16xf32> to vector<16xf32>
      %swap3A_58 = vector.shape_cast %broadcast_in_dim3A_53 : vector<16xf32> to vector<1x16xf32>
      tpu.vector_store %arg5[%swap3A_54, %swap3A_55], %swap3A_58 {strides = array<i32>} : memref<128x128xf32, #tpu.memory_space<vmem>>, vector<1x16xf32>,
      %broadcast_in_dim3A_59 = arith.constant 1.000000e+00 : f32
      %broadcast_in_dim3A_60 = vector.broadcast %broadcast_in_dim3A_59 : f32 to vector<16xf32>
      %swap3A_61 = arith.index_cast %scan3A_31 : i32 to index
      %swap3A_62 = arith.constant 64 : index
      %swap3A_63 = tpu.vector_load %arg5[%swap3A_61, %swap3A_62] {strides = array<i32>} : memref<128x128xf32, #tpu.memory_space<vmem>>, vector<1x16xf32>,
      %swap3A_64 = vector.shape_cast %swap3A_63 : vector<1x16xf32> to vector<16xf32>
      %swap3A_65 = vector.shape_cast %broadcast_in_dim3A_60 : vector<16xf32> to vector<1x16xf32>
      tpu.vector_store %arg5[%swap3A_61, %swap3A_62], %swap3A_65 {strides = array<i32>} : memref<128x128xf32, #tpu.memory_space<vmem>>, vector<1x16xf32>,
      %broadcast_in_dim3A_66 = arith.constant 1.000000e+00 : f32
      %broadcast_in_dim3A_67 = vector.broadcast %broadcast_in_dim3A_66 : f32 to vector<16xf32>
      %swap3A_68 = arith.index_cast %scan3A_31 : i32 to index
      %swap3A_69 = arith.constant 80 : index
      %swap3A_70 = tpu.vector_load %arg5[%swap3A_68, %swap3A_69] {strides = array<i32>} : memref<128x128xf32, #tpu.memory_space<vmem>>, vector<1x16xf32>,
      %swap3A_71 = vector.shape_cast %swap3A_70 : vector<1x16xf32> to vector<16xf32>
      %swap3A_72 = vector.shape_cast %broadcast_in_dim3A_67 : vector<16xf32> to vector<1x16xf32>
      tpu.vector_store %arg5[%swap3A_68, %swap3A_69], %swap3A_72 {strides = array<i32>} : memref<128x128xf32, #tpu.memory_space<vmem>>, vector<1x16xf32>,
      %broadcast_in_dim3A_73 = arith.constant 1.000000e+00 : f32
      %broadcast_in_dim3A_74 = vector.broadcast %broadcast_in_dim3A_73 : f32 to vector<16xf32>
      %swap3A_75 = arith.index_cast %scan3A_31 : i32 to index
      %swap3A_76 = arith.constant 96 : index
      %swap3A_77 = tpu.vector_load %arg5[%swap3A_75, %swap3A_76] {strides = array<i32>} : memref<128x128xf32, #tpu.memory_space<vmem>>, vector<1x16xf32>,
      %swap3A_78 = vector.shape_cast %swap3A_77 : vector<1x16xf32> to vector<16xf32>
      %swap3A_79 = vector.shape_cast %broadcast_in_dim3A_74 : vector<16xf32> to vector<1x16xf32>
      tpu.vector_store %arg5[%swap3A_75, %swap3A_76], %swap3A_79 {strides = array<i32>} : memref<128x128xf32, #tpu.memory_space<vmem>>, vector<1x16xf32>,
      %broadcast_in_dim3A_80 = arith.constant 1.000000e+00 : f32
      %broadcast_in_dim3A_81 = vector.broadcast %broadcast_in_dim3A_80 : f32 to vector<16xf32>
      %swap3A_82 = arith.index_cast %scan3A_31 : i32 to index
      %swap3A_83 = arith.constant 112 : index
      %swap3A_84 = tpu.vector_load %arg5[%swap3A_82, %swap3A_83] {strides = array<i32>} : memref<128x128xf32, #tpu.memory_space<vmem>>, vector<1x16xf32>,
      %swap3A_85 = vector.shape_cast %swap3A_84 : vector<1x16xf32> to vector<16xf32>
      %swap3A_86 = vector.shape_cast %broadcast_in_dim3A_81 : vector<16xf32> to vector<1x16xf32>
      tpu.vector_store %arg5[%swap3A_82, %swap3A_83], %swap3A_86 {strides = array<i32>} : memref<128x128xf32, #tpu.memory_space<vmem>>, vector<1x16xf32>,
      %scan3A_87 = arith.constant 0 : i32
      scf.yield %scan3A_87 : i32
    }
    %scan3A_22 = arith.constant 128 : i32
    %barrier3A = arith.constant 0 : index
    tpu.barrier barrier_id(%barrier3A)
    "tpu.region"() ({
      %run_scoped3A = tpu.sem_alloc : memref<!tpu.dma_semaphore, #tpu.memory_space<semaphore_mem>>
      %dma_start3A = arith.constant 0 : i32
      %dma_start3A_31 = arith.constant 0 : i32
      %dma_start3A_32 = tpu.memref_slice %arg2[%add3A, %dma_start3A, %dma_start3A_31] : memref<32x80x128xi32, #tpu.memory_space<hbm>> -> memref<1x80x128xi32, #tpu.memory_space<hbm>>
      %dma_start3A_33 = tpu.memref_squeeze %dma_start3A_32 : memref<1x80x128xi32, #tpu.memory_space<hbm>> -> memref<80x128xi32, #tpu.memory_space<hbm>>
      %dma_start3A_34 = arith.constant 0 : i32
      %dma_start3A_35 = arith.constant 0 : i32
      %dma_start3A_36 = tpu.memref_slice %arg2[%add3A, %dma_start3A_34, %dma_start3A_35] : memref<32x80x128xi32, #tpu.memory_space<hbm>> -> memref<1x80x128xi32, #tpu.memory_space<hbm>>
      %dma_start3A_37 = tpu.memref_squeeze %dma_start3A_36 : memref<1x80x128xi32, #tpu.memory_space<hbm>> -> memref<80x128xi32, #tpu.memory_space<hbm>>
      tpu.enqueue_dma source(%dma_start3A_37 : memref<80x128xi32, #tpu.memory_space<hbm>>) target(%arg4 : memref<80x128xi32, #tpu.memory_space<vmem>>) target_semaphore(%run_scoped3A : memref<!tpu.dma_semaphore, #tpu.memory_space<semaphore_mem>>)
      %dma_wait3A = arith.constant 0 : i32
      %dma_wait3A_38 = arith.constant 0 : i32
      %dma_wait3A_39 = tpu.memref_slice %arg2[%add3A, %dma_wait3A, %dma_wait3A_38] : memref<32x80x128xi32, #tpu.memory_space<hbm>> -> memref<1x80x128xi32, #tpu.memory_space<hbm>>
      %dma_wait3A_40 = tpu.memref_squeeze %dma_wait3A_39 : memref<1x80x128xi32, #tpu.memory_space<hbm>> -> memref<80x128xi32, #tpu.memory_space<hbm>>
      %dma_wait3A_41 = arith.constant 0 : i32
      %dma_wait3A_42 = arith.constant 0 : i32
      %dma_wait3A_43 = tpu.memref_slice %arg2[%add3A, %dma_wait3A_41, %dma_wait3A_42] : memref<32x80x128xi32, #tpu.memory_space<hbm>> -> memref<1x80x128xi32, #tpu.memory_space<hbm>>
      %dma_wait3A_44 = tpu.memref_squeeze %dma_wait3A_43 : memref<1x80x128xi32, #tpu.memory_space<hbm>> -> memref<80x128xi32, #tpu.memory_space<hbm>>
      tpu.wait_dma2 semaphore(%run_scoped3A : memref<!tpu.dma_semaphore, #tpu.memory_space<semaphore_mem>>) src(%dma_wait3A_44 : memref<80x128xi32, #tpu.memory_space<hbm>>) dst(%arg4 : memref<80x128xi32, #tpu.memory_space<vmem>>)
      tpu.yield
    }) : () -> ()
    %scan3A_23 = arith.constant 0 : i32
    %scan3A_24 = arith.constant 0 : i32
    %scan3A_25 = arith.constant 80 : i32
    %scan3A_26 = arith.addi %scan3A_24, %scan3A_25 : i32
    %scan3A_27 = arith.constant 1 : i32
    %scan3A_28 = scf.for %scan3A_31 = %scan3A_24 to %scan3A_26 step %scan3A_27 iter_args(%scan3A_32 = %scan3A_23) -> (i32)  : i32 {
      "tpu.region"() ({
        %run_scoped3A = tpu.sem_alloc : memref<!tpu.dma_semaphore, #tpu.memory_space<semaphore_mem>>
        %dma_start3A = arith.constant 0 : i32
        %dma_start3A_34 = tpu.memref_slice %arg4[%scan3A_31, %dma_start3A] : memref<80x128xi32, #tpu.memory_space<vmem>> -> memref<1x128xi32, #tpu.memory_space<vmem>>
        %dma_start3A_35 = tpu.memref_squeeze %dma_start3A_34 : memref<1x128xi32, #tpu.memory_space<vmem>> -> memref<128xi32, #tpu.memory_space<vmem>>
        %dma_start3A_36 = arith.constant 0 : i32
        %dma_start3A_37 = arith.constant 0 : i32
        %dma_start3A_38 = tpu.memref_slice %arg6[%dma_start3A_36, %dma_start3A_37] : memref<10240x128xf32, #tpu.memory_space<vmem_shared>> -> memref<10240x128xf32, #tpu.memory_space<vmem_shared>>
        tpu.enqueue_indirect_dma source(%arg5 : memref<128x128xf32, #tpu.memory_space<vmem>>) target(%dma_start3A_38 : memref<10240x128xf32, #tpu.memory_space<vmem_shared>>) offsets(%dma_start3A_35 : memref<128xi32, #tpu.memory_space<vmem>>) semaphore(%run_scoped3A : memref<!tpu.dma_semaphore, #tpu.memory_space<semaphore_mem>>) {add = true}
        %dma_wait3A = arith.constant 0 : i32
        %dma_wait3A_39 = tpu.memref_slice %arg4[%scan3A_31, %dma_wait3A] : memref<80x128xi32, #tpu.memory_space<vmem>> -> memref<1x128xi32, #tpu.memory_space<vmem>>
        %dma_wait3A_40 = tpu.memref_squeeze %dma_wait3A_39 : memref<1x128xi32, #tpu.memory_space<vmem>> -> memref<128xi32, #tpu.memory_space<vmem>>
        %dma_wait3A_41 = arith.constant 0 : i32
        %dma_wait3A_42 = arith.constant 0 : i32
        %dma_wait3A_43 = tpu.memref_slice %arg6[%dma_wait3A_41, %dma_wait3A_42] : memref<10240x128xf32, #tpu.memory_space<vmem_shared>> -> memref<10240x128xf32, #tpu.memory_space<vmem_shared>>
        tpu.wait_indirect_dma semaphore(%run_scoped3A : memref<!tpu.dma_semaphore, #tpu.memory_space<semaphore_mem>>) src(%arg5 : memref<128x128xf32, #tpu.memory_space<vmem>>) dst(%dma_wait3A_43 : memref<10240x128xf32, #tpu.memory_space<vmem_shared>>)
        tpu.yield
      }) : () -> ()
      %scan3A_33 = arith.constant 0 : i32
      scf.yield %scan3A_33 : i32
    }
    %scan3A_29 = arith.constant 80 : i32
    %barrier3A_30 = arith.constant 0 : index
    tpu.barrier barrier_id(%barrier3A_30)
    "tpu.region"() ({
      %run_scoped3A = tpu.sem_alloc : memref<!tpu.dma_semaphore, #tpu.memory_space<semaphore_mem>>
      %dma_start3A = arith.constant 0 : i32
      %dma_start3A_31 = tpu.memref_slice %arg3[%arg0, %mul3A_8, %dma_start3A] : memref<2x10240x128xf32, #tpu.memory_space<hbm>> -> memref<1x640x128xf32, #tpu.memory_space<hbm>>
      %dma_start3A_32 = tpu.memref_squeeze %dma_start3A_31 : memref<1x640x128xf32, #tpu.memory_space<hbm>> -> memref<640x128xf32, #tpu.memory_space<hbm>>
      %dma_start3A_33 = arith.constant 0 : i32
      %dma_start3A_34 = tpu.memref_slice %arg6[%mul3A_8, %dma_start3A_33] : memref<10240x128xf32, #tpu.memory_space<vmem_shared>> -> memref<640x128xf32, #tpu.memory_space<vmem_shared>>
      tpu.enqueue_dma source(%dma_start3A_34 : memref<640x128xf32, #tpu.memory_space<vmem_shared>>) target(%dma_start3A_32 : memref<640x128xf32, #tpu.memory_space<hbm>>) target_semaphore(%run_scoped3A : memref<!tpu.dma_semaphore, #tpu.memory_space<semaphore_mem>>)
      %dma_wait3A = arith.constant 0 : i32
      %dma_wait3A_35 = tpu.memref_slice %arg3[%arg0, %mul3A_8, %dma_wait3A] : memref<2x10240x128xf32, #tpu.memory_space<hbm>> -> memref<1x640x128xf32, #tpu.memory_space<hbm>>
      %dma_wait3A_36 = tpu.memref_squeeze %dma_wait3A_35 : memref<1x640x128xf32, #tpu.memory_space<hbm>> -> memref<640x128xf32, #tpu.memory_space<hbm>>
      %dma_wait3A_37 = arith.constant 0 : i32
      %dma_wait3A_38 = tpu.memref_slice %arg6[%mul3A_8, %dma_wait3A_37] : memref<10240x128xf32, #tpu.memory_space<vmem_shared>> -> memref<640x128xf32, #tpu.memory_space<vmem_shared>>
      tpu.wait_dma2 semaphore(%run_scoped3A : memref<!tpu.dma_semaphore, #tpu.memory_space<semaphore_mem>>) src(%dma_wait3A_38 : memref<640x128xf32, #tpu.memory_space<vmem_shared>>) dst(%dma_wait3A_36 : memref<640x128xf32, #tpu.memory_space<hbm>>)
      tpu.yield
    }) : () -> ()
    return
  }
}

#map = affine_map<(d0, d1) -> (0, 0)>
#map1 = affine_map<(d0, d1) -> (0, 0, 0)>
module attributes {stable_mosaic.version = 14 : i64} {
  func.func @_sum_body(%arg0: i32, %arg1: i32, %arg2: memref<10000x128xf32, #tpu.memory_space<hbm>>, %arg3: memref<32x80x128xi32, #tpu.memory_space<hbm>>, %arg4: memref<32x80x128xi32, #tpu.memory_space<hbm>>, %arg5: memref<2x10240x128xf32, #tpu.memory_space<hbm>>, %arg6: memref<80x128xi32, #tpu.memory_space<vmem>>, %arg7: memref<80x128xi32, #tpu.memory_space<vmem>>, %arg8: memref<128x128xf32, #tpu.memory_space<vmem>>, %arg9: memref<10240x128xf32, #tpu.memory_space<vmem_shared>>, %arg10: memref<!tpu.dma_semaphore, #tpu.memory_space<semaphore_mem>>) attributes {dimension_semantics = [#tpu.dimension_semantics<core_parallel>, #tpu.dimension_semantics<subcore_parallel>], iteration_bounds = array<i64: 2, 16>, scalar_prefetch = 0 : i64, scratch_operands = 5 : i64, tpu.core_type = #tpu.core_type<sc_vector_subcore>, window_params = [{transform_indices = #map}, {transform_indices = #map1}, {transform_indices = #map1}, {transform_indices = #map1}]} {
    %mul3A = arith.constant 16 : i32
    %mul3A_0 = arith.muli %arg0, %mul3A : i32
    %add3A = arith.addi %mul3A_0, %arg1 : i32
    %scan3A = arith.constant 0 : i32
    %scan3A_1 = arith.constant 0 : i32
    %scan3A_2 = arith.constant 128 : i32
    %scan3A_3 = arith.addi %scan3A_1, %scan3A_2 : i32
    %scan3A_4 = arith.constant 1 : i32
    %scan3A_5 = scf.for %scan3A_24 = %scan3A_1 to %scan3A_3 step %scan3A_4 iter_args(%scan3A_25 = %scan3A) -> (i32)  : i32 {
      %broadcast_in_dim3A = arith.constant 0.000000e+00 : f32
      %broadcast_in_dim3A_26 = vector.broadcast %broadcast_in_dim3A : f32 to vector<16xf32>
      %swap3A = arith.index_cast %scan3A_24 : i32 to index
      %swap3A_27 = arith.constant 0 : index
      %swap3A_28 = tpu.vector_load %arg8[%swap3A, %swap3A_27] {strides = array<i32>} : memref<128x128xf32, #tpu.memory_space<vmem>>, vector<1x16xf32>,
      %swap3A_29 = vector.shape_cast %swap3A_28 : vector<1x16xf32> to vector<16xf32>
      %swap3A_30 = vector.shape_cast %broadcast_in_dim3A_26 : vector<16xf32> to vector<1x16xf32>
      tpu.vector_store %arg8[%swap3A, %swap3A_27], %swap3A_30 {strides = array<i32>} : memref<128x128xf32, #tpu.memory_space<vmem>>, vector<1x16xf32>,
      %broadcast_in_dim3A_31 = arith.constant 0.000000e+00 : f32
      %broadcast_in_dim3A_32 = vector.broadcast %broadcast_in_dim3A_31 : f32 to vector<16xf32>
      %swap3A_33 = arith.index_cast %scan3A_24 : i32 to index
      %swap3A_34 = arith.constant 16 : index
      %swap3A_35 = tpu.vector_load %arg8[%swap3A_33, %swap3A_34] {strides = array<i32>} : memref<128x128xf32, #tpu.memory_space<vmem>>, vector<1x16xf32>,
      %swap3A_36 = vector.shape_cast %swap3A_35 : vector<1x16xf32> to vector<16xf32>
      %swap3A_37 = vector.shape_cast %broadcast_in_dim3A_32 : vector<16xf32> to vector<1x16xf32>
      tpu.vector_store %arg8[%swap3A_33, %swap3A_34], %swap3A_37 {strides = array<i32>} : memref<128x128xf32, #tpu.memory_space<vmem>>, vector<1x16xf32>,
      %broadcast_in_dim3A_38 = arith.constant 0.000000e+00 : f32
      %broadcast_in_dim3A_39 = vector.broadcast %broadcast_in_dim3A_38 : f32 to vector<16xf32>
      %swap3A_40 = arith.index_cast %scan3A_24 : i32 to index
      %swap3A_41 = arith.constant 32 : index
      %swap3A_42 = tpu.vector_load %arg8[%swap3A_40, %swap3A_41] {strides = array<i32>} : memref<128x128xf32, #tpu.memory_space<vmem>>, vector<1x16xf32>,
      %swap3A_43 = vector.shape_cast %swap3A_42 : vector<1x16xf32> to vector<16xf32>
      %swap3A_44 = vector.shape_cast %broadcast_in_dim3A_39 : vector<16xf32> to vector<1x16xf32>
      tpu.vector_store %arg8[%swap3A_40, %swap3A_41], %swap3A_44 {strides = array<i32>} : memref<128x128xf32, #tpu.memory_space<vmem>>, vector<1x16xf32>,
      %broadcast_in_dim3A_45 = arith.constant 0.000000e+00 : f32
      %broadcast_in_dim3A_46 = vector.broadcast %broadcast_in_dim3A_45 : f32 to vector<16xf32>
      %swap3A_47 = arith.index_cast %scan3A_24 : i32 to index
      %swap3A_48 = arith.constant 48 : index
      %swap3A_49 = tpu.vector_load %arg8[%swap3A_47, %swap3A_48] {strides = array<i32>} : memref<128x128xf32, #tpu.memory_space<vmem>>, vector<1x16xf32>,
      %swap3A_50 = vector.shape_cast %swap3A_49 : vector<1x16xf32> to vector<16xf32>
      %swap3A_51 = vector.shape_cast %broadcast_in_dim3A_46 : vector<16xf32> to vector<1x16xf32>
      tpu.vector_store %arg8[%swap3A_47, %swap3A_48], %swap3A_51 {strides = array<i32>} : memref<128x128xf32, #tpu.memory_space<vmem>>, vector<1x16xf32>,
      %broadcast_in_dim3A_52 = arith.constant 0.000000e+00 : f32
      %broadcast_in_dim3A_53 = vector.broadcast %broadcast_in_dim3A_52 : f32 to vector<16xf32>
      %swap3A_54 = arith.index_cast %scan3A_24 : i32 to index
      %swap3A_55 = arith.constant 64 : index
      %swap3A_56 = tpu.vector_load %arg8[%swap3A_54, %swap3A_55] {strides = array<i32>} : memref<128x128xf32, #tpu.memory_space<vmem>>, vector<1x16xf32>,
      %swap3A_57 = vector.shape_cast %swap3A_56 : vector<1x16xf32> to vector<16xf32>
      %swap3A_58 = vector.shape_cast %broadcast_in_dim3A_53 : vector<16xf32> to vector<1x16xf32>
      tpu.vector_store %arg8[%swap3A_54, %swap3A_55], %swap3A_58 {strides = array<i32>} : memref<128x128xf32, #tpu.memory_space<vmem>>, vector<1x16xf32>,
      %broadcast_in_dim3A_59 = arith.constant 0.000000e+00 : f32
      %broadcast_in_dim3A_60 = vector.broadcast %broadcast_in_dim3A_59 : f32 to vector<16xf32>
      %swap3A_61 = arith.index_cast %scan3A_24 : i32 to index
      %swap3A_62 = arith.constant 80 : index
      %swap3A_63 = tpu.vector_load %arg8[%swap3A_61, %swap3A_62] {strides = array<i32>} : memref<128x128xf32, #tpu.memory_space<vmem>>, vector<1x16xf32>,
      %swap3A_64 = vector.shape_cast %swap3A_63 : vector<1x16xf32> to vector<16xf32>
      %swap3A_65 = vector.shape_cast %broadcast_in_dim3A_60 : vector<16xf32> to vector<1x16xf32>
      tpu.vector_store %arg8[%swap3A_61, %swap3A_62], %swap3A_65 {strides = array<i32>} : memref<128x128xf32, #tpu.memory_space<vmem>>, vector<1x16xf32>,
      %broadcast_in_dim3A_66 = arith.constant 0.000000e+00 : f32
      %broadcast_in_dim3A_67 = vector.broadcast %broadcast_in_dim3A_66 : f32 to vector<16xf32>
      %swap3A_68 = arith.index_cast %scan3A_24 : i32 to index
      %swap3A_69 = arith.constant 96 : index
      %swap3A_70 = tpu.vector_load %arg8[%swap3A_68, %swap3A_69] {strides = array<i32>} : memref<128x128xf32, #tpu.memory_space<vmem>>, vector<1x16xf32>,
      %swap3A_71 = vector.shape_cast %swap3A_70 : vector<1x16xf32> to vector<16xf32>
      %swap3A_72 = vector.shape_cast %broadcast_in_dim3A_67 : vector<16xf32> to vector<1x16xf32>
      tpu.vector_store %arg8[%swap3A_68, %swap3A_69], %swap3A_72 {strides = array<i32>} : memref<128x128xf32, #tpu.memory_space<vmem>>, vector<1x16xf32>,
      %broadcast_in_dim3A_73 = arith.constant 0.000000e+00 : f32
      %broadcast_in_dim3A_74 = vector.broadcast %broadcast_in_dim3A_73 : f32 to vector<16xf32>
      %swap3A_75 = arith.index_cast %scan3A_24 : i32 to index
      %swap3A_76 = arith.constant 112 : index
      %swap3A_77 = tpu.vector_load %arg8[%swap3A_75, %swap3A_76] {strides = array<i32>} : memref<128x128xf32, #tpu.memory_space<vmem>>, vector<1x16xf32>,
      %swap3A_78 = vector.shape_cast %swap3A_77 : vector<1x16xf32> to vector<16xf32>
      %swap3A_79 = vector.shape_cast %broadcast_in_dim3A_74 : vector<16xf32> to vector<1x16xf32>
      tpu.vector_store %arg8[%swap3A_75, %swap3A_76], %swap3A_79 {strides = array<i32>} : memref<128x128xf32, #tpu.memory_space<vmem>>, vector<1x16xf32>,
      %scan3A_80 = arith.constant 0 : i32
      scf.yield %scan3A_80 : i32
    }
    %scan3A_6 = arith.constant 128 : i32
    %mul3A_7 = arith.constant 640 : i32
    %mul3A_8 = arith.muli %arg1, %mul3A_7 : i32
    %scan3A_9 = arith.constant 0 : i32
    %scan3A_10 = arith.constant 0 : i32
    %scan3A_11 = arith.constant 5 : i32
    %scan3A_12 = arith.addi %scan3A_10, %scan3A_11 : i32
    %scan3A_13 = arith.constant 1 : i32
    %scan3A_14 = scf.for %scan3A_24 = %scan3A_10 to %scan3A_12 step %scan3A_13 iter_args(%scan3A_25 = %scan3A_9) -> (i32)  : i32 {
      %mul3A_26 = arith.constant 128 : i32
      %mul3A_27 = arith.muli %scan3A_24, %mul3A_26 : i32
      %add3A_28 = arith.addi %mul3A_8, %mul3A_27 : i32
      "tpu.region"() ({
        %run_scoped3A = tpu.sem_alloc : memref<!tpu.dma_semaphore, #tpu.memory_space<semaphore_mem>>
        %dma_start3A = arith.constant 0 : i32
        %dma_start3A_30 = tpu.memref_slice %arg9[%add3A_28, %dma_start3A] : memref<10240x128xf32, #tpu.memory_space<vmem_shared>> -> memref<128x128xf32, #tpu.memory_space<vmem_shared>>
        %dma_start3A_31 = arith.constant 0 : i32
        %dma_start3A_32 = tpu.memref_slice %arg9[%add3A_28, %dma_start3A_31] : memref<10240x128xf32, #tpu.memory_space<vmem_shared>> -> memref<128x128xf32, #tpu.memory_space<vmem_shared>>
        tpu.enqueue_dma source(%arg8 : memref<128x128xf32, #tpu.memory_space<vmem>>) target(%dma_start3A_32 : memref<128x128xf32, #tpu.memory_space<vmem_shared>>) target_semaphore(%run_scoped3A : memref<!tpu.dma_semaphore, #tpu.memory_space<semaphore_mem>>)
        %dma_wait3A = arith.constant 0 : i32
        %dma_wait3A_33 = tpu.memref_slice %arg9[%add3A_28, %dma_wait3A] : memref<10240x128xf32, #tpu.memory_space<vmem_shared>> -> memref<128x128xf32, #tpu.memory_space<vmem_shared>>
        %dma_wait3A_34 = arith.constant 0 : i32
        %dma_wait3A_35 = tpu.memref_slice %arg9[%add3A_28, %dma_wait3A_34] : memref<10240x128xf32, #tpu.memory_space<vmem_shared>> -> memref<128x128xf32, #tpu.memory_space<vmem_shared>>
        tpu.wait_dma2 semaphore(%run_scoped3A : memref<!tpu.dma_semaphore, #tpu.memory_space<semaphore_mem>>) src(%arg8 : memref<128x128xf32, #tpu.memory_space<vmem>>) dst(%dma_wait3A_35 : memref<128x128xf32, #tpu.memory_space<vmem_shared>>)
        tpu.yield
      }) : () -> ()
      %scan3A_29 = arith.constant 0 : i32
      scf.yield %scan3A_29 : i32
    }
    %scan3A_15 = arith.constant 5 : i32
    %barrier3A = arith.constant 0 : index
    tpu.barrier barrier_id(%barrier3A)
    "tpu.region"() ({
      %run_scoped3A = tpu.sem_alloc : memref<!tpu.dma_semaphore, #tpu.memory_space<semaphore_mem>>
      %dma_start3A = arith.constant 0 : i32
      %dma_start3A_24 = arith.constant 0 : i32
      %dma_start3A_25 = tpu.memref_slice %arg3[%add3A, %dma_start3A, %dma_start3A_24] : memref<32x80x128xi32, #tpu.memory_space<hbm>> -> memref<1x80x128xi32, #tpu.memory_space<hbm>>
      %dma_start3A_26 = tpu.memref_squeeze %dma_start3A_25 : memref<1x80x128xi32, #tpu.memory_space<hbm>> -> memref<80x128xi32, #tpu.memory_space<hbm>>
      %dma_start3A_27 = arith.constant 0 : i32
      %dma_start3A_28 = arith.constant 0 : i32
      %dma_start3A_29 = tpu.memref_slice %arg3[%add3A, %dma_start3A_27, %dma_start3A_28] : memref<32x80x128xi32, #tpu.memory_space<hbm>> -> memref<1x80x128xi32, #tpu.memory_space<hbm>>
      %dma_start3A_30 = tpu.memref_squeeze %dma_start3A_29 : memref<1x80x128xi32, #tpu.memory_space<hbm>> -> memref<80x128xi32, #tpu.memory_space<hbm>>
      tpu.enqueue_dma source(%dma_start3A_30 : memref<80x128xi32, #tpu.memory_space<hbm>>) target(%arg6 : memref<80x128xi32, #tpu.memory_space<vmem>>) target_semaphore(%run_scoped3A : memref<!tpu.dma_semaphore, #tpu.memory_space<semaphore_mem>>)
      %dma_wait3A = arith.constant 0 : i32
      %dma_wait3A_31 = arith.constant 0 : i32
      %dma_wait3A_32 = tpu.memref_slice %arg3[%add3A, %dma_wait3A, %dma_wait3A_31] : memref<32x80x128xi32, #tpu.memory_space<hbm>> -> memref<1x80x128xi32, #tpu.memory_space<hbm>>
      %dma_wait3A_33 = tpu.memref_squeeze %dma_wait3A_32 : memref<1x80x128xi32, #tpu.memory_space<hbm>> -> memref<80x128xi32, #tpu.memory_space<hbm>>
      %dma_wait3A_34 = arith.constant 0 : i32
      %dma_wait3A_35 = arith.constant 0 : i32
      %dma_wait3A_36 = tpu.memref_slice %arg3[%add3A, %dma_wait3A_34, %dma_wait3A_35] : memref<32x80x128xi32, #tpu.memory_space<hbm>> -> memref<1x80x128xi32, #tpu.memory_space<hbm>>
      %dma_wait3A_37 = tpu.memref_squeeze %dma_wait3A_36 : memref<1x80x128xi32, #tpu.memory_space<hbm>> -> memref<80x128xi32, #tpu.memory_space<hbm>>
      tpu.wait_dma2 semaphore(%run_scoped3A : memref<!tpu.dma_semaphore, #tpu.memory_space<semaphore_mem>>) src(%dma_wait3A_37 : memref<80x128xi32, #tpu.memory_space<hbm>>) dst(%arg6 : memref<80x128xi32, #tpu.memory_space<vmem>>)
      tpu.yield
    }) : () -> ()
    "tpu.region"() ({
      %run_scoped3A = tpu.sem_alloc : memref<!tpu.dma_semaphore, #tpu.memory_space<semaphore_mem>>
      %dma_start3A = arith.constant 0 : i32
      %dma_start3A_24 = arith.constant 0 : i32
      %dma_start3A_25 = tpu.memref_slice %arg4[%add3A, %dma_start3A, %dma_start3A_24] : memref<32x80x128xi32, #tpu.memory_space<hbm>> -> memref<1x80x128xi32, #tpu.memory_space<hbm>>
      %dma_start3A_26 = tpu.memref_squeeze %dma_start3A_25 : memref<1x80x128xi32, #tpu.memory_space<hbm>> -> memref<80x128xi32, #tpu.memory_space<hbm>>
      %dma_start3A_27 = arith.constant 0 : i32
      %dma_start3A_28 = arith.constant 0 : i32
      %dma_start3A_29 = tpu.memref_slice %arg4[%add3A, %dma_start3A_27, %dma_start3A_28] : memref<32x80x128xi32, #tpu.memory_space<hbm>> -> memref<1x80x128xi32, #tpu.memory_space<hbm>>
      %dma_start3A_30 = tpu.memref_squeeze %dma_start3A_29 : memref<1x80x128xi32, #tpu.memory_space<hbm>> -> memref<80x128xi32, #tpu.memory_space<hbm>>
      tpu.enqueue_dma source(%dma_start3A_30 : memref<80x128xi32, #tpu.memory_space<hbm>>) target(%arg7 : memref<80x128xi32, #tpu.memory_space<vmem>>) target_semaphore(%run_scoped3A : memref<!tpu.dma_semaphore, #tpu.memory_space<semaphore_mem>>)
      %dma_wait3A = arith.constant 0 : i32
      %dma_wait3A_31 = arith.constant 0 : i32
      %dma_wait3A_32 = tpu.memref_slice %arg4[%add3A, %dma_wait3A, %dma_wait3A_31] : memref<32x80x128xi32, #tpu.memory_space<hbm>> -> memref<1x80x128xi32, #tpu.memory_space<hbm>>
      %dma_wait3A_33 = tpu.memref_squeeze %dma_wait3A_32 : memref<1x80x128xi32, #tpu.memory_space<hbm>> -> memref<80x128xi32, #tpu.memory_space<hbm>>
      %dma_wait3A_34 = arith.constant 0 : i32
      %dma_wait3A_35 = arith.constant 0 : i32
      %dma_wait3A_36 = tpu.memref_slice %arg4[%add3A, %dma_wait3A_34, %dma_wait3A_35] : memref<32x80x128xi32, #tpu.memory_space<hbm>> -> memref<1x80x128xi32, #tpu.memory_space<hbm>>
      %dma_wait3A_37 = tpu.memref_squeeze %dma_wait3A_36 : memref<1x80x128xi32, #tpu.memory_space<hbm>> -> memref<80x128xi32, #tpu.memory_space<hbm>>
      tpu.wait_dma2 semaphore(%run_scoped3A : memref<!tpu.dma_semaphore, #tpu.memory_space<semaphore_mem>>) src(%dma_wait3A_37 : memref<80x128xi32, #tpu.memory_space<hbm>>) dst(%arg7 : memref<80x128xi32, #tpu.memory_space<vmem>>)
      tpu.yield
    }) : () -> ()
    %scan3A_16 = arith.constant 0 : i32
    %scan3A_17 = arith.constant 0 : i32
    %scan3A_18 = arith.constant 80 : i32
    %scan3A_19 = arith.addi %scan3A_17, %scan3A_18 : i32
    %scan3A_20 = arith.constant 1 : i32
    %scan3A_21 = scf.for %scan3A_24 = %scan3A_17 to %scan3A_19 step %scan3A_20 iter_args(%scan3A_25 = %scan3A_16) -> (i32)  : i32 {
      %dma_start3A = arith.constant 0 : i32
      %dma_start3A_26 = tpu.memref_slice %arg6[%scan3A_24, %dma_start3A] : memref<80x128xi32, #tpu.memory_space<vmem>> -> memref<1x128xi32, #tpu.memory_space<vmem>>
      %dma_start3A_27 = tpu.memref_squeeze %dma_start3A_26 : memref<1x128xi32, #tpu.memory_space<vmem>> -> memref<128xi32, #tpu.memory_space<vmem>>
      %dma_start3A_28 = arith.constant 0 : i32
      %dma_start3A_29 = arith.constant 0 : i32
      %dma_start3A_30 = tpu.memref_slice %arg2[%dma_start3A_28, %dma_start3A_29] : memref<10000x128xf32, #tpu.memory_space<hbm>> -> memref<10000x128xf32, #tpu.memory_space<hbm>>
      tpu.enqueue_indirect_dma source(%dma_start3A_30 : memref<10000x128xf32, #tpu.memory_space<hbm>>) target(%arg8 : memref<128x128xf32, #tpu.memory_space<vmem>>) offsets(%dma_start3A_27 : memref<128xi32, #tpu.memory_space<vmem>>) semaphore(%arg10 : memref<!tpu.dma_semaphore, #tpu.memory_space<semaphore_mem>>)
      %dma_wait3A = arith.constant 0 : i32
      %dma_wait3A_31 = tpu.memref_slice %arg6[%scan3A_24, %dma_wait3A] : memref<80x128xi32, #tpu.memory_space<vmem>> -> memref<1x128xi32, #tpu.memory_space<vmem>>
      %dma_wait3A_32 = tpu.memref_squeeze %dma_wait3A_31 : memref<1x128xi32, #tpu.memory_space<vmem>> -> memref<128xi32, #tpu.memory_space<vmem>>
      %dma_wait3A_33 = arith.constant 0 : i32
      %dma_wait3A_34 = arith.constant 0 : i32
      %dma_wait3A_35 = tpu.memref_slice %arg2[%dma_wait3A_33, %dma_wait3A_34] : memref<10000x128xf32, #tpu.memory_space<hbm>> -> memref<10000x128xf32, #tpu.memory_space<hbm>>
      tpu.wait_indirect_dma semaphore(%arg10 : memref<!tpu.dma_semaphore, #tpu.memory_space<semaphore_mem>>) src(%dma_wait3A_35 : memref<10000x128xf32, #tpu.memory_space<hbm>>) dst(%arg8 : memref<128x128xf32, #tpu.memory_space<vmem>>)
      "tpu.region"() ({
        %run_scoped3A = tpu.sem_alloc : memref<!tpu.dma_semaphore, #tpu.memory_space<semaphore_mem>>
        %dma_start3A_37 = arith.constant 0 : i32
        %dma_start3A_38 = tpu.memref_slice %arg7[%scan3A_24, %dma_start3A_37] : memref<80x128xi32, #tpu.memory_space<vmem>> -> memref<1x128xi32, #tpu.memory_space<vmem>>
        %dma_start3A_39 = tpu.memref_squeeze %dma_start3A_38 : memref<1x128xi32, #tpu.memory_space<vmem>> -> memref<128xi32, #tpu.memory_space<vmem>>
        %dma_start3A_40 = arith.constant 0 : i32
        %dma_start3A_41 = arith.constant 0 : i32
        %dma_start3A_42 = tpu.memref_slice %arg9[%dma_start3A_40, %dma_start3A_41] : memref<10240x128xf32, #tpu.memory_space<vmem_shared>> -> memref<10240x128xf32, #tpu.memory_space<vmem_shared>>
        tpu.enqueue_indirect_dma source(%arg8 : memref<128x128xf32, #tpu.memory_space<vmem>>) target(%dma_start3A_42 : memref<10240x128xf32, #tpu.memory_space<vmem_shared>>) offsets(%dma_start3A_39 : memref<128xi32, #tpu.memory_space<vmem>>) semaphore(%run_scoped3A : memref<!tpu.dma_semaphore, #tpu.memory_space<semaphore_mem>>) {add = true}
        %dma_wait3A_43 = arith.constant 0 : i32
        %dma_wait3A_44 = tpu.memref_slice %arg7[%scan3A_24, %dma_wait3A_43] : memref<80x128xi32, #tpu.memory_space<vmem>> -> memref<1x128xi32, #tpu.memory_space<vmem>>
        %dma_wait3A_45 = tpu.memref_squeeze %dma_wait3A_44 : memref<1x128xi32, #tpu.memory_space<vmem>> -> memref<128xi32, #tpu.memory_space<vmem>>
        %dma_wait3A_46 = arith.constant 0 : i32
        %dma_wait3A_47 = arith.constant 0 : i32
        %dma_wait3A_48 = tpu.memref_slice %arg9[%dma_wait3A_46, %dma_wait3A_47] : memref<10240x128xf32, #tpu.memory_space<vmem_shared>> -> memref<10240x128xf32, #tpu.memory_space<vmem_shared>>
        tpu.wait_indirect_dma semaphore(%run_scoped3A : memref<!tpu.dma_semaphore, #tpu.memory_space<semaphore_mem>>) src(%arg8 : memref<128x128xf32, #tpu.memory_space<vmem>>) dst(%dma_wait3A_48 : memref<10240x128xf32, #tpu.memory_space<vmem_shared>>)
        tpu.yield
      }) : () -> ()
      %scan3A_36 = arith.constant 0 : i32
      scf.yield %scan3A_36 : i32
    }
    %scan3A_22 = arith.constant 80 : i32
    %barrier3A_23 = arith.constant 0 : index
    tpu.barrier barrier_id(%barrier3A_23)
    "tpu.region"() ({
      %run_scoped3A = tpu.sem_alloc : memref<!tpu.dma_semaphore, #tpu.memory_space<semaphore_mem>>
      %dma_start3A = arith.constant 0 : i32
      %dma_start3A_24 = tpu.memref_slice %arg5[%arg0, %mul3A_8, %dma_start3A] : memref<2x10240x128xf32, #tpu.memory_space<hbm>> -> memref<1x640x128xf32, #tpu.memory_space<hbm>>
      %dma_start3A_25 = tpu.memref_squeeze %dma_start3A_24 : memref<1x640x128xf32, #tpu.memory_space<hbm>> -> memref<640x128xf32, #tpu.memory_space<hbm>>
      %dma_start3A_26 = arith.constant 0 : i32
      %dma_start3A_27 = tpu.memref_slice %arg9[%mul3A_8, %dma_start3A_26] : memref<10240x128xf32, #tpu.memory_space<vmem_shared>> -> memref<640x128xf32, #tpu.memory_space<vmem_shared>>
      tpu.enqueue_dma source(%dma_start3A_27 : memref<640x128xf32, #tpu.memory_space<vmem_shared>>) target(%dma_start3A_25 : memref<640x128xf32, #tpu.memory_space<hbm>>) target_semaphore(%run_scoped3A : memref<!tpu.dma_semaphore, #tpu.memory_space<semaphore_mem>>)
      %dma_wait3A = arith.constant 0 : i32
      %dma_wait3A_28 = tpu.memref_slice %arg5[%arg0, %mul3A_8, %dma_wait3A] : memref<2x10240x128xf32, #tpu.memory_space<hbm>> -> memref<1x640x128xf32, #tpu.memory_space<hbm>>
      %dma_wait3A_29 = tpu.memref_squeeze %dma_wait3A_28 : memref<1x640x128xf32, #tpu.memory_space<hbm>> -> memref<640x128xf32, #tpu.memory_space<hbm>>
      %dma_wait3A_30 = arith.constant 0 : i32
      %dma_wait3A_31 = tpu.memref_slice %arg9[%mul3A_8, %dma_wait3A_30] : memref<10240x128xf32, #tpu.memory_space<vmem_shared>> -> memref<640x128xf32, #tpu.memory_space<vmem_shared>>
      tpu.wait_dma2 semaphore(%run_scoped3A : memref<!tpu.dma_semaphore, #tpu.memory_space<semaphore_mem>>) src(%dma_wait3A_31 : memref<640x128xf32, #tpu.memory_space<vmem_shared>>) dst(%dma_wait3A_29 : memref<640x128xf32, #tpu.memory_space<hbm>>)
      tpu.yield
    }) : () -> ()
    return
  }
}

#map = affine_map<(d0, d1) -> (0, 0)>
#map1 = affine_map<(d0, d1) -> (0, 0, 0)>
module attributes {stable_mosaic.version = 14 : i64} {
  func.func @_sum_body(%arg0: i32, %arg1: i32, %arg2: memref<10000x128xf32, #tpu.memory_space<hbm>>, %arg3: memref<32x80x128xi32, #tpu.memory_space<hbm>>, %arg4: memref<32x80x128xi32, #tpu.memory_space<hbm>>, %arg5: memref<2x10240x128xf32, #tpu.memory_space<hbm>>, %arg6: memref<80x128xi32, #tpu.memory_space<vmem>>, %arg7: memref<80x128xi32, #tpu.memory_space<vmem>>, %arg8: memref<128x128xf32, #tpu.memory_space<vmem>>, %arg9: memref<10240x128xf32, #tpu.memory_space<vmem_shared>>, %arg10: memref<!tpu.dma_semaphore, #tpu.memory_space<semaphore_mem>>) attributes {dimension_semantics = [#tpu.dimension_semantics<core_parallel>, #tpu.dimension_semantics<subcore_parallel>], iteration_bounds = array<i64: 2, 16>, scalar_prefetch = 0 : i64, scratch_operands = 5 : i64, tpu.core_type = #tpu.core_type<sc_vector_subcore>, window_params = [{transform_indices = #map}, {transform_indices = #map1}, {transform_indices = #map1}, {transform_indices = #map1}]} {
    %mul3A = arith.constant 16 : i32
    %mul3A_0 = arith.muli %arg0, %mul3A : i32
    %add3A = arith.addi %mul3A_0, %arg1 : i32
    %scan3A = arith.constant 0 : i32
    %scan3A_1 = arith.constant 0 : i32
    %scan3A_2 = arith.constant 128 : i32
    %scan3A_3 = arith.addi %scan3A_1, %scan3A_2 : i32
    %scan3A_4 = arith.constant 1 : i32
    %scan3A_5 = scf.for %scan3A_24 = %scan3A_1 to %scan3A_3 step %scan3A_4 iter_args(%scan3A_25 = %scan3A) -> (i32)  : i32 {
      %broadcast_in_dim3A = arith.constant 0.000000e+00 : f32
      %broadcast_in_dim3A_26 = vector.broadcast %broadcast_in_dim3A : f32 to vector<16xf32>
      %swap3A = arith.index_cast %scan3A_24 : i32 to index
      %swap3A_27 = arith.constant 0 : index
      %swap3A_28 = tpu.vector_load %arg8[%swap3A, %swap3A_27] {strides = array<i32>} : memref<128x128xf32, #tpu.memory_space<vmem>>, vector<1x16xf32>,
      %swap3A_29 = vector.shape_cast %swap3A_28 : vector<1x16xf32> to vector<16xf32>
      %swap3A_30 = vector.shape_cast %broadcast_in_dim3A_26 : vector<16xf32> to vector<1x16xf32>
      tpu.vector_store %arg8[%swap3A, %swap3A_27], %swap3A_30 {strides = array<i32>} : memref<128x128xf32, #tpu.memory_space<vmem>>, vector<1x16xf32>,
      %broadcast_in_dim3A_31 = arith.constant 0.000000e+00 : f32
      %broadcast_in_dim3A_32 = vector.broadcast %broadcast_in_dim3A_31 : f32 to vector<16xf32>
      %swap3A_33 = arith.index_cast %scan3A_24 : i32 to index
      %swap3A_34 = arith.constant 16 : index
      %swap3A_35 = tpu.vector_load %arg8[%swap3A_33, %swap3A_34] {strides = array<i32>} : memref<128x128xf32, #tpu.memory_space<vmem>>, vector<1x16xf32>,
      %swap3A_36 = vector.shape_cast %swap3A_35 : vector<1x16xf32> to vector<16xf32>
      %swap3A_37 = vector.shape_cast %broadcast_in_dim3A_32 : vector<16xf32> to vector<1x16xf32>
      tpu.vector_store %arg8[%swap3A_33, %swap3A_34], %swap3A_37 {strides = array<i32>} : memref<128x128xf32, #tpu.memory_space<vmem>>, vector<1x16xf32>,
      %broadcast_in_dim3A_38 = arith.constant 0.000000e+00 : f32
      %broadcast_in_dim3A_39 = vector.broadcast %broadcast_in_dim3A_38 : f32 to vector<16xf32>
      %swap3A_40 = arith.index_cast %scan3A_24 : i32 to index
      %swap3A_41 = arith.constant 32 : index
      %swap3A_42 = tpu.vector_load %arg8[%swap3A_40, %swap3A_41] {strides = array<i32>} : memref<128x128xf32, #tpu.memory_space<vmem>>, vector<1x16xf32>,
      %swap3A_43 = vector.shape_cast %swap3A_42 : vector<1x16xf32> to vector<16xf32>
      %swap3A_44 = vector.shape_cast %broadcast_in_dim3A_39 : vector<16xf32> to vector<1x16xf32>
      tpu.vector_store %arg8[%swap3A_40, %swap3A_41], %swap3A_44 {strides = array<i32>} : memref<128x128xf32, #tpu.memory_space<vmem>>, vector<1x16xf32>,
      %broadcast_in_dim3A_45 = arith.constant 0.000000e+00 : f32
      %broadcast_in_dim3A_46 = vector.broadcast %broadcast_in_dim3A_45 : f32 to vector<16xf32>
      %swap3A_47 = arith.index_cast %scan3A_24 : i32 to index
      %swap3A_48 = arith.constant 48 : index
      %swap3A_49 = tpu.vector_load %arg8[%swap3A_47, %swap3A_48] {strides = array<i32>} : memref<128x128xf32, #tpu.memory_space<vmem>>, vector<1x16xf32>,
      %swap3A_50 = vector.shape_cast %swap3A_49 : vector<1x16xf32> to vector<16xf32>
      %swap3A_51 = vector.shape_cast %broadcast_in_dim3A_46 : vector<16xf32> to vector<1x16xf32>
      tpu.vector_store %arg8[%swap3A_47, %swap3A_48], %swap3A_51 {strides = array<i32>} : memref<128x128xf32, #tpu.memory_space<vmem>>, vector<1x16xf32>,
      %broadcast_in_dim3A_52 = arith.constant 0.000000e+00 : f32
      %broadcast_in_dim3A_53 = vector.broadcast %broadcast_in_dim3A_52 : f32 to vector<16xf32>
      %swap3A_54 = arith.index_cast %scan3A_24 : i32 to index
      %swap3A_55 = arith.constant 64 : index
      %swap3A_56 = tpu.vector_load %arg8[%swap3A_54, %swap3A_55] {strides = array<i32>} : memref<128x128xf32, #tpu.memory_space<vmem>>, vector<1x16xf32>,
      %swap3A_57 = vector.shape_cast %swap3A_56 : vector<1x16xf32> to vector<16xf32>
      %swap3A_58 = vector.shape_cast %broadcast_in_dim3A_53 : vector<16xf32> to vector<1x16xf32>
      tpu.vector_store %arg8[%swap3A_54, %swap3A_55], %swap3A_58 {strides = array<i32>} : memref<128x128xf32, #tpu.memory_space<vmem>>, vector<1x16xf32>,
      %broadcast_in_dim3A_59 = arith.constant 0.000000e+00 : f32
      %broadcast_in_dim3A_60 = vector.broadcast %broadcast_in_dim3A_59 : f32 to vector<16xf32>
      %swap3A_61 = arith.index_cast %scan3A_24 : i32 to index
      %swap3A_62 = arith.constant 80 : index
      %swap3A_63 = tpu.vector_load %arg8[%swap3A_61, %swap3A_62] {strides = array<i32>} : memref<128x128xf32, #tpu.memory_space<vmem>>, vector<1x16xf32>,
      %swap3A_64 = vector.shape_cast %swap3A_63 : vector<1x16xf32> to vector<16xf32>
      %swap3A_65 = vector.shape_cast %broadcast_in_dim3A_60 : vector<16xf32> to vector<1x16xf32>
      tpu.vector_store %arg8[%swap3A_61, %swap3A_62], %swap3A_65 {strides = array<i32>} : memref<128x128xf32, #tpu.memory_space<vmem>>, vector<1x16xf32>,
      %broadcast_in_dim3A_66 = arith.constant 0.000000e+00 : f32
      %broadcast_in_dim3A_67 = vector.broadcast %broadcast_in_dim3A_66 : f32 to vector<16xf32>
      %swap3A_68 = arith.index_cast %scan3A_24 : i32 to index
      %swap3A_69 = arith.constant 96 : index
      %swap3A_70 = tpu.vector_load %arg8[%swap3A_68, %swap3A_69] {strides = array<i32>} : memref<128x128xf32, #tpu.memory_space<vmem>>, vector<1x16xf32>,
      %swap3A_71 = vector.shape_cast %swap3A_70 : vector<1x16xf32> to vector<16xf32>
      %swap3A_72 = vector.shape_cast %broadcast_in_dim3A_67 : vector<16xf32> to vector<1x16xf32>
      tpu.vector_store %arg8[%swap3A_68, %swap3A_69], %swap3A_72 {strides = array<i32>} : memref<128x128xf32, #tpu.memory_space<vmem>>, vector<1x16xf32>,
      %broadcast_in_dim3A_73 = arith.constant 0.000000e+00 : f32
      %broadcast_in_dim3A_74 = vector.broadcast %broadcast_in_dim3A_73 : f32 to vector<16xf32>
      %swap3A_75 = arith.index_cast %scan3A_24 : i32 to index
      %swap3A_76 = arith.constant 112 : index
      %swap3A_77 = tpu.vector_load %arg8[%swap3A_75, %swap3A_76] {strides = array<i32>} : memref<128x128xf32, #tpu.memory_space<vmem>>, vector<1x16xf32>,
      %swap3A_78 = vector.shape_cast %swap3A_77 : vector<1x16xf32> to vector<16xf32>
      %swap3A_79 = vector.shape_cast %broadcast_in_dim3A_74 : vector<16xf32> to vector<1x16xf32>
      tpu.vector_store %arg8[%swap3A_75, %swap3A_76], %swap3A_79 {strides = array<i32>} : memref<128x128xf32, #tpu.memory_space<vmem>>, vector<1x16xf32>,
      %scan3A_80 = arith.constant 0 : i32
      scf.yield %scan3A_80 : i32
    }
    %scan3A_6 = arith.constant 128 : i32
    %mul3A_7 = arith.constant 640 : i32
    %mul3A_8 = arith.muli %arg1, %mul3A_7 : i32
    %scan3A_9 = arith.constant 0 : i32
    %scan3A_10 = arith.constant 0 : i32
    %scan3A_11 = arith.constant 5 : i32
    %scan3A_12 = arith.addi %scan3A_10, %scan3A_11 : i32
    %scan3A_13 = arith.constant 1 : i32
    %scan3A_14 = scf.for %scan3A_24 = %scan3A_10 to %scan3A_12 step %scan3A_13 iter_args(%scan3A_25 = %scan3A_9) -> (i32)  : i32 {
      %mul3A_26 = arith.constant 128 : i32
      %mul3A_27 = arith.muli %scan3A_24, %mul3A_26 : i32
      %add3A_28 = arith.addi %mul3A_8, %mul3A_27 : i32
      "tpu.region"() ({
        %run_scoped3A = tpu.sem_alloc : memref<!tpu.dma_semaphore, #tpu.memory_space<semaphore_mem>>
        %dma_start3A = arith.constant 0 : i32
        %dma_start3A_30 = tpu.memref_slice %arg9[%add3A_28, %dma_start3A] : memref<10240x128xf32, #tpu.memory_space<vmem_shared>> -> memref<128x128xf32, #tpu.memory_space<vmem_shared>>
        %dma_start3A_31 = arith.constant 0 : i32
        %dma_start3A_32 = tpu.memref_slice %arg9[%add3A_28, %dma_start3A_31] : memref<10240x128xf32, #tpu.memory_space<vmem_shared>> -> memref<128x128xf32, #tpu.memory_space<vmem_shared>>
        tpu.enqueue_dma source(%arg8 : memref<128x128xf32, #tpu.memory_space<vmem>>) target(%dma_start3A_32 : memref<128x128xf32, #tpu.memory_space<vmem_shared>>) target_semaphore(%run_scoped3A : memref<!tpu.dma_semaphore, #tpu.memory_space<semaphore_mem>>)
        %dma_wait3A = arith.constant 0 : i32
        %dma_wait3A_33 = tpu.memref_slice %arg9[%add3A_28, %dma_wait3A] : memref<10240x128xf32, #tpu.memory_space<vmem_shared>> -> memref<128x128xf32, #tpu.memory_space<vmem_shared>>
        %dma_wait3A_34 = arith.constant 0 : i32
        %dma_wait3A_35 = tpu.memref_slice %arg9[%add3A_28, %dma_wait3A_34] : memref<10240x128xf32, #tpu.memory_space<vmem_shared>> -> memref<128x128xf32, #tpu.memory_space<vmem_shared>>
        tpu.wait_dma2 semaphore(%run_scoped3A : memref<!tpu.dma_semaphore, #tpu.memory_space<semaphore_mem>>) src(%arg8 : memref<128x128xf32, #tpu.memory_space<vmem>>) dst(%dma_wait3A_35 : memref<128x128xf32, #tpu.memory_space<vmem_shared>>)
        tpu.yield
      }) : () -> ()
      %scan3A_29 = arith.constant 0 : i32
      scf.yield %scan3A_29 : i32
    }
    %scan3A_15 = arith.constant 5 : i32
    %barrier3A = arith.constant 0 : index
    tpu.barrier barrier_id(%barrier3A)
    "tpu.region"() ({
      %run_scoped3A = tpu.sem_alloc : memref<!tpu.dma_semaphore, #tpu.memory_space<semaphore_mem>>
      %dma_start3A = arith.constant 0 : i32
      %dma_start3A_24 = arith.constant 0 : i32
      %dma_start3A_25 = tpu.memref_slice %arg3[%add3A, %dma_start3A, %dma_start3A_24] : memref<32x80x128xi32, #tpu.memory_space<hbm>> -> memref<1x80x128xi32, #tpu.memory_space<hbm>>
      %dma_start3A_26 = tpu.memref_squeeze %dma_start3A_25 : memref<1x80x128xi32, #tpu.memory_space<hbm>> -> memref<80x128xi32, #tpu.memory_space<hbm>>
      %dma_start3A_27 = arith.constant 0 : i32
      %dma_start3A_28 = arith.constant 0 : i32
      %dma_start3A_29 = tpu.memref_slice %arg3[%add3A, %dma_start3A_27, %dma_start3A_28] : memref<32x80x128xi32, #tpu.memory_space<hbm>> -> memref<1x80x128xi32, #tpu.memory_space<hbm>>
      %dma_start3A_30 = tpu.memref_squeeze %dma_start3A_29 : memref<1x80x128xi32, #tpu.memory_space<hbm>> -> memref<80x128xi32, #tpu.memory_space<hbm>>
      tpu.enqueue_dma source(%dma_start3A_30 : memref<80x128xi32, #tpu.memory_space<hbm>>) target(%arg6 : memref<80x128xi32, #tpu.memory_space<vmem>>) target_semaphore(%run_scoped3A : memref<!tpu.dma_semaphore, #tpu.memory_space<semaphore_mem>>)
      %dma_wait3A = arith.constant 0 : i32
      %dma_wait3A_31 = arith.constant 0 : i32
      %dma_wait3A_32 = tpu.memref_slice %arg3[%add3A, %dma_wait3A, %dma_wait3A_31] : memref<32x80x128xi32, #tpu.memory_space<hbm>> -> memref<1x80x128xi32, #tpu.memory_space<hbm>>
      %dma_wait3A_33 = tpu.memref_squeeze %dma_wait3A_32 : memref<1x80x128xi32, #tpu.memory_space<hbm>> -> memref<80x128xi32, #tpu.memory_space<hbm>>
      %dma_wait3A_34 = arith.constant 0 : i32
      %dma_wait3A_35 = arith.constant 0 : i32
      %dma_wait3A_36 = tpu.memref_slice %arg3[%add3A, %dma_wait3A_34, %dma_wait3A_35] : memref<32x80x128xi32, #tpu.memory_space<hbm>> -> memref<1x80x128xi32, #tpu.memory_space<hbm>>
      %dma_wait3A_37 = tpu.memref_squeeze %dma_wait3A_36 : memref<1x80x128xi32, #tpu.memory_space<hbm>> -> memref<80x128xi32, #tpu.memory_space<hbm>>
      tpu.wait_dma2 semaphore(%run_scoped3A : memref<!tpu.dma_semaphore, #tpu.memory_space<semaphore_mem>>) src(%dma_wait3A_37 : memref<80x128xi32, #tpu.memory_space<hbm>>) dst(%arg6 : memref<80x128xi32, #tpu.memory_space<vmem>>)
      tpu.yield
    }) : () -> ()
    "tpu.region"() ({
      %run_scoped3A = tpu.sem_alloc : memref<!tpu.dma_semaphore, #tpu.memory_space<semaphore_mem>>
      %dma_start3A = arith.constant 0 : i32
      %dma_start3A_24 = arith.constant 0 : i32
      %dma_start3A_25 = tpu.memref_slice %arg4[%add3A, %dma_start3A, %dma_start3A_24] : memref<32x80x128xi32, #tpu.memory_space<hbm>> -> memref<1x80x128xi32, #tpu.memory_space<hbm>>
      %dma_start3A_26 = tpu.memref_squeeze %dma_start3A_25 : memref<1x80x128xi32, #tpu.memory_space<hbm>> -> memref<80x128xi32, #tpu.memory_space<hbm>>
      %dma_start3A_27 = arith.constant 0 : i32
      %dma_start3A_28 = arith.constant 0 : i32
      %dma_start3A_29 = tpu.memref_slice %arg4[%add3A, %dma_start3A_27, %dma_start3A_28] : memref<32x80x128xi32, #tpu.memory_space<hbm>> -> memref<1x80x128xi32, #tpu.memory_space<hbm>>
      %dma_start3A_30 = tpu.memref_squeeze %dma_start3A_29 : memref<1x80x128xi32, #tpu.memory_space<hbm>> -> memref<80x128xi32, #tpu.memory_space<hbm>>
      tpu.enqueue_dma source(%dma_start3A_30 : memref<80x128xi32, #tpu.memory_space<hbm>>) target(%arg7 : memref<80x128xi32, #tpu.memory_space<vmem>>) target_semaphore(%run_scoped3A : memref<!tpu.dma_semaphore, #tpu.memory_space<semaphore_mem>>)
      %dma_wait3A = arith.constant 0 : i32
      %dma_wait3A_31 = arith.constant 0 : i32
      %dma_wait3A_32 = tpu.memref_slice %arg4[%add3A, %dma_wait3A, %dma_wait3A_31] : memref<32x80x128xi32, #tpu.memory_space<hbm>> -> memref<1x80x128xi32, #tpu.memory_space<hbm>>
      %dma_wait3A_33 = tpu.memref_squeeze %dma_wait3A_32 : memref<1x80x128xi32, #tpu.memory_space<hbm>> -> memref<80x128xi32, #tpu.memory_space<hbm>>
      %dma_wait3A_34 = arith.constant 0 : i32
      %dma_wait3A_35 = arith.constant 0 : i32
      %dma_wait3A_36 = tpu.memref_slice %arg4[%add3A, %dma_wait3A_34, %dma_wait3A_35] : memref<32x80x128xi32, #tpu.memory_space<hbm>> -> memref<1x80x128xi32, #tpu.memory_space<hbm>>
      %dma_wait3A_37 = tpu.memref_squeeze %dma_wait3A_36 : memref<1x80x128xi32, #tpu.memory_space<hbm>> -> memref<80x128xi32, #tpu.memory_space<hbm>>
      tpu.wait_dma2 semaphore(%run_scoped3A : memref<!tpu.dma_semaphore, #tpu.memory_space<semaphore_mem>>) src(%dma_wait3A_37 : memref<80x128xi32, #tpu.memory_space<hbm>>) dst(%arg7 : memref<80x128xi32, #tpu.memory_space<vmem>>)
      tpu.yield
    }) : () -> ()
    %scan3A_16 = arith.constant 0 : i32
    %scan3A_17 = arith.constant 0 : i32
    %scan3A_18 = arith.constant 80 : i32
    %scan3A_19 = arith.addi %scan3A_17, %scan3A_18 : i32
    %scan3A_20 = arith.constant 1 : i32
    %scan3A_21 = scf.for %scan3A_24 = %scan3A_17 to %scan3A_19 step %scan3A_20 iter_args(%scan3A_25 = %scan3A_16) -> (i32)  : i32 {
      %dma_start3A = arith.constant 0 : i32
      %dma_start3A_26 = tpu.memref_slice %arg6[%scan3A_24, %dma_start3A] : memref<80x128xi32, #tpu.memory_space<vmem>> -> memref<1x128xi32, #tpu.memory_space<vmem>>
      %dma_start3A_27 = tpu.memref_squeeze %dma_start3A_26 : memref<1x128xi32, #tpu.memory_space<vmem>> -> memref<128xi32, #tpu.memory_space<vmem>>
      %dma_start3A_28 = arith.constant 0 : i32
      %dma_start3A_29 = arith.constant 0 : i32
      %dma_start3A_30 = tpu.memref_slice %arg2[%dma_start3A_28, %dma_start3A_29] : memref<10000x128xf32, #tpu.memory_space<hbm>> -> memref<10000x128xf32, #tpu.memory_space<hbm>>
      tpu.enqueue_indirect_dma source(%dma_start3A_30 : memref<10000x128xf32, #tpu.memory_space<hbm>>) target(%arg8 : memref<128x128xf32, #tpu.memory_space<vmem>>) offsets(%dma_start3A_27 : memref<128xi32, #tpu.memory_space<vmem>>) semaphore(%arg10 : memref<!tpu.dma_semaphore, #tpu.memory_space<semaphore_mem>>)
      %dma_wait3A = arith.constant 0 : i32
      %dma_wait3A_31 = tpu.memref_slice %arg6[%scan3A_24, %dma_wait3A] : memref<80x128xi32, #tpu.memory_space<vmem>> -> memref<1x128xi32, #tpu.memory_space<vmem>>
      %dma_wait3A_32 = tpu.memref_squeeze %dma_wait3A_31 : memref<1x128xi32, #tpu.memory_space<vmem>> -> memref<128xi32, #tpu.memory_space<vmem>>
      %dma_wait3A_33 = arith.constant 0 : i32
      %dma_wait3A_34 = arith.constant 0 : i32
      %dma_wait3A_35 = tpu.memref_slice %arg2[%dma_wait3A_33, %dma_wait3A_34] : memref<10000x128xf32, #tpu.memory_space<hbm>> -> memref<10000x128xf32, #tpu.memory_space<hbm>>
      tpu.wait_indirect_dma semaphore(%arg10 : memref<!tpu.dma_semaphore, #tpu.memory_space<semaphore_mem>>) src(%dma_wait3A_35 : memref<10000x128xf32, #tpu.memory_space<hbm>>) dst(%arg8 : memref<128x128xf32, #tpu.memory_space<vmem>>)
      "tpu.region"() ({
        %run_scoped3A = tpu.sem_alloc : memref<!tpu.dma_semaphore, #tpu.memory_space<semaphore_mem>>
        %dma_start3A_37 = arith.constant 0 : i32
        %dma_start3A_38 = tpu.memref_slice %arg7[%scan3A_24, %dma_start3A_37] : memref<80x128xi32, #tpu.memory_space<vmem>> -> memref<1x128xi32, #tpu.memory_space<vmem>>
        %dma_start3A_39 = tpu.memref_squeeze %dma_start3A_38 : memref<1x128xi32, #tpu.memory_space<vmem>> -> memref<128xi32, #tpu.memory_space<vmem>>
        %dma_start3A_40 = arith.constant 0 : i32
        %dma_start3A_41 = arith.constant 0 : i32
        %dma_start3A_42 = tpu.memref_slice %arg9[%dma_start3A_40, %dma_start3A_41] : memref<10240x128xf32, #tpu.memory_space<vmem_shared>> -> memref<10240x128xf32, #tpu.memory_space<vmem_shared>>
        tpu.enqueue_indirect_dma source(%arg8 : memref<128x128xf32, #tpu.memory_space<vmem>>) target(%dma_start3A_42 : memref<10240x128xf32, #tpu.memory_space<vmem_shared>>) offsets(%dma_start3A_39 : memref<128xi32, #tpu.memory_space<vmem>>) semaphore(%run_scoped3A : memref<!tpu.dma_semaphore, #tpu.memory_space<semaphore_mem>>) {add = true}
        %dma_wait3A_43 = arith.constant 0 : i32
        %dma_wait3A_44 = tpu.memref_slice %arg7[%scan3A_24, %dma_wait3A_43] : memref<80x128xi32, #tpu.memory_space<vmem>> -> memref<1x128xi32, #tpu.memory_space<vmem>>
        %dma_wait3A_45 = tpu.memref_squeeze %dma_wait3A_44 : memref<1x128xi32, #tpu.memory_space<vmem>> -> memref<128xi32, #tpu.memory_space<vmem>>
        %dma_wait3A_46 = arith.constant 0 : i32
        %dma_wait3A_47 = arith.constant 0 : i32
        %dma_wait3A_48 = tpu.memref_slice %arg9[%dma_wait3A_46, %dma_wait3A_47] : memref<10240x128xf32, #tpu.memory_space<vmem_shared>> -> memref<10240x128xf32, #tpu.memory_space<vmem_shared>>
        tpu.wait_indirect_dma semaphore(%run_scoped3A : memref<!tpu.dma_semaphore, #tpu.memory_space<semaphore_mem>>) src(%arg8 : memref<128x128xf32, #tpu.memory_space<vmem>>) dst(%dma_wait3A_48 : memref<10240x128xf32, #tpu.memory_space<vmem_shared>>)
        tpu.yield
      }) : () -> ()
      %scan3A_36 = arith.constant 0 : i32
      scf.yield %scan3A_36 : i32
    }
    %scan3A_22 = arith.constant 80 : i32
    %barrier3A_23 = arith.constant 0 : index
    tpu.barrier barrier_id(%barrier3A_23)
    "tpu.region"() ({
      %run_scoped3A = tpu.sem_alloc : memref<!tpu.dma_semaphore, #tpu.memory_space<semaphore_mem>>
      %dma_start3A = arith.constant 0 : i32
      %dma_start3A_24 = tpu.memref_slice %arg5[%arg0, %mul3A_8, %dma_start3A] : memref<2x10240x128xf32, #tpu.memory_space<hbm>> -> memref<1x640x128xf32, #tpu.memory_space<hbm>>
      %dma_start3A_25 = tpu.memref_squeeze %dma_start3A_24 : memref<1x640x128xf32, #tpu.memory_space<hbm>> -> memref<640x128xf32, #tpu.memory_space<hbm>>
      %dma_start3A_26 = arith.constant 0 : i32
      %dma_start3A_27 = tpu.memref_slice %arg9[%mul3A_8, %dma_start3A_26] : memref<10240x128xf32, #tpu.memory_space<vmem_shared>> -> memref<640x128xf32, #tpu.memory_space<vmem_shared>>
      tpu.enqueue_dma source(%dma_start3A_27 : memref<640x128xf32, #tpu.memory_space<vmem_shared>>) target(%dma_start3A_25 : memref<640x128xf32, #tpu.memory_space<hbm>>) target_semaphore(%run_scoped3A : memref<!tpu.dma_semaphore, #tpu.memory_space<semaphore_mem>>)
      %dma_wait3A = arith.constant 0 : i32
      %dma_wait3A_28 = tpu.memref_slice %arg5[%arg0, %mul3A_8, %dma_wait3A] : memref<2x10240x128xf32, #tpu.memory_space<hbm>> -> memref<1x640x128xf32, #tpu.memory_space<hbm>>
      %dma_wait3A_29 = tpu.memref_squeeze %dma_wait3A_28 : memref<1x640x128xf32, #tpu.memory_space<hbm>> -> memref<640x128xf32, #tpu.memory_space<hbm>>
      %dma_wait3A_30 = arith.constant 0 : i32
      %dma_wait3A_31 = tpu.memref_slice %arg9[%mul3A_8, %dma_wait3A_30] : memref<10240x128xf32, #tpu.memory_space<vmem_shared>> -> memref<640x128xf32, #tpu.memory_space<vmem_shared>>
      tpu.wait_dma2 semaphore(%run_scoped3A : memref<!tpu.dma_semaphore, #tpu.memory_space<semaphore_mem>>) src(%dma_wait3A_31 : memref<640x128xf32, #tpu.memory_space<vmem_shared>>) dst(%dma_wait3A_29 : memref<640x128xf32, #tpu.memory_space<hbm>>)
      tpu.yield
    }) : () -> ()
    return
  }
}

module attributes {stable_mosaic.version = 14 : i64} {
  func.func @_pre_body(%arg0: i32, %arg1: memref<2000x128xf32, #tpu.memory_space<vmem>>, %arg2: memref<2000x128xf32, #tpu.memory_space<vmem>>, %arg3: memref<2000x16xf32, #tpu.memory_space<vmem>>, %arg4: memref<2000x16xf32, #tpu.memory_space<vmem>>, %arg5: memref<2000x128xf32, #tpu.memory_space<vmem>>, %arg6: memref<128x128xf32, #tpu.memory_space<vmem>>, %arg7: memref<128x128xf32, #tpu.memory_space<vmem>>, %arg8: memref<1x128xf32, #tpu.memory_space<vmem>>, %arg9: memref<2000x128xf32, #tpu.memory_space<vmem>>, %arg10: memref<8x128xf32, #tpu.memory_space<vmem>>) attributes {dimension_semantics = [#tpu.dimension_semantics<arbitrary>], iteration_bounds = array<i64: 5>, scalar_prefetch = 0 : i64, scratch_operands = 0 : i64, tpu.core_type = #tpu.core_type<tc>, window_params = [{transform_indices = @transform_0, window_bounds = array<i64: 2000, 128>}, {transform_indices = @transform_1, window_bounds = array<i64: 2000, 128>}, {transform_indices = @transform_2, window_bounds = array<i64: 2000, 16>}, {transform_indices = @transform_3, window_bounds = array<i64: 2000, 16>}, {transform_indices = @transform_4, window_bounds = array<i64: 2000, 128>}, {pipeline_mode = #tpu.pipeline_mode<synchronous>, transform_indices = @transform_5, window_bounds = array<i64: 128, 128>}, {pipeline_mode = #tpu.pipeline_mode<synchronous>, transform_indices = @transform_6, window_bounds = array<i64: 128, 128>}, {pipeline_mode = #tpu.pipeline_mode<synchronous>, transform_indices = @transform_7, window_bounds = array<i64: 1, 128>}, {transform_indices = @transform_8, window_bounds = array<i64: 2000, 128>}, {pipeline_mode = #tpu.pipeline_mode<synchronous>, transform_indices = @transform_9, window_bounds = array<i64: 8, 128>}]} {
    %get3A = arith.constant 0 : index
    %get3A_0 = arith.constant 0 : index
    %get3A_1 = vector.load %arg3[%get3A, %get3A_0] : memref<2000x16xf32, #tpu.memory_space<vmem>>, vector<2000x1xf32>
    %get3A_2 = arith.constant 0 : index
    %get3A_3 = arith.constant 0 : index
    %get3A_4 = vector.load %arg4[%get3A_2, %get3A_3] : memref<2000x16xf32, #tpu.memory_space<vmem>>, vector<2000x1xf32>
    %add3A = arith.addf %get3A_1, %get3A_4 : vector<2000x1xf32>
    %max3A = arith.constant 1.000000e+00 : f32
    %max3A_5 = vector.broadcast %max3A : f32 to vector<2000x1xf32>
    %max3A_6 = arith.maximumf %add3A, %max3A_5 : vector<2000x1xf32>
    %get3A_7 = arith.constant 0 : index
    %get3A_8 = arith.constant 0 : index
    %get3A_9 = vector.load %arg1[%get3A_7, %get3A_8] : memref<2000x128xf32, #tpu.memory_space<vmem>>, vector<2000x128xf32>
    %get3A_10 = arith.constant 0 : index
    %get3A_11 = arith.constant 0 : index
    %get3A_12 = vector.load %arg2[%get3A_10, %get3A_11] : memref<2000x128xf32, #tpu.memory_space<vmem>>, vector<2000x128xf32>
    %add3A_13 = arith.addf %get3A_9, %get3A_12 : vector<2000x128xf32>
    %div3A = vector.broadcast %max3A_6 : vector<2000x1xf32> to vector<2000x128xf32>
    %div3A_14 = arith.divf %add3A_13, %div3A : vector<2000x128xf32>
    %get3A_15 = arith.constant 0 : index
    %get3A_16 = arith.constant 0 : index
    %get3A_17 = vector.load %arg6[%get3A_15, %get3A_16] : memref<128x128xf32, #tpu.memory_space<vmem>>, vector<128x128xf32>
    %dot_general3A = arith.constant dense<0.000000e+00> : vector<2000x128xf32>
    %dot_general3A_18 = tpu.matmul %div3A_14, %get3A_17, %dot_general3A {dimension_numbers = #tpu.dot_dimension_numbers<[1], [0], [0], [1], [0, 0, 1, 1], [], []>, transpose_lhs_hint = false} : vector<2000x128xf32>, vector<128x128xf32>, vector<2000x128xf32> -> vector<2000x128xf32>
    %get3A_19 = arith.constant 0 : index
    %get3A_20 = arith.constant 0 : index
    %get3A_21 = vector.load %arg5[%get3A_19, %get3A_20] : memref<2000x128xf32, #tpu.memory_space<vmem>>, vector<2000x128xf32>
    %get3A_22 = arith.constant 0 : index
    %get3A_23 = arith.constant 0 : index
    %get3A_24 = vector.load %arg7[%get3A_22, %get3A_23] : memref<128x128xf32, #tpu.memory_space<vmem>>, vector<128x128xf32>
    %dot_general3A_25 = arith.constant dense<0.000000e+00> : vector<2000x128xf32>
    %dot_general3A_26 = tpu.matmul %get3A_21, %get3A_24, %dot_general3A_25 {dimension_numbers = #tpu.dot_dimension_numbers<[1], [0], [0], [1], [0, 0, 1, 1], [], []>, transpose_lhs_hint = false} : vector<2000x128xf32>, vector<128x128xf32>, vector<2000x128xf32> -> vector<2000x128xf32>
    %add3A_27 = arith.addf %dot_general3A_18, %dot_general3A_26 : vector<2000x128xf32>
    %get3A_28 = arith.constant 0 : index
    %get3A_29 = arith.constant 0 : index
    %get3A_30 = vector.load %arg8[%get3A_28, %get3A_29] : memref<1x128xf32, #tpu.memory_space<vmem>>, vector<1x128xf32>
    %add3A_31 = vector.broadcast %get3A_30 : vector<1x128xf32> to vector<2000x128xf32>
    %add3A_32 = arith.addf %add3A_27, %add3A_31 : vector<2000x128xf32>
    %swap3A = arith.constant 0 : index
    %swap3A_33 = arith.constant 0 : index
    %swap3A_34 = vector.load %arg9[%swap3A, %swap3A_33] : memref<2000x128xf32, #tpu.memory_space<vmem>>, vector<2000x128xf32>
    tpu.vector_store %arg9[%swap3A, %swap3A_33], %add3A_32 {strides = array<i32>} : memref<2000x128xf32, #tpu.memory_space<vmem>>, vector<2000x128xf32>,
    %eq3A = arith.constant 0 : i32
    %eq3A_35 = arith.cmpi eq, %arg0, %eq3A : i32
    %convert_element_type3A = arith.extui %eq3A_35 : i1 to i32
    %cond3A = arith.constant 0 : i32
    %cond3A_36 = arith.cmpi ne, %convert_element_type3A, %cond3A : i32
    scf.if %cond3A_36 {
      %broadcast_in_dim3A_55 = arith.constant 0.000000e+00 : f32
      %broadcast_in_dim3A_56 = vector.broadcast %broadcast_in_dim3A_55 : f32 to vector<8x128xf32>
      %swap3A_57 = arith.constant 0 : index
      %swap3A_58 = arith.constant 0 : index
      %swap3A_59 = vector.load %arg10[%swap3A_57, %swap3A_58] : memref<8x128xf32, #tpu.memory_space<vmem>>, vector<8x128xf32>
      tpu.vector_store %arg10[%swap3A_57, %swap3A_58], %broadcast_in_dim3A_56 {strides = array<i32>} : memref<8x128xf32, #tpu.memory_space<vmem>>, vector<8x128xf32>,
    } else {
    }
    %get3A_37 = arith.constant 0 : index
    %get3A_38 = arith.constant 0 : index
    %get3A_39 = vector.load %arg10[%get3A_37, %get3A_38] : memref<8x128xf32, #tpu.memory_space<vmem>>, vector<1x128xf32>
    %reduce_sum3A = arith.constant dense<0.000000e+00> : vector<128xf32>
    %reduce_sum3A_40 = vector.multi_reduction <add>, %add3A_32, %reduce_sum3A [0] : vector<2000x128xf32> to vector<128xf32>
    %broadcast_in_dim3A = vector.shape_cast %reduce_sum3A_40 : vector<128xf32> to vector<1x128xf32>
    %add3A_41 = arith.addf %get3A_39, %broadcast_in_dim3A : vector<1x128xf32>
    %swap3A_42 = arith.constant 0 : index
    %swap3A_43 = arith.constant 0 : index
    %swap3A_44 = vector.load %arg10[%swap3A_42, %swap3A_43] : memref<8x128xf32, #tpu.memory_space<vmem>>, vector<1x128xf32>
    tpu.vector_store %arg10[%swap3A_42, %swap3A_43], %add3A_41 {strides = array<i32>} : memref<8x128xf32, #tpu.memory_space<vmem>>, vector<1x128xf32>,
    %get3A_45 = arith.constant 1 : index
    %get3A_46 = arith.constant 0 : index
    %get3A_47 = vector.load %arg10[%get3A_45, %get3A_46] : memref<8x128xf32, #tpu.memory_space<vmem>>, vector<1x128xf32>
    %mul3A = arith.mulf %add3A_32, %add3A_32 : vector<2000x128xf32>
    %reduce_sum3A_48 = arith.constant dense<0.000000e+00> : vector<128xf32>
    %reduce_sum3A_49 = vector.multi_reduction <add>, %mul3A, %reduce_sum3A_48 [0] : vector<2000x128xf32> to vector<128xf32>
    %broadcast_in_dim3A_50 = vector.shape_cast %reduce_sum3A_49 : vector<128xf32> to vector<1x128xf32>
    %add3A_51 = arith.addf %get3A_47, %broadcast_in_dim3A_50 : vector<1x128xf32>
    %swap3A_52 = arith.constant 1 : index
    %swap3A_53 = arith.constant 0 : index
    %swap3A_54 = vector.load %arg10[%swap3A_52, %swap3A_53] : memref<8x128xf32, #tpu.memory_space<vmem>>, vector<1x128xf32>
    tpu.vector_store %arg10[%swap3A_52, %swap3A_53], %add3A_51 {strides = array<i32>} : memref<8x128xf32, #tpu.memory_space<vmem>>, vector<1x128xf32>,
    return
  }
  func.func @transform_0(%arg0: i32) -> (i32, i32) {
    %c0_i32 = arith.constant 0 : i32
    %c0_i32_0 = arith.constant 0 : i32
    return %arg0, %c0_i32 : i32, i32
  }
  func.func @transform_1(%arg0: i32) -> (i32, i32) {
    %c0_i32 = arith.constant 0 : i32
    %c0_i32_0 = arith.constant 0 : i32
    return %arg0, %c0_i32 : i32, i32
  }
  func.func @transform_2(%arg0: i32) -> (i32, i32) {
    %c0_i32 = arith.constant 0 : i32
    %c0_i32_0 = arith.constant 0 : i32
    return %arg0, %c0_i32 : i32, i32
  }
  func.func @transform_3(%arg0: i32) -> (i32, i32) {
    %c0_i32 = arith.constant 0 : i32
    %c0_i32_0 = arith.constant 0 : i32
    return %arg0, %c0_i32 : i32, i32
  }
  func.func @transform_4(%arg0: i32) -> (i32, i32) {
    %c0_i32 = arith.constant 0 : i32
    %c0_i32_0 = arith.constant 0 : i32
    return %arg0, %c0_i32 : i32, i32
  }
  func.func @transform_5(%arg0: i32) -> (i32, i32) {
    %c0_i32 = arith.constant 0 : i32
    %c0_i32_0 = arith.constant 0 : i32
    %c0_i32_1 = arith.constant 0 : i32
    return %c0_i32, %c0_i32_0 : i32, i32
  }
  func.func @transform_6(%arg0: i32) -> (i32, i32) {
    %c0_i32 = arith.constant 0 : i32
    %c0_i32_0 = arith.constant 0 : i32
    %c0_i32_1 = arith.constant 0 : i32
    return %c0_i32, %c0_i32_0 : i32, i32
  }
  func.func @transform_7(%arg0: i32) -> (i32, i32) {
    %c0_i32 = arith.constant 0 : i32
    %c0_i32_0 = arith.constant 0 : i32
    %c0_i32_1 = arith.constant 0 : i32
    return %c0_i32, %c0_i32_0 : i32, i32
  }
  func.func @transform_8(%arg0: i32) -> (i32, i32) {
    %c0_i32 = arith.constant 0 : i32
    %c0_i32_0 = arith.constant 0 : i32
    return %arg0, %c0_i32 : i32, i32
  }
  func.func @transform_9(%arg0: i32) -> (i32, i32) {
    %c0_i32 = arith.constant 0 : i32
    %c0_i32_0 = arith.constant 0 : i32
    %c0_i32_1 = arith.constant 0 : i32
    return %c0_i32, %c0_i32_0 : i32, i32
  }
}

module attributes {stable_mosaic.version = 14 : i64} {
  func.func @_post_body(%arg0: i32, %arg1: memref<2000x128xf32, #tpu.memory_space<vmem>>, %arg2: memref<8x128xf32, #tpu.memory_space<vmem>>, %arg3: memref<1x128xf32, #tpu.memory_space<vmem>>, %arg4: memref<1x128xf32, #tpu.memory_space<vmem>>, %arg5: memref<48x128xf32, #tpu.memory_space<vmem>>, %arg6: memref<2000x128xf32, #tpu.memory_space<vmem>>, %arg7: memref<2000x8xi32, #tpu.memory_space<vmem>>, %arg8: memref<8x128xf32, #tpu.memory_space<vmem>>) attributes {dimension_semantics = [#tpu.dimension_semantics<arbitrary>], iteration_bounds = array<i64: 5>, scalar_prefetch = 0 : i64, scratch_operands = 0 : i64, tpu.core_type = #tpu.core_type<tc>, window_params = [{transform_indices = @transform_0, window_bounds = array<i64: 2000, 128>}, {pipeline_mode = #tpu.pipeline_mode<synchronous>, transform_indices = @transform_1, window_bounds = array<i64: 8, 128>}, {pipeline_mode = #tpu.pipeline_mode<synchronous>, transform_indices = @transform_2, window_bounds = array<i64: 1, 128>}, {pipeline_mode = #tpu.pipeline_mode<synchronous>, transform_indices = @transform_3, window_bounds = array<i64: 1, 128>}, {pipeline_mode = #tpu.pipeline_mode<synchronous>, transform_indices = @transform_4, window_bounds = array<i64: 48, 128>}, {transform_indices = @transform_5, window_bounds = array<i64: 2000, 128>}, {transform_indices = @transform_6, window_bounds = array<i64: 2000, 8>}, {pipeline_mode = #tpu.pipeline_mode<synchronous>, transform_indices = @transform_7, window_bounds = array<i64: 8, 128>}]} {
    %get3A = arith.constant 0 : index
    %get3A_0 = arith.constant 0 : index
    %get3A_1 = vector.load %arg2[%get3A, %get3A_0] : memref<8x128xf32, #tpu.memory_space<vmem>>, vector<1x128xf32>
    %div3A = arith.constant 1.000000e+04 : f32
    %div3A_2 = vector.broadcast %div3A : f32 to vector<1x128xf32>
    %div3A_3 = arith.divf %get3A_1, %div3A_2 : vector<1x128xf32>
    %get3A_4 = arith.constant 1 : index
    %get3A_5 = arith.constant 0 : index
    %get3A_6 = vector.load %arg2[%get3A_4, %get3A_5] : memref<8x128xf32, #tpu.memory_space<vmem>>, vector<1x128xf32>
    %div3A_7 = arith.constant 1.000000e+04 : f32
    %div3A_8 = vector.broadcast %div3A_7 : f32 to vector<1x128xf32>
    %div3A_9 = arith.divf %get3A_6, %div3A_8 : vector<1x128xf32>
    %mul3A = arith.mulf %div3A_3, %div3A_3 : vector<1x128xf32>
    %sub3A = arith.subf %div3A_9, %mul3A : vector<1x128xf32>
    %get3A_10 = arith.constant 0 : index
    %get3A_11 = arith.constant 0 : index
    %get3A_12 = vector.load %arg3[%get3A_10, %get3A_11] : memref<1x128xf32, #tpu.memory_space<vmem>>, vector<1x128xf32>
    %get3A_13 = arith.constant 0 : index
    %get3A_14 = arith.constant 0 : index
    %get3A_15 = vector.load %arg1[%get3A_13, %get3A_14] : memref<2000x128xf32, #tpu.memory_space<vmem>>, vector<2000x128xf32>
    %sub3A_16 = vector.broadcast %div3A_3 : vector<1x128xf32> to vector<2000x128xf32>
    %sub3A_17 = arith.subf %get3A_15, %sub3A_16 : vector<2000x128xf32>
    %mul3A_18 = vector.broadcast %get3A_12 : vector<1x128xf32> to vector<2000x128xf32>
    %mul3A_19 = arith.mulf %mul3A_18, %sub3A_17 : vector<2000x128xf32>
    %add3A = arith.constant 9.99999974E-6 : f32
    %add3A_20 = vector.broadcast %add3A : f32 to vector<1x128xf32>
    %add3A_21 = arith.addf %sub3A, %add3A_20 : vector<1x128xf32>
    %sqrt3A = math.sqrt %add3A_21 : vector<1x128xf32>
    %div3A_22 = vector.broadcast %sqrt3A : vector<1x128xf32> to vector<2000x128xf32>
    %div3A_23 = arith.divf %mul3A_19, %div3A_22 : vector<2000x128xf32>
    %get3A_24 = arith.constant 0 : index
    %get3A_25 = arith.constant 0 : index
    %get3A_26 = vector.load %arg4[%get3A_24, %get3A_25] : memref<1x128xf32, #tpu.memory_space<vmem>>, vector<1x128xf32>
    %add3A_27 = vector.broadcast %get3A_26 : vector<1x128xf32> to vector<2000x128xf32>
    %add3A_28 = arith.addf %div3A_23, %add3A_27 : vector<2000x128xf32>
    %max3A = arith.constant 0.000000e+00 : f32
    %max3A_29 = vector.broadcast %max3A : f32 to vector<2000x128xf32>
    %max3A_30 = arith.maximumf %add3A_28, %max3A_29 : vector<2000x128xf32>
    %swap3A = arith.constant 0 : index
    %swap3A_31 = arith.constant 0 : index
    %swap3A_32 = vector.load %arg6[%swap3A, %swap3A_31] : memref<2000x128xf32, #tpu.memory_space<vmem>>, vector<2000x128xf32>
    tpu.vector_store %arg6[%swap3A, %swap3A_31], %max3A_30 {strides = array<i32>} : memref<2000x128xf32, #tpu.memory_space<vmem>>, vector<2000x128xf32>,
    %iota3A = tpu.iota {dimensions = array<i32: 1>} : vector<2000x16xi32>
    %get3A_33 = arith.constant 0 : index
    %get3A_34 = arith.constant 0 : index
    %get3A_35 = vector.load %arg5[%get3A_33, %get3A_34] : memref<48x128xf32, #tpu.memory_space<vmem>>, vector<48x128xf32>
    %slice3A = vector.extract_strided_slice %get3A_35 {offsets = [0, 0], sizes = [16, 128], strides = [1, 1]} : vector<48x128xf32> to vector<16x128xf32>
    %mul3A_36 = arith.mulf %max3A_30, %max3A_30 : vector<2000x128xf32>
    %reduce_sum3A = arith.constant dense<0.000000e+00> : vector<2000xf32>
    %reduce_sum3A_37 = vector.multi_reduction <add>, %mul3A_36, %reduce_sum3A [1] : vector<2000x128xf32> to vector<2000xf32>
    %broadcast_in_dim3A = vector.shape_cast %reduce_sum3A_37 : vector<2000xf32> to vector<2000x1xf32>
    %transpose3A = tpu.transpose %slice3A, [1, 0] : vector<16x128xf32> -> vector<128x16xf32>
    %dot_general3A = arith.constant dense<0.000000e+00> : vector<2000x16xf32>
    %dot_general3A_38 = tpu.matmul %max3A_30, %transpose3A, %dot_general3A {dimension_numbers = #tpu.dot_dimension_numbers<[1], [0], [0], [1], [0, 0, 1, 1], [], []>, transpose_lhs_hint = false} : vector<2000x128xf32>, vector<128x16xf32>, vector<2000x16xf32> -> vector<2000x16xf32>
    %mul3A_39 = arith.constant 2.000000e+00 : f32
    %mul3A_40 = vector.broadcast %mul3A_39 : f32 to vector<2000x16xf32>
    %mul3A_41 = arith.mulf %mul3A_40, %dot_general3A_38 : vector<2000x16xf32>
    %sub3A_42 = vector.broadcast %broadcast_in_dim3A : vector<2000x1xf32> to vector<2000x16xf32>
    %sub3A_43 = arith.subf %sub3A_42, %mul3A_41 : vector<2000x16xf32>
    %mul3A_44 = arith.mulf %slice3A, %slice3A : vector<16x128xf32>
    %reduce_sum3A_45 = arith.constant dense<0.000000e+00> : vector<16xf32>
    %reduce_sum3A_46 = vector.multi_reduction <add>, %mul3A_44, %reduce_sum3A_45 [1] : vector<16x128xf32> to vector<16xf32>
    %broadcast_in_dim3A_47 = vector.shape_cast %reduce_sum3A_46 : vector<16xf32> to vector<1x16xf32>
    %add3A_48 = vector.broadcast %broadcast_in_dim3A_47 : vector<1x16xf32> to vector<2000x16xf32>
    %add3A_49 = arith.addf %sub3A_43, %add3A_48 : vector<2000x16xf32>
    %reduce_min3A = arith.constant dense<0x7F800000> : vector<2000xf32>
    %reduce_min3A_50 = vector.multi_reduction <minimumf>, %add3A_49, %reduce_min3A [1] : vector<2000x16xf32> to vector<2000xf32>
    %broadcast_in_dim3A_51 = vector.shape_cast %reduce_min3A_50 : vector<2000xf32> to vector<2000x1xf32>
    %le3A = vector.broadcast %broadcast_in_dim3A_51 : vector<2000x1xf32> to vector<2000x16xf32>
    %le3A_52 = arith.cmpf ole, %add3A_49, %le3A : vector<2000x16xf32>
    %jit3A = arith.constant 16 : i32
    %broadcast_in_dim3A_53 = vector.broadcast %jit3A : i32 to vector<2000x16xi32>
    %select_n3A = arith.select %le3A_52, %iota3A, %broadcast_in_dim3A_53 : vector<2000x16xi1>, vector<2000x16xi32>
    %reduce_min3A_54 = arith.constant dense<2147483647> : vector<2000xi32>
    %reduce_min3A_55 = vector.multi_reduction <minsi>, %select_n3A, %reduce_min3A_54 [1] : vector<2000x16xi32> to vector<2000xi32>
    %broadcast_in_dim3A_56 = arith.constant 0.000000e+00 : f32
    %broadcast_in_dim3A_57 = vector.broadcast %broadcast_in_dim3A_56 : f32 to vector<2000x128xf32>
    %eq3A = arith.constant 0 : i32
    %eq3A_58 = vector.broadcast %eq3A : i32 to vector<2000xi32>
    %eq3A_59 = arith.cmpi eq, %reduce_min3A_55, %eq3A_58 : vector<2000xi32>
    %broadcast_in_dim3A_60 = vector.shape_cast %eq3A_59 : vector<2000xi1> to vector<2000x1xi1>
    %slice3A_61 = vector.extract_strided_slice %slice3A {offsets = [0, 0], sizes = [1, 128], strides = [1, 1]} : vector<16x128xf32> to vector<1x128xf32>
    %jit3A_62 = arith.constant 0.000000e+00 : f32
    %broadcast_in_dim3A_63 = vector.shape_cast %broadcast_in_dim3A_60 : vector<2000x1xi1> to vector<2000x1xi1>
    %broadcast_in_dim3A_64 = vector.broadcast %broadcast_in_dim3A_63 : vector<2000x1xi1> to vector<2000x128xi1>
    %broadcast_in_dim3A_65 = vector.shape_cast %slice3A_61 : vector<1x128xf32> to vector<1x128xf32>
    %broadcast_in_dim3A_66 = vector.broadcast %broadcast_in_dim3A_65 : vector<1x128xf32> to vector<2000x128xf32>
    %broadcast_in_dim3A_67 = vector.broadcast %jit3A_62 : f32 to vector<2000x128xf32>
    %select_n3A_68 = arith.select %broadcast_in_dim3A_64, %broadcast_in_dim3A_66, %broadcast_in_dim3A_67 : vector<2000x128xi1>, vector<2000x128xf32>
    %add3A_69 = arith.addf %broadcast_in_dim3A_57, %select_n3A_68 : vector<2000x128xf32>
    %eq3A_70 = arith.constant 1 : i32
    %eq3A_71 = vector.broadcast %eq3A_70 : i32 to vector<2000xi32>
    %eq3A_72 = arith.cmpi eq, %reduce_min3A_55, %eq3A_71 : vector<2000xi32>
    %broadcast_in_dim3A_73 = vector.shape_cast %eq3A_72 : vector<2000xi1> to vector<2000x1xi1>
    %slice3A_74 = vector.extract_strided_slice %slice3A {offsets = [1, 0], sizes = [1, 128], strides = [1, 1]} : vector<16x128xf32> to vector<1x128xf32>
    %jit3A_75 = arith.constant 0.000000e+00 : f32
    %broadcast_in_dim3A_76 = vector.shape_cast %broadcast_in_dim3A_73 : vector<2000x1xi1> to vector<2000x1xi1>
    %broadcast_in_dim3A_77 = vector.broadcast %broadcast_in_dim3A_76 : vector<2000x1xi1> to vector<2000x128xi1>
    %broadcast_in_dim3A_78 = vector.shape_cast %slice3A_74 : vector<1x128xf32> to vector<1x128xf32>
    %broadcast_in_dim3A_79 = vector.broadcast %broadcast_in_dim3A_78 : vector<1x128xf32> to vector<2000x128xf32>
    %broadcast_in_dim3A_80 = vector.broadcast %jit3A_75 : f32 to vector<2000x128xf32>
    %select_n3A_81 = arith.select %broadcast_in_dim3A_77, %broadcast_in_dim3A_79, %broadcast_in_dim3A_80 : vector<2000x128xi1>, vector<2000x128xf32>
    %add3A_82 = arith.addf %add3A_69, %select_n3A_81 : vector<2000x128xf32>
    %eq3A_83 = arith.constant 2 : i32
    %eq3A_84 = vector.broadcast %eq3A_83 : i32 to vector<2000xi32>
    %eq3A_85 = arith.cmpi eq, %reduce_min3A_55, %eq3A_84 : vector<2000xi32>
    %broadcast_in_dim3A_86 = vector.shape_cast %eq3A_85 : vector<2000xi1> to vector<2000x1xi1>
    %slice3A_87 = vector.extract_strided_slice %slice3A {offsets = [2, 0], sizes = [1, 128], strides = [1, 1]} : vector<16x128xf32> to vector<1x128xf32>
    %jit3A_88 = arith.constant 0.000000e+00 : f32
    %broadcast_in_dim3A_89 = vector.shape_cast %broadcast_in_dim3A_86 : vector<2000x1xi1> to vector<2000x1xi1>
    %broadcast_in_dim3A_90 = vector.broadcast %broadcast_in_dim3A_89 : vector<2000x1xi1> to vector<2000x128xi1>
    %broadcast_in_dim3A_91 = vector.shape_cast %slice3A_87 : vector<1x128xf32> to vector<1x128xf32>
    %broadcast_in_dim3A_92 = vector.broadcast %broadcast_in_dim3A_91 : vector<1x128xf32> to vector<2000x128xf32>
    %broadcast_in_dim3A_93 = vector.broadcast %jit3A_88 : f32 to vector<2000x128xf32>
    %select_n3A_94 = arith.select %broadcast_in_dim3A_90, %broadcast_in_dim3A_92, %broadcast_in_dim3A_93 : vector<2000x128xi1>, vector<2000x128xf32>
    %add3A_95 = arith.addf %add3A_82, %select_n3A_94 : vector<2000x128xf32>
    %eq3A_96 = arith.constant 3 : i32
    %eq3A_97 = vector.broadcast %eq3A_96 : i32 to vector<2000xi32>
    %eq3A_98 = arith.cmpi eq, %reduce_min3A_55, %eq3A_97 : vector<2000xi32>
    %broadcast_in_dim3A_99 = vector.shape_cast %eq3A_98 : vector<2000xi1> to vector<2000x1xi1>
    %slice3A_100 = vector.extract_strided_slice %slice3A {offsets = [3, 0], sizes = [1, 128], strides = [1, 1]} : vector<16x128xf32> to vector<1x128xf32>
    %jit3A_101 = arith.constant 0.000000e+00 : f32
    %broadcast_in_dim3A_102 = vector.shape_cast %broadcast_in_dim3A_99 : vector<2000x1xi1> to vector<2000x1xi1>
    %broadcast_in_dim3A_103 = vector.broadcast %broadcast_in_dim3A_102 : vector<2000x1xi1> to vector<2000x128xi1>
    %broadcast_in_dim3A_104 = vector.shape_cast %slice3A_100 : vector<1x128xf32> to vector<1x128xf32>
    %broadcast_in_dim3A_105 = vector.broadcast %broadcast_in_dim3A_104 : vector<1x128xf32> to vector<2000x128xf32>
    %broadcast_in_dim3A_106 = vector.broadcast %jit3A_101 : f32 to vector<2000x128xf32>
    %select_n3A_107 = arith.select %broadcast_in_dim3A_103, %broadcast_in_dim3A_105, %broadcast_in_dim3A_106 : vector<2000x128xi1>, vector<2000x128xf32>
    %add3A_108 = arith.addf %add3A_95, %select_n3A_107 : vector<2000x128xf32>
    %eq3A_109 = arith.constant 4 : i32
    %eq3A_110 = vector.broadcast %eq3A_109 : i32 to vector<2000xi32>
    %eq3A_111 = arith.cmpi eq, %reduce_min3A_55, %eq3A_110 : vector<2000xi32>
    %broadcast_in_dim3A_112 = vector.shape_cast %eq3A_111 : vector<2000xi1> to vector<2000x1xi1>
    %slice3A_113 = vector.extract_strided_slice %slice3A {offsets = [4, 0], sizes = [1, 128], strides = [1, 1]} : vector<16x128xf32> to vector<1x128xf32>
    %jit3A_114 = arith.constant 0.000000e+00 : f32
    %broadcast_in_dim3A_115 = vector.shape_cast %broadcast_in_dim3A_112 : vector<2000x1xi1> to vector<2000x1xi1>
    %broadcast_in_dim3A_116 = vector.broadcast %broadcast_in_dim3A_115 : vector<2000x1xi1> to vector<2000x128xi1>
    %broadcast_in_dim3A_117 = vector.shape_cast %slice3A_113 : vector<1x128xf32> to vector<1x128xf32>
    %broadcast_in_dim3A_118 = vector.broadcast %broadcast_in_dim3A_117 : vector<1x128xf32> to vector<2000x128xf32>
    %broadcast_in_dim3A_119 = vector.broadcast %jit3A_114 : f32 to vector<2000x128xf32>
    %select_n3A_120 = arith.select %broadcast_in_dim3A_116, %broadcast_in_dim3A_118, %broadcast_in_dim3A_119 : vector<2000x128xi1>, vector<2000x128xf32>
    %add3A_121 = arith.addf %add3A_108, %select_n3A_120 : vector<2000x128xf32>
    %eq3A_122 = arith.constant 5 : i32
    %eq3A_123 = vector.broadcast %eq3A_122 : i32 to vector<2000xi32>
    %eq3A_124 = arith.cmpi eq, %reduce_min3A_55, %eq3A_123 : vector<2000xi32>
    %broadcast_in_dim3A_125 = vector.shape_cast %eq3A_124 : vector<2000xi1> to vector<2000x1xi1>
    %slice3A_126 = vector.extract_strided_slice %slice3A {offsets = [5, 0], sizes = [1, 128], strides = [1, 1]} : vector<16x128xf32> to vector<1x128xf32>
    %jit3A_127 = arith.constant 0.000000e+00 : f32
    %broadcast_in_dim3A_128 = vector.shape_cast %broadcast_in_dim3A_125 : vector<2000x1xi1> to vector<2000x1xi1>
    %broadcast_in_dim3A_129 = vector.broadcast %broadcast_in_dim3A_128 : vector<2000x1xi1> to vector<2000x128xi1>
    %broadcast_in_dim3A_130 = vector.shape_cast %slice3A_126 : vector<1x128xf32> to vector<1x128xf32>
    %broadcast_in_dim3A_131 = vector.broadcast %broadcast_in_dim3A_130 : vector<1x128xf32> to vector<2000x128xf32>
    %broadcast_in_dim3A_132 = vector.broadcast %jit3A_127 : f32 to vector<2000x128xf32>
    %select_n3A_133 = arith.select %broadcast_in_dim3A_129, %broadcast_in_dim3A_131, %broadcast_in_dim3A_132 : vector<2000x128xi1>, vector<2000x128xf32>
    %add3A_134 = arith.addf %add3A_121, %select_n3A_133 : vector<2000x128xf32>
    %eq3A_135 = arith.constant 6 : i32
    %eq3A_136 = vector.broadcast %eq3A_135 : i32 to vector<2000xi32>
    %eq3A_137 = arith.cmpi eq, %reduce_min3A_55, %eq3A_136 : vector<2000xi32>
    %broadcast_in_dim3A_138 = vector.shape_cast %eq3A_137 : vector<2000xi1> to vector<2000x1xi1>
    %slice3A_139 = vector.extract_strided_slice %slice3A {offsets = [6, 0], sizes = [1, 128], strides = [1, 1]} : vector<16x128xf32> to vector<1x128xf32>
    %jit3A_140 = arith.constant 0.000000e+00 : f32
    %broadcast_in_dim3A_141 = vector.shape_cast %broadcast_in_dim3A_138 : vector<2000x1xi1> to vector<2000x1xi1>
    %broadcast_in_dim3A_142 = vector.broadcast %broadcast_in_dim3A_141 : vector<2000x1xi1> to vector<2000x128xi1>
    %broadcast_in_dim3A_143 = vector.shape_cast %slice3A_139 : vector<1x128xf32> to vector<1x128xf32>
    %broadcast_in_dim3A_144 = vector.broadcast %broadcast_in_dim3A_143 : vector<1x128xf32> to vector<2000x128xf32>
    %broadcast_in_dim3A_145 = vector.broadcast %jit3A_140 : f32 to vector<2000x128xf32>
    %select_n3A_146 = arith.select %broadcast_in_dim3A_142, %broadcast_in_dim3A_144, %broadcast_in_dim3A_145 : vector<2000x128xi1>, vector<2000x128xf32>
    %add3A_147 = arith.addf %add3A_134, %select_n3A_146 : vector<2000x128xf32>
    %eq3A_148 = arith.constant 7 : i32
    %eq3A_149 = vector.broadcast %eq3A_148 : i32 to vector<2000xi32>
    %eq3A_150 = arith.cmpi eq, %reduce_min3A_55, %eq3A_149 : vector<2000xi32>
    %broadcast_in_dim3A_151 = vector.shape_cast %eq3A_150 : vector<2000xi1> to vector<2000x1xi1>
    %slice3A_152 = vector.extract_strided_slice %slice3A {offsets = [7, 0], sizes = [1, 128], strides = [1, 1]} : vector<16x128xf32> to vector<1x128xf32>
    %jit3A_153 = arith.constant 0.000000e+00 : f32
    %broadcast_in_dim3A_154 = vector.shape_cast %broadcast_in_dim3A_151 : vector<2000x1xi1> to vector<2000x1xi1>
    %broadcast_in_dim3A_155 = vector.broadcast %broadcast_in_dim3A_154 : vector<2000x1xi1> to vector<2000x128xi1>
    %broadcast_in_dim3A_156 = vector.shape_cast %slice3A_152 : vector<1x128xf32> to vector<1x128xf32>
    %broadcast_in_dim3A_157 = vector.broadcast %broadcast_in_dim3A_156 : vector<1x128xf32> to vector<2000x128xf32>
    %broadcast_in_dim3A_158 = vector.broadcast %jit3A_153 : f32 to vector<2000x128xf32>
    %select_n3A_159 = arith.select %broadcast_in_dim3A_155, %broadcast_in_dim3A_157, %broadcast_in_dim3A_158 : vector<2000x128xi1>, vector<2000x128xf32>
    %add3A_160 = arith.addf %add3A_147, %select_n3A_159 : vector<2000x128xf32>
    %eq3A_161 = arith.constant 8 : i32
    %eq3A_162 = vector.broadcast %eq3A_161 : i32 to vector<2000xi32>
    %eq3A_163 = arith.cmpi eq, %reduce_min3A_55, %eq3A_162 : vector<2000xi32>
    %broadcast_in_dim3A_164 = vector.shape_cast %eq3A_163 : vector<2000xi1> to vector<2000x1xi1>
    %slice3A_165 = vector.extract_strided_slice %slice3A {offsets = [8, 0], sizes = [1, 128], strides = [1, 1]} : vector<16x128xf32> to vector<1x128xf32>
    %jit3A_166 = arith.constant 0.000000e+00 : f32
    %broadcast_in_dim3A_167 = vector.shape_cast %broadcast_in_dim3A_164 : vector<2000x1xi1> to vector<2000x1xi1>
    %broadcast_in_dim3A_168 = vector.broadcast %broadcast_in_dim3A_167 : vector<2000x1xi1> to vector<2000x128xi1>
    %broadcast_in_dim3A_169 = vector.shape_cast %slice3A_165 : vector<1x128xf32> to vector<1x128xf32>
    %broadcast_in_dim3A_170 = vector.broadcast %broadcast_in_dim3A_169 : vector<1x128xf32> to vector<2000x128xf32>
    %broadcast_in_dim3A_171 = vector.broadcast %jit3A_166 : f32 to vector<2000x128xf32>
    %select_n3A_172 = arith.select %broadcast_in_dim3A_168, %broadcast_in_dim3A_170, %broadcast_in_dim3A_171 : vector<2000x128xi1>, vector<2000x128xf32>
    %add3A_173 = arith.addf %add3A_160, %select_n3A_172 : vector<2000x128xf32>
    %eq3A_174 = arith.constant 9 : i32
    %eq3A_175 = vector.broadcast %eq3A_174 : i32 to vector<2000xi32>
    %eq3A_176 = arith.cmpi eq, %reduce_min3A_55, %eq3A_175 : vector<2000xi32>
    %broadcast_in_dim3A_177 = vector.shape_cast %eq3A_176 : vector<2000xi1> to vector<2000x1xi1>
    %slice3A_178 = vector.extract_strided_slice %slice3A {offsets = [9, 0], sizes = [1, 128], strides = [1, 1]} : vector<16x128xf32> to vector<1x128xf32>
    %jit3A_179 = arith.constant 0.000000e+00 : f32
    %broadcast_in_dim3A_180 = vector.shape_cast %broadcast_in_dim3A_177 : vector<2000x1xi1> to vector<2000x1xi1>
    %broadcast_in_dim3A_181 = vector.broadcast %broadcast_in_dim3A_180 : vector<2000x1xi1> to vector<2000x128xi1>
    %broadcast_in_dim3A_182 = vector.shape_cast %slice3A_178 : vector<1x128xf32> to vector<1x128xf32>
    %broadcast_in_dim3A_183 = vector.broadcast %broadcast_in_dim3A_182 : vector<1x128xf32> to vector<2000x128xf32>
    %broadcast_in_dim3A_184 = vector.broadcast %jit3A_179 : f32 to vector<2000x128xf32>
    %select_n3A_185 = arith.select %broadcast_in_dim3A_181, %broadcast_in_dim3A_183, %broadcast_in_dim3A_184 : vector<2000x128xi1>, vector<2000x128xf32>
    %add3A_186 = arith.addf %add3A_173, %select_n3A_185 : vector<2000x128xf32>
    %eq3A_187 = arith.constant 10 : i32
    %eq3A_188 = vector.broadcast %eq3A_187 : i32 to vector<2000xi32>
    %eq3A_189 = arith.cmpi eq, %reduce_min3A_55, %eq3A_188 : vector<2000xi32>
    %broadcast_in_dim3A_190 = vector.shape_cast %eq3A_189 : vector<2000xi1> to vector<2000x1xi1>
    %slice3A_191 = vector.extract_strided_slice %slice3A {offsets = [10, 0], sizes = [1, 128], strides = [1, 1]} : vector<16x128xf32> to vector<1x128xf32>
    %jit3A_192 = arith.constant 0.000000e+00 : f32
    %broadcast_in_dim3A_193 = vector.shape_cast %broadcast_in_dim3A_190 : vector<2000x1xi1> to vector<2000x1xi1>
    %broadcast_in_dim3A_194 = vector.broadcast %broadcast_in_dim3A_193 : vector<2000x1xi1> to vector<2000x128xi1>
    %broadcast_in_dim3A_195 = vector.shape_cast %slice3A_191 : vector<1x128xf32> to vector<1x128xf32>
    %broadcast_in_dim3A_196 = vector.broadcast %broadcast_in_dim3A_195 : vector<1x128xf32> to vector<2000x128xf32>
    %broadcast_in_dim3A_197 = vector.broadcast %jit3A_192 : f32 to vector<2000x128xf32>
    %select_n3A_198 = arith.select %broadcast_in_dim3A_194, %broadcast_in_dim3A_196, %broadcast_in_dim3A_197 : vector<2000x128xi1>, vector<2000x128xf32>
    %add3A_199 = arith.addf %add3A_186, %select_n3A_198 : vector<2000x128xf32>
    %eq3A_200 = arith.constant 11 : i32
    %eq3A_201 = vector.broadcast %eq3A_200 : i32 to vector<2000xi32>
    %eq3A_202 = arith.cmpi eq, %reduce_min3A_55, %eq3A_201 : vector<2000xi32>
    %broadcast_in_dim3A_203 = vector.shape_cast %eq3A_202 : vector<2000xi1> to vector<2000x1xi1>
    %slice3A_204 = vector.extract_strided_slice %slice3A {offsets = [11, 0], sizes = [1, 128], strides = [1, 1]} : vector<16x128xf32> to vector<1x128xf32>
    %jit3A_205 = arith.constant 0.000000e+00 : f32
    %broadcast_in_dim3A_206 = vector.shape_cast %broadcast_in_dim3A_203 : vector<2000x1xi1> to vector<2000x1xi1>
    %broadcast_in_dim3A_207 = vector.broadcast %broadcast_in_dim3A_206 : vector<2000x1xi1> to vector<2000x128xi1>
    %broadcast_in_dim3A_208 = vector.shape_cast %slice3A_204 : vector<1x128xf32> to vector<1x128xf32>
    %broadcast_in_dim3A_209 = vector.broadcast %broadcast_in_dim3A_208 : vector<1x128xf32> to vector<2000x128xf32>
    %broadcast_in_dim3A_210 = vector.broadcast %jit3A_205 : f32 to vector<2000x128xf32>
    %select_n3A_211 = arith.select %broadcast_in_dim3A_207, %broadcast_in_dim3A_209, %broadcast_in_dim3A_210 : vector<2000x128xi1>, vector<2000x128xf32>
    %add3A_212 = arith.addf %add3A_199, %select_n3A_211 : vector<2000x128xf32>
    %eq3A_213 = arith.constant 12 : i32
    %eq3A_214 = vector.broadcast %eq3A_213 : i32 to vector<2000xi32>
    %eq3A_215 = arith.cmpi eq, %reduce_min3A_55, %eq3A_214 : vector<2000xi32>
    %broadcast_in_dim3A_216 = vector.shape_cast %eq3A_215 : vector<2000xi1> to vector<2000x1xi1>
    %slice3A_217 = vector.extract_strided_slice %slice3A {offsets = [12, 0], sizes = [1, 128], strides = [1, 1]} : vector<16x128xf32> to vector<1x128xf32>
    %jit3A_218 = arith.constant 0.000000e+00 : f32
    %broadcast_in_dim3A_219 = vector.shape_cast %broadcast_in_dim3A_216 : vector<2000x1xi1> to vector<2000x1xi1>
    %broadcast_in_dim3A_220 = vector.broadcast %broadcast_in_dim3A_219 : vector<2000x1xi1> to vector<2000x128xi1>
    %broadcast_in_dim3A_221 = vector.shape_cast %slice3A_217 : vector<1x128xf32> to vector<1x128xf32>
    %broadcast_in_dim3A_222 = vector.broadcast %broadcast_in_dim3A_221 : vector<1x128xf32> to vector<2000x128xf32>
    %broadcast_in_dim3A_223 = vector.broadcast %jit3A_218 : f32 to vector<2000x128xf32>
    %select_n3A_224 = arith.select %broadcast_in_dim3A_220, %broadcast_in_dim3A_222, %broadcast_in_dim3A_223 : vector<2000x128xi1>, vector<2000x128xf32>
    %add3A_225 = arith.addf %add3A_212, %select_n3A_224 : vector<2000x128xf32>
    %eq3A_226 = arith.constant 13 : i32
    %eq3A_227 = vector.broadcast %eq3A_226 : i32 to vector<2000xi32>
    %eq3A_228 = arith.cmpi eq, %reduce_min3A_55, %eq3A_227 : vector<2000xi32>
    %broadcast_in_dim3A_229 = vector.shape_cast %eq3A_228 : vector<2000xi1> to vector<2000x1xi1>
    %slice3A_230 = vector.extract_strided_slice %slice3A {offsets = [13, 0], sizes = [1, 128], strides = [1, 1]} : vector<16x128xf32> to vector<1x128xf32>
    %jit3A_231 = arith.constant 0.000000e+00 : f32
    %broadcast_in_dim3A_232 = vector.shape_cast %broadcast_in_dim3A_229 : vector<2000x1xi1> to vector<2000x1xi1>
    %broadcast_in_dim3A_233 = vector.broadcast %broadcast_in_dim3A_232 : vector<2000x1xi1> to vector<2000x128xi1>
    %broadcast_in_dim3A_234 = vector.shape_cast %slice3A_230 : vector<1x128xf32> to vector<1x128xf32>
    %broadcast_in_dim3A_235 = vector.broadcast %broadcast_in_dim3A_234 : vector<1x128xf32> to vector<2000x128xf32>
    %broadcast_in_dim3A_236 = vector.broadcast %jit3A_231 : f32 to vector<2000x128xf32>
    %select_n3A_237 = arith.select %broadcast_in_dim3A_233, %broadcast_in_dim3A_235, %broadcast_in_dim3A_236 : vector<2000x128xi1>, vector<2000x128xf32>
    %add3A_238 = arith.addf %add3A_225, %select_n3A_237 : vector<2000x128xf32>
    %eq3A_239 = arith.constant 14 : i32
    %eq3A_240 = vector.broadcast %eq3A_239 : i32 to vector<2000xi32>
    %eq3A_241 = arith.cmpi eq, %reduce_min3A_55, %eq3A_240 : vector<2000xi32>
    %broadcast_in_dim3A_242 = vector.shape_cast %eq3A_241 : vector<2000xi1> to vector<2000x1xi1>
    %slice3A_243 = vector.extract_strided_slice %slice3A {offsets = [14, 0], sizes = [1, 128], strides = [1, 1]} : vector<16x128xf32> to vector<1x128xf32>
    %jit3A_244 = arith.constant 0.000000e+00 : f32
    %broadcast_in_dim3A_245 = vector.shape_cast %broadcast_in_dim3A_242 : vector<2000x1xi1> to vector<2000x1xi1>
    %broadcast_in_dim3A_246 = vector.broadcast %broadcast_in_dim3A_245 : vector<2000x1xi1> to vector<2000x128xi1>
    %broadcast_in_dim3A_247 = vector.shape_cast %slice3A_243 : vector<1x128xf32> to vector<1x128xf32>
    %broadcast_in_dim3A_248 = vector.broadcast %broadcast_in_dim3A_247 : vector<1x128xf32> to vector<2000x128xf32>
    %broadcast_in_dim3A_249 = vector.broadcast %jit3A_244 : f32 to vector<2000x128xf32>
    %select_n3A_250 = arith.select %broadcast_in_dim3A_246, %broadcast_in_dim3A_248, %broadcast_in_dim3A_249 : vector<2000x128xi1>, vector<2000x128xf32>
    %add3A_251 = arith.addf %add3A_238, %select_n3A_250 : vector<2000x128xf32>
    %eq3A_252 = arith.constant 15 : i32
    %eq3A_253 = vector.broadcast %eq3A_252 : i32 to vector<2000xi32>
    %eq3A_254 = arith.cmpi eq, %reduce_min3A_55, %eq3A_253 : vector<2000xi32>
    %broadcast_in_dim3A_255 = vector.shape_cast %eq3A_254 : vector<2000xi1> to vector<2000x1xi1>
    %slice3A_256 = vector.extract_strided_slice %slice3A {offsets = [15, 0], sizes = [1, 128], strides = [1, 1]} : vector<16x128xf32> to vector<1x128xf32>
    %jit3A_257 = arith.constant 0.000000e+00 : f32
    %broadcast_in_dim3A_258 = vector.shape_cast %broadcast_in_dim3A_255 : vector<2000x1xi1> to vector<2000x1xi1>
    %broadcast_in_dim3A_259 = vector.broadcast %broadcast_in_dim3A_258 : vector<2000x1xi1> to vector<2000x128xi1>
    %broadcast_in_dim3A_260 = vector.shape_cast %slice3A_256 : vector<1x128xf32> to vector<1x128xf32>
    %broadcast_in_dim3A_261 = vector.broadcast %broadcast_in_dim3A_260 : vector<1x128xf32> to vector<2000x128xf32>
    %broadcast_in_dim3A_262 = vector.broadcast %jit3A_257 : f32 to vector<2000x128xf32>
    %select_n3A_263 = arith.select %broadcast_in_dim3A_259, %broadcast_in_dim3A_261, %broadcast_in_dim3A_262 : vector<2000x128xi1>, vector<2000x128xf32>
    %add3A_264 = arith.addf %add3A_251, %select_n3A_263 : vector<2000x128xf32>
    %sub3A_265 = arith.subf %max3A_30, %add3A_264 : vector<2000x128xf32>
    %slice3A_266 = vector.extract_strided_slice %get3A_35 {offsets = [16, 0], sizes = [16, 128], strides = [1, 1]} : vector<48x128xf32> to vector<16x128xf32>
    %mul3A_267 = arith.mulf %sub3A_265, %sub3A_265 : vector<2000x128xf32>
    %reduce_sum3A_268 = arith.constant dense<0.000000e+00> : vector<2000xf32>
    %reduce_sum3A_269 = vector.multi_reduction <add>, %mul3A_267, %reduce_sum3A_268 [1] : vector<2000x128xf32> to vector<2000xf32>
    %broadcast_in_dim3A_270 = vector.shape_cast %reduce_sum3A_269 : vector<2000xf32> to vector<2000x1xf32>
    %transpose3A_271 = tpu.transpose %slice3A_266, [1, 0] : vector<16x128xf32> -> vector<128x16xf32>
    %dot_general3A_272 = arith.constant dense<0.000000e+00> : vector<2000x16xf32>
    %dot_general3A_273 = tpu.matmul %sub3A_265, %transpose3A_271, %dot_general3A_272 {dimension_numbers = #tpu.dot_dimension_numbers<[1], [0], [0], [1], [0, 0, 1, 1], [], []>, transpose_lhs_hint = false} : vector<2000x128xf32>, vector<128x16xf32>, vector<2000x16xf32> -> vector<2000x16xf32>
    %mul3A_274 = arith.constant 2.000000e+00 : f32
    %mul3A_275 = vector.broadcast %mul3A_274 : f32 to vector<2000x16xf32>
    %mul3A_276 = arith.mulf %mul3A_275, %dot_general3A_273 : vector<2000x16xf32>
    %sub3A_277 = vector.broadcast %broadcast_in_dim3A_270 : vector<2000x1xf32> to vector<2000x16xf32>
    %sub3A_278 = arith.subf %sub3A_277, %mul3A_276 : vector<2000x16xf32>
    %mul3A_279 = arith.mulf %slice3A_266, %slice3A_266 : vector<16x128xf32>
    %reduce_sum3A_280 = arith.constant dense<0.000000e+00> : vector<16xf32>
    %reduce_sum3A_281 = vector.multi_reduction <add>, %mul3A_279, %reduce_sum3A_280 [1] : vector<16x128xf32> to vector<16xf32>
    %broadcast_in_dim3A_282 = vector.shape_cast %reduce_sum3A_281 : vector<16xf32> to vector<1x16xf32>
    %add3A_283 = vector.broadcast %broadcast_in_dim3A_282 : vector<1x16xf32> to vector<2000x16xf32>
    %add3A_284 = arith.addf %sub3A_278, %add3A_283 : vector<2000x16xf32>
    %reduce_min3A_285 = arith.constant dense<0x7F800000> : vector<2000xf32>
    %reduce_min3A_286 = vector.multi_reduction <minimumf>, %add3A_284, %reduce_min3A_285 [1] : vector<2000x16xf32> to vector<2000xf32>
    %broadcast_in_dim3A_287 = vector.shape_cast %reduce_min3A_286 : vector<2000xf32> to vector<2000x1xf32>
    %le3A_288 = vector.broadcast %broadcast_in_dim3A_287 : vector<2000x1xf32> to vector<2000x16xf32>
    %le3A_289 = arith.cmpf ole, %add3A_284, %le3A_288 : vector<2000x16xf32>
    %jit3A_290 = arith.constant 16 : i32
    %broadcast_in_dim3A_291 = vector.broadcast %jit3A_290 : i32 to vector<2000x16xi32>
    %select_n3A_292 = arith.select %le3A_289, %iota3A, %broadcast_in_dim3A_291 : vector<2000x16xi1>, vector<2000x16xi32>
    %reduce_min3A_293 = arith.constant dense<2147483647> : vector<2000xi32>
    %reduce_min3A_294 = vector.multi_reduction <minsi>, %select_n3A_292, %reduce_min3A_293 [1] : vector<2000x16xi32> to vector<2000xi32>
    %broadcast_in_dim3A_295 = arith.constant 0.000000e+00 : f32
    %broadcast_in_dim3A_296 = vector.broadcast %broadcast_in_dim3A_295 : f32 to vector<2000x128xf32>
    %eq3A_297 = arith.constant 0 : i32
    %eq3A_298 = vector.broadcast %eq3A_297 : i32 to vector<2000xi32>
    %eq3A_299 = arith.cmpi eq, %reduce_min3A_294, %eq3A_298 : vector<2000xi32>
    %broadcast_in_dim3A_300 = vector.shape_cast %eq3A_299 : vector<2000xi1> to vector<2000x1xi1>
    %slice3A_301 = vector.extract_strided_slice %slice3A_266 {offsets = [0, 0], sizes = [1, 128], strides = [1, 1]} : vector<16x128xf32> to vector<1x128xf32>
    %jit3A_302 = arith.constant 0.000000e+00 : f32
    %broadcast_in_dim3A_303 = vector.shape_cast %broadcast_in_dim3A_300 : vector<2000x1xi1> to vector<2000x1xi1>
    %broadcast_in_dim3A_304 = vector.broadcast %broadcast_in_dim3A_303 : vector<2000x1xi1> to vector<2000x128xi1>
    %broadcast_in_dim3A_305 = vector.shape_cast %slice3A_301 : vector<1x128xf32> to vector<1x128xf32>
    %broadcast_in_dim3A_306 = vector.broadcast %broadcast_in_dim3A_305 : vector<1x128xf32> to vector<2000x128xf32>
    %broadcast_in_dim3A_307 = vector.broadcast %jit3A_302 : f32 to vector<2000x128xf32>
    %select_n3A_308 = arith.select %broadcast_in_dim3A_304, %broadcast_in_dim3A_306, %broadcast_in_dim3A_307 : vector<2000x128xi1>, vector<2000x128xf32>
    %add3A_309 = arith.addf %broadcast_in_dim3A_296, %select_n3A_308 : vector<2000x128xf32>
    %eq3A_310 = arith.constant 1 : i32
    %eq3A_311 = vector.broadcast %eq3A_310 : i32 to vector<2000xi32>
    %eq3A_312 = arith.cmpi eq, %reduce_min3A_294, %eq3A_311 : vector<2000xi32>
    %broadcast_in_dim3A_313 = vector.shape_cast %eq3A_312 : vector<2000xi1> to vector<2000x1xi1>
    %slice3A_314 = vector.extract_strided_slice %slice3A_266 {offsets = [1, 0], sizes = [1, 128], strides = [1, 1]} : vector<16x128xf32> to vector<1x128xf32>
    %jit3A_315 = arith.constant 0.000000e+00 : f32
    %broadcast_in_dim3A_316 = vector.shape_cast %broadcast_in_dim3A_313 : vector<2000x1xi1> to vector<2000x1xi1>
    %broadcast_in_dim3A_317 = vector.broadcast %broadcast_in_dim3A_316 : vector<2000x1xi1> to vector<2000x128xi1>
    %broadcast_in_dim3A_318 = vector.shape_cast %slice3A_314 : vector<1x128xf32> to vector<1x128xf32>
    %broadcast_in_dim3A_319 = vector.broadcast %broadcast_in_dim3A_318 : vector<1x128xf32> to vector<2000x128xf32>
    %broadcast_in_dim3A_320 = vector.broadcast %jit3A_315 : f32 to vector<2000x128xf32>
    %select_n3A_321 = arith.select %broadcast_in_dim3A_317, %broadcast_in_dim3A_319, %broadcast_in_dim3A_320 : vector<2000x128xi1>, vector<2000x128xf32>
    %add3A_322 = arith.addf %add3A_309, %select_n3A_321 : vector<2000x128xf32>
    %eq3A_323 = arith.constant 2 : i32
    %eq3A_324 = vector.broadcast %eq3A_323 : i32 to vector<2000xi32>
    %eq3A_325 = arith.cmpi eq, %reduce_min3A_294, %eq3A_324 : vector<2000xi32>
    %broadcast_in_dim3A_326 = vector.shape_cast %eq3A_325 : vector<2000xi1> to vector<2000x1xi1>
    %slice3A_327 = vector.extract_strided_slice %slice3A_266 {offsets = [2, 0], sizes = [1, 128], strides = [1, 1]} : vector<16x128xf32> to vector<1x128xf32>
    %jit3A_328 = arith.constant 0.000000e+00 : f32
    %broadcast_in_dim3A_329 = vector.shape_cast %broadcast_in_dim3A_326 : vector<2000x1xi1> to vector<2000x1xi1>
    %broadcast_in_dim3A_330 = vector.broadcast %broadcast_in_dim3A_329 : vector<2000x1xi1> to vector<2000x128xi1>
    %broadcast_in_dim3A_331 = vector.shape_cast %slice3A_327 : vector<1x128xf32> to vector<1x128xf32>
    %broadcast_in_dim3A_332 = vector.broadcast %broadcast_in_dim3A_331 : vector<1x128xf32> to vector<2000x128xf32>
    %broadcast_in_dim3A_333 = vector.broadcast %jit3A_328 : f32 to vector<2000x128xf32>
    %select_n3A_334 = arith.select %broadcast_in_dim3A_330, %broadcast_in_dim3A_332, %broadcast_in_dim3A_333 : vector<2000x128xi1>, vector<2000x128xf32>
    %add3A_335 = arith.addf %add3A_322, %select_n3A_334 : vector<2000x128xf32>
    %eq3A_336 = arith.constant 3 : i32
    %eq3A_337 = vector.broadcast %eq3A_336 : i32 to vector<2000xi32>
    %eq3A_338 = arith.cmpi eq, %reduce_min3A_294, %eq3A_337 : vector<2000xi32>
    %broadcast_in_dim3A_339 = vector.shape_cast %eq3A_338 : vector<2000xi1> to vector<2000x1xi1>
    %slice3A_340 = vector.extract_strided_slice %slice3A_266 {offsets = [3, 0], sizes = [1, 128], strides = [1, 1]} : vector<16x128xf32> to vector<1x128xf32>
    %jit3A_341 = arith.constant 0.000000e+00 : f32
    %broadcast_in_dim3A_342 = vector.shape_cast %broadcast_in_dim3A_339 : vector<2000x1xi1> to vector<2000x1xi1>
    %broadcast_in_dim3A_343 = vector.broadcast %broadcast_in_dim3A_342 : vector<2000x1xi1> to vector<2000x128xi1>
    %broadcast_in_dim3A_344 = vector.shape_cast %slice3A_340 : vector<1x128xf32> to vector<1x128xf32>
    %broadcast_in_dim3A_345 = vector.broadcast %broadcast_in_dim3A_344 : vector<1x128xf32> to vector<2000x128xf32>
    %broadcast_in_dim3A_346 = vector.broadcast %jit3A_341 : f32 to vector<2000x128xf32>
    %select_n3A_347 = arith.select %broadcast_in_dim3A_343, %broadcast_in_dim3A_345, %broadcast_in_dim3A_346 : vector<2000x128xi1>, vector<2000x128xf32>
    %add3A_348 = arith.addf %add3A_335, %select_n3A_347 : vector<2000x128xf32>
    %eq3A_349 = arith.constant 4 : i32
    %eq3A_350 = vector.broadcast %eq3A_349 : i32 to vector<2000xi32>
    %eq3A_351 = arith.cmpi eq, %reduce_min3A_294, %eq3A_350 : vector<2000xi32>
    %broadcast_in_dim3A_352 = vector.shape_cast %eq3A_351 : vector<2000xi1> to vector<2000x1xi1>
    %slice3A_353 = vector.extract_strided_slice %slice3A_266 {offsets = [4, 0], sizes = [1, 128], strides = [1, 1]} : vector<16x128xf32> to vector<1x128xf32>
    %jit3A_354 = arith.constant 0.000000e+00 : f32
    %broadcast_in_dim3A_355 = vector.shape_cast %broadcast_in_dim3A_352 : vector<2000x1xi1> to vector<2000x1xi1>
    %broadcast_in_dim3A_356 = vector.broadcast %broadcast_in_dim3A_355 : vector<2000x1xi1> to vector<2000x128xi1>
    %broadcast_in_dim3A_357 = vector.shape_cast %slice3A_353 : vector<1x128xf32> to vector<1x128xf32>
    %broadcast_in_dim3A_358 = vector.broadcast %broadcast_in_dim3A_357 : vector<1x128xf32> to vector<2000x128xf32>
    %broadcast_in_dim3A_359 = vector.broadcast %jit3A_354 : f32 to vector<2000x128xf32>
    %select_n3A_360 = arith.select %broadcast_in_dim3A_356, %broadcast_in_dim3A_358, %broadcast_in_dim3A_359 : vector<2000x128xi1>, vector<2000x128xf32>
    %add3A_361 = arith.addf %add3A_348, %select_n3A_360 : vector<2000x128xf32>
    %eq3A_362 = arith.constant 5 : i32
    %eq3A_363 = vector.broadcast %eq3A_362 : i32 to vector<2000xi32>
    %eq3A_364 = arith.cmpi eq, %reduce_min3A_294, %eq3A_363 : vector<2000xi32>
    %broadcast_in_dim3A_365 = vector.shape_cast %eq3A_364 : vector<2000xi1> to vector<2000x1xi1>
    %slice3A_366 = vector.extract_strided_slice %slice3A_266 {offsets = [5, 0], sizes = [1, 128], strides = [1, 1]} : vector<16x128xf32> to vector<1x128xf32>
    %jit3A_367 = arith.constant 0.000000e+00 : f32
    %broadcast_in_dim3A_368 = vector.shape_cast %broadcast_in_dim3A_365 : vector<2000x1xi1> to vector<2000x1xi1>
    %broadcast_in_dim3A_369 = vector.broadcast %broadcast_in_dim3A_368 : vector<2000x1xi1> to vector<2000x128xi1>
    %broadcast_in_dim3A_370 = vector.shape_cast %slice3A_366 : vector<1x128xf32> to vector<1x128xf32>
    %broadcast_in_dim3A_371 = vector.broadcast %broadcast_in_dim3A_370 : vector<1x128xf32> to vector<2000x128xf32>
    %broadcast_in_dim3A_372 = vector.broadcast %jit3A_367 : f32 to vector<2000x128xf32>
    %select_n3A_373 = arith.select %broadcast_in_dim3A_369, %broadcast_in_dim3A_371, %broadcast_in_dim3A_372 : vector<2000x128xi1>, vector<2000x128xf32>
    %add3A_374 = arith.addf %add3A_361, %select_n3A_373 : vector<2000x128xf32>
    %eq3A_375 = arith.constant 6 : i32
    %eq3A_376 = vector.broadcast %eq3A_375 : i32 to vector<2000xi32>
    %eq3A_377 = arith.cmpi eq, %reduce_min3A_294, %eq3A_376 : vector<2000xi32>
    %broadcast_in_dim3A_378 = vector.shape_cast %eq3A_377 : vector<2000xi1> to vector<2000x1xi1>
    %slice3A_379 = vector.extract_strided_slice %slice3A_266 {offsets = [6, 0], sizes = [1, 128], strides = [1, 1]} : vector<16x128xf32> to vector<1x128xf32>
    %jit3A_380 = arith.constant 0.000000e+00 : f32
    %broadcast_in_dim3A_381 = vector.shape_cast %broadcast_in_dim3A_378 : vector<2000x1xi1> to vector<2000x1xi1>
    %broadcast_in_dim3A_382 = vector.broadcast %broadcast_in_dim3A_381 : vector<2000x1xi1> to vector<2000x128xi1>
    %broadcast_in_dim3A_383 = vector.shape_cast %slice3A_379 : vector<1x128xf32> to vector<1x128xf32>
    %broadcast_in_dim3A_384 = vector.broadcast %broadcast_in_dim3A_383 : vector<1x128xf32> to vector<2000x128xf32>
    %broadcast_in_dim3A_385 = vector.broadcast %jit3A_380 : f32 to vector<2000x128xf32>
    %select_n3A_386 = arith.select %broadcast_in_dim3A_382, %broadcast_in_dim3A_384, %broadcast_in_dim3A_385 : vector<2000x128xi1>, vector<2000x128xf32>
    %add3A_387 = arith.addf %add3A_374, %select_n3A_386 : vector<2000x128xf32>
    %eq3A_388 = arith.constant 7 : i32
    %eq3A_389 = vector.broadcast %eq3A_388 : i32 to vector<2000xi32>
    %eq3A_390 = arith.cmpi eq, %reduce_min3A_294, %eq3A_389 : vector<2000xi32>
    %broadcast_in_dim3A_391 = vector.shape_cast %eq3A_390 : vector<2000xi1> to vector<2000x1xi1>
    %slice3A_392 = vector.extract_strided_slice %slice3A_266 {offsets = [7, 0], sizes = [1, 128], strides = [1, 1]} : vector<16x128xf32> to vector<1x128xf32>
    %jit3A_393 = arith.constant 0.000000e+00 : f32
    %broadcast_in_dim3A_394 = vector.shape_cast %broadcast_in_dim3A_391 : vector<2000x1xi1> to vector<2000x1xi1>
    %broadcast_in_dim3A_395 = vector.broadcast %broadcast_in_dim3A_394 : vector<2000x1xi1> to vector<2000x128xi1>
    %broadcast_in_dim3A_396 = vector.shape_cast %slice3A_392 : vector<1x128xf32> to vector<1x128xf32>
    %broadcast_in_dim3A_397 = vector.broadcast %broadcast_in_dim3A_396 : vector<1x128xf32> to vector<2000x128xf32>
    %broadcast_in_dim3A_398 = vector.broadcast %jit3A_393 : f32 to vector<2000x128xf32>
    %select_n3A_399 = arith.select %broadcast_in_dim3A_395, %broadcast_in_dim3A_397, %broadcast_in_dim3A_398 : vector<2000x128xi1>, vector<2000x128xf32>
    %add3A_400 = arith.addf %add3A_387, %select_n3A_399 : vector<2000x128xf32>
    %eq3A_401 = arith.constant 8 : i32
    %eq3A_402 = vector.broadcast %eq3A_401 : i32 to vector<2000xi32>
    %eq3A_403 = arith.cmpi eq, %reduce_min3A_294, %eq3A_402 : vector<2000xi32>
    %broadcast_in_dim3A_404 = vector.shape_cast %eq3A_403 : vector<2000xi1> to vector<2000x1xi1>
    %slice3A_405 = vector.extract_strided_slice %slice3A_266 {offsets = [8, 0], sizes = [1, 128], strides = [1, 1]} : vector<16x128xf32> to vector<1x128xf32>
    %jit3A_406 = arith.constant 0.000000e+00 : f32
    %broadcast_in_dim3A_407 = vector.shape_cast %broadcast_in_dim3A_404 : vector<2000x1xi1> to vector<2000x1xi1>
    %broadcast_in_dim3A_408 = vector.broadcast %broadcast_in_dim3A_407 : vector<2000x1xi1> to vector<2000x128xi1>
    %broadcast_in_dim3A_409 = vector.shape_cast %slice3A_405 : vector<1x128xf32> to vector<1x128xf32>
    %broadcast_in_dim3A_410 = vector.broadcast %broadcast_in_dim3A_409 : vector<1x128xf32> to vector<2000x128xf32>
    %broadcast_in_dim3A_411 = vector.broadcast %jit3A_406 : f32 to vector<2000x128xf32>
    %select_n3A_412 = arith.select %broadcast_in_dim3A_408, %broadcast_in_dim3A_410, %broadcast_in_dim3A_411 : vector<2000x128xi1>, vector<2000x128xf32>
    %add3A_413 = arith.addf %add3A_400, %select_n3A_412 : vector<2000x128xf32>
    %eq3A_414 = arith.constant 9 : i32
    %eq3A_415 = vector.broadcast %eq3A_414 : i32 to vector<2000xi32>
    %eq3A_416 = arith.cmpi eq, %reduce_min3A_294, %eq3A_415 : vector<2000xi32>
    %broadcast_in_dim3A_417 = vector.shape_cast %eq3A_416 : vector<2000xi1> to vector<2000x1xi1>
    %slice3A_418 = vector.extract_strided_slice %slice3A_266 {offsets = [9, 0], sizes = [1, 128], strides = [1, 1]} : vector<16x128xf32> to vector<1x128xf32>
    %jit3A_419 = arith.constant 0.000000e+00 : f32
    %broadcast_in_dim3A_420 = vector.shape_cast %broadcast_in_dim3A_417 : vector<2000x1xi1> to vector<2000x1xi1>
    %broadcast_in_dim3A_421 = vector.broadcast %broadcast_in_dim3A_420 : vector<2000x1xi1> to vector<2000x128xi1>
    %broadcast_in_dim3A_422 = vector.shape_cast %slice3A_418 : vector<1x128xf32> to vector<1x128xf32>
    %broadcast_in_dim3A_423 = vector.broadcast %broadcast_in_dim3A_422 : vector<1x128xf32> to vector<2000x128xf32>
    %broadcast_in_dim3A_424 = vector.broadcast %jit3A_419 : f32 to vector<2000x128xf32>
    %select_n3A_425 = arith.select %broadcast_in_dim3A_421, %broadcast_in_dim3A_423, %broadcast_in_dim3A_424 : vector<2000x128xi1>, vector<2000x128xf32>
    %add3A_426 = arith.addf %add3A_413, %select_n3A_425 : vector<2000x128xf32>
    %eq3A_427 = arith.constant 10 : i32
    %eq3A_428 = vector.broadcast %eq3A_427 : i32 to vector<2000xi32>
    %eq3A_429 = arith.cmpi eq, %reduce_min3A_294, %eq3A_428 : vector<2000xi32>
    %broadcast_in_dim3A_430 = vector.shape_cast %eq3A_429 : vector<2000xi1> to vector<2000x1xi1>
    %slice3A_431 = vector.extract_strided_slice %slice3A_266 {offsets = [10, 0], sizes = [1, 128], strides = [1, 1]} : vector<16x128xf32> to vector<1x128xf32>
    %jit3A_432 = arith.constant 0.000000e+00 : f32
    %broadcast_in_dim3A_433 = vector.shape_cast %broadcast_in_dim3A_430 : vector<2000x1xi1> to vector<2000x1xi1>
    %broadcast_in_dim3A_434 = vector.broadcast %broadcast_in_dim3A_433 : vector<2000x1xi1> to vector<2000x128xi1>
    %broadcast_in_dim3A_435 = vector.shape_cast %slice3A_431 : vector<1x128xf32> to vector<1x128xf32>
    %broadcast_in_dim3A_436 = vector.broadcast %broadcast_in_dim3A_435 : vector<1x128xf32> to vector<2000x128xf32>
    %broadcast_in_dim3A_437 = vector.broadcast %jit3A_432 : f32 to vector<2000x128xf32>
    %select_n3A_438 = arith.select %broadcast_in_dim3A_434, %broadcast_in_dim3A_436, %broadcast_in_dim3A_437 : vector<2000x128xi1>, vector<2000x128xf32>
    %add3A_439 = arith.addf %add3A_426, %select_n3A_438 : vector<2000x128xf32>
    %eq3A_440 = arith.constant 11 : i32
    %eq3A_441 = vector.broadcast %eq3A_440 : i32 to vector<2000xi32>
    %eq3A_442 = arith.cmpi eq, %reduce_min3A_294, %eq3A_441 : vector<2000xi32>
    %broadcast_in_dim3A_443 = vector.shape_cast %eq3A_442 : vector<2000xi1> to vector<2000x1xi1>
    %slice3A_444 = vector.extract_strided_slice %slice3A_266 {offsets = [11, 0], sizes = [1, 128], strides = [1, 1]} : vector<16x128xf32> to vector<1x128xf32>
    %jit3A_445 = arith.constant 0.000000e+00 : f32
    %broadcast_in_dim3A_446 = vector.shape_cast %broadcast_in_dim3A_443 : vector<2000x1xi1> to vector<2000x1xi1>
    %broadcast_in_dim3A_447 = vector.broadcast %broadcast_in_dim3A_446 : vector<2000x1xi1> to vector<2000x128xi1>
    %broadcast_in_dim3A_448 = vector.shape_cast %slice3A_444 : vector<1x128xf32> to vector<1x128xf32>
    %broadcast_in_dim3A_449 = vector.broadcast %broadcast_in_dim3A_448 : vector<1x128xf32> to vector<2000x128xf32>
    %broadcast_in_dim3A_450 = vector.broadcast %jit3A_445 : f32 to vector<2000x128xf32>
    %select_n3A_451 = arith.select %broadcast_in_dim3A_447, %broadcast_in_dim3A_449, %broadcast_in_dim3A_450 : vector<2000x128xi1>, vector<2000x128xf32>
    %add3A_452 = arith.addf %add3A_439, %select_n3A_451 : vector<2000x128xf32>
    %eq3A_453 = arith.constant 12 : i32
    %eq3A_454 = vector.broadcast %eq3A_453 : i32 to vector<2000xi32>
    %eq3A_455 = arith.cmpi eq, %reduce_min3A_294, %eq3A_454 : vector<2000xi32>
    %broadcast_in_dim3A_456 = vector.shape_cast %eq3A_455 : vector<2000xi1> to vector<2000x1xi1>
    %slice3A_457 = vector.extract_strided_slice %slice3A_266 {offsets = [12, 0], sizes = [1, 128], strides = [1, 1]} : vector<16x128xf32> to vector<1x128xf32>
    %jit3A_458 = arith.constant 0.000000e+00 : f32
    %broadcast_in_dim3A_459 = vector.shape_cast %broadcast_in_dim3A_456 : vector<2000x1xi1> to vector<2000x1xi1>
    %broadcast_in_dim3A_460 = vector.broadcast %broadcast_in_dim3A_459 : vector<2000x1xi1> to vector<2000x128xi1>
    %broadcast_in_dim3A_461 = vector.shape_cast %slice3A_457 : vector<1x128xf32> to vector<1x128xf32>
    %broadcast_in_dim3A_462 = vector.broadcast %broadcast_in_dim3A_461 : vector<1x128xf32> to vector<2000x128xf32>
    %broadcast_in_dim3A_463 = vector.broadcast %jit3A_458 : f32 to vector<2000x128xf32>
    %select_n3A_464 = arith.select %broadcast_in_dim3A_460, %broadcast_in_dim3A_462, %broadcast_in_dim3A_463 : vector<2000x128xi1>, vector<2000x128xf32>
    %add3A_465 = arith.addf %add3A_452, %select_n3A_464 : vector<2000x128xf32>
    %eq3A_466 = arith.constant 13 : i32
    %eq3A_467 = vector.broadcast %eq3A_466 : i32 to vector<2000xi32>
    %eq3A_468 = arith.cmpi eq, %reduce_min3A_294, %eq3A_467 : vector<2000xi32>
    %broadcast_in_dim3A_469 = vector.shape_cast %eq3A_468 : vector<2000xi1> to vector<2000x1xi1>
    %slice3A_470 = vector.extract_strided_slice %slice3A_266 {offsets = [13, 0], sizes = [1, 128], strides = [1, 1]} : vector<16x128xf32> to vector<1x128xf32>
    %jit3A_471 = arith.constant 0.000000e+00 : f32
    %broadcast_in_dim3A_472 = vector.shape_cast %broadcast_in_dim3A_469 : vector<2000x1xi1> to vector<2000x1xi1>
    %broadcast_in_dim3A_473 = vector.broadcast %broadcast_in_dim3A_472 : vector<2000x1xi1> to vector<2000x128xi1>
    %broadcast_in_dim3A_474 = vector.shape_cast %slice3A_470 : vector<1x128xf32> to vector<1x128xf32>
    %broadcast_in_dim3A_475 = vector.broadcast %broadcast_in_dim3A_474 : vector<1x128xf32> to vector<2000x128xf32>
    %broadcast_in_dim3A_476 = vector.broadcast %jit3A_471 : f32 to vector<2000x128xf32>
    %select_n3A_477 = arith.select %broadcast_in_dim3A_473, %broadcast_in_dim3A_475, %broadcast_in_dim3A_476 : vector<2000x128xi1>, vector<2000x128xf32>
    %add3A_478 = arith.addf %add3A_465, %select_n3A_477 : vector<2000x128xf32>
    %eq3A_479 = arith.constant 14 : i32
    %eq3A_480 = vector.broadcast %eq3A_479 : i32 to vector<2000xi32>
    %eq3A_481 = arith.cmpi eq, %reduce_min3A_294, %eq3A_480 : vector<2000xi32>
    %broadcast_in_dim3A_482 = vector.shape_cast %eq3A_481 : vector<2000xi1> to vector<2000x1xi1>
    %slice3A_483 = vector.extract_strided_slice %slice3A_266 {offsets = [14, 0], sizes = [1, 128], strides = [1, 1]} : vector<16x128xf32> to vector<1x128xf32>
    %jit3A_484 = arith.constant 0.000000e+00 : f32
    %broadcast_in_dim3A_485 = vector.shape_cast %broadcast_in_dim3A_482 : vector<2000x1xi1> to vector<2000x1xi1>
    %broadcast_in_dim3A_486 = vector.broadcast %broadcast_in_dim3A_485 : vector<2000x1xi1> to vector<2000x128xi1>
    %broadcast_in_dim3A_487 = vector.shape_cast %slice3A_483 : vector<1x128xf32> to vector<1x128xf32>
    %broadcast_in_dim3A_488 = vector.broadcast %broadcast_in_dim3A_487 : vector<1x128xf32> to vector<2000x128xf32>
    %broadcast_in_dim3A_489 = vector.broadcast %jit3A_484 : f32 to vector<2000x128xf32>
    %select_n3A_490 = arith.select %broadcast_in_dim3A_486, %broadcast_in_dim3A_488, %broadcast_in_dim3A_489 : vector<2000x128xi1>, vector<2000x128xf32>
    %add3A_491 = arith.addf %add3A_478, %select_n3A_490 : vector<2000x128xf32>
    %eq3A_492 = arith.constant 15 : i32
    %eq3A_493 = vector.broadcast %eq3A_492 : i32 to vector<2000xi32>
    %eq3A_494 = arith.cmpi eq, %reduce_min3A_294, %eq3A_493 : vector<2000xi32>
    %broadcast_in_dim3A_495 = vector.shape_cast %eq3A_494 : vector<2000xi1> to vector<2000x1xi1>
    %slice3A_496 = vector.extract_strided_slice %slice3A_266 {offsets = [15, 0], sizes = [1, 128], strides = [1, 1]} : vector<16x128xf32> to vector<1x128xf32>
    %jit3A_497 = arith.constant 0.000000e+00 : f32
    %broadcast_in_dim3A_498 = vector.shape_cast %broadcast_in_dim3A_495 : vector<2000x1xi1> to vector<2000x1xi1>
    %broadcast_in_dim3A_499 = vector.broadcast %broadcast_in_dim3A_498 : vector<2000x1xi1> to vector<2000x128xi1>
    %broadcast_in_dim3A_500 = vector.shape_cast %slice3A_496 : vector<1x128xf32> to vector<1x128xf32>
    %broadcast_in_dim3A_501 = vector.broadcast %broadcast_in_dim3A_500 : vector<1x128xf32> to vector<2000x128xf32>
    %broadcast_in_dim3A_502 = vector.broadcast %jit3A_497 : f32 to vector<2000x128xf32>
    %select_n3A_503 = arith.select %broadcast_in_dim3A_499, %broadcast_in_dim3A_501, %broadcast_in_dim3A_502 : vector<2000x128xi1>, vector<2000x128xf32>
    %add3A_504 = arith.addf %add3A_491, %select_n3A_503 : vector<2000x128xf32>
    %sub3A_505 = arith.subf %sub3A_265, %add3A_504 : vector<2000x128xf32>
    %slice3A_506 = vector.extract_strided_slice %get3A_35 {offsets = [32, 0], sizes = [16, 128], strides = [1, 1]} : vector<48x128xf32> to vector<16x128xf32>
    %mul3A_507 = arith.mulf %sub3A_505, %sub3A_505 : vector<2000x128xf32>
    %reduce_sum3A_508 = arith.constant dense<0.000000e+00> : vector<2000xf32>
    %reduce_sum3A_509 = vector.multi_reduction <add>, %mul3A_507, %reduce_sum3A_508 [1] : vector<2000x128xf32> to vector<2000xf32>
    %broadcast_in_dim3A_510 = vector.shape_cast %reduce_sum3A_509 : vector<2000xf32> to vector<2000x1xf32>
    %transpose3A_511 = tpu.transpose %slice3A_506, [1, 0] : vector<16x128xf32> -> vector<128x16xf32>
    %dot_general3A_512 = arith.constant dense<0.000000e+00> : vector<2000x16xf32>
    %dot_general3A_513 = tpu.matmul %sub3A_505, %transpose3A_511, %dot_general3A_512 {dimension_numbers = #tpu.dot_dimension_numbers<[1], [0], [0], [1], [0, 0, 1, 1], [], []>, transpose_lhs_hint = false} : vector<2000x128xf32>, vector<128x16xf32>, vector<2000x16xf32> -> vector<2000x16xf32>
    %mul3A_514 = arith.constant 2.000000e+00 : f32
    %mul3A_515 = vector.broadcast %mul3A_514 : f32 to vector<2000x16xf32>
    %mul3A_516 = arith.mulf %mul3A_515, %dot_general3A_513 : vector<2000x16xf32>
    %sub3A_517 = vector.broadcast %broadcast_in_dim3A_510 : vector<2000x1xf32> to vector<2000x16xf32>
    %sub3A_518 = arith.subf %sub3A_517, %mul3A_516 : vector<2000x16xf32>
    %mul3A_519 = arith.mulf %slice3A_506, %slice3A_506 : vector<16x128xf32>
    %reduce_sum3A_520 = arith.constant dense<0.000000e+00> : vector<16xf32>
    %reduce_sum3A_521 = vector.multi_reduction <add>, %mul3A_519, %reduce_sum3A_520 [1] : vector<16x128xf32> to vector<16xf32>
    %broadcast_in_dim3A_522 = vector.shape_cast %reduce_sum3A_521 : vector<16xf32> to vector<1x16xf32>
    %add3A_523 = vector.broadcast %broadcast_in_dim3A_522 : vector<1x16xf32> to vector<2000x16xf32>
    %add3A_524 = arith.addf %sub3A_518, %add3A_523 : vector<2000x16xf32>
    %reduce_min3A_525 = arith.constant dense<0x7F800000> : vector<2000xf32>
    %reduce_min3A_526 = vector.multi_reduction <minimumf>, %add3A_524, %reduce_min3A_525 [1] : vector<2000x16xf32> to vector<2000xf32>
    %broadcast_in_dim3A_527 = vector.shape_cast %reduce_min3A_526 : vector<2000xf32> to vector<2000x1xf32>
    %le3A_528 = vector.broadcast %broadcast_in_dim3A_527 : vector<2000x1xf32> to vector<2000x16xf32>
    %le3A_529 = arith.cmpf ole, %add3A_524, %le3A_528 : vector<2000x16xf32>
    %jit3A_530 = arith.constant 16 : i32
    %broadcast_in_dim3A_531 = vector.broadcast %jit3A_530 : i32 to vector<2000x16xi32>
    %select_n3A_532 = arith.select %le3A_529, %iota3A, %broadcast_in_dim3A_531 : vector<2000x16xi1>, vector<2000x16xi32>
    %reduce_min3A_533 = arith.constant dense<2147483647> : vector<2000xi32>
    %reduce_min3A_534 = vector.multi_reduction <minsi>, %select_n3A_532, %reduce_min3A_533 [1] : vector<2000x16xi32> to vector<2000xi32>
    %broadcast_in_dim3A_535 = arith.constant 0.000000e+00 : f32
    %broadcast_in_dim3A_536 = vector.broadcast %broadcast_in_dim3A_535 : f32 to vector<2000x128xf32>
    %eq3A_537 = arith.constant 0 : i32
    %eq3A_538 = vector.broadcast %eq3A_537 : i32 to vector<2000xi32>
    %eq3A_539 = arith.cmpi eq, %reduce_min3A_534, %eq3A_538 : vector<2000xi32>
    %broadcast_in_dim3A_540 = vector.shape_cast %eq3A_539 : vector<2000xi1> to vector<2000x1xi1>
    %slice3A_541 = vector.extract_strided_slice %slice3A_506 {offsets = [0, 0], sizes = [1, 128], strides = [1, 1]} : vector<16x128xf32> to vector<1x128xf32>
    %jit3A_542 = arith.constant 0.000000e+00 : f32
    %broadcast_in_dim3A_543 = vector.shape_cast %broadcast_in_dim3A_540 : vector<2000x1xi1> to vector<2000x1xi1>
    %broadcast_in_dim3A_544 = vector.broadcast %broadcast_in_dim3A_543 : vector<2000x1xi1> to vector<2000x128xi1>
    %broadcast_in_dim3A_545 = vector.shape_cast %slice3A_541 : vector<1x128xf32> to vector<1x128xf32>
    %broadcast_in_dim3A_546 = vector.broadcast %broadcast_in_dim3A_545 : vector<1x128xf32> to vector<2000x128xf32>
    %broadcast_in_dim3A_547 = vector.broadcast %jit3A_542 : f32 to vector<2000x128xf32>
    %select_n3A_548 = arith.select %broadcast_in_dim3A_544, %broadcast_in_dim3A_546, %broadcast_in_dim3A_547 : vector<2000x128xi1>, vector<2000x128xf32>
    %add3A_549 = arith.addf %broadcast_in_dim3A_536, %select_n3A_548 : vector<2000x128xf32>
    %eq3A_550 = arith.constant 1 : i32
    %eq3A_551 = vector.broadcast %eq3A_550 : i32 to vector<2000xi32>
    %eq3A_552 = arith.cmpi eq, %reduce_min3A_534, %eq3A_551 : vector<2000xi32>
    %broadcast_in_dim3A_553 = vector.shape_cast %eq3A_552 : vector<2000xi1> to vector<2000x1xi1>
    %slice3A_554 = vector.extract_strided_slice %slice3A_506 {offsets = [1, 0], sizes = [1, 128], strides = [1, 1]} : vector<16x128xf32> to vector<1x128xf32>
    %jit3A_555 = arith.constant 0.000000e+00 : f32
    %broadcast_in_dim3A_556 = vector.shape_cast %broadcast_in_dim3A_553 : vector<2000x1xi1> to vector<2000x1xi1>
    %broadcast_in_dim3A_557 = vector.broadcast %broadcast_in_dim3A_556 : vector<2000x1xi1> to vector<2000x128xi1>
    %broadcast_in_dim3A_558 = vector.shape_cast %slice3A_554 : vector<1x128xf32> to vector<1x128xf32>
    %broadcast_in_dim3A_559 = vector.broadcast %broadcast_in_dim3A_558 : vector<1x128xf32> to vector<2000x128xf32>
    %broadcast_in_dim3A_560 = vector.broadcast %jit3A_555 : f32 to vector<2000x128xf32>
    %select_n3A_561 = arith.select %broadcast_in_dim3A_557, %broadcast_in_dim3A_559, %broadcast_in_dim3A_560 : vector<2000x128xi1>, vector<2000x128xf32>
    %add3A_562 = arith.addf %add3A_549, %select_n3A_561 : vector<2000x128xf32>
    %eq3A_563 = arith.constant 2 : i32
    %eq3A_564 = vector.broadcast %eq3A_563 : i32 to vector<2000xi32>
    %eq3A_565 = arith.cmpi eq, %reduce_min3A_534, %eq3A_564 : vector<2000xi32>
    %broadcast_in_dim3A_566 = vector.shape_cast %eq3A_565 : vector<2000xi1> to vector<2000x1xi1>
    %slice3A_567 = vector.extract_strided_slice %slice3A_506 {offsets = [2, 0], sizes = [1, 128], strides = [1, 1]} : vector<16x128xf32> to vector<1x128xf32>
    %jit3A_568 = arith.constant 0.000000e+00 : f32
    %broadcast_in_dim3A_569 = vector.shape_cast %broadcast_in_dim3A_566 : vector<2000x1xi1> to vector<2000x1xi1>
    %broadcast_in_dim3A_570 = vector.broadcast %broadcast_in_dim3A_569 : vector<2000x1xi1> to vector<2000x128xi1>
    %broadcast_in_dim3A_571 = vector.shape_cast %slice3A_567 : vector<1x128xf32> to vector<1x128xf32>
    %broadcast_in_dim3A_572 = vector.broadcast %broadcast_in_dim3A_571 : vector<1x128xf32> to vector<2000x128xf32>
    %broadcast_in_dim3A_573 = vector.broadcast %jit3A_568 : f32 to vector<2000x128xf32>
    %select_n3A_574 = arith.select %broadcast_in_dim3A_570, %broadcast_in_dim3A_572, %broadcast_in_dim3A_573 : vector<2000x128xi1>, vector<2000x128xf32>
    %add3A_575 = arith.addf %add3A_562, %select_n3A_574 : vector<2000x128xf32>
    %eq3A_576 = arith.constant 3 : i32
    %eq3A_577 = vector.broadcast %eq3A_576 : i32 to vector<2000xi32>
    %eq3A_578 = arith.cmpi eq, %reduce_min3A_534, %eq3A_577 : vector<2000xi32>
    %broadcast_in_dim3A_579 = vector.shape_cast %eq3A_578 : vector<2000xi1> to vector<2000x1xi1>
    %slice3A_580 = vector.extract_strided_slice %slice3A_506 {offsets = [3, 0], sizes = [1, 128], strides = [1, 1]} : vector<16x128xf32> to vector<1x128xf32>
    %jit3A_581 = arith.constant 0.000000e+00 : f32
    %broadcast_in_dim3A_582 = vector.shape_cast %broadcast_in_dim3A_579 : vector<2000x1xi1> to vector<2000x1xi1>
    %broadcast_in_dim3A_583 = vector.broadcast %broadcast_in_dim3A_582 : vector<2000x1xi1> to vector<2000x128xi1>
    %broadcast_in_dim3A_584 = vector.shape_cast %slice3A_580 : vector<1x128xf32> to vector<1x128xf32>
    %broadcast_in_dim3A_585 = vector.broadcast %broadcast_in_dim3A_584 : vector<1x128xf32> to vector<2000x128xf32>
    %broadcast_in_dim3A_586 = vector.broadcast %jit3A_581 : f32 to vector<2000x128xf32>
    %select_n3A_587 = arith.select %broadcast_in_dim3A_583, %broadcast_in_dim3A_585, %broadcast_in_dim3A_586 : vector<2000x128xi1>, vector<2000x128xf32>
    %add3A_588 = arith.addf %add3A_575, %select_n3A_587 : vector<2000x128xf32>
    %eq3A_589 = arith.constant 4 : i32
    %eq3A_590 = vector.broadcast %eq3A_589 : i32 to vector<2000xi32>
    %eq3A_591 = arith.cmpi eq, %reduce_min3A_534, %eq3A_590 : vector<2000xi32>
    %broadcast_in_dim3A_592 = vector.shape_cast %eq3A_591 : vector<2000xi1> to vector<2000x1xi1>
    %slice3A_593 = vector.extract_strided_slice %slice3A_506 {offsets = [4, 0], sizes = [1, 128], strides = [1, 1]} : vector<16x128xf32> to vector<1x128xf32>
    %jit3A_594 = arith.constant 0.000000e+00 : f32
    %broadcast_in_dim3A_595 = vector.shape_cast %broadcast_in_dim3A_592 : vector<2000x1xi1> to vector<2000x1xi1>
    %broadcast_in_dim3A_596 = vector.broadcast %broadcast_in_dim3A_595 : vector<2000x1xi1> to vector<2000x128xi1>
    %broadcast_in_dim3A_597 = vector.shape_cast %slice3A_593 : vector<1x128xf32> to vector<1x128xf32>
    %broadcast_in_dim3A_598 = vector.broadcast %broadcast_in_dim3A_597 : vector<1x128xf32> to vector<2000x128xf32>
    %broadcast_in_dim3A_599 = vector.broadcast %jit3A_594 : f32 to vector<2000x128xf32>
    %select_n3A_600 = arith.select %broadcast_in_dim3A_596, %broadcast_in_dim3A_598, %broadcast_in_dim3A_599 : vector<2000x128xi1>, vector<2000x128xf32>
    %add3A_601 = arith.addf %add3A_588, %select_n3A_600 : vector<2000x128xf32>
    %eq3A_602 = arith.constant 5 : i32
    %eq3A_603 = vector.broadcast %eq3A_602 : i32 to vector<2000xi32>
    %eq3A_604 = arith.cmpi eq, %reduce_min3A_534, %eq3A_603 : vector<2000xi32>
    %broadcast_in_dim3A_605 = vector.shape_cast %eq3A_604 : vector<2000xi1> to vector<2000x1xi1>
    %slice3A_606 = vector.extract_strided_slice %slice3A_506 {offsets = [5, 0], sizes = [1, 128], strides = [1, 1]} : vector<16x128xf32> to vector<1x128xf32>
    %jit3A_607 = arith.constant 0.000000e+00 : f32
    %broadcast_in_dim3A_608 = vector.shape_cast %broadcast_in_dim3A_605 : vector<2000x1xi1> to vector<2000x1xi1>
    %broadcast_in_dim3A_609 = vector.broadcast %broadcast_in_dim3A_608 : vector<2000x1xi1> to vector<2000x128xi1>
    %broadcast_in_dim3A_610 = vector.shape_cast %slice3A_606 : vector<1x128xf32> to vector<1x128xf32>
    %broadcast_in_dim3A_611 = vector.broadcast %broadcast_in_dim3A_610 : vector<1x128xf32> to vector<2000x128xf32>
    %broadcast_in_dim3A_612 = vector.broadcast %jit3A_607 : f32 to vector<2000x128xf32>
    %select_n3A_613 = arith.select %broadcast_in_dim3A_609, %broadcast_in_dim3A_611, %broadcast_in_dim3A_612 : vector<2000x128xi1>, vector<2000x128xf32>
    %add3A_614 = arith.addf %add3A_601, %select_n3A_613 : vector<2000x128xf32>
    %eq3A_615 = arith.constant 6 : i32
    %eq3A_616 = vector.broadcast %eq3A_615 : i32 to vector<2000xi32>
    %eq3A_617 = arith.cmpi eq, %reduce_min3A_534, %eq3A_616 : vector<2000xi32>
    %broadcast_in_dim3A_618 = vector.shape_cast %eq3A_617 : vector<2000xi1> to vector<2000x1xi1>
    %slice3A_619 = vector.extract_strided_slice %slice3A_506 {offsets = [6, 0], sizes = [1, 128], strides = [1, 1]} : vector<16x128xf32> to vector<1x128xf32>
    %jit3A_620 = arith.constant 0.000000e+00 : f32
    %broadcast_in_dim3A_621 = vector.shape_cast %broadcast_in_dim3A_618 : vector<2000x1xi1> to vector<2000x1xi1>
    %broadcast_in_dim3A_622 = vector.broadcast %broadcast_in_dim3A_621 : vector<2000x1xi1> to vector<2000x128xi1>
    %broadcast_in_dim3A_623 = vector.shape_cast %slice3A_619 : vector<1x128xf32> to vector<1x128xf32>
    %broadcast_in_dim3A_624 = vector.broadcast %broadcast_in_dim3A_623 : vector<1x128xf32> to vector<2000x128xf32>
    %broadcast_in_dim3A_625 = vector.broadcast %jit3A_620 : f32 to vector<2000x128xf32>
    %select_n3A_626 = arith.select %broadcast_in_dim3A_622, %broadcast_in_dim3A_624, %broadcast_in_dim3A_625 : vector<2000x128xi1>, vector<2000x128xf32>
    %add3A_627 = arith.addf %add3A_614, %select_n3A_626 : vector<2000x128xf32>
    %eq3A_628 = arith.constant 7 : i32
    %eq3A_629 = vector.broadcast %eq3A_628 : i32 to vector<2000xi32>
    %eq3A_630 = arith.cmpi eq, %reduce_min3A_534, %eq3A_629 : vector<2000xi32>
    %broadcast_in_dim3A_631 = vector.shape_cast %eq3A_630 : vector<2000xi1> to vector<2000x1xi1>
    %slice3A_632 = vector.extract_strided_slice %slice3A_506 {offsets = [7, 0], sizes = [1, 128], strides = [1, 1]} : vector<16x128xf32> to vector<1x128xf32>
    %jit3A_633 = arith.constant 0.000000e+00 : f32
    %broadcast_in_dim3A_634 = vector.shape_cast %broadcast_in_dim3A_631 : vector<2000x1xi1> to vector<2000x1xi1>
    %broadcast_in_dim3A_635 = vector.broadcast %broadcast_in_dim3A_634 : vector<2000x1xi1> to vector<2000x128xi1>
    %broadcast_in_dim3A_636 = vector.shape_cast %slice3A_632 : vector<1x128xf32> to vector<1x128xf32>
    %broadcast_in_dim3A_637 = vector.broadcast %broadcast_in_dim3A_636 : vector<1x128xf32> to vector<2000x128xf32>
    %broadcast_in_dim3A_638 = vector.broadcast %jit3A_633 : f32 to vector<2000x128xf32>
    %select_n3A_639 = arith.select %broadcast_in_dim3A_635, %broadcast_in_dim3A_637, %broadcast_in_dim3A_638 : vector<2000x128xi1>, vector<2000x128xf32>
    %add3A_640 = arith.addf %add3A_627, %select_n3A_639 : vector<2000x128xf32>
    %eq3A_641 = arith.constant 8 : i32
    %eq3A_642 = vector.broadcast %eq3A_641 : i32 to vector<2000xi32>
    %eq3A_643 = arith.cmpi eq, %reduce_min3A_534, %eq3A_642 : vector<2000xi32>
    %broadcast_in_dim3A_644 = vector.shape_cast %eq3A_643 : vector<2000xi1> to vector<2000x1xi1>
    %slice3A_645 = vector.extract_strided_slice %slice3A_506 {offsets = [8, 0], sizes = [1, 128], strides = [1, 1]} : vector<16x128xf32> to vector<1x128xf32>
    %jit3A_646 = arith.constant 0.000000e+00 : f32
    %broadcast_in_dim3A_647 = vector.shape_cast %broadcast_in_dim3A_644 : vector<2000x1xi1> to vector<2000x1xi1>
    %broadcast_in_dim3A_648 = vector.broadcast %broadcast_in_dim3A_647 : vector<2000x1xi1> to vector<2000x128xi1>
    %broadcast_in_dim3A_649 = vector.shape_cast %slice3A_645 : vector<1x128xf32> to vector<1x128xf32>
    %broadcast_in_dim3A_650 = vector.broadcast %broadcast_in_dim3A_649 : vector<1x128xf32> to vector<2000x128xf32>
    %broadcast_in_dim3A_651 = vector.broadcast %jit3A_646 : f32 to vector<2000x128xf32>
    %select_n3A_652 = arith.select %broadcast_in_dim3A_648, %broadcast_in_dim3A_650, %broadcast_in_dim3A_651 : vector<2000x128xi1>, vector<2000x128xf32>
    %add3A_653 = arith.addf %add3A_640, %select_n3A_652 : vector<2000x128xf32>
    %eq3A_654 = arith.constant 9 : i32
    %eq3A_655 = vector.broadcast %eq3A_654 : i32 to vector<2000xi32>
    %eq3A_656 = arith.cmpi eq, %reduce_min3A_534, %eq3A_655 : vector<2000xi32>
    %broadcast_in_dim3A_657 = vector.shape_cast %eq3A_656 : vector<2000xi1> to vector<2000x1xi1>
    %slice3A_658 = vector.extract_strided_slice %slice3A_506 {offsets = [9, 0], sizes = [1, 128], strides = [1, 1]} : vector<16x128xf32> to vector<1x128xf32>
    %jit3A_659 = arith.constant 0.000000e+00 : f32
    %broadcast_in_dim3A_660 = vector.shape_cast %broadcast_in_dim3A_657 : vector<2000x1xi1> to vector<2000x1xi1>
    %broadcast_in_dim3A_661 = vector.broadcast %broadcast_in_dim3A_660 : vector<2000x1xi1> to vector<2000x128xi1>
    %broadcast_in_dim3A_662 = vector.shape_cast %slice3A_658 : vector<1x128xf32> to vector<1x128xf32>
    %broadcast_in_dim3A_663 = vector.broadcast %broadcast_in_dim3A_662 : vector<1x128xf32> to vector<2000x128xf32>
    %broadcast_in_dim3A_664 = vector.broadcast %jit3A_659 : f32 to vector<2000x128xf32>
    %select_n3A_665 = arith.select %broadcast_in_dim3A_661, %broadcast_in_dim3A_663, %broadcast_in_dim3A_664 : vector<2000x128xi1>, vector<2000x128xf32>
    %add3A_666 = arith.addf %add3A_653, %select_n3A_665 : vector<2000x128xf32>
    %eq3A_667 = arith.constant 10 : i32
    %eq3A_668 = vector.broadcast %eq3A_667 : i32 to vector<2000xi32>
    %eq3A_669 = arith.cmpi eq, %reduce_min3A_534, %eq3A_668 : vector<2000xi32>
    %broadcast_in_dim3A_670 = vector.shape_cast %eq3A_669 : vector<2000xi1> to vector<2000x1xi1>
    %slice3A_671 = vector.extract_strided_slice %slice3A_506 {offsets = [10, 0], sizes = [1, 128], strides = [1, 1]} : vector<16x128xf32> to vector<1x128xf32>
    %jit3A_672 = arith.constant 0.000000e+00 : f32
    %broadcast_in_dim3A_673 = vector.shape_cast %broadcast_in_dim3A_670 : vector<2000x1xi1> to vector<2000x1xi1>
    %broadcast_in_dim3A_674 = vector.broadcast %broadcast_in_dim3A_673 : vector<2000x1xi1> to vector<2000x128xi1>
    %broadcast_in_dim3A_675 = vector.shape_cast %slice3A_671 : vector<1x128xf32> to vector<1x128xf32>
    %broadcast_in_dim3A_676 = vector.broadcast %broadcast_in_dim3A_675 : vector<1x128xf32> to vector<2000x128xf32>
    %broadcast_in_dim3A_677 = vector.broadcast %jit3A_672 : f32 to vector<2000x128xf32>
    %select_n3A_678 = arith.select %broadcast_in_dim3A_674, %broadcast_in_dim3A_676, %broadcast_in_dim3A_677 : vector<2000x128xi1>, vector<2000x128xf32>
    %add3A_679 = arith.addf %add3A_666, %select_n3A_678 : vector<2000x128xf32>
    %eq3A_680 = arith.constant 11 : i32
    %eq3A_681 = vector.broadcast %eq3A_680 : i32 to vector<2000xi32>
    %eq3A_682 = arith.cmpi eq, %reduce_min3A_534, %eq3A_681 : vector<2000xi32>
    %broadcast_in_dim3A_683 = vector.shape_cast %eq3A_682 : vector<2000xi1> to vector<2000x1xi1>
    %slice3A_684 = vector.extract_strided_slice %slice3A_506 {offsets = [11, 0], sizes = [1, 128], strides = [1, 1]} : vector<16x128xf32> to vector<1x128xf32>
    %jit3A_685 = arith.constant 0.000000e+00 : f32
    %broadcast_in_dim3A_686 = vector.shape_cast %broadcast_in_dim3A_683 : vector<2000x1xi1> to vector<2000x1xi1>
    %broadcast_in_dim3A_687 = vector.broadcast %broadcast_in_dim3A_686 : vector<2000x1xi1> to vector<2000x128xi1>
    %broadcast_in_dim3A_688 = vector.shape_cast %slice3A_684 : vector<1x128xf32> to vector<1x128xf32>
    %broadcast_in_dim3A_689 = vector.broadcast %broadcast_in_dim3A_688 : vector<1x128xf32> to vector<2000x128xf32>
    %broadcast_in_dim3A_690 = vector.broadcast %jit3A_685 : f32 to vector<2000x128xf32>
    %select_n3A_691 = arith.select %broadcast_in_dim3A_687, %broadcast_in_dim3A_689, %broadcast_in_dim3A_690 : vector<2000x128xi1>, vector<2000x128xf32>
    %add3A_692 = arith.addf %add3A_679, %select_n3A_691 : vector<2000x128xf32>
    %eq3A_693 = arith.constant 12 : i32
    %eq3A_694 = vector.broadcast %eq3A_693 : i32 to vector<2000xi32>
    %eq3A_695 = arith.cmpi eq, %reduce_min3A_534, %eq3A_694 : vector<2000xi32>
    %broadcast_in_dim3A_696 = vector.shape_cast %eq3A_695 : vector<2000xi1> to vector<2000x1xi1>
    %slice3A_697 = vector.extract_strided_slice %slice3A_506 {offsets = [12, 0], sizes = [1, 128], strides = [1, 1]} : vector<16x128xf32> to vector<1x128xf32>
    %jit3A_698 = arith.constant 0.000000e+00 : f32
    %broadcast_in_dim3A_699 = vector.shape_cast %broadcast_in_dim3A_696 : vector<2000x1xi1> to vector<2000x1xi1>
    %broadcast_in_dim3A_700 = vector.broadcast %broadcast_in_dim3A_699 : vector<2000x1xi1> to vector<2000x128xi1>
    %broadcast_in_dim3A_701 = vector.shape_cast %slice3A_697 : vector<1x128xf32> to vector<1x128xf32>
    %broadcast_in_dim3A_702 = vector.broadcast %broadcast_in_dim3A_701 : vector<1x128xf32> to vector<2000x128xf32>
    %broadcast_in_dim3A_703 = vector.broadcast %jit3A_698 : f32 to vector<2000x128xf32>
    %select_n3A_704 = arith.select %broadcast_in_dim3A_700, %broadcast_in_dim3A_702, %broadcast_in_dim3A_703 : vector<2000x128xi1>, vector<2000x128xf32>
    %add3A_705 = arith.addf %add3A_692, %select_n3A_704 : vector<2000x128xf32>
    %eq3A_706 = arith.constant 13 : i32
    %eq3A_707 = vector.broadcast %eq3A_706 : i32 to vector<2000xi32>
    %eq3A_708 = arith.cmpi eq, %reduce_min3A_534, %eq3A_707 : vector<2000xi32>
    %broadcast_in_dim3A_709 = vector.shape_cast %eq3A_708 : vector<2000xi1> to vector<2000x1xi1>
    %slice3A_710 = vector.extract_strided_slice %slice3A_506 {offsets = [13, 0], sizes = [1, 128], strides = [1, 1]} : vector<16x128xf32> to vector<1x128xf32>
    %jit3A_711 = arith.constant 0.000000e+00 : f32
    %broadcast_in_dim3A_712 = vector.shape_cast %broadcast_in_dim3A_709 : vector<2000x1xi1> to vector<2000x1xi1>
    %broadcast_in_dim3A_713 = vector.broadcast %broadcast_in_dim3A_712 : vector<2000x1xi1> to vector<2000x128xi1>
    %broadcast_in_dim3A_714 = vector.shape_cast %slice3A_710 : vector<1x128xf32> to vector<1x128xf32>
    %broadcast_in_dim3A_715 = vector.broadcast %broadcast_in_dim3A_714 : vector<1x128xf32> to vector<2000x128xf32>
    %broadcast_in_dim3A_716 = vector.broadcast %jit3A_711 : f32 to vector<2000x128xf32>
    %select_n3A_717 = arith.select %broadcast_in_dim3A_713, %broadcast_in_dim3A_715, %broadcast_in_dim3A_716 : vector<2000x128xi1>, vector<2000x128xf32>
    %add3A_718 = arith.addf %add3A_705, %select_n3A_717 : vector<2000x128xf32>
    %eq3A_719 = arith.constant 14 : i32
    %eq3A_720 = vector.broadcast %eq3A_719 : i32 to vector<2000xi32>
    %eq3A_721 = arith.cmpi eq, %reduce_min3A_534, %eq3A_720 : vector<2000xi32>
    %broadcast_in_dim3A_722 = vector.shape_cast %eq3A_721 : vector<2000xi1> to vector<2000x1xi1>
    %slice3A_723 = vector.extract_strided_slice %slice3A_506 {offsets = [14, 0], sizes = [1, 128], strides = [1, 1]} : vector<16x128xf32> to vector<1x128xf32>
    %jit3A_724 = arith.constant 0.000000e+00 : f32
    %broadcast_in_dim3A_725 = vector.shape_cast %broadcast_in_dim3A_722 : vector<2000x1xi1> to vector<2000x1xi1>
    %broadcast_in_dim3A_726 = vector.broadcast %broadcast_in_dim3A_725 : vector<2000x1xi1> to vector<2000x128xi1>
    %broadcast_in_dim3A_727 = vector.shape_cast %slice3A_723 : vector<1x128xf32> to vector<1x128xf32>
    %broadcast_in_dim3A_728 = vector.broadcast %broadcast_in_dim3A_727 : vector<1x128xf32> to vector<2000x128xf32>
    %broadcast_in_dim3A_729 = vector.broadcast %jit3A_724 : f32 to vector<2000x128xf32>
    %select_n3A_730 = arith.select %broadcast_in_dim3A_726, %broadcast_in_dim3A_728, %broadcast_in_dim3A_729 : vector<2000x128xi1>, vector<2000x128xf32>
    %add3A_731 = arith.addf %add3A_718, %select_n3A_730 : vector<2000x128xf32>
    %eq3A_732 = arith.constant 15 : i32
    %eq3A_733 = vector.broadcast %eq3A_732 : i32 to vector<2000xi32>
    %eq3A_734 = arith.cmpi eq, %reduce_min3A_534, %eq3A_733 : vector<2000xi32>
    %broadcast_in_dim3A_735 = vector.shape_cast %eq3A_734 : vector<2000xi1> to vector<2000x1xi1>
    %slice3A_736 = vector.extract_strided_slice %slice3A_506 {offsets = [15, 0], sizes = [1, 128], strides = [1, 1]} : vector<16x128xf32> to vector<1x128xf32>
    %jit3A_737 = arith.constant 0.000000e+00 : f32
    %broadcast_in_dim3A_738 = vector.shape_cast %broadcast_in_dim3A_735 : vector<2000x1xi1> to vector<2000x1xi1>
    %broadcast_in_dim3A_739 = vector.broadcast %broadcast_in_dim3A_738 : vector<2000x1xi1> to vector<2000x128xi1>
    %broadcast_in_dim3A_740 = vector.shape_cast %slice3A_736 : vector<1x128xf32> to vector<1x128xf32>
    %broadcast_in_dim3A_741 = vector.broadcast %broadcast_in_dim3A_740 : vector<1x128xf32> to vector<2000x128xf32>
    %broadcast_in_dim3A_742 = vector.broadcast %jit3A_737 : f32 to vector<2000x128xf32>
    %select_n3A_743 = arith.select %broadcast_in_dim3A_739, %broadcast_in_dim3A_741, %broadcast_in_dim3A_742 : vector<2000x128xi1>, vector<2000x128xf32>
    %add3A_744 = arith.addf %add3A_731, %select_n3A_743 : vector<2000x128xf32>
    %sub3A_745 = arith.subf %sub3A_505, %add3A_744 : vector<2000x128xf32>
    %broadcast_in_dim3A_746 = vector.shape_cast %reduce_min3A_55 : vector<2000xi32> to vector<2000x1xi32>
    %broadcast_in_dim3A_747 = vector.shape_cast %reduce_min3A_294 : vector<2000xi32> to vector<2000x1xi32>
    %broadcast_in_dim3A_748 = vector.shape_cast %reduce_min3A_534 : vector<2000xi32> to vector<2000x1xi32>
    %broadcast_in_dim3A_749 = arith.constant 0 : i32
    %broadcast_in_dim3A_750 = vector.broadcast %broadcast_in_dim3A_749 : i32 to vector<2000x5xi32>
    %concatenate3A = tpu.concatenate %broadcast_in_dim3A_746, %broadcast_in_dim3A_747, %broadcast_in_dim3A_748, %broadcast_in_dim3A_750 in 1 : vector<2000x1xi32>, vector<2000x1xi32>, vector<2000x1xi32>, vector<2000x5xi32> -> vector<2000x8xi32>
    %swap3A_751 = arith.constant 0 : index
    %swap3A_752 = arith.constant 0 : index
    %swap3A_753 = vector.load %arg7[%swap3A_751, %swap3A_752] : memref<2000x8xi32, #tpu.memory_space<vmem>>, vector<2000x8xi32>
    tpu.vector_store %arg7[%swap3A_751, %swap3A_752], %concatenate3A {strides = array<i32>} : memref<2000x8xi32, #tpu.memory_space<vmem>>, vector<2000x8xi32>,
    %eq3A_754 = arith.constant 0 : i32
    %eq3A_755 = arith.cmpi eq, %arg0, %eq3A_754 : i32
    %convert_element_type3A = arith.extui %eq3A_755 : i1 to i32
    %cond3A = arith.constant 0 : i32
    %cond3A_756 = arith.cmpi ne, %convert_element_type3A, %cond3A : i32
    scf.if %cond3A_756 {
      %broadcast_in_dim3A_771 = arith.constant 0.000000e+00 : f32
      %broadcast_in_dim3A_772 = vector.broadcast %broadcast_in_dim3A_771 : f32 to vector<8x128xf32>
      %swap3A_773 = arith.constant 0 : index
      %swap3A_774 = arith.constant 0 : index
      %swap3A_775 = vector.load %arg8[%swap3A_773, %swap3A_774] : memref<8x128xf32, #tpu.memory_space<vmem>>, vector<8x128xf32>
      tpu.vector_store %arg8[%swap3A_773, %swap3A_774], %broadcast_in_dim3A_772 {strides = array<i32>} : memref<8x128xf32, #tpu.memory_space<vmem>>, vector<8x128xf32>,
    } else {
    }
    %get3A_757 = arith.constant 0 : index
    %get3A_758 = arith.constant 0 : index
    %get3A_759 = vector.load %arg8[%get3A_757, %get3A_758] : memref<8x128xf32, #tpu.memory_space<vmem>>, vector<1x1xf32>
    %mul3A_760 = arith.mulf %sub3A_745, %sub3A_745 : vector<2000x128xf32>
    %reduce_sum3A_761 = vector.shape_cast %mul3A_760 : vector<2000x128xf32> to vector<1x2000x128xf32>
    %reduce_sum3A_762 = arith.constant dense<0.000000e+00> : vector<1xf32>
    %reduce_sum3A_763 = vector.multi_reduction <add>, %reduce_sum3A_761, %reduce_sum3A_762 [1, 2] : vector<1x2000x128xf32> to vector<1xf32>
    %reduce_sum3A_764 = vector.shape_cast %reduce_sum3A_763 : vector<1xf32> to vector<1x1x1xf32>
    %reduce_sum3A_765 = vector.extract %reduce_sum3A_764[0, 0, 0] : f32 from vector<1x1x1xf32>
    %broadcast_in_dim3A_766 = vector.broadcast %reduce_sum3A_765 : f32 to vector<1x1xf32>
    %add3A_767 = arith.addf %get3A_759, %broadcast_in_dim3A_766 : vector<1x1xf32>
    %swap3A_768 = arith.constant 0 : index
    %swap3A_769 = arith.constant 0 : index
    %swap3A_770 = vector.load %arg8[%swap3A_768, %swap3A_769] : memref<8x128xf32, #tpu.memory_space<vmem>>, vector<1x1xf32>
    tpu.vector_store %arg8[%swap3A_768, %swap3A_769], %add3A_767 {strides = array<i32>} : memref<8x128xf32, #tpu.memory_space<vmem>>, vector<1x1xf32>,
    return
  }
  func.func @transform_0(%arg0: i32) -> (i32, i32) {
    %c0_i32 = arith.constant 0 : i32
    %c0_i32_0 = arith.constant 0 : i32
    return %arg0, %c0_i32 : i32, i32
  }
  func.func @transform_1(%arg0: i32) -> (i32, i32) {
    %c0_i32 = arith.constant 0 : i32
    %c0_i32_0 = arith.constant 0 : i32
    %c0_i32_1 = arith.constant 0 : i32
    return %c0_i32, %c0_i32_0 : i32, i32
  }
  func.func @transform_2(%arg0: i32) -> (i32, i32) {
    %c0_i32 = arith.constant 0 : i32
    %c0_i32_0 = arith.constant 0 : i32
    %c0_i32_1 = arith.constant 0 : i32
    return %c0_i32, %c0_i32_0 : i32, i32
  }
  func.func @transform_3(%arg0: i32) -> (i32, i32) {
    %c0_i32 = arith.constant 0 : i32
    %c0_i32_0 = arith.constant 0 : i32
    %c0_i32_1 = arith.constant 0 : i32
    return %c0_i32, %c0_i32_0 : i32, i32
  }
  func.func @transform_4(%arg0: i32) -> (i32, i32) {
    %c0_i32 = arith.constant 0 : i32
    %c0_i32_0 = arith.constant 0 : i32
    %c0_i32_1 = arith.constant 0 : i32
    return %c0_i32, %c0_i32_0 : i32, i32
  }
  func.func @transform_5(%arg0: i32) -> (i32, i32) {
    %c0_i32 = arith.constant 0 : i32
    %c0_i32_0 = arith.constant 0 : i32
    return %arg0, %c0_i32 : i32, i32
  }
  func.func @transform_6(%arg0: i32) -> (i32, i32) {
    %c0_i32 = arith.constant 0 : i32
    %c0_i32_0 = arith.constant 0 : i32
    return %arg0, %c0_i32 : i32, i32
  }
  func.func @transform_7(%arg0: i32) -> (i32, i32) {
    %c0_i32 = arith.constant 0 : i32
    %c0_i32_0 = arith.constant 0 : i32
    %c0_i32_1 = arith.constant 0 : i32
    return %c0_i32, %c0_i32_0 : i32, i32
  }
}

module attributes {stable_mosaic.version = 14 : i64} {
  func.func @_final_body(%arg0: i32, %arg1: memref<2000x128xf32, #tpu.memory_space<vmem>>, %arg2: memref<2000x128xf32, #tpu.memory_space<vmem>>, %arg3: memref<2000x16xf32, #tpu.memory_space<vmem>>, %arg4: memref<2000x16xf32, #tpu.memory_space<vmem>>, %arg5: memref<2000x128xf32, #tpu.memory_space<vmem>>, %arg6: memref<128x128xf32, #tpu.memory_space<vmem>>, %arg7: memref<128x128xf32, #tpu.memory_space<vmem>>, %arg8: memref<1x128xf32, #tpu.memory_space<vmem>>, %arg9: memref<48x128xf32, #tpu.memory_space<vmem>>, %arg10: memref<128x40xf32, #tpu.memory_space<vmem>>, %arg11: memref<1x40xf32, #tpu.memory_space<vmem>>, %arg12: memref<2000x40xf32, #tpu.memory_space<vmem>>, %arg13: memref<2000x8xi32, #tpu.memory_space<vmem>>, %arg14: memref<8x128xf32, #tpu.memory_space<vmem>>) attributes {dimension_semantics = [#tpu.dimension_semantics<arbitrary>], iteration_bounds = array<i64: 5>, scalar_prefetch = 0 : i64, scratch_operands = 0 : i64, tpu.core_type = #tpu.core_type<tc>, window_params = [{transform_indices = @transform_0, window_bounds = array<i64: 2000, 128>}, {transform_indices = @transform_1, window_bounds = array<i64: 2000, 128>}, {transform_indices = @transform_2, window_bounds = array<i64: 2000, 16>}, {transform_indices = @transform_3, window_bounds = array<i64: 2000, 16>}, {transform_indices = @transform_4, window_bounds = array<i64: 2000, 128>}, {pipeline_mode = #tpu.pipeline_mode<synchronous>, transform_indices = @transform_5, window_bounds = array<i64: 128, 128>}, {pipeline_mode = #tpu.pipeline_mode<synchronous>, transform_indices = @transform_6, window_bounds = array<i64: 128, 128>}, {pipeline_mode = #tpu.pipeline_mode<synchronous>, transform_indices = @transform_7, window_bounds = array<i64: 1, 128>}, {pipeline_mode = #tpu.pipeline_mode<synchronous>, transform_indices = @transform_8, window_bounds = array<i64: 48, 128>}, {pipeline_mode = #tpu.pipeline_mode<synchronous>, transform_indices = @transform_9, window_bounds = array<i64: 128, 40>}, {pipeline_mode = #tpu.pipeline_mode<synchronous>, transform_indices = @transform_10, window_bounds = array<i64: 1, 40>}, {transform_indices = @transform_11, window_bounds = array<i64: 2000, 40>}, {transform_indices = @transform_12, window_bounds = array<i64: 2000, 8>}, {pipeline_mode = #tpu.pipeline_mode<synchronous>, transform_indices = @transform_13, window_bounds = array<i64: 8, 128>}]} {
    %get3A = arith.constant 0 : index
    %get3A_0 = arith.constant 0 : index
    %get3A_1 = vector.load %arg3[%get3A, %get3A_0] : memref<2000x16xf32, #tpu.memory_space<vmem>>, vector<2000x1xf32>
    %get3A_2 = arith.constant 0 : index
    %get3A_3 = arith.constant 0 : index
    %get3A_4 = vector.load %arg4[%get3A_2, %get3A_3] : memref<2000x16xf32, #tpu.memory_space<vmem>>, vector<2000x1xf32>
    %add3A = arith.addf %get3A_1, %get3A_4 : vector<2000x1xf32>
    %max3A = arith.constant 1.000000e+00 : f32
    %max3A_5 = vector.broadcast %max3A : f32 to vector<2000x1xf32>
    %max3A_6 = arith.maximumf %add3A, %max3A_5 : vector<2000x1xf32>
    %get3A_7 = arith.constant 0 : index
    %get3A_8 = arith.constant 0 : index
    %get3A_9 = vector.load %arg1[%get3A_7, %get3A_8] : memref<2000x128xf32, #tpu.memory_space<vmem>>, vector<2000x128xf32>
    %get3A_10 = arith.constant 0 : index
    %get3A_11 = arith.constant 0 : index
    %get3A_12 = vector.load %arg2[%get3A_10, %get3A_11] : memref<2000x128xf32, #tpu.memory_space<vmem>>, vector<2000x128xf32>
    %add3A_13 = arith.addf %get3A_9, %get3A_12 : vector<2000x128xf32>
    %div3A = vector.broadcast %max3A_6 : vector<2000x1xf32> to vector<2000x128xf32>
    %div3A_14 = arith.divf %add3A_13, %div3A : vector<2000x128xf32>
    %get3A_15 = arith.constant 0 : index
    %get3A_16 = arith.constant 0 : index
    %get3A_17 = vector.load %arg6[%get3A_15, %get3A_16] : memref<128x128xf32, #tpu.memory_space<vmem>>, vector<128x128xf32>
    %dot_general3A = arith.constant dense<0.000000e+00> : vector<2000x128xf32>
    %dot_general3A_18 = tpu.matmul %div3A_14, %get3A_17, %dot_general3A {dimension_numbers = #tpu.dot_dimension_numbers<[1], [0], [0], [1], [0, 0, 1, 1], [], []>, transpose_lhs_hint = false} : vector<2000x128xf32>, vector<128x128xf32>, vector<2000x128xf32> -> vector<2000x128xf32>
    %get3A_19 = arith.constant 0 : index
    %get3A_20 = arith.constant 0 : index
    %get3A_21 = vector.load %arg5[%get3A_19, %get3A_20] : memref<2000x128xf32, #tpu.memory_space<vmem>>, vector<2000x128xf32>
    %get3A_22 = arith.constant 0 : index
    %get3A_23 = arith.constant 0 : index
    %get3A_24 = vector.load %arg7[%get3A_22, %get3A_23] : memref<128x128xf32, #tpu.memory_space<vmem>>, vector<128x128xf32>
    %dot_general3A_25 = arith.constant dense<0.000000e+00> : vector<2000x128xf32>
    %dot_general3A_26 = tpu.matmul %get3A_21, %get3A_24, %dot_general3A_25 {dimension_numbers = #tpu.dot_dimension_numbers<[1], [0], [0], [1], [0, 0, 1, 1], [], []>, transpose_lhs_hint = false} : vector<2000x128xf32>, vector<128x128xf32>, vector<2000x128xf32> -> vector<2000x128xf32>
    %add3A_27 = arith.addf %dot_general3A_18, %dot_general3A_26 : vector<2000x128xf32>
    %get3A_28 = arith.constant 0 : index
    %get3A_29 = arith.constant 0 : index
    %get3A_30 = vector.load %arg8[%get3A_28, %get3A_29] : memref<1x128xf32, #tpu.memory_space<vmem>>, vector<1x128xf32>
    %add3A_31 = vector.broadcast %get3A_30 : vector<1x128xf32> to vector<2000x128xf32>
    %add3A_32 = arith.addf %add3A_27, %add3A_31 : vector<2000x128xf32>
    %iota3A = tpu.iota {dimensions = array<i32: 1>} : vector<2000x16xi32>
    %get3A_33 = arith.constant 0 : index
    %get3A_34 = arith.constant 0 : index
    %get3A_35 = vector.load %arg9[%get3A_33, %get3A_34] : memref<48x128xf32, #tpu.memory_space<vmem>>, vector<48x128xf32>
    %slice3A = vector.extract_strided_slice %get3A_35 {offsets = [0, 0], sizes = [16, 128], strides = [1, 1]} : vector<48x128xf32> to vector<16x128xf32>
    %mul3A = arith.mulf %add3A_32, %add3A_32 : vector<2000x128xf32>
    %reduce_sum3A = arith.constant dense<0.000000e+00> : vector<2000xf32>
    %reduce_sum3A_36 = vector.multi_reduction <add>, %mul3A, %reduce_sum3A [1] : vector<2000x128xf32> to vector<2000xf32>
    %broadcast_in_dim3A = vector.shape_cast %reduce_sum3A_36 : vector<2000xf32> to vector<2000x1xf32>
    %transpose3A = tpu.transpose %slice3A, [1, 0] : vector<16x128xf32> -> vector<128x16xf32>
    %dot_general3A_37 = arith.constant dense<0.000000e+00> : vector<2000x16xf32>
    %dot_general3A_38 = tpu.matmul %add3A_32, %transpose3A, %dot_general3A_37 {dimension_numbers = #tpu.dot_dimension_numbers<[1], [0], [0], [1], [0, 0, 1, 1], [], []>, transpose_lhs_hint = false} : vector<2000x128xf32>, vector<128x16xf32>, vector<2000x16xf32> -> vector<2000x16xf32>
    %mul3A_39 = arith.constant 2.000000e+00 : f32
    %mul3A_40 = vector.broadcast %mul3A_39 : f32 to vector<2000x16xf32>
    %mul3A_41 = arith.mulf %mul3A_40, %dot_general3A_38 : vector<2000x16xf32>
    %sub3A = vector.broadcast %broadcast_in_dim3A : vector<2000x1xf32> to vector<2000x16xf32>
    %sub3A_42 = arith.subf %sub3A, %mul3A_41 : vector<2000x16xf32>
    %mul3A_43 = arith.mulf %slice3A, %slice3A : vector<16x128xf32>
    %reduce_sum3A_44 = arith.constant dense<0.000000e+00> : vector<16xf32>
    %reduce_sum3A_45 = vector.multi_reduction <add>, %mul3A_43, %reduce_sum3A_44 [1] : vector<16x128xf32> to vector<16xf32>
    %broadcast_in_dim3A_46 = vector.shape_cast %reduce_sum3A_45 : vector<16xf32> to vector<1x16xf32>
    %add3A_47 = vector.broadcast %broadcast_in_dim3A_46 : vector<1x16xf32> to vector<2000x16xf32>
    %add3A_48 = arith.addf %sub3A_42, %add3A_47 : vector<2000x16xf32>
    %reduce_min3A = arith.constant dense<0x7F800000> : vector<2000xf32>
    %reduce_min3A_49 = vector.multi_reduction <minimumf>, %add3A_48, %reduce_min3A [1] : vector<2000x16xf32> to vector<2000xf32>
    %broadcast_in_dim3A_50 = vector.shape_cast %reduce_min3A_49 : vector<2000xf32> to vector<2000x1xf32>
    %le3A = vector.broadcast %broadcast_in_dim3A_50 : vector<2000x1xf32> to vector<2000x16xf32>
    %le3A_51 = arith.cmpf ole, %add3A_48, %le3A : vector<2000x16xf32>
    %jit3A = arith.constant 16 : i32
    %broadcast_in_dim3A_52 = vector.broadcast %jit3A : i32 to vector<2000x16xi32>
    %select_n3A = arith.select %le3A_51, %iota3A, %broadcast_in_dim3A_52 : vector<2000x16xi1>, vector<2000x16xi32>
    %reduce_min3A_53 = arith.constant dense<2147483647> : vector<2000xi32>
    %reduce_min3A_54 = vector.multi_reduction <minsi>, %select_n3A, %reduce_min3A_53 [1] : vector<2000x16xi32> to vector<2000xi32>
    %broadcast_in_dim3A_55 = arith.constant 0.000000e+00 : f32
    %broadcast_in_dim3A_56 = vector.broadcast %broadcast_in_dim3A_55 : f32 to vector<2000x128xf32>
    %eq3A = arith.constant 0 : i32
    %eq3A_57 = vector.broadcast %eq3A : i32 to vector<2000xi32>
    %eq3A_58 = arith.cmpi eq, %reduce_min3A_54, %eq3A_57 : vector<2000xi32>
    %broadcast_in_dim3A_59 = vector.shape_cast %eq3A_58 : vector<2000xi1> to vector<2000x1xi1>
    %slice3A_60 = vector.extract_strided_slice %slice3A {offsets = [0, 0], sizes = [1, 128], strides = [1, 1]} : vector<16x128xf32> to vector<1x128xf32>
    %jit3A_61 = arith.constant 0.000000e+00 : f32
    %broadcast_in_dim3A_62 = vector.shape_cast %broadcast_in_dim3A_59 : vector<2000x1xi1> to vector<2000x1xi1>
    %broadcast_in_dim3A_63 = vector.broadcast %broadcast_in_dim3A_62 : vector<2000x1xi1> to vector<2000x128xi1>
    %broadcast_in_dim3A_64 = vector.shape_cast %slice3A_60 : vector<1x128xf32> to vector<1x128xf32>
    %broadcast_in_dim3A_65 = vector.broadcast %broadcast_in_dim3A_64 : vector<1x128xf32> to vector<2000x128xf32>
    %broadcast_in_dim3A_66 = vector.broadcast %jit3A_61 : f32 to vector<2000x128xf32>
    %select_n3A_67 = arith.select %broadcast_in_dim3A_63, %broadcast_in_dim3A_65, %broadcast_in_dim3A_66 : vector<2000x128xi1>, vector<2000x128xf32>
    %add3A_68 = arith.addf %broadcast_in_dim3A_56, %select_n3A_67 : vector<2000x128xf32>
    %eq3A_69 = arith.constant 1 : i32
    %eq3A_70 = vector.broadcast %eq3A_69 : i32 to vector<2000xi32>
    %eq3A_71 = arith.cmpi eq, %reduce_min3A_54, %eq3A_70 : vector<2000xi32>
    %broadcast_in_dim3A_72 = vector.shape_cast %eq3A_71 : vector<2000xi1> to vector<2000x1xi1>
    %slice3A_73 = vector.extract_strided_slice %slice3A {offsets = [1, 0], sizes = [1, 128], strides = [1, 1]} : vector<16x128xf32> to vector<1x128xf32>
    %jit3A_74 = arith.constant 0.000000e+00 : f32
    %broadcast_in_dim3A_75 = vector.shape_cast %broadcast_in_dim3A_72 : vector<2000x1xi1> to vector<2000x1xi1>
    %broadcast_in_dim3A_76 = vector.broadcast %broadcast_in_dim3A_75 : vector<2000x1xi1> to vector<2000x128xi1>
    %broadcast_in_dim3A_77 = vector.shape_cast %slice3A_73 : vector<1x128xf32> to vector<1x128xf32>
    %broadcast_in_dim3A_78 = vector.broadcast %broadcast_in_dim3A_77 : vector<1x128xf32> to vector<2000x128xf32>
    %broadcast_in_dim3A_79 = vector.broadcast %jit3A_74 : f32 to vector<2000x128xf32>
    %select_n3A_80 = arith.select %broadcast_in_dim3A_76, %broadcast_in_dim3A_78, %broadcast_in_dim3A_79 : vector<2000x128xi1>, vector<2000x128xf32>
    %add3A_81 = arith.addf %add3A_68, %select_n3A_80 : vector<2000x128xf32>
    %eq3A_82 = arith.constant 2 : i32
    %eq3A_83 = vector.broadcast %eq3A_82 : i32 to vector<2000xi32>
    %eq3A_84 = arith.cmpi eq, %reduce_min3A_54, %eq3A_83 : vector<2000xi32>
    %broadcast_in_dim3A_85 = vector.shape_cast %eq3A_84 : vector<2000xi1> to vector<2000x1xi1>
    %slice3A_86 = vector.extract_strided_slice %slice3A {offsets = [2, 0], sizes = [1, 128], strides = [1, 1]} : vector<16x128xf32> to vector<1x128xf32>
    %jit3A_87 = arith.constant 0.000000e+00 : f32
    %broadcast_in_dim3A_88 = vector.shape_cast %broadcast_in_dim3A_85 : vector<2000x1xi1> to vector<2000x1xi1>
    %broadcast_in_dim3A_89 = vector.broadcast %broadcast_in_dim3A_88 : vector<2000x1xi1> to vector<2000x128xi1>
    %broadcast_in_dim3A_90 = vector.shape_cast %slice3A_86 : vector<1x128xf32> to vector<1x128xf32>
    %broadcast_in_dim3A_91 = vector.broadcast %broadcast_in_dim3A_90 : vector<1x128xf32> to vector<2000x128xf32>
    %broadcast_in_dim3A_92 = vector.broadcast %jit3A_87 : f32 to vector<2000x128xf32>
    %select_n3A_93 = arith.select %broadcast_in_dim3A_89, %broadcast_in_dim3A_91, %broadcast_in_dim3A_92 : vector<2000x128xi1>, vector<2000x128xf32>
    %add3A_94 = arith.addf %add3A_81, %select_n3A_93 : vector<2000x128xf32>
    %eq3A_95 = arith.constant 3 : i32
    %eq3A_96 = vector.broadcast %eq3A_95 : i32 to vector<2000xi32>
    %eq3A_97 = arith.cmpi eq, %reduce_min3A_54, %eq3A_96 : vector<2000xi32>
    %broadcast_in_dim3A_98 = vector.shape_cast %eq3A_97 : vector<2000xi1> to vector<2000x1xi1>
    %slice3A_99 = vector.extract_strided_slice %slice3A {offsets = [3, 0], sizes = [1, 128], strides = [1, 1]} : vector<16x128xf32> to vector<1x128xf32>
    %jit3A_100 = arith.constant 0.000000e+00 : f32
    %broadcast_in_dim3A_101 = vector.shape_cast %broadcast_in_dim3A_98 : vector<2000x1xi1> to vector<2000x1xi1>
    %broadcast_in_dim3A_102 = vector.broadcast %broadcast_in_dim3A_101 : vector<2000x1xi1> to vector<2000x128xi1>
    %broadcast_in_dim3A_103 = vector.shape_cast %slice3A_99 : vector<1x128xf32> to vector<1x128xf32>
    %broadcast_in_dim3A_104 = vector.broadcast %broadcast_in_dim3A_103 : vector<1x128xf32> to vector<2000x128xf32>
    %broadcast_in_dim3A_105 = vector.broadcast %jit3A_100 : f32 to vector<2000x128xf32>
    %select_n3A_106 = arith.select %broadcast_in_dim3A_102, %broadcast_in_dim3A_104, %broadcast_in_dim3A_105 : vector<2000x128xi1>, vector<2000x128xf32>
    %add3A_107 = arith.addf %add3A_94, %select_n3A_106 : vector<2000x128xf32>
    %eq3A_108 = arith.constant 4 : i32
    %eq3A_109 = vector.broadcast %eq3A_108 : i32 to vector<2000xi32>
    %eq3A_110 = arith.cmpi eq, %reduce_min3A_54, %eq3A_109 : vector<2000xi32>
    %broadcast_in_dim3A_111 = vector.shape_cast %eq3A_110 : vector<2000xi1> to vector<2000x1xi1>
    %slice3A_112 = vector.extract_strided_slice %slice3A {offsets = [4, 0], sizes = [1, 128], strides = [1, 1]} : vector<16x128xf32> to vector<1x128xf32>
    %jit3A_113 = arith.constant 0.000000e+00 : f32
    %broadcast_in_dim3A_114 = vector.shape_cast %broadcast_in_dim3A_111 : vector<2000x1xi1> to vector<2000x1xi1>
    %broadcast_in_dim3A_115 = vector.broadcast %broadcast_in_dim3A_114 : vector<2000x1xi1> to vector<2000x128xi1>
    %broadcast_in_dim3A_116 = vector.shape_cast %slice3A_112 : vector<1x128xf32> to vector<1x128xf32>
    %broadcast_in_dim3A_117 = vector.broadcast %broadcast_in_dim3A_116 : vector<1x128xf32> to vector<2000x128xf32>
    %broadcast_in_dim3A_118 = vector.broadcast %jit3A_113 : f32 to vector<2000x128xf32>
    %select_n3A_119 = arith.select %broadcast_in_dim3A_115, %broadcast_in_dim3A_117, %broadcast_in_dim3A_118 : vector<2000x128xi1>, vector<2000x128xf32>
    %add3A_120 = arith.addf %add3A_107, %select_n3A_119 : vector<2000x128xf32>
    %eq3A_121 = arith.constant 5 : i32
    %eq3A_122 = vector.broadcast %eq3A_121 : i32 to vector<2000xi32>
    %eq3A_123 = arith.cmpi eq, %reduce_min3A_54, %eq3A_122 : vector<2000xi32>
    %broadcast_in_dim3A_124 = vector.shape_cast %eq3A_123 : vector<2000xi1> to vector<2000x1xi1>
    %slice3A_125 = vector.extract_strided_slice %slice3A {offsets = [5, 0], sizes = [1, 128], strides = [1, 1]} : vector<16x128xf32> to vector<1x128xf32>
    %jit3A_126 = arith.constant 0.000000e+00 : f32
    %broadcast_in_dim3A_127 = vector.shape_cast %broadcast_in_dim3A_124 : vector<2000x1xi1> to vector<2000x1xi1>
    %broadcast_in_dim3A_128 = vector.broadcast %broadcast_in_dim3A_127 : vector<2000x1xi1> to vector<2000x128xi1>
    %broadcast_in_dim3A_129 = vector.shape_cast %slice3A_125 : vector<1x128xf32> to vector<1x128xf32>
    %broadcast_in_dim3A_130 = vector.broadcast %broadcast_in_dim3A_129 : vector<1x128xf32> to vector<2000x128xf32>
    %broadcast_in_dim3A_131 = vector.broadcast %jit3A_126 : f32 to vector<2000x128xf32>
    %select_n3A_132 = arith.select %broadcast_in_dim3A_128, %broadcast_in_dim3A_130, %broadcast_in_dim3A_131 : vector<2000x128xi1>, vector<2000x128xf32>
    %add3A_133 = arith.addf %add3A_120, %select_n3A_132 : vector<2000x128xf32>
    %eq3A_134 = arith.constant 6 : i32
    %eq3A_135 = vector.broadcast %eq3A_134 : i32 to vector<2000xi32>
    %eq3A_136 = arith.cmpi eq, %reduce_min3A_54, %eq3A_135 : vector<2000xi32>
    %broadcast_in_dim3A_137 = vector.shape_cast %eq3A_136 : vector<2000xi1> to vector<2000x1xi1>
    %slice3A_138 = vector.extract_strided_slice %slice3A {offsets = [6, 0], sizes = [1, 128], strides = [1, 1]} : vector<16x128xf32> to vector<1x128xf32>
    %jit3A_139 = arith.constant 0.000000e+00 : f32
    %broadcast_in_dim3A_140 = vector.shape_cast %broadcast_in_dim3A_137 : vector<2000x1xi1> to vector<2000x1xi1>
    %broadcast_in_dim3A_141 = vector.broadcast %broadcast_in_dim3A_140 : vector<2000x1xi1> to vector<2000x128xi1>
    %broadcast_in_dim3A_142 = vector.shape_cast %slice3A_138 : vector<1x128xf32> to vector<1x128xf32>
    %broadcast_in_dim3A_143 = vector.broadcast %broadcast_in_dim3A_142 : vector<1x128xf32> to vector<2000x128xf32>
    %broadcast_in_dim3A_144 = vector.broadcast %jit3A_139 : f32 to vector<2000x128xf32>
    %select_n3A_145 = arith.select %broadcast_in_dim3A_141, %broadcast_in_dim3A_143, %broadcast_in_dim3A_144 : vector<2000x128xi1>, vector<2000x128xf32>
    %add3A_146 = arith.addf %add3A_133, %select_n3A_145 : vector<2000x128xf32>
    %eq3A_147 = arith.constant 7 : i32
    %eq3A_148 = vector.broadcast %eq3A_147 : i32 to vector<2000xi32>
    %eq3A_149 = arith.cmpi eq, %reduce_min3A_54, %eq3A_148 : vector<2000xi32>
    %broadcast_in_dim3A_150 = vector.shape_cast %eq3A_149 : vector<2000xi1> to vector<2000x1xi1>
    %slice3A_151 = vector.extract_strided_slice %slice3A {offsets = [7, 0], sizes = [1, 128], strides = [1, 1]} : vector<16x128xf32> to vector<1x128xf32>
    %jit3A_152 = arith.constant 0.000000e+00 : f32
    %broadcast_in_dim3A_153 = vector.shape_cast %broadcast_in_dim3A_150 : vector<2000x1xi1> to vector<2000x1xi1>
    %broadcast_in_dim3A_154 = vector.broadcast %broadcast_in_dim3A_153 : vector<2000x1xi1> to vector<2000x128xi1>
    %broadcast_in_dim3A_155 = vector.shape_cast %slice3A_151 : vector<1x128xf32> to vector<1x128xf32>
    %broadcast_in_dim3A_156 = vector.broadcast %broadcast_in_dim3A_155 : vector<1x128xf32> to vector<2000x128xf32>
    %broadcast_in_dim3A_157 = vector.broadcast %jit3A_152 : f32 to vector<2000x128xf32>
    %select_n3A_158 = arith.select %broadcast_in_dim3A_154, %broadcast_in_dim3A_156, %broadcast_in_dim3A_157 : vector<2000x128xi1>, vector<2000x128xf32>
    %add3A_159 = arith.addf %add3A_146, %select_n3A_158 : vector<2000x128xf32>
    %eq3A_160 = arith.constant 8 : i32
    %eq3A_161 = vector.broadcast %eq3A_160 : i32 to vector<2000xi32>
    %eq3A_162 = arith.cmpi eq, %reduce_min3A_54, %eq3A_161 : vector<2000xi32>
    %broadcast_in_dim3A_163 = vector.shape_cast %eq3A_162 : vector<2000xi1> to vector<2000x1xi1>
    %slice3A_164 = vector.extract_strided_slice %slice3A {offsets = [8, 0], sizes = [1, 128], strides = [1, 1]} : vector<16x128xf32> to vector<1x128xf32>
    %jit3A_165 = arith.constant 0.000000e+00 : f32
    %broadcast_in_dim3A_166 = vector.shape_cast %broadcast_in_dim3A_163 : vector<2000x1xi1> to vector<2000x1xi1>
    %broadcast_in_dim3A_167 = vector.broadcast %broadcast_in_dim3A_166 : vector<2000x1xi1> to vector<2000x128xi1>
    %broadcast_in_dim3A_168 = vector.shape_cast %slice3A_164 : vector<1x128xf32> to vector<1x128xf32>
    %broadcast_in_dim3A_169 = vector.broadcast %broadcast_in_dim3A_168 : vector<1x128xf32> to vector<2000x128xf32>
    %broadcast_in_dim3A_170 = vector.broadcast %jit3A_165 : f32 to vector<2000x128xf32>
    %select_n3A_171 = arith.select %broadcast_in_dim3A_167, %broadcast_in_dim3A_169, %broadcast_in_dim3A_170 : vector<2000x128xi1>, vector<2000x128xf32>
    %add3A_172 = arith.addf %add3A_159, %select_n3A_171 : vector<2000x128xf32>
    %eq3A_173 = arith.constant 9 : i32
    %eq3A_174 = vector.broadcast %eq3A_173 : i32 to vector<2000xi32>
    %eq3A_175 = arith.cmpi eq, %reduce_min3A_54, %eq3A_174 : vector<2000xi32>
    %broadcast_in_dim3A_176 = vector.shape_cast %eq3A_175 : vector<2000xi1> to vector<2000x1xi1>
    %slice3A_177 = vector.extract_strided_slice %slice3A {offsets = [9, 0], sizes = [1, 128], strides = [1, 1]} : vector<16x128xf32> to vector<1x128xf32>
    %jit3A_178 = arith.constant 0.000000e+00 : f32
    %broadcast_in_dim3A_179 = vector.shape_cast %broadcast_in_dim3A_176 : vector<2000x1xi1> to vector<2000x1xi1>
    %broadcast_in_dim3A_180 = vector.broadcast %broadcast_in_dim3A_179 : vector<2000x1xi1> to vector<2000x128xi1>
    %broadcast_in_dim3A_181 = vector.shape_cast %slice3A_177 : vector<1x128xf32> to vector<1x128xf32>
    %broadcast_in_dim3A_182 = vector.broadcast %broadcast_in_dim3A_181 : vector<1x128xf32> to vector<2000x128xf32>
    %broadcast_in_dim3A_183 = vector.broadcast %jit3A_178 : f32 to vector<2000x128xf32>
    %select_n3A_184 = arith.select %broadcast_in_dim3A_180, %broadcast_in_dim3A_182, %broadcast_in_dim3A_183 : vector<2000x128xi1>, vector<2000x128xf32>
    %add3A_185 = arith.addf %add3A_172, %select_n3A_184 : vector<2000x128xf32>
    %eq3A_186 = arith.constant 10 : i32
    %eq3A_187 = vector.broadcast %eq3A_186 : i32 to vector<2000xi32>
    %eq3A_188 = arith.cmpi eq, %reduce_min3A_54, %eq3A_187 : vector<2000xi32>
    %broadcast_in_dim3A_189 = vector.shape_cast %eq3A_188 : vector<2000xi1> to vector<2000x1xi1>
    %slice3A_190 = vector.extract_strided_slice %slice3A {offsets = [10, 0], sizes = [1, 128], strides = [1, 1]} : vector<16x128xf32> to vector<1x128xf32>
    %jit3A_191 = arith.constant 0.000000e+00 : f32
    %broadcast_in_dim3A_192 = vector.shape_cast %broadcast_in_dim3A_189 : vector<2000x1xi1> to vector<2000x1xi1>
    %broadcast_in_dim3A_193 = vector.broadcast %broadcast_in_dim3A_192 : vector<2000x1xi1> to vector<2000x128xi1>
    %broadcast_in_dim3A_194 = vector.shape_cast %slice3A_190 : vector<1x128xf32> to vector<1x128xf32>
    %broadcast_in_dim3A_195 = vector.broadcast %broadcast_in_dim3A_194 : vector<1x128xf32> to vector<2000x128xf32>
    %broadcast_in_dim3A_196 = vector.broadcast %jit3A_191 : f32 to vector<2000x128xf32>
    %select_n3A_197 = arith.select %broadcast_in_dim3A_193, %broadcast_in_dim3A_195, %broadcast_in_dim3A_196 : vector<2000x128xi1>, vector<2000x128xf32>
    %add3A_198 = arith.addf %add3A_185, %select_n3A_197 : vector<2000x128xf32>
    %eq3A_199 = arith.constant 11 : i32
    %eq3A_200 = vector.broadcast %eq3A_199 : i32 to vector<2000xi32>
    %eq3A_201 = arith.cmpi eq, %reduce_min3A_54, %eq3A_200 : vector<2000xi32>
    %broadcast_in_dim3A_202 = vector.shape_cast %eq3A_201 : vector<2000xi1> to vector<2000x1xi1>
    %slice3A_203 = vector.extract_strided_slice %slice3A {offsets = [11, 0], sizes = [1, 128], strides = [1, 1]} : vector<16x128xf32> to vector<1x128xf32>
    %jit3A_204 = arith.constant 0.000000e+00 : f32
    %broadcast_in_dim3A_205 = vector.shape_cast %broadcast_in_dim3A_202 : vector<2000x1xi1> to vector<2000x1xi1>
    %broadcast_in_dim3A_206 = vector.broadcast %broadcast_in_dim3A_205 : vector<2000x1xi1> to vector<2000x128xi1>
    %broadcast_in_dim3A_207 = vector.shape_cast %slice3A_203 : vector<1x128xf32> to vector<1x128xf32>
    %broadcast_in_dim3A_208 = vector.broadcast %broadcast_in_dim3A_207 : vector<1x128xf32> to vector<2000x128xf32>
    %broadcast_in_dim3A_209 = vector.broadcast %jit3A_204 : f32 to vector<2000x128xf32>
    %select_n3A_210 = arith.select %broadcast_in_dim3A_206, %broadcast_in_dim3A_208, %broadcast_in_dim3A_209 : vector<2000x128xi1>, vector<2000x128xf32>
    %add3A_211 = arith.addf %add3A_198, %select_n3A_210 : vector<2000x128xf32>
    %eq3A_212 = arith.constant 12 : i32
    %eq3A_213 = vector.broadcast %eq3A_212 : i32 to vector<2000xi32>
    %eq3A_214 = arith.cmpi eq, %reduce_min3A_54, %eq3A_213 : vector<2000xi32>
    %broadcast_in_dim3A_215 = vector.shape_cast %eq3A_214 : vector<2000xi1> to vector<2000x1xi1>
    %slice3A_216 = vector.extract_strided_slice %slice3A {offsets = [12, 0], sizes = [1, 128], strides = [1, 1]} : vector<16x128xf32> to vector<1x128xf32>
    %jit3A_217 = arith.constant 0.000000e+00 : f32
    %broadcast_in_dim3A_218 = vector.shape_cast %broadcast_in_dim3A_215 : vector<2000x1xi1> to vector<2000x1xi1>
    %broadcast_in_dim3A_219 = vector.broadcast %broadcast_in_dim3A_218 : vector<2000x1xi1> to vector<2000x128xi1>
    %broadcast_in_dim3A_220 = vector.shape_cast %slice3A_216 : vector<1x128xf32> to vector<1x128xf32>
    %broadcast_in_dim3A_221 = vector.broadcast %broadcast_in_dim3A_220 : vector<1x128xf32> to vector<2000x128xf32>
    %broadcast_in_dim3A_222 = vector.broadcast %jit3A_217 : f32 to vector<2000x128xf32>
    %select_n3A_223 = arith.select %broadcast_in_dim3A_219, %broadcast_in_dim3A_221, %broadcast_in_dim3A_222 : vector<2000x128xi1>, vector<2000x128xf32>
    %add3A_224 = arith.addf %add3A_211, %select_n3A_223 : vector<2000x128xf32>
    %eq3A_225 = arith.constant 13 : i32
    %eq3A_226 = vector.broadcast %eq3A_225 : i32 to vector<2000xi32>
    %eq3A_227 = arith.cmpi eq, %reduce_min3A_54, %eq3A_226 : vector<2000xi32>
    %broadcast_in_dim3A_228 = vector.shape_cast %eq3A_227 : vector<2000xi1> to vector<2000x1xi1>
    %slice3A_229 = vector.extract_strided_slice %slice3A {offsets = [13, 0], sizes = [1, 128], strides = [1, 1]} : vector<16x128xf32> to vector<1x128xf32>
    %jit3A_230 = arith.constant 0.000000e+00 : f32
    %broadcast_in_dim3A_231 = vector.shape_cast %broadcast_in_dim3A_228 : vector<2000x1xi1> to vector<2000x1xi1>
    %broadcast_in_dim3A_232 = vector.broadcast %broadcast_in_dim3A_231 : vector<2000x1xi1> to vector<2000x128xi1>
    %broadcast_in_dim3A_233 = vector.shape_cast %slice3A_229 : vector<1x128xf32> to vector<1x128xf32>
    %broadcast_in_dim3A_234 = vector.broadcast %broadcast_in_dim3A_233 : vector<1x128xf32> to vector<2000x128xf32>
    %broadcast_in_dim3A_235 = vector.broadcast %jit3A_230 : f32 to vector<2000x128xf32>
    %select_n3A_236 = arith.select %broadcast_in_dim3A_232, %broadcast_in_dim3A_234, %broadcast_in_dim3A_235 : vector<2000x128xi1>, vector<2000x128xf32>
    %add3A_237 = arith.addf %add3A_224, %select_n3A_236 : vector<2000x128xf32>
    %eq3A_238 = arith.constant 14 : i32
    %eq3A_239 = vector.broadcast %eq3A_238 : i32 to vector<2000xi32>
    %eq3A_240 = arith.cmpi eq, %reduce_min3A_54, %eq3A_239 : vector<2000xi32>
    %broadcast_in_dim3A_241 = vector.shape_cast %eq3A_240 : vector<2000xi1> to vector<2000x1xi1>
    %slice3A_242 = vector.extract_strided_slice %slice3A {offsets = [14, 0], sizes = [1, 128], strides = [1, 1]} : vector<16x128xf32> to vector<1x128xf32>
    %jit3A_243 = arith.constant 0.000000e+00 : f32
    %broadcast_in_dim3A_244 = vector.shape_cast %broadcast_in_dim3A_241 : vector<2000x1xi1> to vector<2000x1xi1>
    %broadcast_in_dim3A_245 = vector.broadcast %broadcast_in_dim3A_244 : vector<2000x1xi1> to vector<2000x128xi1>
    %broadcast_in_dim3A_246 = vector.shape_cast %slice3A_242 : vector<1x128xf32> to vector<1x128xf32>
    %broadcast_in_dim3A_247 = vector.broadcast %broadcast_in_dim3A_246 : vector<1x128xf32> to vector<2000x128xf32>
    %broadcast_in_dim3A_248 = vector.broadcast %jit3A_243 : f32 to vector<2000x128xf32>
    %select_n3A_249 = arith.select %broadcast_in_dim3A_245, %broadcast_in_dim3A_247, %broadcast_in_dim3A_248 : vector<2000x128xi1>, vector<2000x128xf32>
    %add3A_250 = arith.addf %add3A_237, %select_n3A_249 : vector<2000x128xf32>
    %eq3A_251 = arith.constant 15 : i32
    %eq3A_252 = vector.broadcast %eq3A_251 : i32 to vector<2000xi32>
    %eq3A_253 = arith.cmpi eq, %reduce_min3A_54, %eq3A_252 : vector<2000xi32>
    %broadcast_in_dim3A_254 = vector.shape_cast %eq3A_253 : vector<2000xi1> to vector<2000x1xi1>
    %slice3A_255 = vector.extract_strided_slice %slice3A {offsets = [15, 0], sizes = [1, 128], strides = [1, 1]} : vector<16x128xf32> to vector<1x128xf32>
    %jit3A_256 = arith.constant 0.000000e+00 : f32
    %broadcast_in_dim3A_257 = vector.shape_cast %broadcast_in_dim3A_254 : vector<2000x1xi1> to vector<2000x1xi1>
    %broadcast_in_dim3A_258 = vector.broadcast %broadcast_in_dim3A_257 : vector<2000x1xi1> to vector<2000x128xi1>
    %broadcast_in_dim3A_259 = vector.shape_cast %slice3A_255 : vector<1x128xf32> to vector<1x128xf32>
    %broadcast_in_dim3A_260 = vector.broadcast %broadcast_in_dim3A_259 : vector<1x128xf32> to vector<2000x128xf32>
    %broadcast_in_dim3A_261 = vector.broadcast %jit3A_256 : f32 to vector<2000x128xf32>
    %select_n3A_262 = arith.select %broadcast_in_dim3A_258, %broadcast_in_dim3A_260, %broadcast_in_dim3A_261 : vector<2000x128xi1>, vector<2000x128xf32>
    %add3A_263 = arith.addf %add3A_250, %select_n3A_262 : vector<2000x128xf32>
    %sub3A_264 = arith.subf %add3A_32, %add3A_263 : vector<2000x128xf32>
    %slice3A_265 = vector.extract_strided_slice %get3A_35 {offsets = [16, 0], sizes = [16, 128], strides = [1, 1]} : vector<48x128xf32> to vector<16x128xf32>
    %mul3A_266 = arith.mulf %sub3A_264, %sub3A_264 : vector<2000x128xf32>
    %reduce_sum3A_267 = arith.constant dense<0.000000e+00> : vector<2000xf32>
    %reduce_sum3A_268 = vector.multi_reduction <add>, %mul3A_266, %reduce_sum3A_267 [1] : vector<2000x128xf32> to vector<2000xf32>
    %broadcast_in_dim3A_269 = vector.shape_cast %reduce_sum3A_268 : vector<2000xf32> to vector<2000x1xf32>
    %transpose3A_270 = tpu.transpose %slice3A_265, [1, 0] : vector<16x128xf32> -> vector<128x16xf32>
    %dot_general3A_271 = arith.constant dense<0.000000e+00> : vector<2000x16xf32>
    %dot_general3A_272 = tpu.matmul %sub3A_264, %transpose3A_270, %dot_general3A_271 {dimension_numbers = #tpu.dot_dimension_numbers<[1], [0], [0], [1], [0, 0, 1, 1], [], []>, transpose_lhs_hint = false} : vector<2000x128xf32>, vector<128x16xf32>, vector<2000x16xf32> -> vector<2000x16xf32>
    %mul3A_273 = arith.constant 2.000000e+00 : f32
    %mul3A_274 = vector.broadcast %mul3A_273 : f32 to vector<2000x16xf32>
    %mul3A_275 = arith.mulf %mul3A_274, %dot_general3A_272 : vector<2000x16xf32>
    %sub3A_276 = vector.broadcast %broadcast_in_dim3A_269 : vector<2000x1xf32> to vector<2000x16xf32>
    %sub3A_277 = arith.subf %sub3A_276, %mul3A_275 : vector<2000x16xf32>
    %mul3A_278 = arith.mulf %slice3A_265, %slice3A_265 : vector<16x128xf32>
    %reduce_sum3A_279 = arith.constant dense<0.000000e+00> : vector<16xf32>
    %reduce_sum3A_280 = vector.multi_reduction <add>, %mul3A_278, %reduce_sum3A_279 [1] : vector<16x128xf32> to vector<16xf32>
    %broadcast_in_dim3A_281 = vector.shape_cast %reduce_sum3A_280 : vector<16xf32> to vector<1x16xf32>
    %add3A_282 = vector.broadcast %broadcast_in_dim3A_281 : vector<1x16xf32> to vector<2000x16xf32>
    %add3A_283 = arith.addf %sub3A_277, %add3A_282 : vector<2000x16xf32>
    %reduce_min3A_284 = arith.constant dense<0x7F800000> : vector<2000xf32>
    %reduce_min3A_285 = vector.multi_reduction <minimumf>, %add3A_283, %reduce_min3A_284 [1] : vector<2000x16xf32> to vector<2000xf32>
    %broadcast_in_dim3A_286 = vector.shape_cast %reduce_min3A_285 : vector<2000xf32> to vector<2000x1xf32>
    %le3A_287 = vector.broadcast %broadcast_in_dim3A_286 : vector<2000x1xf32> to vector<2000x16xf32>
    %le3A_288 = arith.cmpf ole, %add3A_283, %le3A_287 : vector<2000x16xf32>
    %jit3A_289 = arith.constant 16 : i32
    %broadcast_in_dim3A_290 = vector.broadcast %jit3A_289 : i32 to vector<2000x16xi32>
    %select_n3A_291 = arith.select %le3A_288, %iota3A, %broadcast_in_dim3A_290 : vector<2000x16xi1>, vector<2000x16xi32>
    %reduce_min3A_292 = arith.constant dense<2147483647> : vector<2000xi32>
    %reduce_min3A_293 = vector.multi_reduction <minsi>, %select_n3A_291, %reduce_min3A_292 [1] : vector<2000x16xi32> to vector<2000xi32>
    %broadcast_in_dim3A_294 = arith.constant 0.000000e+00 : f32
    %broadcast_in_dim3A_295 = vector.broadcast %broadcast_in_dim3A_294 : f32 to vector<2000x128xf32>
    %eq3A_296 = arith.constant 0 : i32
    %eq3A_297 = vector.broadcast %eq3A_296 : i32 to vector<2000xi32>
    %eq3A_298 = arith.cmpi eq, %reduce_min3A_293, %eq3A_297 : vector<2000xi32>
    %broadcast_in_dim3A_299 = vector.shape_cast %eq3A_298 : vector<2000xi1> to vector<2000x1xi1>
    %slice3A_300 = vector.extract_strided_slice %slice3A_265 {offsets = [0, 0], sizes = [1, 128], strides = [1, 1]} : vector<16x128xf32> to vector<1x128xf32>
    %jit3A_301 = arith.constant 0.000000e+00 : f32
    %broadcast_in_dim3A_302 = vector.shape_cast %broadcast_in_dim3A_299 : vector<2000x1xi1> to vector<2000x1xi1>
    %broadcast_in_dim3A_303 = vector.broadcast %broadcast_in_dim3A_302 : vector<2000x1xi1> to vector<2000x128xi1>
    %broadcast_in_dim3A_304 = vector.shape_cast %slice3A_300 : vector<1x128xf32> to vector<1x128xf32>
    %broadcast_in_dim3A_305 = vector.broadcast %broadcast_in_dim3A_304 : vector<1x128xf32> to vector<2000x128xf32>
    %broadcast_in_dim3A_306 = vector.broadcast %jit3A_301 : f32 to vector<2000x128xf32>
    %select_n3A_307 = arith.select %broadcast_in_dim3A_303, %broadcast_in_dim3A_305, %broadcast_in_dim3A_306 : vector<2000x128xi1>, vector<2000x128xf32>
    %add3A_308 = arith.addf %broadcast_in_dim3A_295, %select_n3A_307 : vector<2000x128xf32>
    %eq3A_309 = arith.constant 1 : i32
    %eq3A_310 = vector.broadcast %eq3A_309 : i32 to vector<2000xi32>
    %eq3A_311 = arith.cmpi eq, %reduce_min3A_293, %eq3A_310 : vector<2000xi32>
    %broadcast_in_dim3A_312 = vector.shape_cast %eq3A_311 : vector<2000xi1> to vector<2000x1xi1>
    %slice3A_313 = vector.extract_strided_slice %slice3A_265 {offsets = [1, 0], sizes = [1, 128], strides = [1, 1]} : vector<16x128xf32> to vector<1x128xf32>
    %jit3A_314 = arith.constant 0.000000e+00 : f32
    %broadcast_in_dim3A_315 = vector.shape_cast %broadcast_in_dim3A_312 : vector<2000x1xi1> to vector<2000x1xi1>
    %broadcast_in_dim3A_316 = vector.broadcast %broadcast_in_dim3A_315 : vector<2000x1xi1> to vector<2000x128xi1>
    %broadcast_in_dim3A_317 = vector.shape_cast %slice3A_313 : vector<1x128xf32> to vector<1x128xf32>
    %broadcast_in_dim3A_318 = vector.broadcast %broadcast_in_dim3A_317 : vector<1x128xf32> to vector<2000x128xf32>
    %broadcast_in_dim3A_319 = vector.broadcast %jit3A_314 : f32 to vector<2000x128xf32>
    %select_n3A_320 = arith.select %broadcast_in_dim3A_316, %broadcast_in_dim3A_318, %broadcast_in_dim3A_319 : vector<2000x128xi1>, vector<2000x128xf32>
    %add3A_321 = arith.addf %add3A_308, %select_n3A_320 : vector<2000x128xf32>
    %eq3A_322 = arith.constant 2 : i32
    %eq3A_323 = vector.broadcast %eq3A_322 : i32 to vector<2000xi32>
    %eq3A_324 = arith.cmpi eq, %reduce_min3A_293, %eq3A_323 : vector<2000xi32>
    %broadcast_in_dim3A_325 = vector.shape_cast %eq3A_324 : vector<2000xi1> to vector<2000x1xi1>
    %slice3A_326 = vector.extract_strided_slice %slice3A_265 {offsets = [2, 0], sizes = [1, 128], strides = [1, 1]} : vector<16x128xf32> to vector<1x128xf32>
    %jit3A_327 = arith.constant 0.000000e+00 : f32
    %broadcast_in_dim3A_328 = vector.shape_cast %broadcast_in_dim3A_325 : vector<2000x1xi1> to vector<2000x1xi1>
    %broadcast_in_dim3A_329 = vector.broadcast %broadcast_in_dim3A_328 : vector<2000x1xi1> to vector<2000x128xi1>
    %broadcast_in_dim3A_330 = vector.shape_cast %slice3A_326 : vector<1x128xf32> to vector<1x128xf32>
    %broadcast_in_dim3A_331 = vector.broadcast %broadcast_in_dim3A_330 : vector<1x128xf32> to vector<2000x128xf32>
    %broadcast_in_dim3A_332 = vector.broadcast %jit3A_327 : f32 to vector<2000x128xf32>
    %select_n3A_333 = arith.select %broadcast_in_dim3A_329, %broadcast_in_dim3A_331, %broadcast_in_dim3A_332 : vector<2000x128xi1>, vector<2000x128xf32>
    %add3A_334 = arith.addf %add3A_321, %select_n3A_333 : vector<2000x128xf32>
    %eq3A_335 = arith.constant 3 : i32
    %eq3A_336 = vector.broadcast %eq3A_335 : i32 to vector<2000xi32>
    %eq3A_337 = arith.cmpi eq, %reduce_min3A_293, %eq3A_336 : vector<2000xi32>
    %broadcast_in_dim3A_338 = vector.shape_cast %eq3A_337 : vector<2000xi1> to vector<2000x1xi1>
    %slice3A_339 = vector.extract_strided_slice %slice3A_265 {offsets = [3, 0], sizes = [1, 128], strides = [1, 1]} : vector<16x128xf32> to vector<1x128xf32>
    %jit3A_340 = arith.constant 0.000000e+00 : f32
    %broadcast_in_dim3A_341 = vector.shape_cast %broadcast_in_dim3A_338 : vector<2000x1xi1> to vector<2000x1xi1>
    %broadcast_in_dim3A_342 = vector.broadcast %broadcast_in_dim3A_341 : vector<2000x1xi1> to vector<2000x128xi1>
    %broadcast_in_dim3A_343 = vector.shape_cast %slice3A_339 : vector<1x128xf32> to vector<1x128xf32>
    %broadcast_in_dim3A_344 = vector.broadcast %broadcast_in_dim3A_343 : vector<1x128xf32> to vector<2000x128xf32>
    %broadcast_in_dim3A_345 = vector.broadcast %jit3A_340 : f32 to vector<2000x128xf32>
    %select_n3A_346 = arith.select %broadcast_in_dim3A_342, %broadcast_in_dim3A_344, %broadcast_in_dim3A_345 : vector<2000x128xi1>, vector<2000x128xf32>
    %add3A_347 = arith.addf %add3A_334, %select_n3A_346 : vector<2000x128xf32>
    %eq3A_348 = arith.constant 4 : i32
    %eq3A_349 = vector.broadcast %eq3A_348 : i32 to vector<2000xi32>
    %eq3A_350 = arith.cmpi eq, %reduce_min3A_293, %eq3A_349 : vector<2000xi32>
    %broadcast_in_dim3A_351 = vector.shape_cast %eq3A_350 : vector<2000xi1> to vector<2000x1xi1>
    %slice3A_352 = vector.extract_strided_slice %slice3A_265 {offsets = [4, 0], sizes = [1, 128], strides = [1, 1]} : vector<16x128xf32> to vector<1x128xf32>
    %jit3A_353 = arith.constant 0.000000e+00 : f32
    %broadcast_in_dim3A_354 = vector.shape_cast %broadcast_in_dim3A_351 : vector<2000x1xi1> to vector<2000x1xi1>
    %broadcast_in_dim3A_355 = vector.broadcast %broadcast_in_dim3A_354 : vector<2000x1xi1> to vector<2000x128xi1>
    %broadcast_in_dim3A_356 = vector.shape_cast %slice3A_352 : vector<1x128xf32> to vector<1x128xf32>
    %broadcast_in_dim3A_357 = vector.broadcast %broadcast_in_dim3A_356 : vector<1x128xf32> to vector<2000x128xf32>
    %broadcast_in_dim3A_358 = vector.broadcast %jit3A_353 : f32 to vector<2000x128xf32>
    %select_n3A_359 = arith.select %broadcast_in_dim3A_355, %broadcast_in_dim3A_357, %broadcast_in_dim3A_358 : vector<2000x128xi1>, vector<2000x128xf32>
    %add3A_360 = arith.addf %add3A_347, %select_n3A_359 : vector<2000x128xf32>
    %eq3A_361 = arith.constant 5 : i32
    %eq3A_362 = vector.broadcast %eq3A_361 : i32 to vector<2000xi32>
    %eq3A_363 = arith.cmpi eq, %reduce_min3A_293, %eq3A_362 : vector<2000xi32>
    %broadcast_in_dim3A_364 = vector.shape_cast %eq3A_363 : vector<2000xi1> to vector<2000x1xi1>
    %slice3A_365 = vector.extract_strided_slice %slice3A_265 {offsets = [5, 0], sizes = [1, 128], strides = [1, 1]} : vector<16x128xf32> to vector<1x128xf32>
    %jit3A_366 = arith.constant 0.000000e+00 : f32
    %broadcast_in_dim3A_367 = vector.shape_cast %broadcast_in_dim3A_364 : vector<2000x1xi1> to vector<2000x1xi1>
    %broadcast_in_dim3A_368 = vector.broadcast %broadcast_in_dim3A_367 : vector<2000x1xi1> to vector<2000x128xi1>
    %broadcast_in_dim3A_369 = vector.shape_cast %slice3A_365 : vector<1x128xf32> to vector<1x128xf32>
    %broadcast_in_dim3A_370 = vector.broadcast %broadcast_in_dim3A_369 : vector<1x128xf32> to vector<2000x128xf32>
    %broadcast_in_dim3A_371 = vector.broadcast %jit3A_366 : f32 to vector<2000x128xf32>
    %select_n3A_372 = arith.select %broadcast_in_dim3A_368, %broadcast_in_dim3A_370, %broadcast_in_dim3A_371 : vector<2000x128xi1>, vector<2000x128xf32>
    %add3A_373 = arith.addf %add3A_360, %select_n3A_372 : vector<2000x128xf32>
    %eq3A_374 = arith.constant 6 : i32
    %eq3A_375 = vector.broadcast %eq3A_374 : i32 to vector<2000xi32>
    %eq3A_376 = arith.cmpi eq, %reduce_min3A_293, %eq3A_375 : vector<2000xi32>
    %broadcast_in_dim3A_377 = vector.shape_cast %eq3A_376 : vector<2000xi1> to vector<2000x1xi1>
    %slice3A_378 = vector.extract_strided_slice %slice3A_265 {offsets = [6, 0], sizes = [1, 128], strides = [1, 1]} : vector<16x128xf32> to vector<1x128xf32>
    %jit3A_379 = arith.constant 0.000000e+00 : f32
    %broadcast_in_dim3A_380 = vector.shape_cast %broadcast_in_dim3A_377 : vector<2000x1xi1> to vector<2000x1xi1>
    %broadcast_in_dim3A_381 = vector.broadcast %broadcast_in_dim3A_380 : vector<2000x1xi1> to vector<2000x128xi1>
    %broadcast_in_dim3A_382 = vector.shape_cast %slice3A_378 : vector<1x128xf32> to vector<1x128xf32>
    %broadcast_in_dim3A_383 = vector.broadcast %broadcast_in_dim3A_382 : vector<1x128xf32> to vector<2000x128xf32>
    %broadcast_in_dim3A_384 = vector.broadcast %jit3A_379 : f32 to vector<2000x128xf32>
    %select_n3A_385 = arith.select %broadcast_in_dim3A_381, %broadcast_in_dim3A_383, %broadcast_in_dim3A_384 : vector<2000x128xi1>, vector<2000x128xf32>
    %add3A_386 = arith.addf %add3A_373, %select_n3A_385 : vector<2000x128xf32>
    %eq3A_387 = arith.constant 7 : i32
    %eq3A_388 = vector.broadcast %eq3A_387 : i32 to vector<2000xi32>
    %eq3A_389 = arith.cmpi eq, %reduce_min3A_293, %eq3A_388 : vector<2000xi32>
    %broadcast_in_dim3A_390 = vector.shape_cast %eq3A_389 : vector<2000xi1> to vector<2000x1xi1>
    %slice3A_391 = vector.extract_strided_slice %slice3A_265 {offsets = [7, 0], sizes = [1, 128], strides = [1, 1]} : vector<16x128xf32> to vector<1x128xf32>
    %jit3A_392 = arith.constant 0.000000e+00 : f32
    %broadcast_in_dim3A_393 = vector.shape_cast %broadcast_in_dim3A_390 : vector<2000x1xi1> to vector<2000x1xi1>
    %broadcast_in_dim3A_394 = vector.broadcast %broadcast_in_dim3A_393 : vector<2000x1xi1> to vector<2000x128xi1>
    %broadcast_in_dim3A_395 = vector.shape_cast %slice3A_391 : vector<1x128xf32> to vector<1x128xf32>
    %broadcast_in_dim3A_396 = vector.broadcast %broadcast_in_dim3A_395 : vector<1x128xf32> to vector<2000x128xf32>
    %broadcast_in_dim3A_397 = vector.broadcast %jit3A_392 : f32 to vector<2000x128xf32>
    %select_n3A_398 = arith.select %broadcast_in_dim3A_394, %broadcast_in_dim3A_396, %broadcast_in_dim3A_397 : vector<2000x128xi1>, vector<2000x128xf32>
    %add3A_399 = arith.addf %add3A_386, %select_n3A_398 : vector<2000x128xf32>
    %eq3A_400 = arith.constant 8 : i32
    %eq3A_401 = vector.broadcast %eq3A_400 : i32 to vector<2000xi32>
    %eq3A_402 = arith.cmpi eq, %reduce_min3A_293, %eq3A_401 : vector<2000xi32>
    %broadcast_in_dim3A_403 = vector.shape_cast %eq3A_402 : vector<2000xi1> to vector<2000x1xi1>
    %slice3A_404 = vector.extract_strided_slice %slice3A_265 {offsets = [8, 0], sizes = [1, 128], strides = [1, 1]} : vector<16x128xf32> to vector<1x128xf32>
    %jit3A_405 = arith.constant 0.000000e+00 : f32
    %broadcast_in_dim3A_406 = vector.shape_cast %broadcast_in_dim3A_403 : vector<2000x1xi1> to vector<2000x1xi1>
    %broadcast_in_dim3A_407 = vector.broadcast %broadcast_in_dim3A_406 : vector<2000x1xi1> to vector<2000x128xi1>
    %broadcast_in_dim3A_408 = vector.shape_cast %slice3A_404 : vector<1x128xf32> to vector<1x128xf32>
    %broadcast_in_dim3A_409 = vector.broadcast %broadcast_in_dim3A_408 : vector<1x128xf32> to vector<2000x128xf32>
    %broadcast_in_dim3A_410 = vector.broadcast %jit3A_405 : f32 to vector<2000x128xf32>
    %select_n3A_411 = arith.select %broadcast_in_dim3A_407, %broadcast_in_dim3A_409, %broadcast_in_dim3A_410 : vector<2000x128xi1>, vector<2000x128xf32>
    %add3A_412 = arith.addf %add3A_399, %select_n3A_411 : vector<2000x128xf32>
    %eq3A_413 = arith.constant 9 : i32
    %eq3A_414 = vector.broadcast %eq3A_413 : i32 to vector<2000xi32>
    %eq3A_415 = arith.cmpi eq, %reduce_min3A_293, %eq3A_414 : vector<2000xi32>
    %broadcast_in_dim3A_416 = vector.shape_cast %eq3A_415 : vector<2000xi1> to vector<2000x1xi1>
    %slice3A_417 = vector.extract_strided_slice %slice3A_265 {offsets = [9, 0], sizes = [1, 128], strides = [1, 1]} : vector<16x128xf32> to vector<1x128xf32>
    %jit3A_418 = arith.constant 0.000000e+00 : f32
    %broadcast_in_dim3A_419 = vector.shape_cast %broadcast_in_dim3A_416 : vector<2000x1xi1> to vector<2000x1xi1>
    %broadcast_in_dim3A_420 = vector.broadcast %broadcast_in_dim3A_419 : vector<2000x1xi1> to vector<2000x128xi1>
    %broadcast_in_dim3A_421 = vector.shape_cast %slice3A_417 : vector<1x128xf32> to vector<1x128xf32>
    %broadcast_in_dim3A_422 = vector.broadcast %broadcast_in_dim3A_421 : vector<1x128xf32> to vector<2000x128xf32>
    %broadcast_in_dim3A_423 = vector.broadcast %jit3A_418 : f32 to vector<2000x128xf32>
    %select_n3A_424 = arith.select %broadcast_in_dim3A_420, %broadcast_in_dim3A_422, %broadcast_in_dim3A_423 : vector<2000x128xi1>, vector<2000x128xf32>
    %add3A_425 = arith.addf %add3A_412, %select_n3A_424 : vector<2000x128xf32>
    %eq3A_426 = arith.constant 10 : i32
    %eq3A_427 = vector.broadcast %eq3A_426 : i32 to vector<2000xi32>
    %eq3A_428 = arith.cmpi eq, %reduce_min3A_293, %eq3A_427 : vector<2000xi32>
    %broadcast_in_dim3A_429 = vector.shape_cast %eq3A_428 : vector<2000xi1> to vector<2000x1xi1>
    %slice3A_430 = vector.extract_strided_slice %slice3A_265 {offsets = [10, 0], sizes = [1, 128], strides = [1, 1]} : vector<16x128xf32> to vector<1x128xf32>
    %jit3A_431 = arith.constant 0.000000e+00 : f32
    %broadcast_in_dim3A_432 = vector.shape_cast %broadcast_in_dim3A_429 : vector<2000x1xi1> to vector<2000x1xi1>
    %broadcast_in_dim3A_433 = vector.broadcast %broadcast_in_dim3A_432 : vector<2000x1xi1> to vector<2000x128xi1>
    %broadcast_in_dim3A_434 = vector.shape_cast %slice3A_430 : vector<1x128xf32> to vector<1x128xf32>
    %broadcast_in_dim3A_435 = vector.broadcast %broadcast_in_dim3A_434 : vector<1x128xf32> to vector<2000x128xf32>
    %broadcast_in_dim3A_436 = vector.broadcast %jit3A_431 : f32 to vector<2000x128xf32>
    %select_n3A_437 = arith.select %broadcast_in_dim3A_433, %broadcast_in_dim3A_435, %broadcast_in_dim3A_436 : vector<2000x128xi1>, vector<2000x128xf32>
    %add3A_438 = arith.addf %add3A_425, %select_n3A_437 : vector<2000x128xf32>
    %eq3A_439 = arith.constant 11 : i32
    %eq3A_440 = vector.broadcast %eq3A_439 : i32 to vector<2000xi32>
    %eq3A_441 = arith.cmpi eq, %reduce_min3A_293, %eq3A_440 : vector<2000xi32>
    %broadcast_in_dim3A_442 = vector.shape_cast %eq3A_441 : vector<2000xi1> to vector<2000x1xi1>
    %slice3A_443 = vector.extract_strided_slice %slice3A_265 {offsets = [11, 0], sizes = [1, 128], strides = [1, 1]} : vector<16x128xf32> to vector<1x128xf32>
    %jit3A_444 = arith.constant 0.000000e+00 : f32
    %broadcast_in_dim3A_445 = vector.shape_cast %broadcast_in_dim3A_442 : vector<2000x1xi1> to vector<2000x1xi1>
    %broadcast_in_dim3A_446 = vector.broadcast %broadcast_in_dim3A_445 : vector<2000x1xi1> to vector<2000x128xi1>
    %broadcast_in_dim3A_447 = vector.shape_cast %slice3A_443 : vector<1x128xf32> to vector<1x128xf32>
    %broadcast_in_dim3A_448 = vector.broadcast %broadcast_in_dim3A_447 : vector<1x128xf32> to vector<2000x128xf32>
    %broadcast_in_dim3A_449 = vector.broadcast %jit3A_444 : f32 to vector<2000x128xf32>
    %select_n3A_450 = arith.select %broadcast_in_dim3A_446, %broadcast_in_dim3A_448, %broadcast_in_dim3A_449 : vector<2000x128xi1>, vector<2000x128xf32>
    %add3A_451 = arith.addf %add3A_438, %select_n3A_450 : vector<2000x128xf32>
    %eq3A_452 = arith.constant 12 : i32
    %eq3A_453 = vector.broadcast %eq3A_452 : i32 to vector<2000xi32>
    %eq3A_454 = arith.cmpi eq, %reduce_min3A_293, %eq3A_453 : vector<2000xi32>
    %broadcast_in_dim3A_455 = vector.shape_cast %eq3A_454 : vector<2000xi1> to vector<2000x1xi1>
    %slice3A_456 = vector.extract_strided_slice %slice3A_265 {offsets = [12, 0], sizes = [1, 128], strides = [1, 1]} : vector<16x128xf32> to vector<1x128xf32>
    %jit3A_457 = arith.constant 0.000000e+00 : f32
    %broadcast_in_dim3A_458 = vector.shape_cast %broadcast_in_dim3A_455 : vector<2000x1xi1> to vector<2000x1xi1>
    %broadcast_in_dim3A_459 = vector.broadcast %broadcast_in_dim3A_458 : vector<2000x1xi1> to vector<2000x128xi1>
    %broadcast_in_dim3A_460 = vector.shape_cast %slice3A_456 : vector<1x128xf32> to vector<1x128xf32>
    %broadcast_in_dim3A_461 = vector.broadcast %broadcast_in_dim3A_460 : vector<1x128xf32> to vector<2000x128xf32>
    %broadcast_in_dim3A_462 = vector.broadcast %jit3A_457 : f32 to vector<2000x128xf32>
    %select_n3A_463 = arith.select %broadcast_in_dim3A_459, %broadcast_in_dim3A_461, %broadcast_in_dim3A_462 : vector<2000x128xi1>, vector<2000x128xf32>
    %add3A_464 = arith.addf %add3A_451, %select_n3A_463 : vector<2000x128xf32>
    %eq3A_465 = arith.constant 13 : i32
    %eq3A_466 = vector.broadcast %eq3A_465 : i32 to vector<2000xi32>
    %eq3A_467 = arith.cmpi eq, %reduce_min3A_293, %eq3A_466 : vector<2000xi32>
    %broadcast_in_dim3A_468 = vector.shape_cast %eq3A_467 : vector<2000xi1> to vector<2000x1xi1>
    %slice3A_469 = vector.extract_strided_slice %slice3A_265 {offsets = [13, 0], sizes = [1, 128], strides = [1, 1]} : vector<16x128xf32> to vector<1x128xf32>
    %jit3A_470 = arith.constant 0.000000e+00 : f32
    %broadcast_in_dim3A_471 = vector.shape_cast %broadcast_in_dim3A_468 : vector<2000x1xi1> to vector<2000x1xi1>
    %broadcast_in_dim3A_472 = vector.broadcast %broadcast_in_dim3A_471 : vector<2000x1xi1> to vector<2000x128xi1>
    %broadcast_in_dim3A_473 = vector.shape_cast %slice3A_469 : vector<1x128xf32> to vector<1x128xf32>
    %broadcast_in_dim3A_474 = vector.broadcast %broadcast_in_dim3A_473 : vector<1x128xf32> to vector<2000x128xf32>
    %broadcast_in_dim3A_475 = vector.broadcast %jit3A_470 : f32 to vector<2000x128xf32>
    %select_n3A_476 = arith.select %broadcast_in_dim3A_472, %broadcast_in_dim3A_474, %broadcast_in_dim3A_475 : vector<2000x128xi1>, vector<2000x128xf32>
    %add3A_477 = arith.addf %add3A_464, %select_n3A_476 : vector<2000x128xf32>
    %eq3A_478 = arith.constant 14 : i32
    %eq3A_479 = vector.broadcast %eq3A_478 : i32 to vector<2000xi32>
    %eq3A_480 = arith.cmpi eq, %reduce_min3A_293, %eq3A_479 : vector<2000xi32>
    %broadcast_in_dim3A_481 = vector.shape_cast %eq3A_480 : vector<2000xi1> to vector<2000x1xi1>
    %slice3A_482 = vector.extract_strided_slice %slice3A_265 {offsets = [14, 0], sizes = [1, 128], strides = [1, 1]} : vector<16x128xf32> to vector<1x128xf32>
    %jit3A_483 = arith.constant 0.000000e+00 : f32
    %broadcast_in_dim3A_484 = vector.shape_cast %broadcast_in_dim3A_481 : vector<2000x1xi1> to vector<2000x1xi1>
    %broadcast_in_dim3A_485 = vector.broadcast %broadcast_in_dim3A_484 : vector<2000x1xi1> to vector<2000x128xi1>
    %broadcast_in_dim3A_486 = vector.shape_cast %slice3A_482 : vector<1x128xf32> to vector<1x128xf32>
    %broadcast_in_dim3A_487 = vector.broadcast %broadcast_in_dim3A_486 : vector<1x128xf32> to vector<2000x128xf32>
    %broadcast_in_dim3A_488 = vector.broadcast %jit3A_483 : f32 to vector<2000x128xf32>
    %select_n3A_489 = arith.select %broadcast_in_dim3A_485, %broadcast_in_dim3A_487, %broadcast_in_dim3A_488 : vector<2000x128xi1>, vector<2000x128xf32>
    %add3A_490 = arith.addf %add3A_477, %select_n3A_489 : vector<2000x128xf32>
    %eq3A_491 = arith.constant 15 : i32
    %eq3A_492 = vector.broadcast %eq3A_491 : i32 to vector<2000xi32>
    %eq3A_493 = arith.cmpi eq, %reduce_min3A_293, %eq3A_492 : vector<2000xi32>
    %broadcast_in_dim3A_494 = vector.shape_cast %eq3A_493 : vector<2000xi1> to vector<2000x1xi1>
    %slice3A_495 = vector.extract_strided_slice %slice3A_265 {offsets = [15, 0], sizes = [1, 128], strides = [1, 1]} : vector<16x128xf32> to vector<1x128xf32>
    %jit3A_496 = arith.constant 0.000000e+00 : f32
    %broadcast_in_dim3A_497 = vector.shape_cast %broadcast_in_dim3A_494 : vector<2000x1xi1> to vector<2000x1xi1>
    %broadcast_in_dim3A_498 = vector.broadcast %broadcast_in_dim3A_497 : vector<2000x1xi1> to vector<2000x128xi1>
    %broadcast_in_dim3A_499 = vector.shape_cast %slice3A_495 : vector<1x128xf32> to vector<1x128xf32>
    %broadcast_in_dim3A_500 = vector.broadcast %broadcast_in_dim3A_499 : vector<1x128xf32> to vector<2000x128xf32>
    %broadcast_in_dim3A_501 = vector.broadcast %jit3A_496 : f32 to vector<2000x128xf32>
    %select_n3A_502 = arith.select %broadcast_in_dim3A_498, %broadcast_in_dim3A_500, %broadcast_in_dim3A_501 : vector<2000x128xi1>, vector<2000x128xf32>
    %add3A_503 = arith.addf %add3A_490, %select_n3A_502 : vector<2000x128xf32>
    %sub3A_504 = arith.subf %sub3A_264, %add3A_503 : vector<2000x128xf32>
    %slice3A_505 = vector.extract_strided_slice %get3A_35 {offsets = [32, 0], sizes = [16, 128], strides = [1, 1]} : vector<48x128xf32> to vector<16x128xf32>
    %mul3A_506 = arith.mulf %sub3A_504, %sub3A_504 : vector<2000x128xf32>
    %reduce_sum3A_507 = arith.constant dense<0.000000e+00> : vector<2000xf32>
    %reduce_sum3A_508 = vector.multi_reduction <add>, %mul3A_506, %reduce_sum3A_507 [1] : vector<2000x128xf32> to vector<2000xf32>
    %broadcast_in_dim3A_509 = vector.shape_cast %reduce_sum3A_508 : vector<2000xf32> to vector<2000x1xf32>
    %transpose3A_510 = tpu.transpose %slice3A_505, [1, 0] : vector<16x128xf32> -> vector<128x16xf32>
    %dot_general3A_511 = arith.constant dense<0.000000e+00> : vector<2000x16xf32>
    %dot_general3A_512 = tpu.matmul %sub3A_504, %transpose3A_510, %dot_general3A_511 {dimension_numbers = #tpu.dot_dimension_numbers<[1], [0], [0], [1], [0, 0, 1, 1], [], []>, transpose_lhs_hint = false} : vector<2000x128xf32>, vector<128x16xf32>, vector<2000x16xf32> -> vector<2000x16xf32>
    %mul3A_513 = arith.constant 2.000000e+00 : f32
    %mul3A_514 = vector.broadcast %mul3A_513 : f32 to vector<2000x16xf32>
    %mul3A_515 = arith.mulf %mul3A_514, %dot_general3A_512 : vector<2000x16xf32>
    %sub3A_516 = vector.broadcast %broadcast_in_dim3A_509 : vector<2000x1xf32> to vector<2000x16xf32>
    %sub3A_517 = arith.subf %sub3A_516, %mul3A_515 : vector<2000x16xf32>
    %mul3A_518 = arith.mulf %slice3A_505, %slice3A_505 : vector<16x128xf32>
    %reduce_sum3A_519 = arith.constant dense<0.000000e+00> : vector<16xf32>
    %reduce_sum3A_520 = vector.multi_reduction <add>, %mul3A_518, %reduce_sum3A_519 [1] : vector<16x128xf32> to vector<16xf32>
    %broadcast_in_dim3A_521 = vector.shape_cast %reduce_sum3A_520 : vector<16xf32> to vector<1x16xf32>
    %add3A_522 = vector.broadcast %broadcast_in_dim3A_521 : vector<1x16xf32> to vector<2000x16xf32>
    %add3A_523 = arith.addf %sub3A_517, %add3A_522 : vector<2000x16xf32>
    %reduce_min3A_524 = arith.constant dense<0x7F800000> : vector<2000xf32>
    %reduce_min3A_525 = vector.multi_reduction <minimumf>, %add3A_523, %reduce_min3A_524 [1] : vector<2000x16xf32> to vector<2000xf32>
    %broadcast_in_dim3A_526 = vector.shape_cast %reduce_min3A_525 : vector<2000xf32> to vector<2000x1xf32>
    %le3A_527 = vector.broadcast %broadcast_in_dim3A_526 : vector<2000x1xf32> to vector<2000x16xf32>
    %le3A_528 = arith.cmpf ole, %add3A_523, %le3A_527 : vector<2000x16xf32>
    %jit3A_529 = arith.constant 16 : i32
    %broadcast_in_dim3A_530 = vector.broadcast %jit3A_529 : i32 to vector<2000x16xi32>
    %select_n3A_531 = arith.select %le3A_528, %iota3A, %broadcast_in_dim3A_530 : vector<2000x16xi1>, vector<2000x16xi32>
    %reduce_min3A_532 = arith.constant dense<2147483647> : vector<2000xi32>
    %reduce_min3A_533 = vector.multi_reduction <minsi>, %select_n3A_531, %reduce_min3A_532 [1] : vector<2000x16xi32> to vector<2000xi32>
    %broadcast_in_dim3A_534 = arith.constant 0.000000e+00 : f32
    %broadcast_in_dim3A_535 = vector.broadcast %broadcast_in_dim3A_534 : f32 to vector<2000x128xf32>
    %eq3A_536 = arith.constant 0 : i32
    %eq3A_537 = vector.broadcast %eq3A_536 : i32 to vector<2000xi32>
    %eq3A_538 = arith.cmpi eq, %reduce_min3A_533, %eq3A_537 : vector<2000xi32>
    %broadcast_in_dim3A_539 = vector.shape_cast %eq3A_538 : vector<2000xi1> to vector<2000x1xi1>
    %slice3A_540 = vector.extract_strided_slice %slice3A_505 {offsets = [0, 0], sizes = [1, 128], strides = [1, 1]} : vector<16x128xf32> to vector<1x128xf32>
    %jit3A_541 = arith.constant 0.000000e+00 : f32
    %broadcast_in_dim3A_542 = vector.shape_cast %broadcast_in_dim3A_539 : vector<2000x1xi1> to vector<2000x1xi1>
    %broadcast_in_dim3A_543 = vector.broadcast %broadcast_in_dim3A_542 : vector<2000x1xi1> to vector<2000x128xi1>
    %broadcast_in_dim3A_544 = vector.shape_cast %slice3A_540 : vector<1x128xf32> to vector<1x128xf32>
    %broadcast_in_dim3A_545 = vector.broadcast %broadcast_in_dim3A_544 : vector<1x128xf32> to vector<2000x128xf32>
    %broadcast_in_dim3A_546 = vector.broadcast %jit3A_541 : f32 to vector<2000x128xf32>
    %select_n3A_547 = arith.select %broadcast_in_dim3A_543, %broadcast_in_dim3A_545, %broadcast_in_dim3A_546 : vector<2000x128xi1>, vector<2000x128xf32>
    %add3A_548 = arith.addf %broadcast_in_dim3A_535, %select_n3A_547 : vector<2000x128xf32>
    %eq3A_549 = arith.constant 1 : i32
    %eq3A_550 = vector.broadcast %eq3A_549 : i32 to vector<2000xi32>
    %eq3A_551 = arith.cmpi eq, %reduce_min3A_533, %eq3A_550 : vector<2000xi32>
    %broadcast_in_dim3A_552 = vector.shape_cast %eq3A_551 : vector<2000xi1> to vector<2000x1xi1>
    %slice3A_553 = vector.extract_strided_slice %slice3A_505 {offsets = [1, 0], sizes = [1, 128], strides = [1, 1]} : vector<16x128xf32> to vector<1x128xf32>
    %jit3A_554 = arith.constant 0.000000e+00 : f32
    %broadcast_in_dim3A_555 = vector.shape_cast %broadcast_in_dim3A_552 : vector<2000x1xi1> to vector<2000x1xi1>
    %broadcast_in_dim3A_556 = vector.broadcast %broadcast_in_dim3A_555 : vector<2000x1xi1> to vector<2000x128xi1>
    %broadcast_in_dim3A_557 = vector.shape_cast %slice3A_553 : vector<1x128xf32> to vector<1x128xf32>
    %broadcast_in_dim3A_558 = vector.broadcast %broadcast_in_dim3A_557 : vector<1x128xf32> to vector<2000x128xf32>
    %broadcast_in_dim3A_559 = vector.broadcast %jit3A_554 : f32 to vector<2000x128xf32>
    %select_n3A_560 = arith.select %broadcast_in_dim3A_556, %broadcast_in_dim3A_558, %broadcast_in_dim3A_559 : vector<2000x128xi1>, vector<2000x128xf32>
    %add3A_561 = arith.addf %add3A_548, %select_n3A_560 : vector<2000x128xf32>
    %eq3A_562 = arith.constant 2 : i32
    %eq3A_563 = vector.broadcast %eq3A_562 : i32 to vector<2000xi32>
    %eq3A_564 = arith.cmpi eq, %reduce_min3A_533, %eq3A_563 : vector<2000xi32>
    %broadcast_in_dim3A_565 = vector.shape_cast %eq3A_564 : vector<2000xi1> to vector<2000x1xi1>
    %slice3A_566 = vector.extract_strided_slice %slice3A_505 {offsets = [2, 0], sizes = [1, 128], strides = [1, 1]} : vector<16x128xf32> to vector<1x128xf32>
    %jit3A_567 = arith.constant 0.000000e+00 : f32
    %broadcast_in_dim3A_568 = vector.shape_cast %broadcast_in_dim3A_565 : vector<2000x1xi1> to vector<2000x1xi1>
    %broadcast_in_dim3A_569 = vector.broadcast %broadcast_in_dim3A_568 : vector<2000x1xi1> to vector<2000x128xi1>
    %broadcast_in_dim3A_570 = vector.shape_cast %slice3A_566 : vector<1x128xf32> to vector<1x128xf32>
    %broadcast_in_dim3A_571 = vector.broadcast %broadcast_in_dim3A_570 : vector<1x128xf32> to vector<2000x128xf32>
    %broadcast_in_dim3A_572 = vector.broadcast %jit3A_567 : f32 to vector<2000x128xf32>
    %select_n3A_573 = arith.select %broadcast_in_dim3A_569, %broadcast_in_dim3A_571, %broadcast_in_dim3A_572 : vector<2000x128xi1>, vector<2000x128xf32>
    %add3A_574 = arith.addf %add3A_561, %select_n3A_573 : vector<2000x128xf32>
    %eq3A_575 = arith.constant 3 : i32
    %eq3A_576 = vector.broadcast %eq3A_575 : i32 to vector<2000xi32>
    %eq3A_577 = arith.cmpi eq, %reduce_min3A_533, %eq3A_576 : vector<2000xi32>
    %broadcast_in_dim3A_578 = vector.shape_cast %eq3A_577 : vector<2000xi1> to vector<2000x1xi1>
    %slice3A_579 = vector.extract_strided_slice %slice3A_505 {offsets = [3, 0], sizes = [1, 128], strides = [1, 1]} : vector<16x128xf32> to vector<1x128xf32>
    %jit3A_580 = arith.constant 0.000000e+00 : f32
    %broadcast_in_dim3A_581 = vector.shape_cast %broadcast_in_dim3A_578 : vector<2000x1xi1> to vector<2000x1xi1>
    %broadcast_in_dim3A_582 = vector.broadcast %broadcast_in_dim3A_581 : vector<2000x1xi1> to vector<2000x128xi1>
    %broadcast_in_dim3A_583 = vector.shape_cast %slice3A_579 : vector<1x128xf32> to vector<1x128xf32>
    %broadcast_in_dim3A_584 = vector.broadcast %broadcast_in_dim3A_583 : vector<1x128xf32> to vector<2000x128xf32>
    %broadcast_in_dim3A_585 = vector.broadcast %jit3A_580 : f32 to vector<2000x128xf32>
    %select_n3A_586 = arith.select %broadcast_in_dim3A_582, %broadcast_in_dim3A_584, %broadcast_in_dim3A_585 : vector<2000x128xi1>, vector<2000x128xf32>
    %add3A_587 = arith.addf %add3A_574, %select_n3A_586 : vector<2000x128xf32>
    %eq3A_588 = arith.constant 4 : i32
    %eq3A_589 = vector.broadcast %eq3A_588 : i32 to vector<2000xi32>
    %eq3A_590 = arith.cmpi eq, %reduce_min3A_533, %eq3A_589 : vector<2000xi32>
    %broadcast_in_dim3A_591 = vector.shape_cast %eq3A_590 : vector<2000xi1> to vector<2000x1xi1>
    %slice3A_592 = vector.extract_strided_slice %slice3A_505 {offsets = [4, 0], sizes = [1, 128], strides = [1, 1]} : vector<16x128xf32> to vector<1x128xf32>
    %jit3A_593 = arith.constant 0.000000e+00 : f32
    %broadcast_in_dim3A_594 = vector.shape_cast %broadcast_in_dim3A_591 : vector<2000x1xi1> to vector<2000x1xi1>
    %broadcast_in_dim3A_595 = vector.broadcast %broadcast_in_dim3A_594 : vector<2000x1xi1> to vector<2000x128xi1>
    %broadcast_in_dim3A_596 = vector.shape_cast %slice3A_592 : vector<1x128xf32> to vector<1x128xf32>
    %broadcast_in_dim3A_597 = vector.broadcast %broadcast_in_dim3A_596 : vector<1x128xf32> to vector<2000x128xf32>
    %broadcast_in_dim3A_598 = vector.broadcast %jit3A_593 : f32 to vector<2000x128xf32>
    %select_n3A_599 = arith.select %broadcast_in_dim3A_595, %broadcast_in_dim3A_597, %broadcast_in_dim3A_598 : vector<2000x128xi1>, vector<2000x128xf32>
    %add3A_600 = arith.addf %add3A_587, %select_n3A_599 : vector<2000x128xf32>
    %eq3A_601 = arith.constant 5 : i32
    %eq3A_602 = vector.broadcast %eq3A_601 : i32 to vector<2000xi32>
    %eq3A_603 = arith.cmpi eq, %reduce_min3A_533, %eq3A_602 : vector<2000xi32>
    %broadcast_in_dim3A_604 = vector.shape_cast %eq3A_603 : vector<2000xi1> to vector<2000x1xi1>
    %slice3A_605 = vector.extract_strided_slice %slice3A_505 {offsets = [5, 0], sizes = [1, 128], strides = [1, 1]} : vector<16x128xf32> to vector<1x128xf32>
    %jit3A_606 = arith.constant 0.000000e+00 : f32
    %broadcast_in_dim3A_607 = vector.shape_cast %broadcast_in_dim3A_604 : vector<2000x1xi1> to vector<2000x1xi1>
    %broadcast_in_dim3A_608 = vector.broadcast %broadcast_in_dim3A_607 : vector<2000x1xi1> to vector<2000x128xi1>
    %broadcast_in_dim3A_609 = vector.shape_cast %slice3A_605 : vector<1x128xf32> to vector<1x128xf32>
    %broadcast_in_dim3A_610 = vector.broadcast %broadcast_in_dim3A_609 : vector<1x128xf32> to vector<2000x128xf32>
    %broadcast_in_dim3A_611 = vector.broadcast %jit3A_606 : f32 to vector<2000x128xf32>
    %select_n3A_612 = arith.select %broadcast_in_dim3A_608, %broadcast_in_dim3A_610, %broadcast_in_dim3A_611 : vector<2000x128xi1>, vector<2000x128xf32>
    %add3A_613 = arith.addf %add3A_600, %select_n3A_612 : vector<2000x128xf32>
    %eq3A_614 = arith.constant 6 : i32
    %eq3A_615 = vector.broadcast %eq3A_614 : i32 to vector<2000xi32>
    %eq3A_616 = arith.cmpi eq, %reduce_min3A_533, %eq3A_615 : vector<2000xi32>
    %broadcast_in_dim3A_617 = vector.shape_cast %eq3A_616 : vector<2000xi1> to vector<2000x1xi1>
    %slice3A_618 = vector.extract_strided_slice %slice3A_505 {offsets = [6, 0], sizes = [1, 128], strides = [1, 1]} : vector<16x128xf32> to vector<1x128xf32>
    %jit3A_619 = arith.constant 0.000000e+00 : f32
    %broadcast_in_dim3A_620 = vector.shape_cast %broadcast_in_dim3A_617 : vector<2000x1xi1> to vector<2000x1xi1>
    %broadcast_in_dim3A_621 = vector.broadcast %broadcast_in_dim3A_620 : vector<2000x1xi1> to vector<2000x128xi1>
    %broadcast_in_dim3A_622 = vector.shape_cast %slice3A_618 : vector<1x128xf32> to vector<1x128xf32>
    %broadcast_in_dim3A_623 = vector.broadcast %broadcast_in_dim3A_622 : vector<1x128xf32> to vector<2000x128xf32>
    %broadcast_in_dim3A_624 = vector.broadcast %jit3A_619 : f32 to vector<2000x128xf32>
    %select_n3A_625 = arith.select %broadcast_in_dim3A_621, %broadcast_in_dim3A_623, %broadcast_in_dim3A_624 : vector<2000x128xi1>, vector<2000x128xf32>
    %add3A_626 = arith.addf %add3A_613, %select_n3A_625 : vector<2000x128xf32>
    %eq3A_627 = arith.constant 7 : i32
    %eq3A_628 = vector.broadcast %eq3A_627 : i32 to vector<2000xi32>
    %eq3A_629 = arith.cmpi eq, %reduce_min3A_533, %eq3A_628 : vector<2000xi32>
    %broadcast_in_dim3A_630 = vector.shape_cast %eq3A_629 : vector<2000xi1> to vector<2000x1xi1>
    %slice3A_631 = vector.extract_strided_slice %slice3A_505 {offsets = [7, 0], sizes = [1, 128], strides = [1, 1]} : vector<16x128xf32> to vector<1x128xf32>
    %jit3A_632 = arith.constant 0.000000e+00 : f32
    %broadcast_in_dim3A_633 = vector.shape_cast %broadcast_in_dim3A_630 : vector<2000x1xi1> to vector<2000x1xi1>
    %broadcast_in_dim3A_634 = vector.broadcast %broadcast_in_dim3A_633 : vector<2000x1xi1> to vector<2000x128xi1>
    %broadcast_in_dim3A_635 = vector.shape_cast %slice3A_631 : vector<1x128xf32> to vector<1x128xf32>
    %broadcast_in_dim3A_636 = vector.broadcast %broadcast_in_dim3A_635 : vector<1x128xf32> to vector<2000x128xf32>
    %broadcast_in_dim3A_637 = vector.broadcast %jit3A_632 : f32 to vector<2000x128xf32>
    %select_n3A_638 = arith.select %broadcast_in_dim3A_634, %broadcast_in_dim3A_636, %broadcast_in_dim3A_637 : vector<2000x128xi1>, vector<2000x128xf32>
    %add3A_639 = arith.addf %add3A_626, %select_n3A_638 : vector<2000x128xf32>
    %eq3A_640 = arith.constant 8 : i32
    %eq3A_641 = vector.broadcast %eq3A_640 : i32 to vector<2000xi32>
    %eq3A_642 = arith.cmpi eq, %reduce_min3A_533, %eq3A_641 : vector<2000xi32>
    %broadcast_in_dim3A_643 = vector.shape_cast %eq3A_642 : vector<2000xi1> to vector<2000x1xi1>
    %slice3A_644 = vector.extract_strided_slice %slice3A_505 {offsets = [8, 0], sizes = [1, 128], strides = [1, 1]} : vector<16x128xf32> to vector<1x128xf32>
    %jit3A_645 = arith.constant 0.000000e+00 : f32
    %broadcast_in_dim3A_646 = vector.shape_cast %broadcast_in_dim3A_643 : vector<2000x1xi1> to vector<2000x1xi1>
    %broadcast_in_dim3A_647 = vector.broadcast %broadcast_in_dim3A_646 : vector<2000x1xi1> to vector<2000x128xi1>
    %broadcast_in_dim3A_648 = vector.shape_cast %slice3A_644 : vector<1x128xf32> to vector<1x128xf32>
    %broadcast_in_dim3A_649 = vector.broadcast %broadcast_in_dim3A_648 : vector<1x128xf32> to vector<2000x128xf32>
    %broadcast_in_dim3A_650 = vector.broadcast %jit3A_645 : f32 to vector<2000x128xf32>
    %select_n3A_651 = arith.select %broadcast_in_dim3A_647, %broadcast_in_dim3A_649, %broadcast_in_dim3A_650 : vector<2000x128xi1>, vector<2000x128xf32>
    %add3A_652 = arith.addf %add3A_639, %select_n3A_651 : vector<2000x128xf32>
    %eq3A_653 = arith.constant 9 : i32
    %eq3A_654 = vector.broadcast %eq3A_653 : i32 to vector<2000xi32>
    %eq3A_655 = arith.cmpi eq, %reduce_min3A_533, %eq3A_654 : vector<2000xi32>
    %broadcast_in_dim3A_656 = vector.shape_cast %eq3A_655 : vector<2000xi1> to vector<2000x1xi1>
    %slice3A_657 = vector.extract_strided_slice %slice3A_505 {offsets = [9, 0], sizes = [1, 128], strides = [1, 1]} : vector<16x128xf32> to vector<1x128xf32>
    %jit3A_658 = arith.constant 0.000000e+00 : f32
    %broadcast_in_dim3A_659 = vector.shape_cast %broadcast_in_dim3A_656 : vector<2000x1xi1> to vector<2000x1xi1>
    %broadcast_in_dim3A_660 = vector.broadcast %broadcast_in_dim3A_659 : vector<2000x1xi1> to vector<2000x128xi1>
    %broadcast_in_dim3A_661 = vector.shape_cast %slice3A_657 : vector<1x128xf32> to vector<1x128xf32>
    %broadcast_in_dim3A_662 = vector.broadcast %broadcast_in_dim3A_661 : vector<1x128xf32> to vector<2000x128xf32>
    %broadcast_in_dim3A_663 = vector.broadcast %jit3A_658 : f32 to vector<2000x128xf32>
    %select_n3A_664 = arith.select %broadcast_in_dim3A_660, %broadcast_in_dim3A_662, %broadcast_in_dim3A_663 : vector<2000x128xi1>, vector<2000x128xf32>
    %add3A_665 = arith.addf %add3A_652, %select_n3A_664 : vector<2000x128xf32>
    %eq3A_666 = arith.constant 10 : i32
    %eq3A_667 = vector.broadcast %eq3A_666 : i32 to vector<2000xi32>
    %eq3A_668 = arith.cmpi eq, %reduce_min3A_533, %eq3A_667 : vector<2000xi32>
    %broadcast_in_dim3A_669 = vector.shape_cast %eq3A_668 : vector<2000xi1> to vector<2000x1xi1>
    %slice3A_670 = vector.extract_strided_slice %slice3A_505 {offsets = [10, 0], sizes = [1, 128], strides = [1, 1]} : vector<16x128xf32> to vector<1x128xf32>
    %jit3A_671 = arith.constant 0.000000e+00 : f32
    %broadcast_in_dim3A_672 = vector.shape_cast %broadcast_in_dim3A_669 : vector<2000x1xi1> to vector<2000x1xi1>
    %broadcast_in_dim3A_673 = vector.broadcast %broadcast_in_dim3A_672 : vector<2000x1xi1> to vector<2000x128xi1>
    %broadcast_in_dim3A_674 = vector.shape_cast %slice3A_670 : vector<1x128xf32> to vector<1x128xf32>
    %broadcast_in_dim3A_675 = vector.broadcast %broadcast_in_dim3A_674 : vector<1x128xf32> to vector<2000x128xf32>
    %broadcast_in_dim3A_676 = vector.broadcast %jit3A_671 : f32 to vector<2000x128xf32>
    %select_n3A_677 = arith.select %broadcast_in_dim3A_673, %broadcast_in_dim3A_675, %broadcast_in_dim3A_676 : vector<2000x128xi1>, vector<2000x128xf32>
    %add3A_678 = arith.addf %add3A_665, %select_n3A_677 : vector<2000x128xf32>
    %eq3A_679 = arith.constant 11 : i32
    %eq3A_680 = vector.broadcast %eq3A_679 : i32 to vector<2000xi32>
    %eq3A_681 = arith.cmpi eq, %reduce_min3A_533, %eq3A_680 : vector<2000xi32>
    %broadcast_in_dim3A_682 = vector.shape_cast %eq3A_681 : vector<2000xi1> to vector<2000x1xi1>
    %slice3A_683 = vector.extract_strided_slice %slice3A_505 {offsets = [11, 0], sizes = [1, 128], strides = [1, 1]} : vector<16x128xf32> to vector<1x128xf32>
    %jit3A_684 = arith.constant 0.000000e+00 : f32
    %broadcast_in_dim3A_685 = vector.shape_cast %broadcast_in_dim3A_682 : vector<2000x1xi1> to vector<2000x1xi1>
    %broadcast_in_dim3A_686 = vector.broadcast %broadcast_in_dim3A_685 : vector<2000x1xi1> to vector<2000x128xi1>
    %broadcast_in_dim3A_687 = vector.shape_cast %slice3A_683 : vector<1x128xf32> to vector<1x128xf32>
    %broadcast_in_dim3A_688 = vector.broadcast %broadcast_in_dim3A_687 : vector<1x128xf32> to vector<2000x128xf32>
    %broadcast_in_dim3A_689 = vector.broadcast %jit3A_684 : f32 to vector<2000x128xf32>
    %select_n3A_690 = arith.select %broadcast_in_dim3A_686, %broadcast_in_dim3A_688, %broadcast_in_dim3A_689 : vector<2000x128xi1>, vector<2000x128xf32>
    %add3A_691 = arith.addf %add3A_678, %select_n3A_690 : vector<2000x128xf32>
    %eq3A_692 = arith.constant 12 : i32
    %eq3A_693 = vector.broadcast %eq3A_692 : i32 to vector<2000xi32>
    %eq3A_694 = arith.cmpi eq, %reduce_min3A_533, %eq3A_693 : vector<2000xi32>
    %broadcast_in_dim3A_695 = vector.shape_cast %eq3A_694 : vector<2000xi1> to vector<2000x1xi1>
    %slice3A_696 = vector.extract_strided_slice %slice3A_505 {offsets = [12, 0], sizes = [1, 128], strides = [1, 1]} : vector<16x128xf32> to vector<1x128xf32>
    %jit3A_697 = arith.constant 0.000000e+00 : f32
    %broadcast_in_dim3A_698 = vector.shape_cast %broadcast_in_dim3A_695 : vector<2000x1xi1> to vector<2000x1xi1>
    %broadcast_in_dim3A_699 = vector.broadcast %broadcast_in_dim3A_698 : vector<2000x1xi1> to vector<2000x128xi1>
    %broadcast_in_dim3A_700 = vector.shape_cast %slice3A_696 : vector<1x128xf32> to vector<1x128xf32>
    %broadcast_in_dim3A_701 = vector.broadcast %broadcast_in_dim3A_700 : vector<1x128xf32> to vector<2000x128xf32>
    %broadcast_in_dim3A_702 = vector.broadcast %jit3A_697 : f32 to vector<2000x128xf32>
    %select_n3A_703 = arith.select %broadcast_in_dim3A_699, %broadcast_in_dim3A_701, %broadcast_in_dim3A_702 : vector<2000x128xi1>, vector<2000x128xf32>
    %add3A_704 = arith.addf %add3A_691, %select_n3A_703 : vector<2000x128xf32>
    %eq3A_705 = arith.constant 13 : i32
    %eq3A_706 = vector.broadcast %eq3A_705 : i32 to vector<2000xi32>
    %eq3A_707 = arith.cmpi eq, %reduce_min3A_533, %eq3A_706 : vector<2000xi32>
    %broadcast_in_dim3A_708 = vector.shape_cast %eq3A_707 : vector<2000xi1> to vector<2000x1xi1>
    %slice3A_709 = vector.extract_strided_slice %slice3A_505 {offsets = [13, 0], sizes = [1, 128], strides = [1, 1]} : vector<16x128xf32> to vector<1x128xf32>
    %jit3A_710 = arith.constant 0.000000e+00 : f32
    %broadcast_in_dim3A_711 = vector.shape_cast %broadcast_in_dim3A_708 : vector<2000x1xi1> to vector<2000x1xi1>
    %broadcast_in_dim3A_712 = vector.broadcast %broadcast_in_dim3A_711 : vector<2000x1xi1> to vector<2000x128xi1>
    %broadcast_in_dim3A_713 = vector.shape_cast %slice3A_709 : vector<1x128xf32> to vector<1x128xf32>
    %broadcast_in_dim3A_714 = vector.broadcast %broadcast_in_dim3A_713 : vector<1x128xf32> to vector<2000x128xf32>
    %broadcast_in_dim3A_715 = vector.broadcast %jit3A_710 : f32 to vector<2000x128xf32>
    %select_n3A_716 = arith.select %broadcast_in_dim3A_712, %broadcast_in_dim3A_714, %broadcast_in_dim3A_715 : vector<2000x128xi1>, vector<2000x128xf32>
    %add3A_717 = arith.addf %add3A_704, %select_n3A_716 : vector<2000x128xf32>
    %eq3A_718 = arith.constant 14 : i32
    %eq3A_719 = vector.broadcast %eq3A_718 : i32 to vector<2000xi32>
    %eq3A_720 = arith.cmpi eq, %reduce_min3A_533, %eq3A_719 : vector<2000xi32>
    %broadcast_in_dim3A_721 = vector.shape_cast %eq3A_720 : vector<2000xi1> to vector<2000x1xi1>
    %slice3A_722 = vector.extract_strided_slice %slice3A_505 {offsets = [14, 0], sizes = [1, 128], strides = [1, 1]} : vector<16x128xf32> to vector<1x128xf32>
    %jit3A_723 = arith.constant 0.000000e+00 : f32
    %broadcast_in_dim3A_724 = vector.shape_cast %broadcast_in_dim3A_721 : vector<2000x1xi1> to vector<2000x1xi1>
    %broadcast_in_dim3A_725 = vector.broadcast %broadcast_in_dim3A_724 : vector<2000x1xi1> to vector<2000x128xi1>
    %broadcast_in_dim3A_726 = vector.shape_cast %slice3A_722 : vector<1x128xf32> to vector<1x128xf32>
    %broadcast_in_dim3A_727 = vector.broadcast %broadcast_in_dim3A_726 : vector<1x128xf32> to vector<2000x128xf32>
    %broadcast_in_dim3A_728 = vector.broadcast %jit3A_723 : f32 to vector<2000x128xf32>
    %select_n3A_729 = arith.select %broadcast_in_dim3A_725, %broadcast_in_dim3A_727, %broadcast_in_dim3A_728 : vector<2000x128xi1>, vector<2000x128xf32>
    %add3A_730 = arith.addf %add3A_717, %select_n3A_729 : vector<2000x128xf32>
    %eq3A_731 = arith.constant 15 : i32
    %eq3A_732 = vector.broadcast %eq3A_731 : i32 to vector<2000xi32>
    %eq3A_733 = arith.cmpi eq, %reduce_min3A_533, %eq3A_732 : vector<2000xi32>
    %broadcast_in_dim3A_734 = vector.shape_cast %eq3A_733 : vector<2000xi1> to vector<2000x1xi1>
    %slice3A_735 = vector.extract_strided_slice %slice3A_505 {offsets = [15, 0], sizes = [1, 128], strides = [1, 1]} : vector<16x128xf32> to vector<1x128xf32>
    %jit3A_736 = arith.constant 0.000000e+00 : f32
    %broadcast_in_dim3A_737 = vector.shape_cast %broadcast_in_dim3A_734 : vector<2000x1xi1> to vector<2000x1xi1>
    %broadcast_in_dim3A_738 = vector.broadcast %broadcast_in_dim3A_737 : vector<2000x1xi1> to vector<2000x128xi1>
    %broadcast_in_dim3A_739 = vector.shape_cast %slice3A_735 : vector<1x128xf32> to vector<1x128xf32>
    %broadcast_in_dim3A_740 = vector.broadcast %broadcast_in_dim3A_739 : vector<1x128xf32> to vector<2000x128xf32>
    %broadcast_in_dim3A_741 = vector.broadcast %jit3A_736 : f32 to vector<2000x128xf32>
    %select_n3A_742 = arith.select %broadcast_in_dim3A_738, %broadcast_in_dim3A_740, %broadcast_in_dim3A_741 : vector<2000x128xi1>, vector<2000x128xf32>
    %add3A_743 = arith.addf %add3A_730, %select_n3A_742 : vector<2000x128xf32>
    %sub3A_744 = arith.subf %sub3A_504, %add3A_743 : vector<2000x128xf32>
    %broadcast_in_dim3A_745 = vector.shape_cast %reduce_min3A_54 : vector<2000xi32> to vector<2000x1xi32>
    %broadcast_in_dim3A_746 = vector.shape_cast %reduce_min3A_293 : vector<2000xi32> to vector<2000x1xi32>
    %broadcast_in_dim3A_747 = vector.shape_cast %reduce_min3A_533 : vector<2000xi32> to vector<2000x1xi32>
    %broadcast_in_dim3A_748 = arith.constant 0 : i32
    %broadcast_in_dim3A_749 = vector.broadcast %broadcast_in_dim3A_748 : i32 to vector<2000x5xi32>
    %concatenate3A = tpu.concatenate %broadcast_in_dim3A_745, %broadcast_in_dim3A_746, %broadcast_in_dim3A_747, %broadcast_in_dim3A_749 in 1 : vector<2000x1xi32>, vector<2000x1xi32>, vector<2000x1xi32>, vector<2000x5xi32> -> vector<2000x8xi32>
    %swap3A = arith.constant 0 : index
    %swap3A_750 = arith.constant 0 : index
    %swap3A_751 = vector.load %arg13[%swap3A, %swap3A_750] : memref<2000x8xi32, #tpu.memory_space<vmem>>, vector<2000x8xi32>
    tpu.vector_store %arg13[%swap3A, %swap3A_750], %concatenate3A {strides = array<i32>} : memref<2000x8xi32, #tpu.memory_space<vmem>>, vector<2000x8xi32>,
    %get3A_752 = arith.constant 0 : index
    %get3A_753 = arith.constant 0 : index
    %get3A_754 = vector.load %arg10[%get3A_752, %get3A_753] : memref<128x40xf32, #tpu.memory_space<vmem>>, vector<128x40xf32>
    %dot_general3A_755 = arith.constant dense<0.000000e+00> : vector<2000x40xf32>
    %dot_general3A_756 = tpu.matmul %add3A_32, %get3A_754, %dot_general3A_755 {dimension_numbers = #tpu.dot_dimension_numbers<[1], [0], [0], [1], [0, 0, 1, 1], [], []>, transpose_lhs_hint = false} : vector<2000x128xf32>, vector<128x40xf32>, vector<2000x40xf32> -> vector<2000x40xf32>
    %get3A_757 = arith.constant 0 : index
    %get3A_758 = arith.constant 0 : index
    %get3A_759 = vector.load %arg11[%get3A_757, %get3A_758] : memref<1x40xf32, #tpu.memory_space<vmem>>, vector<1x40xf32>
    %add3A_760 = vector.broadcast %get3A_759 : vector<1x40xf32> to vector<2000x40xf32>
    %add3A_761 = arith.addf %dot_general3A_756, %add3A_760 : vector<2000x40xf32>
    %swap3A_762 = arith.constant 0 : index
    %swap3A_763 = arith.constant 0 : index
    %swap3A_764 = vector.load %arg12[%swap3A_762, %swap3A_763] : memref<2000x40xf32, #tpu.memory_space<vmem>>, vector<2000x40xf32>
    tpu.vector_store %arg12[%swap3A_762, %swap3A_763], %add3A_761 {strides = array<i32>} : memref<2000x40xf32, #tpu.memory_space<vmem>>, vector<2000x40xf32>,
    %eq3A_765 = arith.constant 0 : i32
    %eq3A_766 = arith.cmpi eq, %arg0, %eq3A_765 : i32
    %convert_element_type3A = arith.extui %eq3A_766 : i1 to i32
    %cond3A = arith.constant 0 : i32
    %cond3A_767 = arith.cmpi ne, %convert_element_type3A, %cond3A : i32
    scf.if %cond3A_767 {
      %broadcast_in_dim3A_782 = arith.constant 0.000000e+00 : f32
      %broadcast_in_dim3A_783 = vector.broadcast %broadcast_in_dim3A_782 : f32 to vector<8x128xf32>
      %swap3A_784 = arith.constant 0 : index
      %swap3A_785 = arith.constant 0 : index
      %swap3A_786 = vector.load %arg14[%swap3A_784, %swap3A_785] : memref<8x128xf32, #tpu.memory_space<vmem>>, vector<8x128xf32>
      tpu.vector_store %arg14[%swap3A_784, %swap3A_785], %broadcast_in_dim3A_783 {strides = array<i32>} : memref<8x128xf32, #tpu.memory_space<vmem>>, vector<8x128xf32>,
    } else {
    }
    %get3A_768 = arith.constant 0 : index
    %get3A_769 = arith.constant 0 : index
    %get3A_770 = vector.load %arg14[%get3A_768, %get3A_769] : memref<8x128xf32, #tpu.memory_space<vmem>>, vector<1x1xf32>
    %mul3A_771 = arith.mulf %sub3A_744, %sub3A_744 : vector<2000x128xf32>
    %reduce_sum3A_772 = vector.shape_cast %mul3A_771 : vector<2000x128xf32> to vector<1x2000x128xf32>
    %reduce_sum3A_773 = arith.constant dense<0.000000e+00> : vector<1xf32>
    %reduce_sum3A_774 = vector.multi_reduction <add>, %reduce_sum3A_772, %reduce_sum3A_773 [1, 2] : vector<1x2000x128xf32> to vector<1xf32>
    %reduce_sum3A_775 = vector.shape_cast %reduce_sum3A_774 : vector<1xf32> to vector<1x1x1xf32>
    %reduce_sum3A_776 = vector.extract %reduce_sum3A_775[0, 0, 0] : f32 from vector<1x1x1xf32>
    %broadcast_in_dim3A_777 = vector.broadcast %reduce_sum3A_776 : f32 to vector<1x1xf32>
    %add3A_778 = arith.addf %get3A_770, %broadcast_in_dim3A_777 : vector<1x1xf32>
    %swap3A_779 = arith.constant 0 : index
    %swap3A_780 = arith.constant 0 : index
    %swap3A_781 = vector.load %arg14[%swap3A_779, %swap3A_780] : memref<8x128xf32, #tpu.memory_space<vmem>>, vector<1x1xf32>
    tpu.vector_store %arg14[%swap3A_779, %swap3A_780], %add3A_778 {strides = array<i32>} : memref<8x128xf32, #tpu.memory_space<vmem>>, vector<1x1xf32>,
    return
  }
  func.func @transform_0(%arg0: i32) -> (i32, i32) {
    %c0_i32 = arith.constant 0 : i32
    %c0_i32_0 = arith.constant 0 : i32
    return %arg0, %c0_i32 : i32, i32
  }
  func.func @transform_1(%arg0: i32) -> (i32, i32) {
    %c0_i32 = arith.constant 0 : i32
    %c0_i32_0 = arith.constant 0 : i32
    return %arg0, %c0_i32 : i32, i32
  }
  func.func @transform_2(%arg0: i32) -> (i32, i32) {
    %c0_i32 = arith.constant 0 : i32
    %c0_i32_0 = arith.constant 0 : i32
    return %arg0, %c0_i32 : i32, i32
  }
  func.func @transform_3(%arg0: i32) -> (i32, i32) {
    %c0_i32 = arith.constant 0 : i32
    %c0_i32_0 = arith.constant 0 : i32
    return %arg0, %c0_i32 : i32, i32
  }
  func.func @transform_4(%arg0: i32) -> (i32, i32) {
    %c0_i32 = arith.constant 0 : i32
    %c0_i32_0 = arith.constant 0 : i32
    return %arg0, %c0_i32 : i32, i32
  }
  func.func @transform_5(%arg0: i32) -> (i32, i32) {
    %c0_i32 = arith.constant 0 : i32
    %c0_i32_0 = arith.constant 0 : i32
    %c0_i32_1 = arith.constant 0 : i32
    return %c0_i32, %c0_i32_0 : i32, i32
  }
  func.func @transform_6(%arg0: i32) -> (i32, i32) {
    %c0_i32 = arith.constant 0 : i32
    %c0_i32_0 = arith.constant 0 : i32
    %c0_i32_1 = arith.constant 0 : i32
    return %c0_i32, %c0_i32_0 : i32, i32
  }
  func.func @transform_7(%arg0: i32) -> (i32, i32) {
    %c0_i32 = arith.constant 0 : i32
    %c0_i32_0 = arith.constant 0 : i32
    %c0_i32_1 = arith.constant 0 : i32
    return %c0_i32, %c0_i32_0 : i32, i32
  }
  func.func @transform_8(%arg0: i32) -> (i32, i32) {
    %c0_i32 = arith.constant 0 : i32
    %c0_i32_0 = arith.constant 0 : i32
    %c0_i32_1 = arith.constant 0 : i32
    return %c0_i32, %c0_i32_0 : i32, i32
  }
  func.func @transform_9(%arg0: i32) -> (i32, i32) {
    %c0_i32 = arith.constant 0 : i32
    %c0_i32_0 = arith.constant 0 : i32
    %c0_i32_1 = arith.constant 0 : i32
    return %c0_i32, %c0_i32_0 : i32, i32
  }
  func.func @transform_10(%arg0: i32) -> (i32, i32) {
    %c0_i32 = arith.constant 0 : i32
    %c0_i32_0 = arith.constant 0 : i32
    %c0_i32_1 = arith.constant 0 : i32
    return %c0_i32, %c0_i32_0 : i32, i32
  }
  func.func @transform_11(%arg0: i32) -> (i32, i32) {
    %c0_i32 = arith.constant 0 : i32
    %c0_i32_0 = arith.constant 0 : i32
    return %arg0, %c0_i32 : i32, i32
  }
  func.func @transform_12(%arg0: i32) -> (i32, i32) {
    %c0_i32 = arith.constant 0 : i32
    %c0_i32_0 = arith.constant 0 : i32
    return %arg0, %c0_i32 : i32, i32
  }
  func.func @transform_13(%arg0: i32) -> (i32, i32) {
    %c0_i32 = arith.constant 0 : i32
    %c0_i32_0 = arith.constant 0 : i32
    %c0_i32_1 = arith.constant 0 : i32
    return %c0_i32, %c0_i32_0 : i32, i32
  }
}

</mosaic_0001>

<sc_bundles>
// kernel: kernel.11.cloned.1.call-start
scs
__scs_entry_jumppad:
0x0: {  	(pc) =	sbr.rel $0x88, $3  }
0x1: {  	(tag) =	ssettag $0x0;
	lr =	simm.s32 $0x1  }
0x2: {  	[smem:$0x3F8D] =	sst lr;
	_ =	strace $0xD0000000  }
0x3: {  	_ = 	snop  }
0x4: {  	_ = 	snop  }
0x5: {  	_ = 	snop  }
0x6: {  	_ = 	snop  }
0x7: {  	_ = 	snop  }
__scs_overlays_trampoline_lowered:
0x8: {  	[smem:$0x3F9C] =	sst s0  }
0x9: {  	[smem:$0x3F9D] =	sst s1  }
0xa: {  	[smem:$0x3F9E] =	sst s2  }
0xb: {  	[smem:$0x3F9F] =	sst s3  }
0xc: {  	[smem:$0x3FA0] =	sst s4  }
0xd: {  	[smem:$0x3FA1] =	sst s5  }
0xe: {  	[smem:$0x3FA2] =	sst s6  }
0xf: {  	[smem:$0x3FA3] =	sst s7  }
0x10: {  	[smem:$0x3FA4] =	sst s8  }
0x11: {  	[smem:$0x3FA5] =	sst s9;
	s0 =	simm.s32 @!p0 $0x0  }
0x12: {  	s1 =	sld [smem:$0x3F8B];
	s0 =	simm.s32 @p0 $0x1  }
0x13: {  	[smem:$0x3FA6] =	sst s0;
	s0 =	simm.s32 @!p1 $0x0  }
0x14: {  	s2 =	sld [smem:$0x3F8A];
	s0 =	simm.s32 @p1 $0x1  }
0x15: {  	[smem:$0x3FA7] =	sst s0;
	s0 =	simm.s32 @!p2 $0x0  }
0x16: {  	s3 =	sld [smem:$0x3FDB];
	s0 =	simm.s32 @p2 $0x1  }
0x17: {  	s4 =	simm.s32 $0x1BF5;
	[smem:$0x3FA9] =	sst s0  }
0x18: {  	s0 =	sld [smem:$0x3F8C];
	_ =	swait.ge [sflag:s4], $0x0  }
0x19: {  	s7 =	sld [smem:$0x3F8D]  }
0x1a: {  	s8 =	sadd.s32 $0xFFFFE003, lr  }
0x1b: {  	s9 =	sadd.s32 $0xFFFFFEF7, lr;
	s5 =	simm.s32 $0xFFFFFFFF;
	p2 =	slt.u32 s8, $0xFFFFF086  }
0x1c: {  	p1 =	slt.u32 s9, $0xF7A;
	s5 =	simm.s32 @!p2 $0x0  }
0x1d: {  	s5 =	simm.s32 @p1 $0x1;
	p0 =	seq.s32 s7, s2  }
0x1e: {  	s7 =	smul.u32 @!p0 $0xF7A, s2;
	p2 =	seq.s32 @!p0 s5, $0x0  }
0x1f: {  	s9 =	smul.u32 $0xF7A, s1;
	s8 =	simm.s32 @!p0 $0x1BF5;
	p2 =	por !p2, p0  }
0x20: {  	[sflag:s8] =	ssyncset.s32 @!p0 $0xFFFFF086;
	s6 =	sadd.s32 @!p0 s3, s7;
	s7 =	simm.s32 @!p0 $0x108  }
0x21: {  	s3 =	sadd.s32 s3, s9;
	s6 =	sadd.s32 @!p0 $0x88, s6;
	s7 =	simm.s32 @p2 $0x1082  }
0x22: {  	[simem:s7], [sflag:s8] =	dma.local @!p0 [hbm:s6], $0xF7A  }
0x23: {  	s9 =	sor.u32 $0xD0000000, s2;
	s6 =	simm.s32 $0x108;
	_ =	swait.ge @!p0 [sflag:s8], $0x0  }
0x24: {  	s3 =	sadd.s32 $0x88, s3;
	s6 =	simm.s32 @!p1 $0x1082;
	[sflag:s4] =	ssyncset.s32 $0xFFFFF086  }
0x25: {  	[simem:s6], [sflag:s4] =	dma.local [hbm:s3], $0xF7A  }
0x26: {  	[smem:$0x3F8D] =	sst s1;
	(tag) =	ssettag s2;
	_ =	strace s9  }
0x27: {  	s1 =	sld [smem:$0x3F9D]  }
0x28: {  	s2 =	sld [smem:$0x3F9E]  }
0x29: {  	s4 =	sld [smem:$0x3FA0]  }
0x2a: {  	p0 =	seq.s32 s5, $0x0;
	s5 =	sld [smem:$0x3FA1]  }
0x2b: {  	s6 =	sld [smem:$0x3FA2]  }
0x2c: {  	s7 =	sld [smem:$0x3FA3]  }
0x2d: {  	s3 =	simm.s32 $0x108;
	s8 =	sld [smem:$0x3FA4]  }
0x2e: {  	s3 =	simm.s32 @!p0 $0x1082;
	s9 =	sld [smem:$0x3FA5]  }
0x2f: {  	lr =	sadd.s32 s0, s3;
	s0 =	sld [smem:$0x3F9C]  }
0x30: {  	s3 =	sld [smem:$0x3F9F]  }
0x31: {  	[smem:$0x3FA8] =	sst s10  }
0x32: {  	s10 =	sld [smem:$0x3FA6];
	_ =	sdelay $0x3  }
0x33: {  	p0 =	seq.s32 s10, $0x1;
	s10 =	sld [smem:$0x3FA8];
	_ =	sdelay $0x3  }
0x34: {  	[smem:$0x3FA8] =	sst s10  }
0x35: {  	s10 =	sld [smem:$0x3FA7];
	_ =	sdelay $0x3  }
0x36: {  	p1 =	seq.s32 s10, $0x1;
	s10 =	sld [smem:$0x3FA8];
	_ =	sdelay $0x3  }
0x37: {  	[smem:$0x3FA8] =	sst s10  }
0x38: {  	s10 =	sld [smem:$0x3FA9]  }
0x39: {  	_ = 	snop;
	(pc) =	sbr.ind lr, $3  }
0x3a: {  	_ = 	snop  }
0x3b: {  	_ = 	snop  }
0x3c: {  	p2 =	seq.s32 s10, $0x1;
	s10 =	sld [smem:$0x3FA8]  }
0x3d: {  	_ =	shalt  }
0x3e: {  	_ =	shalt  }
0x3f: {  	_ =	shalt  }
0x40: {  	_ =	shalt  }
0x41: {  	_ =	shalt  }
0x42: {  	_ =	shalt  }
0x43: {  	_ =	shalt  }
0x44: {  	_ =	shalt  }
0x45: {  	_ =	shalt  }
0x46: {  	_ =	shalt  }
0x47: {  	_ =	shalt  }
0x48: {  	_ =	shalt  }
0x49: {  	_ =	shalt  }
0x4a: {  	_ =	shalt  }
0x4b: {  	_ =	shalt  }
0x4c: {  	_ =	shalt  }
0x4d: {  	_ =	shalt  }
0x4e: {  	_ =	shalt  }
0x4f: {  	_ =	shalt  }
0x50: {  	_ =	shalt  }
0x51: {  	_ =	shalt  }
0x52: {  	_ =	shalt  }
0x53: {  	_ =	shalt  }
0x54: {  	_ =	shalt  }
0x55: {  	_ =	shalt  }
0x56: {  	_ =	shalt  }
0x57: {  	_ =	shalt  }
0x58: {  	_ =	shalt  }
0x59: {  	_ =	shalt  }
0x5a: {  	_ =	shalt  }
0x5b: {  	_ =	shalt  }
0x5c: {  	_ =	shalt  }
0x5d: {  	_ =	shalt  }
0x5e: {  	_ =	shalt  }
0x5f: {  	_ =	shalt  }
0x60: {  	_ =	shalt  }
0x61: {  	_ =	shalt  }
0x62: {  	_ =	shalt  }
0x63: {  	_ =	shalt  }
0x64: {  	_ =	shalt  }
0x65: {  	_ =	shalt  }
0x66: {  	_ =	shalt  }
0x67: {  	_ =	shalt  }
0x68: {  	_ =	shalt  }
0x69: {  	_ =	shalt  }
0x6a: {  	_ =	shalt  }
0x6b: {  	_ =	shalt  }
0x6c: {  	_ =	shalt  }
0x6d: {  	_ =	shalt  }
0x6e: {  	_ =	shalt  }
0x6f: {  	_ =	shalt  }
0x70: {  	_ =	shalt  }
0x71: {  	_ =	shalt  }
0x72: {  	_ =	shalt  }
0x73: {  	_ =	shalt  }
0x74: {  	_ =	shalt  }
0x75: {  	_ =	shalt  }
0x76: {  	_ =	shalt  }
0x77: {  	_ =	shalt  }
0x78: {  	_ =	shalt  }
0x79: {  	_ =	shalt  }
0x7a: {  	_ =	shalt  }
0x7b: {  	_ =	shalt  }
0x7c: {  	_ =	shalt  }
0x7d: {  	_ =	shalt  }
0x7e: {  	_ =	shalt  }
0x7f: {  	_ =	shalt  }
0x80: {  	_ =	shalt  }
0x81: {  	_ =	shalt  }
0x82: {  	_ =	shalt  }
0x83: {  	_ =	shalt  }
0x84: {  	_ =	shalt  }
0x85: {  	_ =	shalt  }
0x86: {  	_ =	shalt  }
0x87: {  	_ =	shalt  }
.Lfunc_end0:
.L_simem_size_0:
called_computation_lowered:
.L_overlay_start_0:
0x88: {  	s2 =	sld [smem:$0x3FD9]  }
0x89: {  	s3 =	sld [smem:$0x3FFE];
	_ =	sdelay $0x1  }
0x8a: {  	s1 =	srdreg.scid  }
0x8b: {  	s0 =	sand.u32 $0x1, s1  }
0x8c: {  	s17 =	sshll.u32 s0, $0xA;
	s2 =	sadd.s32 s3, s2  }
0x8d: {  	s2 =	sadd.s32 s2, s17  }
0x8e: {  	[smem:$0x3FB4] =	sst s2  }
0x8f: {  	_ = 	snop  }
0x90: {  	(tm) =	ssettm $0x1  }
0x91: {  	s18 =	sld [smem:$0x3FFB];
	_ =	sdelay $0x3  }
0x92: {  	_ =	strace s18  }
0x93: {  	s2 =	sld [smem:$0x3FFC];
	_ =	sdelay $0x3  }
0x94: {  	_ =	strace s2  }
0x95: {  	s2 =	sld [smem:$0x3FFD];
	_ =	sdelay $0x3  }
0x96: {  	_ =	strace s2  }
0x97: {  	_ =	strace $0x8FFFFFFF  }
0x98: {  	s19 =	sld [smem:$0x3FDB];
	_ =	sdelay $0x1  }
0x99: {  	s20 =	simm.s32 $_scs_section_size  }
0x9a: {  	s4 =	simm.s32 $_size__tile_overlayer_lowered;
	s5 =	simm.s32 $_tile_overlayer_lowered  }
0x9b: {  	s6 =	simm.s32 $0x1BFF;
	s21 =	sshll.u32 s5, $0x1;
	s3 =	sadd.s32 s20, s19  }
0x9c: {  	s22 =	simm.s32 $0x0;
	s4 =	sshll.u32 s4, $0x1;
	s5 =	sadd.s32 s21, s3  }
0x9d: {  	[timem:s22], [sflag:s6] =	dma.local [hbm:s5], s4  }
0x9e: {  	_ =	swait.ge [sflag:s6], s4  }
0x9f: {  	s4 =	ssub.s32 $0x0, s4;
	[sflag:s6] =	ssyncset.done $0x0  }
0xa0: {  	[sflag:s6] =	ssyncadd.s32 s4;
	_ =	sdelay $0x1  }
0xa1: {  	s23 =	simm.s32 $0x1B8B  }
0xa2: {  	_ =	swait.ge [sflag:s23], $0x1  }
0xa3: {  	[sflag:s23] =	ssyncset.done $0x0  }
0xa4: {  	[sflag:s23] =	ssyncadd.s32 $0xFFFFFFFF  }
0xa5: {  	s4 =	sld [smem:$0x0]  }
0xa6: {  	s5 =	sand.u32 $0xFFFFFFFE, s1  }
0xa7: {  	p0 =	sne.s32 s1, s5  }
0xa8: {  	s5 =	sshll.u32 @p0 s5, $0xE  }
0xa9: {  	s5 =	sadd.s32 @p0 $0x11B8D, s5;
	s6 =	sshll.u32 @p0 s4, $0x11  }
0xaa: {  	s5 =	sor.u32 @p0 s6, s5  }
0xab: {  	[sflag:s5] =	ssyncadd.remote.s32 @p0 $0x1;
	_ =	sdelay $0x1  }
0xac: {  	s5 =	simm.s32 @p0 $0x1B8D  }
0xad: {  	_ =	swait.eq @p0 [sflag:s5], $0x1  }
0xae: {  	[sflag:s5] =	ssyncadd.s32 @p0 $0xFFFFFFFF  }
0xaf: {  	s6 =	sshll.u32 @!p0 s1, $0xE  }
0xb0: {  	s6 =	sor.u32 @!p0 $0x4000, s6;
	s5 =	simm.s32 @!p0 $0x1B8D  }
0xb1: {  	s4 =	sshll.u32 @!p0 s4, $0x11;
	s6 =	sadd.s32 @!p0 $0x11B8D, s6;
	_ =	swait.eq @!p0 [sflag:s5], $0x1  }
0xb2: {  	s4 =	sor.u32 @!p0 s4, s6;
	[sflag:s5] =	ssyncadd.s32 @!p0 $0xFFFFFFFF  }
0xb3: {  	s25 =	simm.s32 $0x1B8E;
	s24 =	sld [smem:$0x3FFE];
	[sflag:s4] =	ssyncadd.remote.s32 @!p0 $0x1  }
0xb4: {  	s26 =	simm.s32 $execute0_lowered;
	[smem:$0x3FD2] =	sst s25  }
0xb5: {  	s5 =	sshll.u32 s26, $0x1;
	_ =	strace $0x80000049;
	[dreg:$0x1] =	wrdreg $0xFFFFFFFF  }
0xb6: {  	s28 =	simm.s32 $_size_execute0_lowered;
	s3 =	sadd.s32 s3, s5;
	[dreg:$0x0] =	wrdreg $0x0  }
0xb7: {  	s5 =	sshll.u32 s28, $0x1;
	[dreg:$0x2] =	wrdreg s3  }
0xb8: {  	[dreg:$0x3] =	wrdreg s5  }
0xb9: {  	[dreg:$0x4] =	wrdreg $0xC0  }
0xba: {  	_ =	task [dreg:s22], $0x5FFFF  }
0xbb: {  	[dreg:$0x1] =	wrdreg $0xFFFFFFFF  }
0xbc: {  	[dreg:$0x0] =	wrdreg $0x60  }
0xbd: {  	[dreg:$0x2] =	wrdreg s24  }
0xbe: {  	[dreg:$0x3] =	wrdreg $0x68000  }
0xbf: {  	[dreg:$0x4] =	wrdreg $0x9  }
0xc0: {  	_ =	task.clear_ibuf [dreg:s22], $0x5FFFF;
	_ =	strace $0x90000049  }
0xc1: {  	s29 =	simm.s32 $0x9;
	_ =	strace $0x8000004B  }
0xc2: {  	_ =	swait.ge [sflag:s29], $0x1  }
0xc3: {  	[sflag:s29] =	ssyncadd.s32 $0xFFFFFFFF  }
0xc4: {  	_ =	strace $0x9000004B  }
0xc5: {  	_ =	sfence  }
0xc6: {  	s30 =	sld [smem:$0x0];
	_ =	sdelay $0x2  }
0xc7: {  	s31 =	sshll.u32 s1, $0xD;
	s1 =	sshrl.u32 s1, $0x2  }
0xc8: {  	s4 =	sand.u32 $0x4000, s31;
	s1 =	sadd.s32 s1, s30  }
0xc9: {  	s0 =	sor.u32 s4, s0;
	s1 =	sshll.u32 s1, $0x11  }
0xca: {  	s0 =	sor.u32 s1, s0  }
0xcb: {  	s0 =	sadd.s32 $0x8F2B, s0  }
0xcc: {  	[sflag:s0] =	ssyncadd.remote.s32 $0x1  }
0xcd: {  	_ =	sfence.sel $0xFFFF  }
0xce: {  	[dreg:$0x0] =	wrdreg $0xFFFFFFFF;
	(pc) =	sbr.abs _section_cstart, $3  }
0xcf: {  	[dreg:$0x1] =	wrdreg $0xFFFFFFFF  }
0xd0: {  	_ =	task.clear_ibuf [dreg:s22], $0x2FFFF;
	_ =	strace $0x9FFFFFFF  }
0xd1: {  	(tm) =	ssettm $0x7FFFFFFF  }
tec
execute0_lowered:
.L_overlay_start_1:
0x0: {  	(tag) =	ssettag $0x1  }
0x1: {  	s4 =	rddreg [dreg:$0x0]  }
0x2: {  	s2 =	rddreg [dreg:$0x1]  }
0x3: {  	s1 =	srdreg.scid;
	s0 =	rddreg [dreg:$0x2]  }
0x4: {  	s3 =	simm.s32 $0x0;
	s12 =	simm.s32 $0x2800;
	s5 =	sand.u32 $0x1, s1  }
0x5: {  	s13 =	simm.s32 $0x1;
	s1 =	stileid.u32;
	s7 =	smul.u32 $0x140000, s5  }
0x6: {  	s14 =	simm.s32 $0x80;
	[smem:$0x7FF] =	sst s3;
	s8 =	smul.u32 $0x14000, s1  }
0x7: {  	s6 =	sshll.u32 s5, $0x4;
	_ =	strace $0x8000004A;
	s30 =	smul.u32 $0x50000, s1  }
0x8: {  	s5 =	ssub.s32 $0x2, s5;
	s15 =	sshll.u32 s1, $0x6;
	s6 =	sor.u32 s1, s6  }
0x9: {  	s31 =	sshrl.u32 s5, $0x1;
	s6 =	smul.u32 $0x500, s6;
	s7 =	sadd.s32 s8, s7  }
0xa: {  	s15 =	sor.u32 $0x1C01, s15;
	s8 =	sshrl.u32 s30, $0x2;
	s7 =	sshrl.u32 s7, $0x3  }
0xb: {  	s9 =	ssub.s32 s5, s31;
	s6 =	sadd.s32 s6, s4;
	s7 =	sadd.s32 s7, s4  }
0xc: {  	s4 =	sadd.s32 s8, s2;
	s5 =	sadd.s32 $0x4400, s6;
	s6 =	sadd.s32 $0x5E400, s7  }
0xd: {  	s7 =	smax.u32 s9, $0x1;
	s8 =	sadd.s32 $0x4000, s4;
	s9 =	sadd.s32 $0x8000, s4  }
0xe: {  	v0 =	vimm.f32 $0.0e+00;
	v1 =	vimm.f32 $1.000000000e+00;
	s10 =	sadd.s32 $0xC000, s4;
	s11 =	sadd.s32 $0x10000, s4;
	s16 =	sshrl.u32 s4, $0x3  }
.LBB2_1:
0xf: {  	s17 =	simm.s32 $0x0;
	s18 =	simm.s32 $0x200  }
.LBB2_2:
0x10: {  	p0 =	sne.s32 s18, $0xFE00;
	[tilespmem:s17+$0x2870] =	vst v0  }
0x11: {  	[tilespmem:s17+$0x2800] =	vst v0  }
0x12: {  	[tilespmem:s17+$0x2810] =	vst v0  }
.Ltmp0:
0x13: {  	[tilespmem:s17+$0x2820] =	vst v0;
	(pc) =	sbr.rel @p0 .LBB2_2-.Ltmp0, $4  }
0x14: {  	[tilespmem:s17+$0x2830] =	vst v0  }
0x15: {  	[tilespmem:s17+$0x2840] =	vst v0  }
0x16: {  	[tilespmem:s17+$0x2850] =	vst v0  }
0x17: {  	[tilespmem:s17+$0x2860] =	vst v0;
	s17 =	sshra.s32 s18, $0x2;
	s18 =	sadd.s32 $0x200, s18  }
0x18: {  	[tilespmem:s17+$0x2870] =	vst v0  }
0x19: {  	[tilespmem:s17+$0x2800] =	vst v0  }
0x1a: {  	[tilespmem:s17+$0x2810] =	vst v0  }
0x1b: {  	[tilespmem:s17+$0x2820] =	vst v0  }
0x1c: {  	[tilespmem:s17+$0x2830] =	vst v0  }
0x1d: {  	[tilespmem:s17+$0x2840] =	vst v0  }
0x1e: {  	[tilespmem:s17+$0x2850] =	vst v0  }
0x1f: {  	[tilespmem:s17+$0x2860] =	vst v0  }
0x20: {  	[spmem:s4] =	stream.linear.scatter [tilespmem:s12], [sflag:$0x1], $0x4000, $0x38;
	[tilespmem:$0x1A800] =	vst v63  }
0x21: {  	_ =	swait.ge [sflag:s13], $0x4000  }
0x22: {  	[sflag:s13] =	ssyncset.done $0x0  }
0x23: {  	[sflag:s13] =	ssyncadd.s32 $0xFFFFC000  }
0x24: {  	[spmem:s8] =	stream.linear.scatter [tilespmem:s12], [sflag:$0x1], $0x4000, $0x38;
	[tilespmem:$0x1A800] =	vst v63  }
0x25: {  	_ =	swait.ge [sflag:s13], $0x4000  }
0x26: {  	[sflag:s13] =	ssyncset.done $0x0  }
0x27: {  	[sflag:s13] =	ssyncadd.s32 $0xFFFFC000  }
0x28: {  	[spmem:s9] =	stream.linear.scatter [tilespmem:s12], [sflag:$0x1], $0x4000, $0x38;
	[tilespmem:$0x1A800] =	vst v63  }
0x29: {  	_ =	swait.ge [sflag:s13], $0x4000  }
0x2a: {  	[sflag:s13] =	ssyncset.done $0x0  }
0x2b: {  	[sflag:s13] =	ssyncadd.s32 $0xFFFFC000  }
0x2c: {  	[spmem:s10] =	stream.linear.scatter [tilespmem:s12], [sflag:$0x1], $0x4000, $0x38;
	[tilespmem:$0x1A800] =	vst v63  }
0x2d: {  	_ =	swait.ge [sflag:s13], $0x4000  }
0x2e: {  	[sflag:s13] =	ssyncset.done $0x0  }
0x2f: {  	[sflag:s13] =	ssyncadd.s32 $0xFFFFC000  }
0x30: {  	[spmem:s11] =	stream.linear.scatter [tilespmem:s12], [sflag:$0x1], $0x4000, $0x38;
	[tilespmem:$0x1A800] =	vst v63  }
0x31: {  	_ =	swait.ge [sflag:s13], $0x4000  }
0x32: {  	[sflag:s13] =	ssyncset.done $0x0  }
0x33: {  	s17 =	simm.s32 $0x0;
	s18 =	simm.s32 $0x200;
	[sflag:s13] =	ssyncadd.s32 $0xFFFFC000  }
.LBB2_4:
0x34: {  	p0 =	sne.s32 s18, $0xFE00;
	[tilespmem:s17+$0x2870] =	vst v1  }
0x35: {  	[tilespmem:s17+$0x2800] =	vst v1  }
0x36: {  	[tilespmem:s17+$0x2810] =	vst v1  }
.Ltmp1:
0x37: {  	[tilespmem:s17+$0x2820] =	vst v1;
	(pc) =	sbr.rel @p0 .LBB2_4-.Ltmp1, $4  }
0x38: {  	[tilespmem:s17+$0x2830] =	vst v1  }
0x39: {  	[tilespmem:s17+$0x2840] =	vst v1  }
0x3a: {  	[tilespmem:s17+$0x2850] =	vst v1  }
0x3b: {  	[tilespmem:s17+$0x2860] =	vst v1;
	s17 =	sshra.s32 s18, $0x2;
	s18 =	sadd.s32 $0x200, s18  }
0x3c: {  	[tilespmem:s17+$0x2870] =	vst v1  }
0x3d: {  	[tilespmem:s17+$0x2800] =	vst v1  }
0x3e: {  	[tilespmem:s17+$0x2810] =	vst v1  }
0x3f: {  	[tilespmem:s17+$0x2820] =	vst v1  }
0x40: {  	[tilespmem:s17+$0x2830] =	vst v1  }
0x41: {  	[tilespmem:s17+$0x2840] =	vst v1  }
0x42: {  	[tilespmem:s17+$0x2850] =	vst v1  }
0x43: {  	[tilespmem:s17+$0x2860] =	vst v1  }
0x44: {  	s30 =	simm.s32 $0x0;
	[bflag:$0x0] =	sbarrier.arrive $0xFFFF  }
0x45: {  	[tilespmem:s30], [sflag:$0x1] =	stream.linear.gather [hbm4b:s5+s30], $0x2800, $0x38;
	[tilespmem:$0x1A800] =	vst v63  }
0x46: {  	_ =	swait.ge [sflag:s13], $0x2800  }
0x47: {  	[sflag:s13] =	ssyncset.done $0x0  }
0x48: {  	s31 =	simm.s32 $0x0;
	[sflag:s13] =	ssyncadd.s32 $0xFFFFD800  }
0x49: {  	[spmem:s2] =	stream.indirect.scatter.add.f32 [tilespmem:s12], [sflag:$0x1], $0x80, s31, s14, $0xb8;
	[tilespmem:$0x1A800] =	vst v63  }
0x4a: {  	_ =	swait.ge [sflag:s13], $0x4000  }
0x4b: {  	s17 =	simm.s32 $0x200;
	[sflag:s13] =	ssyncset.done $0x0  }
.LBB2_6:
0x4c: {  	s18 =	sshra.s32 s17, $0x2;
	[sflag:s13] =	ssyncadd.s32 $0xFFFFC000;
	p0 =	sne.s32 s17, $0x9E00  }
0x4d: {  	[spmem:s2] =	stream.indirect.scatter.add.f32 [tilespmem:s12], [sflag:$0x1], $0x80, s18, s14, $0xb8;
	[tilespmem:$0x1A800] =	vst v63  }
.Ltmp2:
0x4e: {  	_ = 	snop;
	(pc) =	sbr.rel @p0 .LBB2_6-.Ltmp2, $4  }
0x4f: {  	_ = 	snop  }
0x50: {  	s17 =	sadd.s32 $0x200, s17  }
0x51: {  	_ =	swait.ge [sflag:s13], $0x4000  }
0x52: {  	[sflag:s13] =	ssyncset.done $0x0  }
0x53: {  	s3 =	sadd.s32 $0x1, s3  }
0x54: {  	[sflag:s13] =	ssyncadd.s32 $0xFFFFC000;
	p0 =	sne.s32 s3, s7  }
.Ltmp3:
0x55: {  	[bflag:$0x0] =	sbarrier.arrive $0xFFFF;
	(pc) =	sbr.rel @p0 .LBB2_1-.Ltmp3, $4  }
0x56: {  	[hbm:s6], [sflag:s15] =	dma.local [spmem:s16], $0x2800  }
0x57: {  	_ =	swait.ge [sflag:s13], $0x2800  }
0x58: {  	[sflag:s13] =	ssyncset.done $0x0  }
0x59: {  	[sflag:s13] =	ssyncadd.s32 $0xFFFFD800  }
0x5a: {  	_ =	sfence.sel $0x180000  }
0x5b: {  	[bflag:$0x0] =	sbarrier.arrive $0xFFFF  }
0x5c: {  	p0 =	sne.s32 s1, $0x0;
	_ =	strace $0x9000004A  }
0x5d: {  	s0 =	sadd.s32 @!p0 $0x100000, s0;
	[bflag:$0x2] =	sbarrier.arrive $0xFFFF  }
0x5e: {  	[sflag:s0] =	ssyncadd.tile.s32 @!p0 $0x1;
	_ =	shalt  }
.Lfunc_end2:
_tile_overlayer_lowered:
.L_overlay_start_2:
0x5f: {  	(tag) =	ssettag $0x2  }
0x60: {  	s0 =	rddreg [dreg:$0x0];
	s2 =	stileid.u32  }
0x61: {  	s1 =	rddreg [dreg:$0x1];
	p0 =	sne.s32 s2, $0x0  }
0x62: {  	s3 =	rddreg [dreg:$0x2];
	[bflag:$0x3] =	sbarrier.arrive $0xFFFF;
	s2 =	simm.s32 @!p0 $0x1C01  }
0x63: {  	[timem:s3], [sflag:s2] =	dma.local @!p0 [hbm:s0], s1  }
0x64: {  	s0 =	simm.s32 @!p0 $0x1  }
0x65: {  	_ =	swait.ge @!p0 [sflag:s0], s1  }
0x66: {  	s1 =	ssub.s32 @!p0 $0x0, s1;
	[sflag:s0] =	ssyncset.done @!p0 $0x0  }
0x67: {  	[sflag:s0] =	ssyncadd.s32 @!p0 s1  }
0x68: {  	[bflag:$0x3] =	sbarrier.arrive $0xFFFF  }
0x69: {  	_ =	shalt  }

// kernel: kernel.14.cloned.1.call-start
scs
__scs_entry_jumppad:
0x0: {  	(pc) =	sbr.rel $0x88, $3  }
0x1: {  	(tag) =	ssettag $0x0;
	lr =	simm.s32 $0x1  }
0x2: {  	[smem:$0x3F8D] =	sst lr;
	_ =	strace $0xD0000000  }
0x3: {  	_ = 	snop  }
0x4: {  	_ = 	snop  }
0x5: {  	_ = 	snop  }
0x6: {  	_ = 	snop  }
0x7: {  	_ = 	snop  }
__scs_overlays_trampoline_lowered:
0x8: {  	[smem:$0x3F9C] =	sst s0  }
0x9: {  	[smem:$0x3F9D] =	sst s1  }
0xa: {  	[smem:$0x3F9E] =	sst s2  }
0xb: {  	[smem:$0x3F9F] =	sst s3  }
0xc: {  	[smem:$0x3FA0] =	sst s4  }
0xd: {  	[smem:$0x3FA1] =	sst s5  }
0xe: {  	[smem:$0x3FA2] =	sst s6  }
0xf: {  	[smem:$0x3FA3] =	sst s7  }
0x10: {  	[smem:$0x3FA4] =	sst s8  }
0x11: {  	[smem:$0x3FA5] =	sst s9;
	s0 =	simm.s32 @!p0 $0x0  }
0x12: {  	s1 =	sld [smem:$0x3F8B];
	s0 =	simm.s32 @p0 $0x1  }
0x13: {  	[smem:$0x3FA6] =	sst s0;
	s0 =	simm.s32 @!p1 $0x0  }
0x14: {  	s2 =	sld [smem:$0x3F8A];
	s0 =	simm.s32 @p1 $0x1  }
0x15: {  	[smem:$0x3FA7] =	sst s0;
	s0 =	simm.s32 @!p2 $0x0  }
0x16: {  	s3 =	sld [smem:$0x3FDB];
	s0 =	simm.s32 @p2 $0x1  }
0x17: {  	s4 =	simm.s32 $0x1BF5;
	[smem:$0x3FA9] =	sst s0  }
0x18: {  	s0 =	sld [smem:$0x3F8C];
	_ =	swait.ge [sflag:s4], $0x0  }
0x19: {  	s7 =	sld [smem:$0x3F8D]  }
0x1a: {  	s8 =	sadd.s32 $0xFFFFE003, lr  }
0x1b: {  	s9 =	sadd.s32 $0xFFFFFEF7, lr;
	s5 =	simm.s32 $0xFFFFFFFF;
	p2 =	slt.u32 s8, $0xFFFFF086  }
0x1c: {  	p1 =	slt.u32 s9, $0xF7A;
	s5 =	simm.s32 @!p2 $0x0  }
0x1d: {  	s5 =	simm.s32 @p1 $0x1;
	p0 =	seq.s32 s7, s2  }
0x1e: {  	s7 =	smul.u32 @!p0 $0xF7A, s2;
	p2 =	seq.s32 @!p0 s5, $0x0  }
0x1f: {  	s9 =	smul.u32 $0xF7A, s1;
	s8 =	simm.s32 @!p0 $0x1BF5;
	p2 =	por !p2, p0  }
0x20: {  	[sflag:s8] =	ssyncset.s32 @!p0 $0xFFFFF086;
	s6 =	sadd.s32 @!p0 s3, s7;
	s7 =	simm.s32 @!p0 $0x108  }
0x21: {  	s3 =	sadd.s32 s3, s9;
	s6 =	sadd.s32 @!p0 $0x88, s6;
	s7 =	simm.s32 @p2 $0x1082  }
0x22: {  	[simem:s7], [sflag:s8] =	dma.local @!p0 [hbm:s6], $0xF7A  }
0x23: {  	s9 =	sor.u32 $0xD0000000, s2;
	s6 =	simm.s32 $0x108;
	_ =	swait.ge @!p0 [sflag:s8], $0x0  }
0x24: {  	s3 =	sadd.s32 $0x88, s3;
	s6 =	simm.s32 @!p1 $0x1082;
	[sflag:s4] =	ssyncset.s32 $0xFFFFF086  }
0x25: {  	[simem:s6], [sflag:s4] =	dma.local [hbm:s3], $0xF7A  }
0x26: {  	[smem:$0x3F8D] =	sst s1;
	(tag) =	ssettag s2;
	_ =	strace s9  }
0x27: {  	s1 =	sld [smem:$0x3F9D]  }
0x28: {  	s2 =	sld [smem:$0x3F9E]  }
0x29: {  	s4 =	sld [smem:$0x3FA0]  }
0x2a: {  	p0 =	seq.s32 s5, $0x0;
	s5 =	sld [smem:$0x3FA1]  }
0x2b: {  	s6 =	sld [smem:$0x3FA2]  }
0x2c: {  	s7 =	sld [smem:$0x3FA3]  }
0x2d: {  	s3 =	simm.s32 $0x108;
	s8 =	sld [smem:$0x3FA4]  }
0x2e: {  	s3 =	simm.s32 @!p0 $0x1082;
	s9 =	sld [smem:$0x3FA5]  }
0x2f: {  	lr =	sadd.s32 s0, s3;
	s0 =	sld [smem:$0x3F9C]  }
0x30: {  	s3 =	sld [smem:$0x3F9F]  }
0x31: {  	[smem:$0x3FA8] =	sst s10  }
0x32: {  	s10 =	sld [smem:$0x3FA6];
	_ =	sdelay $0x3  }
0x33: {  	p0 =	seq.s32 s10, $0x1;
	s10 =	sld [smem:$0x3FA8];
	_ =	sdelay $0x3  }
0x34: {  	[smem:$0x3FA8] =	sst s10  }
0x35: {  	s10 =	sld [smem:$0x3FA7];
	_ =	sdelay $0x3  }
0x36: {  	p1 =	seq.s32 s10, $0x1;
	s10 =	sld [smem:$0x3FA8];
	_ =	sdelay $0x3  }
0x37: {  	[smem:$0x3FA8] =	sst s10  }
0x38: {  	s10 =	sld [smem:$0x3FA9]  }
0x39: {  	_ = 	snop;
	(pc) =	sbr.ind lr, $3  }
0x3a: {  	_ = 	snop  }
0x3b: {  	_ = 	snop  }
0x3c: {  	p2 =	seq.s32 s10, $0x1;
	s10 =	sld [smem:$0x3FA8]  }
0x3d: {  	_ =	shalt  }
0x3e: {  	_ =	shalt  }
0x3f: {  	_ =	shalt  }
0x40: {  	_ =	shalt  }
0x41: {  	_ =	shalt  }
0x42: {  	_ =	shalt  }
0x43: {  	_ =	shalt  }
0x44: {  	_ =	shalt  }
0x45: {  	_ =	shalt  }
0x46: {  	_ =	shalt  }
0x47: {  	_ =	shalt  }
0x48: {  	_ =	shalt  }
0x49: {  	_ =	shalt  }
0x4a: {  	_ =	shalt  }
0x4b: {  	_ =	shalt  }
0x4c: {  	_ =	shalt  }
0x4d: {  	_ =	shalt  }
0x4e: {  	_ =	shalt  }
0x4f: {  	_ =	shalt  }
0x50: {  	_ =	shalt  }
0x51: {  	_ =	shalt  }
0x52: {  	_ =	shalt  }
0x53: {  	_ =	shalt  }
0x54: {  	_ =	shalt  }
0x55: {  	_ =	shalt  }
0x56: {  	_ =	shalt  }
0x57: {  	_ =	shalt  }
0x58: {  	_ =	shalt  }
0x59: {  	_ =	shalt  }
0x5a: {  	_ =	shalt  }
0x5b: {  	_ =	shalt  }
0x5c: {  	_ =	shalt  }
0x5d: {  	_ =	shalt  }
0x5e: {  	_ =	shalt  }
0x5f: {  	_ =	shalt  }
0x60: {  	_ =	shalt  }
0x61: {  	_ =	shalt  }
0x62: {  	_ =	shalt  }
0x63: {  	_ =	shalt  }
0x64: {  	_ =	shalt  }
0x65: {  	_ =	shalt  }
0x66: {  	_ =	shalt  }
0x67: {  	_ =	shalt  }
0x68: {  	_ =	shalt  }
0x69: {  	_ =	shalt  }
0x6a: {  	_ =	shalt  }
0x6b: {  	_ =	shalt  }
0x6c: {  	_ =	shalt  }
0x6d: {  	_ =	shalt  }
0x6e: {  	_ =	shalt  }
0x6f: {  	_ =	shalt  }
0x70: {  	_ =	shalt  }
0x71: {  	_ =	shalt  }
0x72: {  	_ =	shalt  }
0x73: {  	_ =	shalt  }
0x74: {  	_ =	shalt  }
0x75: {  	_ =	shalt  }
0x76: {  	_ =	shalt  }
0x77: {  	_ =	shalt  }
0x78: {  	_ =	shalt  }
0x79: {  	_ =	shalt  }
0x7a: {  	_ =	shalt  }
0x7b: {  	_ =	shalt  }
0x7c: {  	_ =	shalt  }
0x7d: {  	_ =	shalt  }
0x7e: {  	_ =	shalt  }
0x7f: {  	_ =	shalt  }
0x80: {  	_ =	shalt  }
0x81: {  	_ =	shalt  }
0x82: {  	_ =	shalt  }
0x83: {  	_ =	shalt  }
0x84: {  	_ =	shalt  }
0x85: {  	_ =	shalt  }
0x86: {  	_ =	shalt  }
0x87: {  	_ =	shalt  }
.Lfunc_end0:
.L_simem_size_0:
called_computation.1_lowered:
.L_overlay_start_0:
0x88: {  	s2 =	sld [smem:$0x3FD9]  }
0x89: {  	s3 =	sld [smem:$0x3FFE];
	_ =	sdelay $0x1  }
0x8a: {  	s1 =	srdreg.scid  }
0x8b: {  	s0 =	sand.u32 $0x1, s1  }
0x8c: {  	s14 =	sshll.u32 s0, $0xA;
	s2 =	sadd.s32 s3, s2  }
0x8d: {  	s2 =	sadd.s32 s2, s14  }
0x8e: {  	[smem:$0x3FB4] =	sst s2  }
0x8f: {  	_ = 	snop  }
0x90: {  	s2 =	sld [smem:$0x3FD0];
	_ =	sdelay $0x2  }
0x91: {  	s4 =	simm.s32 $0xB;
	s5 =	simm.s32 $0x10;
	s15 =	sld [smem:$0x3FC9]  }
0x92: {  	[smem:s5], [sflag:s4] =	dma.local [hbm:s2], $0x1  }
0x93: {  	_ =	swait.eq [sflag:s4], $0x1  }
0x94: {  	[sflag:s4] =	ssyncset.done $0x0  }
0x95: {  	[sflag:s4] =	ssyncadd.s32 $0xFFFFFFFF  }
0x96: {  	s16 =	sld [smem:$0x10];
	(tm) =	ssettm $0x1  }
0x97: {  	s17 =	sld [smem:$0x3FFB];
	_ =	sdelay $0x3  }
0x98: {  	_ =	strace s17  }
0x99: {  	s4 =	sld [smem:$0x3FFC];
	_ =	sdelay $0x3  }
0x9a: {  	_ =	strace s4  }
0x9b: {  	s4 =	sld [smem:$0x3FFD];
	_ =	sdelay $0x3  }
0x9c: {  	_ =	strace s4  }
0x9d: {  	_ =	strace $0x8FFFFFFF  }
0x9e: {  	s18 =	sld [smem:$0x3FDB];
	_ =	sdelay $0x1  }
0x9f: {  	s19 =	simm.s32 $_scs_section_size  }
0xa0: {  	s6 =	simm.s32 $_size__tile_overlayer_lowered;
	s7 =	simm.s32 $_tile_overlayer_lowered  }
0xa1: {  	s22 =	simm.s32 $0x1BFF;
	s21 =	sshll.u32 s7, $0x1;
	s4 =	sadd.s32 s19, s18  }
0xa2: {  	s8 =	simm.s32 $0x0;
	s20 =	sshll.u32 s6, $0x1;
	s6 =	sadd.s32 s21, s4  }
0xa3: {  	[timem:s8], [sflag:s22] =	dma.local [hbm:s6], s20  }
0xa4: {  	_ =	swait.ge [sflag:s22], s20  }
0xa5: {  	s5 =	ssub.s32 $0x0, s20;
	[sflag:s22] =	ssyncset.done $0x0  }
0xa6: {  	[sflag:s22] =	ssyncadd.s32 s5;
	_ =	sdelay $0x1  }
0xa7: {  	s23 =	simm.s32 $0x1B8B  }
0xa8: {  	_ =	swait.ge [sflag:s23], $0x1  }
0xa9: {  	[sflag:s23] =	ssyncset.done $0x0  }
0xaa: {  	s25 =	simm.s32 $0x1B8E;
	s24 =	sld [smem:$0x3FFE];
	[sflag:s23] =	ssyncadd.s32 $0xFFFFFFFF  }
0xab: {  	s26 =	simm.s32 $execute0_lowered;
	[smem:$0x3FD2] =	sst s25  }
0xac: {  	s6 =	sshll.u32 s26, $0x1;
	_ =	strace $0x80000046;
	[dreg:$0x1] =	wrdreg $0xFFFFFFFF  }
0xad: {  	s28 =	simm.s32 $_size_execute0_lowered;
	s4 =	sadd.s32 s4, s6;
	[dreg:$0x0] =	wrdreg $0x0  }
0xae: {  	s6 =	sshll.u32 s28, $0x1;
	[dreg:$0x2] =	wrdreg s4  }
0xaf: {  	[dreg:$0x3] =	wrdreg s6  }
0xb0: {  	[dreg:$0x4] =	wrdreg $0xC0  }
0xb1: {  	_ =	task [dreg:s8], $0x5FFFF  }
0xb2: {  	[dreg:$0x1] =	wrdreg $0xFFFFFFFF  }
0xb3: {  	[dreg:$0x0] =	wrdreg $0x60  }
0xb4: {  	[dreg:$0x2] =	wrdreg s15  }
0xb5: {  	[dreg:$0x3] =	wrdreg s16  }
0xb6: {  	[dreg:$0x4] =	wrdreg s24  }
0xb7: {  	[dreg:$0x5] =	wrdreg $0x90000  }
0xb8: {  	[dreg:$0x6] =	wrdreg $0xA  }
0xb9: {  	_ =	task.clear_ibuf [dreg:s8], $0x7FFFF;
	_ =	strace $0x90000046  }
0xba: {  	s29 =	simm.s32 $0xA;
	_ =	strace $0x80000048  }
0xbb: {  	_ =	swait.ge [sflag:s29], $0x1  }
0xbc: {  	[sflag:s29] =	ssyncadd.s32 $0xFFFFFFFF  }
0xbd: {  	_ =	strace $0x90000048  }
0xbe: {  	_ =	sfence  }
0xbf: {  	s30 =	sld [smem:$0x0];
	_ =	sdelay $0x2  }
0xc0: {  	s31 =	sshll.u32 s1, $0xD;
	s1 =	sshrl.u32 s1, $0x2  }
0xc1: {  	s3 =	sand.u32 $0x4000, s31;
	s1 =	sadd.s32 s1, s30  }
0xc2: {  	s0 =	sor.u32 s3, s0;
	s1 =	sshll.u32 s1, $0x11  }
0xc3: {  	s0 =	sor.u32 s1, s0  }
0xc4: {  	s0 =	sadd.s32 $0x8F2B, s0  }
0xc5: {  	[sflag:s0] =	ssyncadd.remote.s32 $0x1  }
0xc6: {  	_ =	sfence.sel $0xFFFF  }
0xc7: {  	[dreg:$0x0] =	wrdreg $0xFFFFFFFF;
	(pc) =	sbr.abs _section_cstart, $3  }
0xc8: {  	[dreg:$0x1] =	wrdreg $0xFFFFFFFF  }
0xc9: {  	_ =	task.clear_ibuf [dreg:s8], $0x2FFFF;
	_ =	strace $0x9FFFFFFF  }
0xca: {  	(tm) =	ssettm $0x7FFFFFFF  }
0xcb: {  	_ =	shalt  }
tec
execute0_lowered:
.L_overlay_start_1:
0x0: {  	(tag) =	ssettag $0x1  }
0x1: {  	s1 =	rddreg [dreg:$0x0]  }
0x2: {  	s6 =	rddreg [dreg:$0x1]  }
0x3: {  	s5 =	rddreg [dreg:$0x2]  }
0x4: {  	s3 =	rddreg [dreg:$0x3]  }
0x5: {  	s2 =	srdreg.scid;
	s0 =	rddreg [dreg:$0x4]  }
0x6: {  	s4 =	simm.s32 $0x0;
	s14 =	simm.s32 $0x5000;
	s15 =	simm.s32 $0x2  }
0x7: {  	s16 =	simm.s32 $0x2800;
	s17 =	simm.s32 $0x80;
	s7 =	sand.u32 $0x1, s2  }
0x8: {  	s18 =	simm.s32 $0x1;
	s2 =	stileid.u32;
	s9 =	smul.u32 $0x140000, s7  }
0x9: {  	[smem:$0x7FF] =	sst s4;
	s8 =	sshll.u32 s7, $0x4;
	s10 =	smul.u32 $0x14000, s2  }
0xa: {  	_ =	strace $0x80000047;
	s30 =	smul.u32 $0x50000, s2;
	s7 =	ssub.s32 $0x2, s7  }
0xb: {  	s19 =	sshll.u32 s2, $0x6;
	s8 =	sor.u32 s2, s8;
	s31 =	sshrl.u32 s7, $0x1  }
0xc: {  	s19 =	sor.u32 $0x1C02, s19;
	s8 =	smul.u32 $0x500, s8;
	s9 =	sadd.s32 s10, s9  }
0xd: {  	s10 =	sshrl.u32 s30, $0x2;
	s12 =	ssub.s32 s7, s31;
	s9 =	sshrl.u32 s9, $0x3  }
0xe: {  	s11 =	sadd.s32 s8, s5;
	s9 =	sadd.s32 s9, s5;
	s5 =	sadd.s32 s10, s3  }
0xf: {  	s6 =	sadd.s32 s6, s8;
	s7 =	sadd.s32 $0x4400, s11;
	s8 =	sadd.s32 $0xE400, s9  }
0x10: {  	s9 =	smax.u32 s12, $0x1;
	s10 =	sadd.s32 $0x4000, s5;
	s11 =	sadd.s32 $0x8000, s5  }
0x11: {  	v0 =	vimm.f32 $0.0e+00;
	s12 =	sadd.s32 $0xC000, s5;
	s13 =	sadd.s32 $0x10000, s5;
	s20 =	sshrl.u32 s5, $0x3  }
.LBB2_1:
0x12: {  	s21 =	simm.s32 $0x0;
	s22 =	simm.s32 $0x200  }
.LBB2_2:
0x13: {  	p0 =	sne.s32 s22, $0xFE00;
	[tilespmem:s21+$0x5070] =	vst v0  }
0x14: {  	[tilespmem:s21+$0x5000] =	vst v0  }
0x15: {  	[tilespmem:s21+$0x5010] =	vst v0  }
.Ltmp0:
0x16: {  	[tilespmem:s21+$0x5020] =	vst v0;
	(pc) =	sbr.rel @p0 .LBB2_2-.Ltmp0, $4  }
0x17: {  	[tilespmem:s21+$0x5030] =	vst v0  }
0x18: {  	[tilespmem:s21+$0x5040] =	vst v0  }
0x19: {  	[tilespmem:s21+$0x5050] =	vst v0  }
0x1a: {  	[tilespmem:s21+$0x5060] =	vst v0;
	s21 =	sshra.s32 s22, $0x2;
	s22 =	sadd.s32 $0x200, s22  }
0x1b: {  	[tilespmem:s21+$0x5070] =	vst v0  }
0x1c: {  	[tilespmem:s21+$0x5000] =	vst v0  }
0x1d: {  	[tilespmem:s21+$0x5010] =	vst v0  }
0x1e: {  	[tilespmem:s21+$0x5020] =	vst v0  }
0x1f: {  	[tilespmem:s21+$0x5030] =	vst v0  }
0x20: {  	[tilespmem:s21+$0x5040] =	vst v0  }
0x21: {  	[tilespmem:s21+$0x5050] =	vst v0  }
0x22: {  	[tilespmem:s21+$0x5060] =	vst v0  }
0x23: {  	[spmem:s5] =	stream.linear.scatter [tilespmem:s14], [sflag:$0x2], $0x4000, $0x38;
	[tilespmem:$0x1D000] =	vst v63  }
0x24: {  	_ =	swait.ge [sflag:s15], $0x4000  }
0x25: {  	[sflag:s15] =	ssyncset.done $0x0  }
0x26: {  	[sflag:s15] =	ssyncadd.s32 $0xFFFFC000  }
0x27: {  	[spmem:s10] =	stream.linear.scatter [tilespmem:s14], [sflag:$0x2], $0x4000, $0x38;
	[tilespmem:$0x1D000] =	vst v63  }
0x28: {  	_ =	swait.ge [sflag:s15], $0x4000  }
0x29: {  	[sflag:s15] =	ssyncset.done $0x0  }
0x2a: {  	[sflag:s15] =	ssyncadd.s32 $0xFFFFC000  }
0x2b: {  	[spmem:s11] =	stream.linear.scatter [tilespmem:s14], [sflag:$0x2], $0x4000, $0x38;
	[tilespmem:$0x1D000] =	vst v63  }
0x2c: {  	_ =	swait.ge [sflag:s15], $0x4000  }
0x2d: {  	[sflag:s15] =	ssyncset.done $0x0  }
0x2e: {  	[sflag:s15] =	ssyncadd.s32 $0xFFFFC000  }
0x2f: {  	[spmem:s12] =	stream.linear.scatter [tilespmem:s14], [sflag:$0x2], $0x4000, $0x38;
	[tilespmem:$0x1D000] =	vst v63  }
0x30: {  	_ =	swait.ge [sflag:s15], $0x4000  }
0x31: {  	[sflag:s15] =	ssyncset.done $0x0  }
0x32: {  	[sflag:s15] =	ssyncadd.s32 $0xFFFFC000  }
0x33: {  	[spmem:s13] =	stream.linear.scatter [tilespmem:s14], [sflag:$0x2], $0x4000, $0x38;
	[tilespmem:$0x1D000] =	vst v63  }
0x34: {  	_ =	swait.ge [sflag:s15], $0x4000  }
0x35: {  	[sflag:s15] =	ssyncset.done $0x0  }
0x36: {  	[sflag:s15] =	ssyncadd.s32 $0xFFFFC000  }
0x37: {  	s29 =	simm.s32 $0x0;
	[bflag:$0x0] =	sbarrier.arrive $0xFFFF  }
0x38: {  	[tilespmem:s29], [sflag:$0x2] =	stream.linear.gather [hbm4b:s6+s29], $0x2800, $0x38;
	[tilespmem:$0x1D000] =	vst v63  }
0x39: {  	_ =	swait.ge [sflag:s15], $0x2800  }
0x3a: {  	[sflag:s15] =	ssyncset.done $0x0  }
0x3b: {  	[sflag:s15] =	ssyncadd.s32 $0xFFFFD800  }
0x3c: {  	[tilespmem:s16], [sflag:$0x2] =	stream.linear.gather [hbm4b:s7+s29], $0x2800, $0x38;
	[tilespmem:$0x1D000] =	vst v63  }
0x3d: {  	_ =	swait.ge [sflag:s15], $0x2800  }
0x3e: {  	[sflag:s15] =	ssyncset.done $0x0  }
0x3f: {  	s30 =	simm.s32 $0x0;
	[sflag:s15] =	ssyncadd.s32 $0xFFFFD800  }
0x40: {  	[tilespmem:s14], [sflag:$0x1] =	stream.indirect.gather [hbm4b:s1+s17], $0x80, s30, s17, $0xb8;
	[tilespmem:$0x1D000] =	vst v63  }
0x41: {  	_ =	swait.ge [sflag:s18], $0x4000  }
0x42: {  	[sflag:s18] =	ssyncset.done $0x0  }
0x43: {  	s31 =	simm.s32 $0x2800;
	[sflag:s18] =	ssyncadd.s32 $0xFFFFC000  }
0x44: {  	[spmem:s3] =	stream.indirect.scatter.add.f32 [tilespmem:s14], [sflag:$0x2], $0x80, s31, s17, $0xb8;
	[tilespmem:$0x1D000] =	vst v63  }
0x45: {  	_ =	swait.ge [sflag:s15], $0x4000  }
0x46: {  	s21 =	simm.s32 $0x200;
	s22 =	simm.s32 $0x400;
	[sflag:s15] =	ssyncset.done $0x0  }
.LBB2_4:
0x47: {  	s23 =	sshra.s32 s21, $0x2  }
0x48: {  	[sflag:s15] =	ssyncadd.s32 $0xFFFFC000;
	s21 =	smov.u32 s22;
	s24 =	sadd.s32 $0x200, s22  }
0x49: {  	[tilespmem:s14], [sflag:$0x1] =	stream.indirect.gather [hbm4b:s1+s17], $0x80, s23, s17, $0xb8;
	[tilespmem:$0x1D000] =	vst v63  }
0x4a: {  	p0 =	sne.s32 s22, $0x9E00;
	_ =	swait.ge [sflag:s18], $0x4000  }
.Ltmp1:
0x4b: {  	[sflag:s18] =	ssyncset.done $0x0;
	(pc) =	sbr.rel @p0 .LBB2_4-.Ltmp1, $4  }
0x4c: {  	s22 =	sadd.s32 $0x2800, s23;
	[sflag:s18] =	ssyncadd.s32 $0xFFFFC000  }
0x4d: {  	[spmem:s3] =	stream.indirect.scatter.add.f32 [tilespmem:s14], [sflag:$0x2], $0x80, s22, s17, $0xb8;
	[tilespmem:$0x1D000] =	vst v63  }
0x4e: {  	_ =	swait.ge [sflag:s15], $0x4000  }
0x4f: {  	s22 =	smov.u32 s24;
	[sflag:s15] =	ssyncset.done $0x0  }
0x50: {  	s21 =	sshra.s32 s21, $0x2;
	[sflag:s15] =	ssyncadd.s32 $0xFFFFC000  }
0x51: {  	[tilespmem:s14], [sflag:$0x1] =	stream.indirect.gather [hbm4b:s1+s17], $0x80, s21, s17, $0xb8;
	[tilespmem:$0x1D000] =	vst v63  }
0x52: {  	_ =	swait.ge [sflag:s18], $0x4000  }
0x53: {  	[sflag:s18] =	ssyncset.done $0x0  }
0x54: {  	s21 =	sadd.s32 $0x2800, s21;
	[sflag:s18] =	ssyncadd.s32 $0xFFFFC000  }
0x55: {  	[spmem:s3] =	stream.indirect.scatter.add.f32 [tilespmem:s14], [sflag:$0x2], $0x80, s21, s17, $0xb8;
	[tilespmem:$0x1D000] =	vst v63  }
0x56: {  	_ =	swait.ge [sflag:s15], $0x4000  }
0x57: {  	s4 =	sadd.s32 $0x1, s4;
	[sflag:s15] =	ssyncset.done $0x0  }
0x58: {  	p0 =	sne.s32 s4, s9;
	[sflag:s15] =	ssyncadd.s32 $0xFFFFC000  }
.Ltmp2:
0x59: {  	[bflag:$0x0] =	sbarrier.arrive $0xFFFF;
	(pc) =	sbr.rel @p0 .LBB2_1-.Ltmp2, $4  }
0x5a: {  	[hbm:s8], [sflag:s19] =	dma.local [spmem:s20], $0x2800  }
0x5b: {  	_ =	swait.ge [sflag:s15], $0x2800  }
0x5c: {  	[sflag:s15] =	ssyncset.done $0x0  }
0x5d: {  	[sflag:s15] =	ssyncadd.s32 $0xFFFFD800  }
0x5e: {  	_ =	sfence.sel $0x180000  }
0x5f: {  	[bflag:$0x0] =	sbarrier.arrive $0xFFFF  }
0x60: {  	p0 =	sne.s32 s2, $0x0;
	_ =	strace $0x90000047  }
0x61: {  	s0 =	sadd.s32 @!p0 $0x100000, s0;
	[bflag:$0x2] =	sbarrier.arrive $0xFFFF  }
0x62: {  	[sflag:s0] =	ssyncadd.tile.s32 @!p0 $0x1;
	_ =	shalt  }
.Lfunc_end2:
_tile_overlayer_lowered:
.L_overlay_start_2:
0x63: {  	(tag) =	ssettag $0x2  }
0x64: {  	s0 =	rddreg [dreg:$0x0];
	s2 =	stileid.u32  }
0x65: {  	s1 =	rddreg [dreg:$0x1];
	p0 =	sne.s32 s2, $0x0  }
0x66: {  	s3 =	rddreg [dreg:$0x2];
	[bflag:$0x3] =	sbarrier.arrive $0xFFFF;
	s2 =	simm.s32 @!p0 $0x1C02  }
0x67: {  	[timem:s3], [sflag:s2] =	dma.local @!p0 [hbm:s0], s1  }
0x68: {  	s0 =	simm.s32 @!p0 $0x2  }
0x69: {  	_ =	swait.ge @!p0 [sflag:s0], s1  }
0x6a: {  	s1 =	ssub.s32 @!p0 $0x0, s1;
	[sflag:s0] =	ssyncset.done @!p0 $0x0  }
0x6b: {  	[sflag:s0] =	ssyncadd.s32 @!p0 s1  }
0x6c: {  	[bflag:$0x3] =	sbarrier.arrive $0xFFFF  }
0x6d: {  	_ =	shalt  }

// kernel: kernel.17.cloned.1.call-start
scs
__scs_entry_jumppad:
0x0: {  	(pc) =	sbr.rel $0x88, $3  }
0x1: {  	(tag) =	ssettag $0x0;
	lr =	simm.s32 $0x1  }
0x2: {  	[smem:$0x3F8D] =	sst lr;
	_ =	strace $0xD0000000  }
0x3: {  	_ = 	snop  }
0x4: {  	_ = 	snop  }
0x5: {  	_ = 	snop  }
0x6: {  	_ = 	snop  }
0x7: {  	_ = 	snop  }
__scs_overlays_trampoline_lowered:
0x8: {  	[smem:$0x3F9C] =	sst s0  }
0x9: {  	[smem:$0x3F9D] =	sst s1  }
0xa: {  	[smem:$0x3F9E] =	sst s2  }
0xb: {  	[smem:$0x3F9F] =	sst s3  }
0xc: {  	[smem:$0x3FA0] =	sst s4  }
0xd: {  	[smem:$0x3FA1] =	sst s5  }
0xe: {  	[smem:$0x3FA2] =	sst s6  }
0xf: {  	[smem:$0x3FA3] =	sst s7  }
0x10: {  	[smem:$0x3FA4] =	sst s8  }
0x11: {  	[smem:$0x3FA5] =	sst s9;
	s0 =	simm.s32 @!p0 $0x0  }
0x12: {  	s1 =	sld [smem:$0x3F8B];
	s0 =	simm.s32 @p0 $0x1  }
0x13: {  	[smem:$0x3FA6] =	sst s0;
	s0 =	simm.s32 @!p1 $0x0  }
0x14: {  	s2 =	sld [smem:$0x3F8A];
	s0 =	simm.s32 @p1 $0x1  }
0x15: {  	[smem:$0x3FA7] =	sst s0;
	s0 =	simm.s32 @!p2 $0x0  }
0x16: {  	s3 =	sld [smem:$0x3FDB];
	s0 =	simm.s32 @p2 $0x1  }
0x17: {  	s4 =	simm.s32 $0x1BF5;
	[smem:$0x3FA9] =	sst s0  }
0x18: {  	s0 =	sld [smem:$0x3F8C];
	_ =	swait.ge [sflag:s4], $0x0  }
0x19: {  	s7 =	sld [smem:$0x3F8D]  }
0x1a: {  	s8 =	sadd.s32 $0xFFFFE003, lr  }
0x1b: {  	s9 =	sadd.s32 $0xFFFFFEF7, lr;
	s5 =	simm.s32 $0xFFFFFFFF;
	p2 =	slt.u32 s8, $0xFFFFF086  }
0x1c: {  	p1 =	slt.u32 s9, $0xF7A;
	s5 =	simm.s32 @!p2 $0x0  }
0x1d: {  	s5 =	simm.s32 @p1 $0x1;
	p0 =	seq.s32 s7, s2  }
0x1e: {  	s7 =	smul.u32 @!p0 $0xF7A, s2;
	p2 =	seq.s32 @!p0 s5, $0x0  }
0x1f: {  	s9 =	smul.u32 $0xF7A, s1;
	s8 =	simm.s32 @!p0 $0x1BF5;
	p2 =	por !p2, p0  }
0x20: {  	[sflag:s8] =	ssyncset.s32 @!p0 $0xFFFFF086;
	s6 =	sadd.s32 @!p0 s3, s7;
	s7 =	simm.s32 @!p0 $0x108  }
0x21: {  	s3 =	sadd.s32 s3, s9;
	s6 =	sadd.s32 @!p0 $0x88, s6;
	s7 =	simm.s32 @p2 $0x1082  }
0x22: {  	[simem:s7], [sflag:s8] =	dma.local @!p0 [hbm:s6], $0xF7A  }
0x23: {  	s9 =	sor.u32 $0xD0000000, s2;
	s6 =	simm.s32 $0x108;
	_ =	swait.ge @!p0 [sflag:s8], $0x0  }
0x24: {  	s3 =	sadd.s32 $0x88, s3;
	s6 =	simm.s32 @!p1 $0x1082;
	[sflag:s4] =	ssyncset.s32 $0xFFFFF086  }
0x25: {  	[simem:s6], [sflag:s4] =	dma.local [hbm:s3], $0xF7A  }
0x26: {  	[smem:$0x3F8D] =	sst s1;
	(tag) =	ssettag s2;
	_ =	strace s9  }
0x27: {  	s1 =	sld [smem:$0x3F9D]  }
0x28: {  	s2 =	sld [smem:$0x3F9E]  }
0x29: {  	s4 =	sld [smem:$0x3FA0]  }
0x2a: {  	p0 =	seq.s32 s5, $0x0;
	s5 =	sld [smem:$0x3FA1]  }
0x2b: {  	s6 =	sld [smem:$0x3FA2]  }
0x2c: {  	s7 =	sld [smem:$0x3FA3]  }
0x2d: {  	s3 =	simm.s32 $0x108;
	s8 =	sld [smem:$0x3FA4]  }
0x2e: {  	s3 =	simm.s32 @!p0 $0x1082;
	s9 =	sld [smem:$0x3FA5]  }
0x2f: {  	lr =	sadd.s32 s0, s3;
	s0 =	sld [smem:$0x3F9C]  }
0x30: {  	s3 =	sld [smem:$0x3F9F]  }
0x31: {  	[smem:$0x3FA8] =	sst s10  }
0x32: {  	s10 =	sld [smem:$0x3FA6];
	_ =	sdelay $0x3  }
0x33: {  	p0 =	seq.s32 s10, $0x1;
	s10 =	sld [smem:$0x3FA8];
	_ =	sdelay $0x3  }
0x34: {  	[smem:$0x3FA8] =	sst s10  }
0x35: {  	s10 =	sld [smem:$0x3FA7];
	_ =	sdelay $0x3  }
0x36: {  	p1 =	seq.s32 s10, $0x1;
	s10 =	sld [smem:$0x3FA8];
	_ =	sdelay $0x3  }
0x37: {  	[smem:$0x3FA8] =	sst s10  }
0x38: {  	s10 =	sld [smem:$0x3FA9]  }
0x39: {  	_ = 	snop;
	(pc) =	sbr.ind lr, $3  }
0x3a: {  	_ = 	snop  }
0x3b: {  	_ = 	snop  }
0x3c: {  	p2 =	seq.s32 s10, $0x1;
	s10 =	sld [smem:$0x3FA8]  }
0x3d: {  	_ =	shalt  }
0x3e: {  	_ =	shalt  }
0x3f: {  	_ =	shalt  }
0x40: {  	_ =	shalt  }
0x41: {  	_ =	shalt  }
0x42: {  	_ =	shalt  }
0x43: {  	_ =	shalt  }
0x44: {  	_ =	shalt  }
0x45: {  	_ =	shalt  }
0x46: {  	_ =	shalt  }
0x47: {  	_ =	shalt  }
0x48: {  	_ =	shalt  }
0x49: {  	_ =	shalt  }
0x4a: {  	_ =	shalt  }
0x4b: {  	_ =	shalt  }
0x4c: {  	_ =	shalt  }
0x4d: {  	_ =	shalt  }
0x4e: {  	_ =	shalt  }
0x4f: {  	_ =	shalt  }
0x50: {  	_ =	shalt  }
0x51: {  	_ =	shalt  }
0x52: {  	_ =	shalt  }
0x53: {  	_ =	shalt  }
0x54: {  	_ =	shalt  }
0x55: {  	_ =	shalt  }
0x56: {  	_ =	shalt  }
0x57: {  	_ =	shalt  }
0x58: {  	_ =	shalt  }
0x59: {  	_ =	shalt  }
0x5a: {  	_ =	shalt  }
0x5b: {  	_ =	shalt  }
0x5c: {  	_ =	shalt  }
0x5d: {  	_ =	shalt  }
0x5e: {  	_ =	shalt  }
0x5f: {  	_ =	shalt  }
0x60: {  	_ =	shalt  }
0x61: {  	_ =	shalt  }
0x62: {  	_ =	shalt  }
0x63: {  	_ =	shalt  }
0x64: {  	_ =	shalt  }
0x65: {  	_ =	shalt  }
0x66: {  	_ =	shalt  }
0x67: {  	_ =	shalt  }
0x68: {  	_ =	shalt  }
0x69: {  	_ =	shalt  }
0x6a: {  	_ =	shalt  }
0x6b: {  	_ =	shalt  }
0x6c: {  	_ =	shalt  }
0x6d: {  	_ =	shalt  }
0x6e: {  	_ =	shalt  }
0x6f: {  	_ =	shalt  }
0x70: {  	_ =	shalt  }
0x71: {  	_ =	shalt  }
0x72: {  	_ =	shalt  }
0x73: {  	_ =	shalt  }
0x74: {  	_ =	shalt  }
0x75: {  	_ =	shalt  }
0x76: {  	_ =	shalt  }
0x77: {  	_ =	shalt  }
0x78: {  	_ =	shalt  }
0x79: {  	_ =	shalt  }
0x7a: {  	_ =	shalt  }
0x7b: {  	_ =	shalt  }
0x7c: {  	_ =	shalt  }
0x7d: {  	_ =	shalt  }
0x7e: {  	_ =	shalt  }
0x7f: {  	_ =	shalt  }
0x80: {  	_ =	shalt  }
0x81: {  	_ =	shalt  }
0x82: {  	_ =	shalt  }
0x83: {  	_ =	shalt  }
0x84: {  	_ =	shalt  }
0x85: {  	_ =	shalt  }
0x86: {  	_ =	shalt  }
0x87: {  	_ =	shalt  }
.Lfunc_end0:
.L_simem_size_0:
called_computation.2_lowered:
.L_overlay_start_0:
0x88: {  	s2 =	sld [smem:$0x3FD9]  }
0x89: {  	s3 =	sld [smem:$0x3FFE];
	_ =	sdelay $0x1  }
0x8a: {  	s1 =	srdreg.scid  }
0x8b: {  	s0 =	sand.u32 $0x1, s1  }
0x8c: {  	s14 =	sshll.u32 s0, $0xA;
	s2 =	sadd.s32 s3, s2  }
0x8d: {  	s2 =	sadd.s32 s2, s14  }
0x8e: {  	[smem:$0x3FB4] =	sst s2  }
0x8f: {  	_ = 	snop  }
0x90: {  	s2 =	sld [smem:$0x3FD0];
	_ =	sdelay $0x2  }
0x91: {  	s15 =	simm.s32 $0xB;
	s4 =	simm.s32 $0x10  }
0x92: {  	[smem:s4], [sflag:s15] =	dma.local [hbm:s2], $0x1  }
0x93: {  	_ =	swait.eq [sflag:s15], $0x1  }
0x94: {  	[sflag:s15] =	ssyncset.done $0x0  }
0x95: {  	[sflag:s15] =	ssyncadd.s32 $0xFFFFFFFF  }
0x96: {  	s16 =	sld [smem:$0x10];
	(tm) =	ssettm $0x1  }
0x97: {  	s17 =	sld [smem:$0x3FFB];
	_ =	sdelay $0x3  }
0x98: {  	_ =	strace s17  }
0x99: {  	s3 =	sld [smem:$0x3FFC];
	_ =	sdelay $0x3  }
0x9a: {  	_ =	strace s3  }
0x9b: {  	s3 =	sld [smem:$0x3FFD];
	_ =	sdelay $0x3  }
0x9c: {  	_ =	strace s3  }
0x9d: {  	_ =	strace $0x8FFFFFFF  }
0x9e: {  	s18 =	sld [smem:$0x3FDB];
	_ =	sdelay $0x1  }
0x9f: {  	s19 =	simm.s32 $_scs_section_size  }
0xa0: {  	s5 =	simm.s32 $_size__tile_overlayer_lowered;
	s6 =	simm.s32 $_tile_overlayer_lowered  }
0xa1: {  	s22 =	simm.s32 $0x1BFF;
	s21 =	sshll.u32 s6, $0x1;
	s3 =	sadd.s32 s19, s18  }
0xa2: {  	s7 =	simm.s32 $0x0;
	s20 =	sshll.u32 s5, $0x1;
	s5 =	sadd.s32 s21, s3  }
0xa3: {  	[timem:s7], [sflag:s22] =	dma.local [hbm:s5], s20  }
0xa4: {  	_ =	swait.ge [sflag:s22], s20  }
0xa5: {  	s4 =	ssub.s32 $0x0, s20;
	[sflag:s22] =	ssyncset.done $0x0  }
0xa6: {  	[sflag:s22] =	ssyncadd.s32 s4;
	_ =	sdelay $0x1  }
0xa7: {  	s23 =	simm.s32 $0x1B8B  }
0xa8: {  	_ =	swait.ge [sflag:s23], $0x1  }
0xa9: {  	[sflag:s23] =	ssyncset.done $0x0  }
0xaa: {  	s25 =	simm.s32 $0x1B8E;
	s24 =	sld [smem:$0x3FFE];
	[sflag:s23] =	ssyncadd.s32 $0xFFFFFFFF  }
0xab: {  	s26 =	simm.s32 $execute0_lowered;
	[smem:$0x3FD2] =	sst s25  }
0xac: {  	s5 =	sshll.u32 s26, $0x1;
	_ =	strace $0x8000004C;
	[dreg:$0x1] =	wrdreg $0xFFFFFFFF  }
0xad: {  	s28 =	simm.s32 $_size_execute0_lowered;
	s3 =	sadd.s32 s3, s5;
	[dreg:$0x0] =	wrdreg $0x0  }
0xae: {  	s5 =	sshll.u32 s28, $0x1;
	[dreg:$0x2] =	wrdreg s3  }
0xaf: {  	[dreg:$0x3] =	wrdreg s5  }
0xb0: {  	[dreg:$0x4] =	wrdreg $0xC0  }
0xb1: {  	_ =	task [dreg:s7], $0x5FFFF  }
0xb2: {  	[dreg:$0x1] =	wrdreg $0xFFFFFFFF  }
0xb3: {  	[dreg:$0x0] =	wrdreg $0x60  }
0xb4: {  	[dreg:$0x2] =	wrdreg s24  }
0xb5: {  	[dreg:$0x3] =	wrdreg s16  }
0xb6: {  	[dreg:$0x4] =	wrdreg $0x90000  }
0xb7: {  	[dreg:$0x5] =	wrdreg $0x9  }
0xb8: {  	_ =	task.clear_ibuf [dreg:s7], $0x6FFFF;
	_ =	strace $0x9000004C  }
0xb9: {  	s29 =	simm.s32 $0x9;
	_ =	strace $0x8000004E  }
0xba: {  	_ =	swait.ge [sflag:s29], $0x1  }
0xbb: {  	[sflag:s29] =	ssyncadd.s32 $0xFFFFFFFF  }
0xbc: {  	_ =	strace $0x9000004E  }
0xbd: {  	_ =	sfence  }
0xbe: {  	s30 =	sld [smem:$0x0];
	_ =	sdelay $0x2  }
0xbf: {  	s31 =	sshll.u32 s1, $0xD;
	s1 =	sshrl.u32 s1, $0x2  }
0xc0: {  	s3 =	sand.u32 $0x4000, s31;
	s1 =	sadd.s32 s1, s30  }
0xc1: {  	s0 =	sor.u32 s3, s0;
	s1 =	sshll.u32 s1, $0x11  }
0xc2: {  	s0 =	sor.u32 s1, s0  }
0xc3: {  	s0 =	sadd.s32 $0x8F2B, s0  }
0xc4: {  	[sflag:s0] =	ssyncadd.remote.s32 $0x1  }
0xc5: {  	_ =	sfence.sel $0xFFFF  }
0xc6: {  	[dreg:$0x0] =	wrdreg $0xFFFFFFFF;
	(pc) =	sbr.abs _section_cstart, $3  }
0xc7: {  	[dreg:$0x1] =	wrdreg $0xFFFFFFFF  }
0xc8: {  	_ =	task.clear_ibuf [dreg:s7], $0x2FFFF;
	_ =	strace $0x9FFFFFFF  }
0xc9: {  	(tm) =	ssettm $0x7FFFFFFF  }
tec
execute0_lowered:
.L_overlay_start_1:
0x0: {  	(tag) =	ssettag $0x1  }
0x1: {  	s5 =	rddreg [dreg:$0x0]  }
0x2: {  	s6 =	rddreg [dreg:$0x1]  }
0x3: {  	s1 =	rddreg [dreg:$0x2]  }
0x4: {  	s2 =	srdreg.scid;
	s0 =	rddreg [dreg:$0x3];
	s3 =	simm.s32 $0x0  }
0x5: {  	s14 =	simm.s32 $0x5000;
	s15 =	simm.s32 $0x2;
	s16 =	simm.s32 $0x2800  }
0x6: {  	s17 =	simm.s32 $0x80;
	s7 =	sand.u32 $0x1, s2;
	s2 =	stileid.u32  }
0x7: {  	s18 =	simm.s32 $0x1;
	[smem:$0x7FF] =	sst s3;
	s8 =	smul.u32 $0x140000, s7  }
0x8: {  	s4 =	sshll.u32 s7, $0x4;
	s9 =	smul.u32 $0x14000, s2;
	_ =	strace $0x8000004D  }
0x9: {  	s30 =	smul.u32 $0x50000, s2;
	s7 =	ssub.s32 $0x2, s7;
	s19 =	sshll.u32 s2, $0x6  }
0xa: {  	s4 =	sor.u32 s2, s4;
	s31 =	sshrl.u32 s7, $0x1;
	s19 =	sor.u32 $0x1C02, s19  }
0xb: {  	s10 =	smul.u32 $0x500, s4;
	s4 =	sadd.s32 $0x5C800, s5;
	s8 =	sadd.s32 s9, s8  }
0xc: {  	s9 =	sshrl.u32 s30, $0x2;
	s12 =	ssub.s32 s7, s31;
	s8 =	sshrl.u32 s8, $0x3  }
0xd: {  	s11 =	sadd.s32 s10, s5;
	s8 =	sadd.s32 s8, s5;
	s5 =	sadd.s32 s9, s1  }
0xe: {  	s6 =	sadd.s32 s6, s10;
	s9 =	smax.u32 s12, $0x1;
	s7 =	sadd.s32 $0x4400, s11  }
0xf: {  	s8 =	sadd.s32 $0x83A00, s8;
	s10 =	sadd.s32 $0x4000, s5;
	s11 =	sadd.s32 $0x8000, s5  }
0x10: {  	v0 =	vimm.f32 $0.0e+00;
	s12 =	sadd.s32 $0xC000, s5;
	s13 =	sadd.s32 $0x10000, s5;
	s20 =	sshrl.u32 s5, $0x3  }
.LBB2_1:
0x11: {  	s21 =	simm.s32 $0x0;
	s22 =	simm.s32 $0x200  }
.LBB2_2:
0x12: {  	p0 =	sne.s32 s22, $0xFE00;
	[tilespmem:s21+$0x5070] =	vst v0  }
0x13: {  	[tilespmem:s21+$0x5000] =	vst v0  }
0x14: {  	[tilespmem:s21+$0x5010] =	vst v0  }
.Ltmp0:
0x15: {  	[tilespmem:s21+$0x5020] =	vst v0;
	(pc) =	sbr.rel @p0 .LBB2_2-.Ltmp0, $4  }
0x16: {  	[tilespmem:s21+$0x5030] =	vst v0  }
0x17: {  	[tilespmem:s21+$0x5040] =	vst v0  }
0x18: {  	[tilespmem:s21+$0x5050] =	vst v0  }
0x19: {  	[tilespmem:s21+$0x5060] =	vst v0;
	s21 =	sshra.s32 s22, $0x2;
	s22 =	sadd.s32 $0x200, s22  }
0x1a: {  	[tilespmem:s21+$0x5070] =	vst v0  }
0x1b: {  	[tilespmem:s21+$0x5000] =	vst v0  }
0x1c: {  	[tilespmem:s21+$0x5010] =	vst v0  }
0x1d: {  	[tilespmem:s21+$0x5020] =	vst v0  }
0x1e: {  	[tilespmem:s21+$0x5030] =	vst v0  }
0x1f: {  	[tilespmem:s21+$0x5040] =	vst v0  }
0x20: {  	[tilespmem:s21+$0x5050] =	vst v0  }
0x21: {  	[tilespmem:s21+$0x5060] =	vst v0  }
0x22: {  	[spmem:s5] =	stream.linear.scatter [tilespmem:s14], [sflag:$0x2], $0x4000, $0x38;
	[tilespmem:$0x1D000] =	vst v63  }
0x23: {  	_ =	swait.ge [sflag:s15], $0x4000  }
0x24: {  	[sflag:s15] =	ssyncset.done $0x0  }
0x25: {  	[sflag:s15] =	ssyncadd.s32 $0xFFFFC000  }
0x26: {  	[spmem:s10] =	stream.linear.scatter [tilespmem:s14], [sflag:$0x2], $0x4000, $0x38;
	[tilespmem:$0x1D000] =	vst v63  }
0x27: {  	_ =	swait.ge [sflag:s15], $0x4000  }
0x28: {  	[sflag:s15] =	ssyncset.done $0x0  }
0x29: {  	[sflag:s15] =	ssyncadd.s32 $0xFFFFC000  }
0x2a: {  	[spmem:s11] =	stream.linear.scatter [tilespmem:s14], [sflag:$0x2], $0x4000, $0x38;
	[tilespmem:$0x1D000] =	vst v63  }
0x2b: {  	_ =	swait.ge [sflag:s15], $0x4000  }
0x2c: {  	[sflag:s15] =	ssyncset.done $0x0  }
0x2d: {  	[sflag:s15] =	ssyncadd.s32 $0xFFFFC000  }
0x2e: {  	[spmem:s12] =	stream.linear.scatter [tilespmem:s14], [sflag:$0x2], $0x4000, $0x38;
	[tilespmem:$0x1D000] =	vst v63  }
0x2f: {  	_ =	swait.ge [sflag:s15], $0x4000  }
0x30: {  	[sflag:s15] =	ssyncset.done $0x0  }
0x31: {  	[sflag:s15] =	ssyncadd.s32 $0xFFFFC000  }
0x32: {  	[spmem:s13] =	stream.linear.scatter [tilespmem:s14], [sflag:$0x2], $0x4000, $0x38;
	[tilespmem:$0x1D000] =	vst v63  }
0x33: {  	_ =	swait.ge [sflag:s15], $0x4000  }
0x34: {  	[sflag:s15] =	ssyncset.done $0x0  }
0x35: {  	[sflag:s15] =	ssyncadd.s32 $0xFFFFC000  }
0x36: {  	s29 =	simm.s32 $0x0;
	[bflag:$0x0] =	sbarrier.arrive $0xFFFF  }
0x37: {  	[tilespmem:s29], [sflag:$0x2] =	stream.linear.gather [hbm4b:s6+s29], $0x2800, $0x38;
	[tilespmem:$0x1D000] =	vst v63  }
0x38: {  	_ =	swait.ge [sflag:s15], $0x2800  }
0x39: {  	[sflag:s15] =	ssyncset.done $0x0  }
0x3a: {  	[sflag:s15] =	ssyncadd.s32 $0xFFFFD800  }
0x3b: {  	[tilespmem:s16], [sflag:$0x2] =	stream.linear.gather [hbm4b:s7+s29], $0x2800, $0x38;
	[tilespmem:$0x1D000] =	vst v63  }
0x3c: {  	_ =	swait.ge [sflag:s15], $0x2800  }
0x3d: {  	[sflag:s15] =	ssyncset.done $0x0  }
0x3e: {  	s30 =	simm.s32 $0x0;
	[sflag:s15] =	ssyncadd.s32 $0xFFFFD800  }
0x3f: {  	[tilespmem:s14], [sflag:$0x1] =	stream.indirect.gather [hbm4b:s4+s17], $0x80, s30, s17, $0xb8;
	[tilespmem:$0x1D000] =	vst v63  }
0x40: {  	_ =	swait.ge [sflag:s18], $0x4000  }
0x41: {  	[sflag:s18] =	ssyncset.done $0x0  }
0x42: {  	s31 =	simm.s32 $0x2800;
	[sflag:s18] =	ssyncadd.s32 $0xFFFFC000  }
0x43: {  	[spmem:s1] =	stream.indirect.scatter.add.f32 [tilespmem:s14], [sflag:$0x2], $0x80, s31, s17, $0xb8;
	[tilespmem:$0x1D000] =	vst v63  }
0x44: {  	_ =	swait.ge [sflag:s15], $0x4000  }
0x45: {  	s21 =	simm.s32 $0x200;
	s22 =	simm.s32 $0x400;
	[sflag:s15] =	ssyncset.done $0x0  }
.LBB2_4:
0x46: {  	s23 =	sshra.s32 s21, $0x2  }
0x47: {  	[sflag:s15] =	ssyncadd.s32 $0xFFFFC000;
	s21 =	smov.u32 s22;
	s24 =	sadd.s32 $0x200, s22  }
0x48: {  	[tilespmem:s14], [sflag:$0x1] =	stream.indirect.gather [hbm4b:s4+s17], $0x80, s23, s17, $0xb8;
	[tilespmem:$0x1D000] =	vst v63  }
0x49: {  	p0 =	sne.s32 s22, $0x9E00;
	_ =	swait.ge [sflag:s18], $0x4000  }
.Ltmp1:
0x4a: {  	[sflag:s18] =	ssyncset.done $0x0;
	(pc) =	sbr.rel @p0 .LBB2_4-.Ltmp1, $4  }
0x4b: {  	s22 =	sadd.s32 $0x2800, s23;
	[sflag:s18] =	ssyncadd.s32 $0xFFFFC000  }
0x4c: {  	[spmem:s1] =	stream.indirect.scatter.add.f32 [tilespmem:s14], [sflag:$0x2], $0x80, s22, s17, $0xb8;
	[tilespmem:$0x1D000] =	vst v63  }
0x4d: {  	_ =	swait.ge [sflag:s15], $0x4000  }
0x4e: {  	s22 =	smov.u32 s24;
	[sflag:s15] =	ssyncset.done $0x0  }
0x4f: {  	s21 =	sshra.s32 s21, $0x2;
	[sflag:s15] =	ssyncadd.s32 $0xFFFFC000  }
0x50: {  	[tilespmem:s14], [sflag:$0x1] =	stream.indirect.gather [hbm4b:s4+s17], $0x80, s21, s17, $0xb8;
	[tilespmem:$0x1D000] =	vst v63  }
0x51: {  	_ =	swait.ge [sflag:s18], $0x4000  }
0x52: {  	[sflag:s18] =	ssyncset.done $0x0  }
0x53: {  	s21 =	sadd.s32 $0x2800, s21;
	[sflag:s18] =	ssyncadd.s32 $0xFFFFC000  }
0x54: {  	[spmem:s1] =	stream.indirect.scatter.add.f32 [tilespmem:s14], [sflag:$0x2], $0x80, s21, s17, $0xb8;
	[tilespmem:$0x1D000] =	vst v63  }
0x55: {  	_ =	swait.ge [sflag:s15], $0x4000  }
0x56: {  	s3 =	sadd.s32 $0x1, s3;
	[sflag:s15] =	ssyncset.done $0x0  }
0x57: {  	p0 =	sne.s32 s3, s9;
	[sflag:s15] =	ssyncadd.s32 $0xFFFFC000  }
.Ltmp2:
0x58: {  	[bflag:$0x0] =	sbarrier.arrive $0xFFFF;
	(pc) =	sbr.rel @p0 .LBB2_1-.Ltmp2, $4  }
0x59: {  	[hbm:s8], [sflag:s19] =	dma.local [spmem:s20], $0x2800  }
0x5a: {  	_ =	swait.ge [sflag:s15], $0x2800  }
0x5b: {  	[sflag:s15] =	ssyncset.done $0x0  }
0x5c: {  	[sflag:s15] =	ssyncadd.s32 $0xFFFFD800  }
0x5d: {  	_ =	sfence.sel $0x180000  }
0x5e: {  	[bflag:$0x0] =	sbarrier.arrive $0xFFFF  }
0x5f: {  	p0 =	sne.s32 s2, $0x0;
	_ =	strace $0x9000004D  }
0x60: {  	s0 =	sadd.s32 @!p0 $0x100000, s0;
	[bflag:$0x2] =	sbarrier.arrive $0xFFFF  }
0x61: {  	[sflag:s0] =	ssyncadd.tile.s32 @!p0 $0x1;
	_ =	shalt  }
.Lfunc_end2:
_tile_overlayer_lowered:
.L_overlay_start_2:
0x62: {  	(tag) =	ssettag $0x2  }
0x63: {  	s0 =	rddreg [dreg:$0x0];
	s2 =	stileid.u32  }
0x64: {  	s1 =	rddreg [dreg:$0x1];
	p0 =	sne.s32 s2, $0x0  }
0x65: {  	s3 =	rddreg [dreg:$0x2];
	[bflag:$0x3] =	sbarrier.arrive $0xFFFF;
	s2 =	simm.s32 @!p0 $0x1C02  }
0x66: {  	[timem:s3], [sflag:s2] =	dma.local @!p0 [hbm:s0], s1  }
0x67: {  	s0 =	simm.s32 @!p0 $0x2  }
0x68: {  	_ =	swait.ge @!p0 [sflag:s0], s1  }
0x69: {  	s1 =	ssub.s32 @!p0 $0x0, s1;
	[sflag:s0] =	ssyncset.done @!p0 $0x0  }
0x6a: {  	[sflag:s0] =	ssyncadd.s32 @!p0 s1  }
0x6b: {  	[bflag:$0x3] =	sbarrier.arrive $0xFFFF  }
0x6c: {  	_ =	shalt  }

// kernel: kernel.20.cloned.1.call-start
scs
__scs_entry_jumppad:
0x0: {  	(pc) =	sbr.rel $0x88, $3  }
0x1: {  	(tag) =	ssettag $0x0;
	lr =	simm.s32 $0x1  }
0x2: {  	[smem:$0x3F8D] =	sst lr;
	_ =	strace $0xD0000000  }
0x3: {  	_ = 	snop  }
0x4: {  	_ = 	snop  }
0x5: {  	_ = 	snop  }
0x6: {  	_ = 	snop  }
0x7: {  	_ = 	snop  }
__scs_overlays_trampoline_lowered:
0x8: {  	[smem:$0x3F9C] =	sst s0  }
0x9: {  	[smem:$0x3F9D] =	sst s1  }
0xa: {  	[smem:$0x3F9E] =	sst s2  }
0xb: {  	[smem:$0x3F9F] =	sst s3  }
0xc: {  	[smem:$0x3FA0] =	sst s4  }
0xd: {  	[smem:$0x3FA1] =	sst s5  }
0xe: {  	[smem:$0x3FA2] =	sst s6  }
0xf: {  	[smem:$0x3FA3] =	sst s7  }
0x10: {  	[smem:$0x3FA4] =	sst s8  }
0x11: {  	[smem:$0x3FA5] =	sst s9;
	s0 =	simm.s32 @!p0 $0x0  }
0x12: {  	s1 =	sld [smem:$0x3F8B];
	s0 =	simm.s32 @p0 $0x1  }
0x13: {  	[smem:$0x3FA6] =	sst s0;
	s0 =	simm.s32 @!p1 $0x0  }
0x14: {  	s2 =	sld [smem:$0x3F8A];
	s0 =	simm.s32 @p1 $0x1  }
0x15: {  	[smem:$0x3FA7] =	sst s0;
	s0 =	simm.s32 @!p2 $0x0  }
0x16: {  	s3 =	sld [smem:$0x3FDB];
	s0 =	simm.s32 @p2 $0x1  }
0x17: {  	s4 =	simm.s32 $0x1BF5;
	[smem:$0x3FA9] =	sst s0  }
0x18: {  	s0 =	sld [smem:$0x3F8C];
	_ =	swait.ge [sflag:s4], $0x0  }
0x19: {  	s7 =	sld [smem:$0x3F8D]  }
0x1a: {  	s8 =	sadd.s32 $0xFFFFE003, lr  }
0x1b: {  	s9 =	sadd.s32 $0xFFFFFEF7, lr;
	s5 =	simm.s32 $0xFFFFFFFF;
	p2 =	slt.u32 s8, $0xFFFFF086  }
0x1c: {  	p1 =	slt.u32 s9, $0xF7A;
	s5 =	simm.s32 @!p2 $0x0  }
0x1d: {  	s5 =	simm.s32 @p1 $0x1;
	p0 =	seq.s32 s7, s2  }
0x1e: {  	s7 =	smul.u32 @!p0 $0xF7A, s2;
	p2 =	seq.s32 @!p0 s5, $0x0  }
0x1f: {  	s9 =	smul.u32 $0xF7A, s1;
	s8 =	simm.s32 @!p0 $0x1BF5;
	p2 =	por !p2, p0  }
0x20: {  	[sflag:s8] =	ssyncset.s32 @!p0 $0xFFFFF086;
	s6 =	sadd.s32 @!p0 s3, s7;
	s7 =	simm.s32 @!p0 $0x108  }
0x21: {  	s3 =	sadd.s32 s3, s9;
	s6 =	sadd.s32 @!p0 $0x88, s6;
	s7 =	simm.s32 @p2 $0x1082  }
0x22: {  	[simem:s7], [sflag:s8] =	dma.local @!p0 [hbm:s6], $0xF7A  }
0x23: {  	s9 =	sor.u32 $0xD0000000, s2;
	s6 =	simm.s32 $0x108;
	_ =	swait.ge @!p0 [sflag:s8], $0x0  }
0x24: {  	s3 =	sadd.s32 $0x88, s3;
	s6 =	simm.s32 @!p1 $0x1082;
	[sflag:s4] =	ssyncset.s32 $0xFFFFF086  }
0x25: {  	[simem:s6], [sflag:s4] =	dma.local [hbm:s3], $0xF7A  }
0x26: {  	[smem:$0x3F8D] =	sst s1;
	(tag) =	ssettag s2;
	_ =	strace s9  }
0x27: {  	s1 =	sld [smem:$0x3F9D]  }
0x28: {  	s2 =	sld [smem:$0x3F9E]  }
0x29: {  	s4 =	sld [smem:$0x3FA0]  }
0x2a: {  	p0 =	seq.s32 s5, $0x0;
	s5 =	sld [smem:$0x3FA1]  }
0x2b: {  	s6 =	sld [smem:$0x3FA2]  }
0x2c: {  	s7 =	sld [smem:$0x3FA3]  }
0x2d: {  	s3 =	simm.s32 $0x108;
	s8 =	sld [smem:$0x3FA4]  }
0x2e: {  	s3 =	simm.s32 @!p0 $0x1082;
	s9 =	sld [smem:$0x3FA5]  }
0x2f: {  	lr =	sadd.s32 s0, s3;
	s0 =	sld [smem:$0x3F9C]  }
0x30: {  	s3 =	sld [smem:$0x3F9F]  }
0x31: {  	[smem:$0x3FA8] =	sst s10  }
0x32: {  	s10 =	sld [smem:$0x3FA6];
	_ =	sdelay $0x3  }
0x33: {  	p0 =	seq.s32 s10, $0x1;
	s10 =	sld [smem:$0x3FA8];
	_ =	sdelay $0x3  }
0x34: {  	[smem:$0x3FA8] =	sst s10  }
0x35: {  	s10 =	sld [smem:$0x3FA7];
	_ =	sdelay $0x3  }
0x36: {  	p1 =	seq.s32 s10, $0x1;
	s10 =	sld [smem:$0x3FA8];
	_ =	sdelay $0x3  }
0x37: {  	[smem:$0x3FA8] =	sst s10  }
0x38: {  	s10 =	sld [smem:$0x3FA9]  }
0x39: {  	_ = 	snop;
	(pc) =	sbr.ind lr, $3  }
0x3a: {  	_ = 	snop  }
0x3b: {  	_ = 	snop  }
0x3c: {  	p2 =	seq.s32 s10, $0x1;
	s10 =	sld [smem:$0x3FA8]  }
0x3d: {  	_ =	shalt  }
0x3e: {  	_ =	shalt  }
0x3f: {  	_ =	shalt  }
0x40: {  	_ =	shalt  }
0x41: {  	_ =	shalt  }
0x42: {  	_ =	shalt  }
0x43: {  	_ =	shalt  }
0x44: {  	_ =	shalt  }
0x45: {  	_ =	shalt  }
0x46: {  	_ =	shalt  }
0x47: {  	_ =	shalt  }
0x48: {  	_ =	shalt  }
0x49: {  	_ =	shalt  }
0x4a: {  	_ =	shalt  }
0x4b: {  	_ =	shalt  }
0x4c: {  	_ =	shalt  }
0x4d: {  	_ =	shalt  }
0x4e: {  	_ =	shalt  }
0x4f: {  	_ =	shalt  }
0x50: {  	_ =	shalt  }
0x51: {  	_ =	shalt  }
0x52: {  	_ =	shalt  }
0x53: {  	_ =	shalt  }
0x54: {  	_ =	shalt  }
0x55: {  	_ =	shalt  }
0x56: {  	_ =	shalt  }
0x57: {  	_ =	shalt  }
0x58: {  	_ =	shalt  }
0x59: {  	_ =	shalt  }
0x5a: {  	_ =	shalt  }
0x5b: {  	_ =	shalt  }
0x5c: {  	_ =	shalt  }
0x5d: {  	_ =	shalt  }
0x5e: {  	_ =	shalt  }
0x5f: {  	_ =	shalt  }
0x60: {  	_ =	shalt  }
0x61: {  	_ =	shalt  }
0x62: {  	_ =	shalt  }
0x63: {  	_ =	shalt  }
0x64: {  	_ =	shalt  }
0x65: {  	_ =	shalt  }
0x66: {  	_ =	shalt  }
0x67: {  	_ =	shalt  }
0x68: {  	_ =	shalt  }
0x69: {  	_ =	shalt  }
0x6a: {  	_ =	shalt  }
0x6b: {  	_ =	shalt  }
0x6c: {  	_ =	shalt  }
0x6d: {  	_ =	shalt  }
0x6e: {  	_ =	shalt  }
0x6f: {  	_ =	shalt  }
0x70: {  	_ =	shalt  }
0x71: {  	_ =	shalt  }
0x72: {  	_ =	shalt  }
0x73: {  	_ =	shalt  }
0x74: {  	_ =	shalt  }
0x75: {  	_ =	shalt  }
0x76: {  	_ =	shalt  }
0x77: {  	_ =	shalt  }
0x78: {  	_ =	shalt  }
0x79: {  	_ =	shalt  }
0x7a: {  	_ =	shalt  }
0x7b: {  	_ =	shalt  }
0x7c: {  	_ =	shalt  }
0x7d: {  	_ =	shalt  }
0x7e: {  	_ =	shalt  }
0x7f: {  	_ =	shalt  }
0x80: {  	_ =	shalt  }
0x81: {  	_ =	shalt  }
0x82: {  	_ =	shalt  }
0x83: {  	_ =	shalt  }
0x84: {  	_ =	shalt  }
0x85: {  	_ =	shalt  }
0x86: {  	_ =	shalt  }
0x87: {  	_ =	shalt  }
.Lfunc_end0:
.L_simem_size_0:
called_computation.3_lowered:
.L_overlay_start_0:
0x88: {  	s2 =	sld [smem:$0x3FD9]  }
0x89: {  	s3 =	sld [smem:$0x3FFE];
	_ =	sdelay $0x1  }
0x8a: {  	s1 =	srdreg.scid  }
0x8b: {  	s0 =	sand.u32 $0x1, s1  }
0x8c: {  	s14 =	sshll.u32 s0, $0xA;
	s2 =	sadd.s32 s3, s2  }
0x8d: {  	s2 =	sadd.s32 s2, s14  }
0x8e: {  	[smem:$0x3FB4] =	sst s2  }
0x8f: {  	_ = 	snop  }
0x90: {  	s2 =	sld [smem:$0x3FD0];
	_ =	sdelay $0x2  }
0x91: {  	s15 =	simm.s32 $0xB;
	s4 =	simm.s32 $0x10  }
0x92: {  	[smem:s4], [sflag:s15] =	dma.local [hbm:s2], $0x1  }
0x93: {  	_ =	swait.eq [sflag:s15], $0x1  }
0x94: {  	[sflag:s15] =	ssyncset.done $0x0  }
0x95: {  	[sflag:s15] =	ssyncadd.s32 $0xFFFFFFFF  }
0x96: {  	s16 =	sld [smem:$0x10];
	(tm) =	ssettm $0x1  }
0x97: {  	s17 =	sld [smem:$0x3FFB];
	_ =	sdelay $0x3  }
0x98: {  	_ =	strace s17  }
0x99: {  	s3 =	sld [smem:$0x3FFC];
	_ =	sdelay $0x3  }
0x9a: {  	_ =	strace s3  }
0x9b: {  	s3 =	sld [smem:$0x3FFD];
	_ =	sdelay $0x3  }
0x9c: {  	_ =	strace s3  }
0x9d: {  	_ =	strace $0x8FFFFFFF  }
0x9e: {  	s18 =	sld [smem:$0x3FDB];
	_ =	sdelay $0x1  }
0x9f: {  	s19 =	simm.s32 $_scs_section_size  }
0xa0: {  	s5 =	simm.s32 $_size__tile_overlayer_lowered;
	s6 =	simm.s32 $_tile_overlayer_lowered  }
0xa1: {  	s22 =	simm.s32 $0x1BFF;
	s21 =	sshll.u32 s6, $0x1;
	s3 =	sadd.s32 s19, s18  }
0xa2: {  	s7 =	simm.s32 $0x0;
	s20 =	sshll.u32 s5, $0x1;
	s5 =	sadd.s32 s21, s3  }
0xa3: {  	[timem:s7], [sflag:s22] =	dma.local [hbm:s5], s20  }
0xa4: {  	_ =	swait.ge [sflag:s22], s20  }
0xa5: {  	s4 =	ssub.s32 $0x0, s20;
	[sflag:s22] =	ssyncset.done $0x0  }
0xa6: {  	[sflag:s22] =	ssyncadd.s32 s4;
	_ =	sdelay $0x1  }
0xa7: {  	s23 =	simm.s32 $0x1B8B  }
0xa8: {  	_ =	swait.ge [sflag:s23], $0x1  }
0xa9: {  	[sflag:s23] =	ssyncset.done $0x0  }
0xaa: {  	s25 =	simm.s32 $0x1B8E;
	s24 =	sld [smem:$0x3FFE];
	[sflag:s23] =	ssyncadd.s32 $0xFFFFFFFF  }
0xab: {  	s26 =	simm.s32 $execute0_lowered;
	[smem:$0x3FD2] =	sst s25  }
0xac: {  	s5 =	sshll.u32 s26, $0x1;
	_ =	strace $0x8000004F;
	[dreg:$0x1] =	wrdreg $0xFFFFFFFF  }
0xad: {  	s28 =	simm.s32 $_size_execute0_lowered;
	s3 =	sadd.s32 s3, s5;
	[dreg:$0x0] =	wrdreg $0x0  }
0xae: {  	s5 =	sshll.u32 s28, $0x1;
	[dreg:$0x2] =	wrdreg s3  }
0xaf: {  	[dreg:$0x3] =	wrdreg s5  }
0xb0: {  	[dreg:$0x4] =	wrdreg $0xC0  }
0xb1: {  	_ =	task [dreg:s7], $0x5FFFF  }
0xb2: {  	[dreg:$0x1] =	wrdreg $0xFFFFFFFF  }
0xb3: {  	[dreg:$0x0] =	wrdreg $0x60  }
0xb4: {  	[dreg:$0x2] =	wrdreg s24  }
0xb5: {  	[dreg:$0x3] =	wrdreg s16  }
0xb6: {  	[dreg:$0x4] =	wrdreg $0x90000  }
0xb7: {  	[dreg:$0x5] =	wrdreg $0x9  }
0xb8: {  	_ =	task.clear_ibuf [dreg:s7], $0x6FFFF;
	_ =	strace $0x9000004F  }
0xb9: {  	s29 =	simm.s32 $0x9;
	_ =	strace $0x80000051  }
0xba: {  	_ =	swait.ge [sflag:s29], $0x1  }
0xbb: {  	[sflag:s29] =	ssyncadd.s32 $0xFFFFFFFF  }
0xbc: {  	_ =	strace $0x90000051  }
0xbd: {  	_ =	sfence  }
0xbe: {  	s30 =	sld [smem:$0x0];
	_ =	sdelay $0x2  }
0xbf: {  	s31 =	sshll.u32 s1, $0xD;
	s1 =	sshrl.u32 s1, $0x2  }
0xc0: {  	s3 =	sand.u32 $0x4000, s31;
	s1 =	sadd.s32 s1, s30  }
0xc1: {  	s0 =	sor.u32 s3, s0;
	s1 =	sshll.u32 s1, $0x11  }
0xc2: {  	s0 =	sor.u32 s1, s0  }
0xc3: {  	s0 =	sadd.s32 $0x8F2B, s0  }
0xc4: {  	[sflag:s0] =	ssyncadd.remote.s32 $0x1  }
0xc5: {  	_ =	sfence.sel $0xFFFF  }
0xc6: {  	[dreg:$0x0] =	wrdreg $0xFFFFFFFF;
	(pc) =	sbr.abs _section_cstart, $3  }
0xc7: {  	[dreg:$0x1] =	wrdreg $0xFFFFFFFF  }
0xc8: {  	_ =	task.clear_ibuf [dreg:s7], $0x2FFFF;
	_ =	strace $0x9FFFFFFF  }
0xc9: {  	(tm) =	ssettm $0x7FFFFFFF  }
tec
execute0_lowered:
.L_overlay_start_1:
0x0: {  	(tag) =	ssettag $0x1  }
0x1: {  	s5 =	rddreg [dreg:$0x0]  }
0x2: {  	s6 =	rddreg [dreg:$0x1]  }
0x3: {  	s1 =	rddreg [dreg:$0x2]  }
0x4: {  	s2 =	srdreg.scid;
	s0 =	rddreg [dreg:$0x3];
	s3 =	simm.s32 $0x0  }
0x5: {  	s14 =	simm.s32 $0x5000;
	s15 =	simm.s32 $0x2;
	s16 =	simm.s32 $0x2800  }
0x6: {  	s17 =	simm.s32 $0x80;
	s7 =	sand.u32 $0x1, s2;
	s2 =	stileid.u32  }
0x7: {  	s18 =	simm.s32 $0x1;
	[smem:$0x7FF] =	sst s3;
	s8 =	smul.u32 $0x140000, s7  }
0x8: {  	s4 =	sshll.u32 s7, $0x4;
	s9 =	smul.u32 $0x14000, s2;
	_ =	strace $0x80000050  }
0x9: {  	s30 =	smul.u32 $0x50000, s2;
	s7 =	ssub.s32 $0x2, s7;
	s19 =	sshll.u32 s2, $0x6  }
0xa: {  	s4 =	sor.u32 s2, s4;
	s31 =	sshrl.u32 s7, $0x1;
	s19 =	sor.u32 $0x1C02, s19  }
0xb: {  	s10 =	smul.u32 $0x500, s4;
	s4 =	sadd.s32 $0x5C800, s5;
	s8 =	sadd.s32 s9, s8  }
0xc: {  	s9 =	sshrl.u32 s30, $0x2;
	s12 =	ssub.s32 s7, s31;
	s8 =	sshrl.u32 s8, $0x3  }
0xd: {  	s11 =	sadd.s32 s10, s5;
	s8 =	sadd.s32 s8, s5;
	s5 =	sadd.s32 s9, s1  }
0xe: {  	s6 =	sadd.s32 s6, s10;
	s9 =	smax.u32 s12, $0x1;
	s7 =	sadd.s32 $0x4400, s11  }
0xf: {  	s8 =	sadd.s32 $0x83A00, s8;
	s10 =	sadd.s32 $0x4000, s5;
	s11 =	sadd.s32 $0x8000, s5  }
0x10: {  	v0 =	vimm.f32 $0.0e+00;
	s12 =	sadd.s32 $0xC000, s5;
	s13 =	sadd.s32 $0x10000, s5;
	s20 =	sshrl.u32 s5, $0x3  }
.LBB2_1:
0x11: {  	s21 =	simm.s32 $0x0;
	s22 =	simm.s32 $0x200  }
.LBB2_2:
0x12: {  	p0 =	sne.s32 s22, $0xFE00;
	[tilespmem:s21+$0x5070] =	vst v0  }
0x13: {  	[tilespmem:s21+$0x5000] =	vst v0  }
0x14: {  	[tilespmem:s21+$0x5010] =	vst v0  }
.Ltmp0:
0x15: {  	[tilespmem:s21+$0x5020] =	vst v0;
	(pc) =	sbr.rel @p0 .LBB2_2-.Ltmp0, $4  }
0x16: {  	[tilespmem:s21+$0x5030] =	vst v0  }
0x17: {  	[tilespmem:s21+$0x5040] =	vst v0  }
0x18: {  	[tilespmem:s21+$0x5050] =	vst v0  }
0x19: {  	[tilespmem:s21+$0x5060] =	vst v0;
	s21 =	sshra.s32 s22, $0x2;
	s22 =	sadd.s32 $0x200, s22  }
0x1a: {  	[tilespmem:s21+$0x5070] =	vst v0  }
0x1b: {  	[tilespmem:s21+$0x5000] =	vst v0  }
0x1c: {  	[tilespmem:s21+$0x5010] =	vst v0  }
0x1d: {  	[tilespmem:s21+$0x5020] =	vst v0  }
0x1e: {  	[tilespmem:s21+$0x5030] =	vst v0  }
0x1f: {  	[tilespmem:s21+$0x5040] =	vst v0  }
0x20: {  	[tilespmem:s21+$0x5050] =	vst v0  }
0x21: {  	[tilespmem:s21+$0x5060] =	vst v0  }
0x22: {  	[spmem:s5] =	stream.linear.scatter [tilespmem:s14], [sflag:$0x2], $0x4000, $0x38;
	[tilespmem:$0x1D000] =	vst v63  }
0x23: {  	_ =	swait.ge [sflag:s15], $0x4000  }
0x24: {  	[sflag:s15] =	ssyncset.done $0x0  }
0x25: {  	[sflag:s15] =	ssyncadd.s32 $0xFFFFC000  }
0x26: {  	[spmem:s10] =	stream.linear.scatter [tilespmem:s14], [sflag:$0x2], $0x4000, $0x38;
	[tilespmem:$0x1D000] =	vst v63  }
0x27: {  	_ =	swait.ge [sflag:s15], $0x4000  }
0x28: {  	[sflag:s15] =	ssyncset.done $0x0  }
0x29: {  	[sflag:s15] =	ssyncadd.s32 $0xFFFFC000  }
0x2a: {  	[spmem:s11] =	stream.linear.scatter [tilespmem:s14], [sflag:$0x2], $0x4000, $0x38;
	[tilespmem:$0x1D000] =	vst v63  }
0x2b: {  	_ =	swait.ge [sflag:s15], $0x4000  }
0x2c: {  	[sflag:s15] =	ssyncset.done $0x0  }
0x2d: {  	[sflag:s15] =	ssyncadd.s32 $0xFFFFC000  }
0x2e: {  	[spmem:s12] =	stream.linear.scatter [tilespmem:s14], [sflag:$0x2], $0x4000, $0x38;
	[tilespmem:$0x1D000] =	vst v63  }
0x2f: {  	_ =	swait.ge [sflag:s15], $0x4000  }
0x30: {  	[sflag:s15] =	ssyncset.done $0x0  }
0x31: {  	[sflag:s15] =	ssyncadd.s32 $0xFFFFC000  }
0x32: {  	[spmem:s13] =	stream.linear.scatter [tilespmem:s14], [sflag:$0x2], $0x4000, $0x38;
	[tilespmem:$0x1D000] =	vst v63  }
0x33: {  	_ =	swait.ge [sflag:s15], $0x4000  }
0x34: {  	[sflag:s15] =	ssyncset.done $0x0  }
0x35: {  	[sflag:s15] =	ssyncadd.s32 $0xFFFFC000  }
0x36: {  	s29 =	simm.s32 $0x0;
	[bflag:$0x0] =	sbarrier.arrive $0xFFFF  }
0x37: {  	[tilespmem:s29], [sflag:$0x2] =	stream.linear.gather [hbm4b:s6+s29], $0x2800, $0x38;
	[tilespmem:$0x1D000] =	vst v63  }
0x38: {  	_ =	swait.ge [sflag:s15], $0x2800  }
0x39: {  	[sflag:s15] =	ssyncset.done $0x0  }
0x3a: {  	[sflag:s15] =	ssyncadd.s32 $0xFFFFD800  }
0x3b: {  	[tilespmem:s16], [sflag:$0x2] =	stream.linear.gather [hbm4b:s7+s29], $0x2800, $0x38;
	[tilespmem:$0x1D000] =	vst v63  }
0x3c: {  	_ =	swait.ge [sflag:s15], $0x2800  }
0x3d: {  	[sflag:s15] =	ssyncset.done $0x0  }
0x3e: {  	s30 =	simm.s32 $0x0;
	[sflag:s15] =	ssyncadd.s32 $0xFFFFD800  }
0x3f: {  	[tilespmem:s14], [sflag:$0x1] =	stream.indirect.gather [hbm4b:s4+s17], $0x80, s30, s17, $0xb8;
	[tilespmem:$0x1D000] =	vst v63  }
0x40: {  	_ =	swait.ge [sflag:s18], $0x4000  }
0x41: {  	[sflag:s18] =	ssyncset.done $0x0  }
0x42: {  	s31 =	simm.s32 $0x2800;
	[sflag:s18] =	ssyncadd.s32 $0xFFFFC000  }
0x43: {  	[spmem:s1] =	stream.indirect.scatter.add.f32 [tilespmem:s14], [sflag:$0x2], $0x80, s31, s17, $0xb8;
	[tilespmem:$0x1D000] =	vst v63  }
0x44: {  	_ =	swait.ge [sflag:s15], $0x4000  }
0x45: {  	s21 =	simm.s32 $0x200;
	s22 =	simm.s32 $0x400;
	[sflag:s15] =	ssyncset.done $0x0  }
.LBB2_4:
0x46: {  	s23 =	sshra.s32 s21, $0x2  }
0x47: {  	[sflag:s15] =	ssyncadd.s32 $0xFFFFC000;
	s21 =	smov.u32 s22;
	s24 =	sadd.s32 $0x200, s22  }
0x48: {  	[tilespmem:s14], [sflag:$0x1] =	stream.indirect.gather [hbm4b:s4+s17], $0x80, s23, s17, $0xb8;
	[tilespmem:$0x1D000] =	vst v63  }
0x49: {  	p0 =	sne.s32 s22, $0x9E00;
	_ =	swait.ge [sflag:s18], $0x4000  }
.Ltmp1:
0x4a: {  	[sflag:s18] =	ssyncset.done $0x0;
	(pc) =	sbr.rel @p0 .LBB2_4-.Ltmp1, $4  }
0x4b: {  	s22 =	sadd.s32 $0x2800, s23;
	[sflag:s18] =	ssyncadd.s32 $0xFFFFC000  }
0x4c: {  	[spmem:s1] =	stream.indirect.scatter.add.f32 [tilespmem:s14], [sflag:$0x2], $0x80, s22, s17, $0xb8;
	[tilespmem:$0x1D000] =	vst v63  }
0x4d: {  	_ =	swait.ge [sflag:s15], $0x4000  }
0x4e: {  	s22 =	smov.u32 s24;
	[sflag:s15] =	ssyncset.done $0x0  }
0x4f: {  	s21 =	sshra.s32 s21, $0x2;
	[sflag:s15] =	ssyncadd.s32 $0xFFFFC000  }
0x50: {  	[tilespmem:s14], [sflag:$0x1] =	stream.indirect.gather [hbm4b:s4+s17], $0x80, s21, s17, $0xb8;
	[tilespmem:$0x1D000] =	vst v63  }
0x51: {  	_ =	swait.ge [sflag:s18], $0x4000  }
0x52: {  	[sflag:s18] =	ssyncset.done $0x0  }
0x53: {  	s21 =	sadd.s32 $0x2800, s21;
	[sflag:s18] =	ssyncadd.s32 $0xFFFFC000  }
0x54: {  	[spmem:s1] =	stream.indirect.scatter.add.f32 [tilespmem:s14], [sflag:$0x2], $0x80, s21, s17, $0xb8;
	[tilespmem:$0x1D000] =	vst v63  }
0x55: {  	_ =	swait.ge [sflag:s15], $0x4000  }
0x56: {  	s3 =	sadd.s32 $0x1, s3;
	[sflag:s15] =	ssyncset.done $0x0  }
0x57: {  	p0 =	sne.s32 s3, s9;
	[sflag:s15] =	ssyncadd.s32 $0xFFFFC000  }
.Ltmp2:
0x58: {  	[bflag:$0x0] =	sbarrier.arrive $0xFFFF;
	(pc) =	sbr.rel @p0 .LBB2_1-.Ltmp2, $4  }
0x59: {  	[hbm:s8], [sflag:s19] =	dma.local [spmem:s20], $0x2800  }
0x5a: {  	_ =	swait.ge [sflag:s15], $0x2800  }
0x5b: {  	[sflag:s15] =	ssyncset.done $0x0  }
0x5c: {  	[sflag:s15] =	ssyncadd.s32 $0xFFFFD800  }
0x5d: {  	_ =	sfence.sel $0x180000  }
0x5e: {  	[bflag:$0x0] =	sbarrier.arrive $0xFFFF  }
0x5f: {  	p0 =	sne.s32 s2, $0x0;
	_ =	strace $0x90000050  }
0x60: {  	s0 =	sadd.s32 @!p0 $0x100000, s0;
	[bflag:$0x2] =	sbarrier.arrive $0xFFFF  }
0x61: {  	[sflag:s0] =	ssyncadd.tile.s32 @!p0 $0x1;
	_ =	shalt  }
.Lfunc_end2:
_tile_overlayer_lowered:
.L_overlay_start_2:
0x62: {  	(tag) =	ssettag $0x2  }
0x63: {  	s0 =	rddreg [dreg:$0x0];
	s2 =	stileid.u32  }
0x64: {  	s1 =	rddreg [dreg:$0x1];
	p0 =	sne.s32 s2, $0x0  }
0x65: {  	s3 =	rddreg [dreg:$0x2];
	[bflag:$0x3] =	sbarrier.arrive $0xFFFF;
	s2 =	simm.s32 @!p0 $0x1C02  }
0x66: {  	[timem:s3], [sflag:s2] =	dma.local @!p0 [hbm:s0], s1  }
0x67: {  	s0 =	simm.s32 @!p0 $0x2  }
0x68: {  	_ =	swait.ge @!p0 [sflag:s0], s1  }
0x69: {  	s1 =	ssub.s32 @!p0 $0x0, s1;
	[sflag:s0] =	ssyncset.done @!p0 $0x0  }
0x6a: {  	[sflag:s0] =	ssyncadd.s32 @!p0 s1  }
0x6b: {  	[bflag:$0x3] =	sbarrier.arrive $0xFFFF  }
0x6c: {  	_ =	shalt  }

</sc_bundles>
